<compile_context>
chip_gen: v7x
topology: tpu7x:2x2x1
jax: 0.10.2.dev20260603
libtpu: 0.0.44.dev20260713+nightly
codegen_flags: <defaults>
</compile_context>

<pallas_src>
import functools

import jax
import jax.numpy as jnp
from jax import lax
from jax.experimental import pallas as pl
from jax.experimental.pallas import tpu as pltpu
from jax.experimental.pallas import tpu_sc as plsc

N = 10000
E = 320000
D = 128

N_PAD = 10240
NC = 2
NSUB = 16
NW = NC * NSUB
CHUNK = 128
CHUNKS = 81
EDGES_PER_W = CHUNKS * CHUNK
E_PAD = NW * EDGES_PER_W
K0 = 81
K1 = 81
assert NSUB * (K0 + K1) * CHUNK == E_PAD
N_ACC = 10112
ROWS_PER_T = N_ACC // NSUB

_mesh = plsc.VectorSubcoreMesh(core_axis_name="c", subcore_axis_name="s")



@functools.partial(
    pl.kernel,
    out_type=jax.ShapeDtypeStruct((NW, N_PAD), jnp.float32),
    mesh=_mesh,
    scratch_types=[
        pltpu.VMEM((EDGES_PER_W,), jnp.int32),
        pltpu.VMEM((N_PAD,), jnp.float32),
    ],
    compiler_params=pltpu.CompilerParams(needs_layout_passes=False),
)
def _deg_kernel(dstf_hbm, zeros1_hbm, degp_hbm, dst_v, deg_v):
    c = lax.axis_index("c")
    s = lax.axis_index("s")
    wid = c * NSUB + s
    pltpu.sync_copy(dstf_hbm.at[wid], dst_v)
    pltpu.sync_copy(zeros1_hbm, deg_v)
    ones16 = jnp.ones((16,), jnp.float32)

    def body(j, carry):
        idx = dst_v[pl.ds(j * 16, 16)]
        plsc.addupdate_scatter(deg_v, [idx], ones16)
        return carry

    lax.fori_loop(0, EDGES_PER_W // 16, body, 0)
    pltpu.sync_copy(deg_v, degp_hbm.at[wid])



@functools.partial(
    pl.kernel,
    out_type=jax.ShapeDtypeStruct((NC, N_PAD, D), jnp.float32),
    mesh=_mesh,
    scratch_types=[
        pltpu.VMEM((3, 2, CHUNK), jnp.int32),
        pltpu.VMEM((3, CHUNK, D), jnp.float32),
        pltpu.VMEM_SHARED((N_ACC, D), jnp.float32),
    ] + [pltpu.SemaphoreType.DMA] * 9,
)
def _scatter_kernel(g_hbm, idx_hbm, zrows_hbm, out_hbm,
                    ibuf, rows, acc_s, *sems):
    isem = sems[0:3]
    gsem = sems[3:6]
    ssem = sems[6:9]
    c = lax.axis_index("c")
    s = lax.axis_index("s")
    wid = c * NSUB + s

    def fire_idx(j, b):
        pltpu.async_copy(idx_hbm.at[wid, j], ibuf.at[b], isem[b])

    def wait_idx(b):
        pltpu.make_async_copy(
            idx_hbm.at[wid, 0], ibuf.at[b], isem[b]).wait()

    def fire_gather(b):
        pltpu.async_copy(g_hbm.at[ibuf.at[b, 0]], rows.at[b], gsem[b])

    def wait_gather(b):
        pltpu.make_async_copy(
            g_hbm.at[ibuf.at[b, 0]], rows.at[b], gsem[b]).wait()

    def fire_scatter(b):
        pltpu.async_copy(
            rows.at[b], acc_s.at[ibuf.at[b, 1]], ssem[b], add=True)

    def wait_scatter(b):
        pltpu.make_async_copy(
            rows.at[b], acc_s.at[ibuf.at[b, 1]], ssem[b]).wait()

    def step(j, b, first=False, fire_i=True, fire_g=True):
        wait_gather(b)
        fire_scatter(b)
        if not first:
            wait_scatter((b + 2) % 3)
        if fire_i:
            fire_idx(j + 2, (b + 2) % 3)
        if fire_g:
            wait_idx((b + 1) % 3)
            fire_gather((b + 1) % 3)

    kc = lax.select(c == 0, jnp.int32(K0), jnp.int32(K1))

    fire_idx(0, 0)
    fire_idx(1, 1)
    wait_idx(0)
    fire_gather(0)
    pltpu.sync_copy(zrows_hbm, acc_s.at[pl.ds(s * ROWS_PER_T, ROWS_PER_T)])
    plsc.subcore_barrier()

    step(0, 0, first=True)
    step(1, 1)
    step(2, 2)

    def body(i, carry):
        base = i * 3
        step(base, 0)
        step(base + 1, 1)
        step(base + 2, 2)
        return carry

    lax.fori_loop(1, kc // 3 - 1, body, 0)
    step(kc - 3, 0)
    step(kc - 2, 1, fire_i=False)
    step(kc - 1, 2, fire_i=False, fire_g=False)
    wait_scatter(2)
    plsc.subcore_barrier()
    pltpu.sync_copy(acc_s.at[pl.ds(s * ROWS_PER_T, ROWS_PER_T)],
                    out_hbm.at[c].at[pl.ds(s * ROWS_PER_T, ROWS_PER_T)])



_BLK = 1024
_GRID = N_PAD // _BLK


def _mm_body(x_ref, w_ref, h_ref):
    h_ref[...] = lax.dot_general(
        x_ref[...], w_ref[...], (((1,), (0,)), ((), ())),
        preferred_element_type=jnp.float32, precision=lax.Precision.HIGHEST)


def _mm(x, W0):
    return pl.pallas_call(
        _mm_body,
        grid=(_GRID,),
        in_specs=[
            pl.BlockSpec((_BLK, D), lambda i: (i, 0)),
            pl.BlockSpec((D, D), lambda i: (0, 0)),
        ],
        out_specs=pl.BlockSpec((_BLK, D), lambda i: (i, 0)),
        out_shape=jax.ShapeDtypeStruct((N_PAD, D), jnp.float32),
    )(x, W0)


def _scale_body(h_ref, degp_ref, g_ref, dinv_ref):
    deg = jnp.sum(degp_ref[...], axis=0) + 1.0
    dinv = lax.rsqrt(jnp.maximum(deg, 1.0))
    g_ref[...] = h_ref[...] * dinv[:, None]
    dinv_ref[...] = dinv[:, None]


def _scale(h, degp):
    return pl.pallas_call(
        _scale_body,
        grid=(_GRID,),
        in_specs=[
            pl.BlockSpec((_BLK, D), lambda i: (i, 0)),
            pl.BlockSpec((NW, _BLK), lambda i: (0, i)),
        ],
        out_specs=[
            pl.BlockSpec((_BLK, D), lambda i: (i, 0)),
            pl.BlockSpec((_BLK, 1), lambda i: (i, 0)),
        ],
        out_shape=[
            jax.ShapeDtypeStruct((N_PAD, D), jnp.float32),
            jax.ShapeDtypeStruct((N_PAD, 1), jnp.float32),
        ],
    )(h, degp)


def _mid_body(p0_ref, p1_ref, g0_ref, dinv_ref, b0_ref, w1_ref, g1_ref):
    dinv = dinv_ref[...]
    acc = p0_ref[0] + p1_ref[0] + g0_ref[...]
    h = jnp.maximum(acc * dinv + b0_ref[...], 0.0)
    row = pl.program_id(0) * _BLK + lax.broadcasted_iota(
        jnp.int32, (_BLK, 1), 0)
    h = jnp.where(row < N, h, 0.0)
    h1 = lax.dot_general(h, w1_ref[...], (((1,), (0,)), ((), ())),
                         preferred_element_type=jnp.float32,
                         precision=lax.Precision.HIGHEST)
    g1_ref[...] = h1 * dinv


def _mid(p, g0, dinv, b0, W1):
    return pl.pallas_call(
        _mid_body,
        grid=(_GRID,),
        in_specs=[
            pl.BlockSpec((1, _BLK, D), lambda i: (0, i, 0)),
            pl.BlockSpec((1, _BLK, D), lambda i: (1, i, 0)),
            pl.BlockSpec((_BLK, D), lambda i: (i, 0)),
            pl.BlockSpec((_BLK, 1), lambda i: (i, 0)),
            pl.BlockSpec((1, D), lambda i: (0, 0)),
            pl.BlockSpec((D, D), lambda i: (0, 0)),
        ],
        out_specs=pl.BlockSpec((_BLK, D), lambda i: (i, 0)),
        out_shape=jax.ShapeDtypeStruct((N_PAD, D), jnp.float32),
    )(p, p, g0, dinv, b0, W1)


def _final_body(q0_ref, q1_ref, g1_ref, dinv_ref, b1_ref, out_ref):
    acc = q0_ref[0] + q1_ref[0] + g1_ref[...]
    out_ref[...] = acc * dinv_ref[...] + b1_ref[...]


def _final(q, g1, dinv, b1):
    return pl.pallas_call(
        _final_body,
        grid=(_GRID,),
        in_specs=[
            pl.BlockSpec((1, _BLK, D), lambda i: (0, i, 0)),
            pl.BlockSpec((1, _BLK, D), lambda i: (1, i, 0)),
            pl.BlockSpec((_BLK, D), lambda i: (i, 0)),
            pl.BlockSpec((_BLK, 1), lambda i: (i, 0)),
            pl.BlockSpec((1, D), lambda i: (0, 0)),
        ],
        out_specs=pl.BlockSpec((_BLK, D), lambda i: (i, 0)),
        out_shape=jax.ShapeDtypeStruct((N_PAD, D), jnp.float32),
    )(q, q, g1, dinv, b1)



@jax.jit
def kernel(x, edge_index, W0, b0, W1, b1):
    x_pad = jnp.concatenate(
        [x, jnp.zeros((N_PAD - N, D), jnp.float32)], axis=0)
    per_w = E // NW
    npad_w = EDGES_PER_W - per_w
    iw = jnp.arange(npad_w, dtype=jnp.int32)[None, :]
    ww = jnp.arange(NW, dtype=jnp.int32)[:, None]
    pad_src = N + (iw * 7 + ww * 13) % (N_PAD - N)
    pad_dst = (iw * 27 + ww * 613) % N
    pad_deg = N + (iw * 37 + ww * 7) % (N_ACC - N)

    def slabs(flat, padw):
        per = jnp.concatenate([flat.reshape(NW, per_w), padw], axis=1)
        return per.reshape(NW, CHUNKS, 1, CHUNK)

    src_w = slabs(edge_index[0], pad_src)
    dst_w = slabs(edge_index[1], pad_dst)
    idx = jnp.concatenate([src_w, dst_w], axis=2)
    dstf = jnp.concatenate(
        [edge_index[1].reshape(NW, per_w), pad_deg], axis=1)
    zeros1 = jnp.zeros((N_PAD,), jnp.float32)
    zrows = jnp.zeros((ROWS_PER_T, D), jnp.float32)
    b0r = b0.reshape(1, D)
    b1r = b1.reshape(1, D)

    degp = _deg_kernel(dstf, zeros1)
    h0 = _mm(x_pad, W0)
    g0, dinv = _scale(h0, degp)
    p = _scatter_kernel(g0, idx, zrows)
    g1 = _mid(p, g0, dinv, b0r, W1)
    q = _scatter_kernel(g1, idx, zrows)
    out = _final(q, g1, dinv, b1r)
    return out[:N]

# --- scband reference (transcript-rebuilt; emitter-appended) ---
"""Pipeline reference for scband-backbone-64398739636497 (READ-ONLY COPY).

The authoritative reference and input builder live on the scoring server;
editing this copy changes nothing except your own understanding.
"""

import jax, jax.numpy as jnp
import numpy as np

N = 10000
E = 320000
D_IN = 128
D_HID = 128


def setup_inputs(seed: int = 0) -> dict:
    key = jax.random.key(seed)
    k1, k2, k3, k4, k5, k6 = jax.random.split(key, 6)
    x = jax.random.normal(k1, (N, D_IN), dtype=jnp.float32)
    edge_index = jax.random.randint(k2, (2, E), 0, N, dtype=jnp.int32)
    # GCNConv layer 0 params (glorot-ish init)
    s0 = (6.0 / (D_IN + D_HID)) ** 0.5
    W0 = jax.random.uniform(k3, (D_IN, D_HID), dtype=jnp.float32, minval=-s0, maxval=s0)
    b0 = jnp.zeros((D_HID,), dtype=jnp.float32)
    # GCNConv layer 1 params
    s1 = (6.0 / (D_HID + D_HID)) ** 0.5
    W1 = jax.random.uniform(k4, (D_HID, D_HID), dtype=jnp.float32, minval=-s1, maxval=s1)
    b1 = jnp.zeros((D_HID,), dtype=jnp.float32)
    return {"x": x, "edge_index": edge_index, "W0": W0, "b0": b0, "W1": W1, "b1": b1}


def _gcn_conv(h, W, b, src, dst, num_nodes):
    # h -> h @ W, then symmetric-normalized aggregation with self-loops
    h = h @ W
    ones = jnp.ones(src.shape[0], dtype=h.dtype)
    deg = jnp.zeros((num_nodes,), dtype=h.dtype).at[dst].add(ones)
    dinv = jax.lax.rsqrt(jnp.maximum(deg, 1.0))
    norm = dinv[src] * dinv[dst]
    msg = h[src] * norm[:, None]
    out = jnp.zeros((num_nodes, h.shape[1]), dtype=h.dtype).at[dst].add(msg)
    return out + b


def reference(x, edge_index, W0, b0, W1, b1):
    num_nodes = x.shape[0]
    loop = jnp.arange(num_nodes, dtype=edge_index.dtype)
    src = jnp.concatenate([edge_index[0], loop])
    dst = jnp.concatenate([edge_index[1], loop])
    h = _gcn_conv(x, W0, b0, src, dst, num_nodes)
    h = jax.nn.relu(h)
    h = _gcn_conv(h, W1, b1, src, dst, num_nodes)
    return h

if __name__ == "__main__":
    import jax
    _d = setup_inputs()
    print(jax.jit(kernel)(*tuple(_d.values())))

</pallas_src>

<mosaic_0001>
#map = affine_map<(d0, d1) -> (0, 0)>
#map1 = affine_map<(d0, d1) -> (0)>
module attributes {stable_mosaic.version = 14 : i64} {
  func.func @_deg_kernel(%arg0: i32, %arg1: i32, %arg2: memref<32x10368xi32, #tpu.memory_space<hbm>>, %arg3: memref<10240xf32, #tpu.memory_space<hbm>>, %arg4: memref<32x10240xf32, #tpu.memory_space<hbm>>, %arg5: memref<10368xi32, #tpu.memory_space<vmem>>, %arg6: memref<10240xf32, #tpu.memory_space<vmem>>) attributes {dimension_semantics = [#tpu.dimension_semantics<core_parallel>, #tpu.dimension_semantics<subcore_parallel>], iteration_bounds = array<i64: 2, 16>, scalar_prefetch = 0 : i64, scratch_operands = 2 : i64, tpu.core_type = #tpu.core_type<sc_vector_subcore>, window_params = [{transform_indices = #map}, {transform_indices = #map1}, {transform_indices = #map}]} {
    %mul3A = arith.constant 16 : i32
    %mul3A_0 = arith.muli %arg0, %mul3A : i32
    %add3A = arith.addi %mul3A_0, %arg1 : i32
    "tpu.region"() ({
      %run_scoped3A = tpu.sem_alloc : memref<!tpu.dma_semaphore, #tpu.memory_space<semaphore_mem>>
      %dma_start3A = arith.constant 0 : i32
      %dma_start3A_7 = tpu.memref_slice %arg2[%add3A, %dma_start3A] : memref<32x10368xi32, #tpu.memory_space<hbm>> -> memref<1x10368xi32, #tpu.memory_space<hbm>>
      %dma_start3A_8 = tpu.memref_squeeze %dma_start3A_7 : memref<1x10368xi32, #tpu.memory_space<hbm>> -> memref<10368xi32, #tpu.memory_space<hbm>>
      %dma_start3A_9 = arith.constant 0 : i32
      %dma_start3A_10 = tpu.memref_slice %arg2[%add3A, %dma_start3A_9] : memref<32x10368xi32, #tpu.memory_space<hbm>> -> memref<1x10368xi32, #tpu.memory_space<hbm>>
      %dma_start3A_11 = tpu.memref_squeeze %dma_start3A_10 : memref<1x10368xi32, #tpu.memory_space<hbm>> -> memref<10368xi32, #tpu.memory_space<hbm>>
      tpu.enqueue_dma source(%dma_start3A_11 : memref<10368xi32, #tpu.memory_space<hbm>>) target(%arg5 : memref<10368xi32, #tpu.memory_space<vmem>>) target_semaphore(%run_scoped3A : memref<!tpu.dma_semaphore, #tpu.memory_space<semaphore_mem>>)
      %dma_wait3A = arith.constant 0 : i32
      %dma_wait3A_12 = tpu.memref_slice %arg2[%add3A, %dma_wait3A] : memref<32x10368xi32, #tpu.memory_space<hbm>> -> memref<1x10368xi32, #tpu.memory_space<hbm>>
      %dma_wait3A_13 = tpu.memref_squeeze %dma_wait3A_12 : memref<1x10368xi32, #tpu.memory_space<hbm>> -> memref<10368xi32, #tpu.memory_space<hbm>>
      %dma_wait3A_14 = arith.constant 0 : i32
      %dma_wait3A_15 = tpu.memref_slice %arg2[%add3A, %dma_wait3A_14] : memref<32x10368xi32, #tpu.memory_space<hbm>> -> memref<1x10368xi32, #tpu.memory_space<hbm>>
      %dma_wait3A_16 = tpu.memref_squeeze %dma_wait3A_15 : memref<1x10368xi32, #tpu.memory_space<hbm>> -> memref<10368xi32, #tpu.memory_space<hbm>>
      tpu.wait_dma2 semaphore(%run_scoped3A : memref<!tpu.dma_semaphore, #tpu.memory_space<semaphore_mem>>) src(%dma_wait3A_16 : memref<10368xi32, #tpu.memory_space<hbm>>) dst(%arg5 : memref<10368xi32, #tpu.memory_space<vmem>>)
      tpu.yield
    }) : () -> ()
    "tpu.region"() ({
      %run_scoped3A = tpu.sem_alloc : memref<!tpu.dma_semaphore, #tpu.memory_space<semaphore_mem>>
      tpu.enqueue_dma source(%arg3 : memref<10240xf32, #tpu.memory_space<hbm>>) target(%arg6 : memref<10240xf32, #tpu.memory_space<vmem>>) target_semaphore(%run_scoped3A : memref<!tpu.dma_semaphore, #tpu.memory_space<semaphore_mem>>)
      tpu.wait_dma2 semaphore(%run_scoped3A : memref<!tpu.dma_semaphore, #tpu.memory_space<semaphore_mem>>) src(%arg3 : memref<10240xf32, #tpu.memory_space<hbm>>) dst(%arg6 : memref<10240xf32, #tpu.memory_space<vmem>>)
      tpu.yield
    }) : () -> ()
    %broadcast_in_dim3A = arith.constant 1.000000e+00 : f32
    %broadcast_in_dim3A_1 = vector.broadcast %broadcast_in_dim3A : f32 to vector<16xf32>
    %scan3A = arith.constant 0 : i32
    %scan3A_2 = arith.constant 0 : i32
    %scan3A_3 = arith.constant 648 : i32
    %scan3A_4 = arith.addi %scan3A_2, %scan3A_3 : i32
    %scan3A_5 = arith.constant 1 : i32
    scf.for %scan3A_7 = %scan3A_2 to %scan3A_4 step %scan3A_5  : i32 {
      %mul3A_8 = arith.constant 16 : i32
      %mul3A_9 = arith.muli %scan3A_7, %mul3A_8 : i32
      %get3A = arith.index_cast %mul3A_9 : i32 to index
      %get3A_10 = tpu.vector_load %arg5[%get3A] {strides = array<i32>} : memref<10368xi32, #tpu.memory_space<vmem>>, vector<16xi32>,
      tpu.vector_store_idx %arg6[%get3A_10], %broadcast_in_dim3A_1 {add = true} : memref<10240xf32, #tpu.memory_space<vmem>>[vector<16xi32>], vector<16xf32>,
    }
    %scan3A_6 = arith.constant 648 : i32
    "tpu.region"() ({
      %run_scoped3A = tpu.sem_alloc : memref<!tpu.dma_semaphore, #tpu.memory_space<semaphore_mem>>
      %dma_start3A = arith.constant 0 : i32
      %dma_start3A_7 = tpu.memref_slice %arg4[%add3A, %dma_start3A] : memref<32x10240xf32, #tpu.memory_space<hbm>> -> memref<1x10240xf32, #tpu.memory_space<hbm>>
      %dma_start3A_8 = tpu.memref_squeeze %dma_start3A_7 : memref<1x10240xf32, #tpu.memory_space<hbm>> -> memref<10240xf32, #tpu.memory_space<hbm>>
      %dma_start3A_9 = arith.constant 0 : i32
      %dma_start3A_10 = tpu.memref_slice %arg4[%add3A, %dma_start3A_9] : memref<32x10240xf32, #tpu.memory_space<hbm>> -> memref<1x10240xf32, #tpu.memory_space<hbm>>
      %dma_start3A_11 = tpu.memref_squeeze %dma_start3A_10 : memref<1x10240xf32, #tpu.memory_space<hbm>> -> memref<10240xf32, #tpu.memory_space<hbm>>
      tpu.enqueue_dma source(%arg6 : memref<10240xf32, #tpu.memory_space<vmem>>) target(%dma_start3A_11 : memref<10240xf32, #tpu.memory_space<hbm>>) target_semaphore(%run_scoped3A : memref<!tpu.dma_semaphore, #tpu.memory_space<semaphore_mem>>)
      %dma_wait3A = arith.constant 0 : i32
      %dma_wait3A_12 = tpu.memref_slice %arg4[%add3A, %dma_wait3A] : memref<32x10240xf32, #tpu.memory_space<hbm>> -> memref<1x10240xf32, #tpu.memory_space<hbm>>
      %dma_wait3A_13 = tpu.memref_squeeze %dma_wait3A_12 : memref<1x10240xf32, #tpu.memory_space<hbm>> -> memref<10240xf32, #tpu.memory_space<hbm>>
      %dma_wait3A_14 = arith.constant 0 : i32
      %dma_wait3A_15 = tpu.memref_slice %arg4[%add3A, %dma_wait3A_14] : memref<32x10240xf32, #tpu.memory_space<hbm>> -> memref<1x10240xf32, #tpu.memory_space<hbm>>
      %dma_wait3A_16 = tpu.memref_squeeze %dma_wait3A_15 : memref<1x10240xf32, #tpu.memory_space<hbm>> -> memref<10240xf32, #tpu.memory_space<hbm>>
      tpu.wait_dma2 semaphore(%run_scoped3A : memref<!tpu.dma_semaphore, #tpu.memory_space<semaphore_mem>>) src(%arg6 : memref<10240xf32, #tpu.memory_space<vmem>>) dst(%dma_wait3A_16 : memref<10240xf32, #tpu.memory_space<hbm>>)
      tpu.yield
    }) : () -> ()
    return
  }
}

#map = affine_map<(d0, d1) -> (0, 0)>
#map1 = affine_map<(d0, d1) -> (0, 0, 0, 0)>
#map2 = affine_map<(d0, d1) -> (0, 0, 0)>
module attributes {stable_mosaic.version = 14 : i64} {
  func.func @_scatter_kernel(%arg0: i32, %arg1: i32, %arg2: memref<10240x128xf32, #tpu.memory_space<hbm>>, %arg3: memref<32x81x2x128xi32, #tpu.memory_space<hbm>>, %arg4: memref<632x128xf32, #tpu.memory_space<hbm>>, %arg5: memref<2x10240x128xf32, #tpu.memory_space<hbm>>, %arg6: memref<3x2x128xi32, #tpu.memory_space<vmem>>, %arg7: memref<3x128x128xf32, #tpu.memory_space<vmem>>, %arg8: memref<10112x128xf32, #tpu.memory_space<vmem_shared>>, %arg9: memref<!tpu.dma_semaphore, #tpu.memory_space<semaphore_mem>>, %arg10: memref<!tpu.dma_semaphore, #tpu.memory_space<semaphore_mem>>, %arg11: memref<!tpu.dma_semaphore, #tpu.memory_space<semaphore_mem>>, %arg12: memref<!tpu.dma_semaphore, #tpu.memory_space<semaphore_mem>>, %arg13: memref<!tpu.dma_semaphore, #tpu.memory_space<semaphore_mem>>, %arg14: memref<!tpu.dma_semaphore, #tpu.memory_space<semaphore_mem>>, %arg15: memref<!tpu.dma_semaphore, #tpu.memory_space<semaphore_mem>>, %arg16: memref<!tpu.dma_semaphore, #tpu.memory_space<semaphore_mem>>, %arg17: memref<!tpu.dma_semaphore, #tpu.memory_space<semaphore_mem>>) attributes {dimension_semantics = [#tpu.dimension_semantics<core_parallel>, #tpu.dimension_semantics<subcore_parallel>], iteration_bounds = array<i64: 2, 16>, scalar_prefetch = 0 : i64, scratch_operands = 12 : i64, tpu.core_type = #tpu.core_type<sc_vector_subcore>, window_params = [{transform_indices = #map}, {transform_indices = #map1}, {transform_indices = #map}, {transform_indices = #map2}]} {
    %mul3A = arith.constant 16 : i32
    %mul3A_0 = arith.muli %arg0, %mul3A : i32
    %add3A = arith.addi %mul3A_0, %arg1 : i32
    %eq3A = arith.constant 0 : i32
    %eq3A_1 = arith.cmpi eq, %arg0, %eq3A : i32
    %select_n3A = arith.constant 81 : i32
    %select_n3A_2 = arith.constant 81 : i32
    %select_n3A_3 = arith.select %eq3A_1, %select_n3A_2, %select_n3A : i32
    %dma_start3A = arith.constant 0 : i32
    %dma_start3A_4 = arith.constant 0 : i32
    %dma_start3A_5 = arith.constant 0 : i32
    %dma_start3A_6 = arith.constant 0 : i32
    %dma_start3A_7 = tpu.memref_slice %arg6[%dma_start3A_4, %dma_start3A_5, %dma_start3A_6] : memref<3x2x128xi32, #tpu.memory_space<vmem>> -> memref<1x2x128xi32, #tpu.memory_space<vmem>>
    %dma_start3A_8 = tpu.memref_squeeze %dma_start3A_7 : memref<1x2x128xi32, #tpu.memory_space<vmem>> -> memref<2x128xi32, #tpu.memory_space<vmem>>
    %dma_start3A_9 = arith.constant 0 : i32
    %dma_start3A_10 = arith.constant 0 : i32
    %dma_start3A_11 = tpu.memref_slice %arg3[%add3A, %dma_start3A, %dma_start3A_9, %dma_start3A_10] : memref<32x81x2x128xi32, #tpu.memory_space<hbm>> -> memref<1x1x2x128xi32, #tpu.memory_space<hbm>>
    %dma_start3A_12 = tpu.memref_squeeze %dma_start3A_11 : memref<1x1x2x128xi32, #tpu.memory_space<hbm>> -> memref<2x128xi32, #tpu.memory_space<hbm>>
    %dma_start3A_13 = arith.constant 0 : i32
    %dma_start3A_14 = arith.constant 0 : i32
    %dma_start3A_15 = tpu.memref_slice %arg6[%dma_start3A_4, %dma_start3A_13, %dma_start3A_14] : memref<3x2x128xi32, #tpu.memory_space<vmem>> -> memref<1x2x128xi32, #tpu.memory_space<vmem>>
    %dma_start3A_16 = tpu.memref_squeeze %dma_start3A_15 : memref<1x2x128xi32, #tpu.memory_space<vmem>> -> memref<2x128xi32, #tpu.memory_space<vmem>>
    %dma_start3A_17 = arith.constant 0 : i32
    %dma_start3A_18 = arith.constant 0 : i32
    %dma_start3A_19 = tpu.memref_slice %arg3[%add3A, %dma_start3A, %dma_start3A_17, %dma_start3A_18] : memref<32x81x2x128xi32, #tpu.memory_space<hbm>> -> memref<1x1x2x128xi32, #tpu.memory_space<hbm>>
    %dma_start3A_20 = tpu.memref_squeeze %dma_start3A_19 : memref<1x1x2x128xi32, #tpu.memory_space<hbm>> -> memref<2x128xi32, #tpu.memory_space<hbm>>
    tpu.enqueue_dma source(%dma_start3A_20 : memref<2x128xi32, #tpu.memory_space<hbm>>) target(%dma_start3A_16 : memref<2x128xi32, #tpu.memory_space<vmem>>) target_semaphore(%arg9 : memref<!tpu.dma_semaphore, #tpu.memory_space<semaphore_mem>>)
    %dma_start3A_21 = arith.constant 1 : i32
    %dma_start3A_22 = arith.constant 1 : i32
    %dma_start3A_23 = arith.constant 0 : i32
    %dma_start3A_24 = arith.constant 0 : i32
    %dma_start3A_25 = tpu.memref_slice %arg6[%dma_start3A_22, %dma_start3A_23, %dma_start3A_24] : memref<3x2x128xi32, #tpu.memory_space<vmem>> -> memref<1x2x128xi32, #tpu.memory_space<vmem>>
    %dma_start3A_26 = tpu.memref_squeeze %dma_start3A_25 : memref<1x2x128xi32, #tpu.memory_space<vmem>> -> memref<2x128xi32, #tpu.memory_space<vmem>>
    %dma_start3A_27 = arith.constant 0 : i32
    %dma_start3A_28 = arith.constant 0 : i32
    %dma_start3A_29 = tpu.memref_slice %arg3[%add3A, %dma_start3A_21, %dma_start3A_27, %dma_start3A_28] : memref<32x81x2x128xi32, #tpu.memory_space<hbm>> -> memref<1x1x2x128xi32, #tpu.memory_space<hbm>>
    %dma_start3A_30 = tpu.memref_squeeze %dma_start3A_29 : memref<1x1x2x128xi32, #tpu.memory_space<hbm>> -> memref<2x128xi32, #tpu.memory_space<hbm>>
    %dma_start3A_31 = arith.constant 0 : i32
    %dma_start3A_32 = arith.constant 0 : i32
    %dma_start3A_33 = tpu.memref_slice %arg6[%dma_start3A_22, %dma_start3A_31, %dma_start3A_32] : memref<3x2x128xi32, #tpu.memory_space<vmem>> -> memref<1x2x128xi32, #tpu.memory_space<vmem>>
    %dma_start3A_34 = tpu.memref_squeeze %dma_start3A_33 : memref<1x2x128xi32, #tpu.memory_space<vmem>> -> memref<2x128xi32, #tpu.memory_space<vmem>>
    %dma_start3A_35 = arith.constant 0 : i32
    %dma_start3A_36 = arith.constant 0 : i32
    %dma_start3A_37 = tpu.memref_slice %arg3[%add3A, %dma_start3A_21, %dma_start3A_35, %dma_start3A_36] : memref<32x81x2x128xi32, #tpu.memory_space<hbm>> -> memref<1x1x2x128xi32, #tpu.memory_space<hbm>>
    %dma_start3A_38 = tpu.memref_squeeze %dma_start3A_37 : memref<1x1x2x128xi32, #tpu.memory_space<hbm>> -> memref<2x128xi32, #tpu.memory_space<hbm>>
    tpu.enqueue_dma source(%dma_start3A_38 : memref<2x128xi32, #tpu.memory_space<hbm>>) target(%dma_start3A_34 : memref<2x128xi32, #tpu.memory_space<vmem>>) target_semaphore(%arg10 : memref<!tpu.dma_semaphore, #tpu.memory_space<semaphore_mem>>)
    %dma_wait3A = arith.constant 0 : i32
    %dma_wait3A_39 = arith.constant 0 : i32
    %dma_wait3A_40 = arith.constant 0 : i32
    %dma_wait3A_41 = arith.constant 0 : i32
    %dma_wait3A_42 = tpu.memref_slice %arg6[%dma_wait3A_39, %dma_wait3A_40, %dma_wait3A_41] : memref<3x2x128xi32, #tpu.memory_space<vmem>> -> memref<1x2x128xi32, #tpu.memory_space<vmem>>
    %dma_wait3A_43 = tpu.memref_squeeze %dma_wait3A_42 : memref<1x2x128xi32, #tpu.memory_space<vmem>> -> memref<2x128xi32, #tpu.memory_space<vmem>>
    %dma_wait3A_44 = arith.constant 0 : i32
    %dma_wait3A_45 = arith.constant 0 : i32
    %dma_wait3A_46 = tpu.memref_slice %arg3[%add3A, %dma_wait3A, %dma_wait3A_44, %dma_wait3A_45] : memref<32x81x2x128xi32, #tpu.memory_space<hbm>> -> memref<1x1x2x128xi32, #tpu.memory_space<hbm>>
    %dma_wait3A_47 = tpu.memref_squeeze %dma_wait3A_46 : memref<1x1x2x128xi32, #tpu.memory_space<hbm>> -> memref<2x128xi32, #tpu.memory_space<hbm>>
    %dma_wait3A_48 = arith.constant 0 : i32
    %dma_wait3A_49 = arith.constant 0 : i32
    %dma_wait3A_50 = tpu.memref_slice %arg6[%dma_wait3A_39, %dma_wait3A_48, %dma_wait3A_49] : memref<3x2x128xi32, #tpu.memory_space<vmem>> -> memref<1x2x128xi32, #tpu.memory_space<vmem>>
    %dma_wait3A_51 = tpu.memref_squeeze %dma_wait3A_50 : memref<1x2x128xi32, #tpu.memory_space<vmem>> -> memref<2x128xi32, #tpu.memory_space<vmem>>
    %dma_wait3A_52 = arith.constant 0 : i32
    %dma_wait3A_53 = arith.constant 0 : i32
    %dma_wait3A_54 = tpu.memref_slice %arg3[%add3A, %dma_wait3A, %dma_wait3A_52, %dma_wait3A_53] : memref<32x81x2x128xi32, #tpu.memory_space<hbm>> -> memref<1x1x2x128xi32, #tpu.memory_space<hbm>>
    %dma_wait3A_55 = tpu.memref_squeeze %dma_wait3A_54 : memref<1x1x2x128xi32, #tpu.memory_space<hbm>> -> memref<2x128xi32, #tpu.memory_space<hbm>>
    tpu.wait_dma2 semaphore(%arg9 : memref<!tpu.dma_semaphore, #tpu.memory_space<semaphore_mem>>) src(%dma_wait3A_55 : memref<2x128xi32, #tpu.memory_space<hbm>>) dst(%dma_wait3A_51 : memref<2x128xi32, #tpu.memory_space<vmem>>)
    %dma_start3A_56 = arith.constant 0 : i32
    %dma_start3A_57 = arith.constant 0 : i32
    %dma_start3A_58 = arith.constant 0 : i32
    %dma_start3A_59 = arith.constant 0 : i32
    %dma_start3A_60 = arith.constant 0 : i32
    %dma_start3A_61 = tpu.memref_slice %arg7[%dma_start3A_58, %dma_start3A_59, %dma_start3A_60] : memref<3x128x128xf32, #tpu.memory_space<vmem>> -> memref<1x128x128xf32, #tpu.memory_space<vmem>>
    %dma_start3A_62 = tpu.memref_squeeze %dma_start3A_61 : memref<1x128x128xf32, #tpu.memory_space<vmem>> -> memref<128x128xf32, #tpu.memory_space<vmem>>
    %dma_start3A_63 = arith.constant 0 : i32
    %dma_start3A_64 = tpu.memref_slice %arg6[%dma_start3A_56, %dma_start3A_57, %dma_start3A_63] : memref<3x2x128xi32, #tpu.memory_space<vmem>> -> memref<1x1x128xi32, #tpu.memory_space<vmem>>
    %dma_start3A_65 = tpu.memref_squeeze %dma_start3A_64 : memref<1x1x128xi32, #tpu.memory_space<vmem>> -> memref<128xi32, #tpu.memory_space<vmem>>
    %dma_start3A_66 = arith.constant 0 : i32
    %dma_start3A_67 = arith.constant 0 : i32
    %dma_start3A_68 = tpu.memref_slice %arg2[%dma_start3A_66, %dma_start3A_67] : memref<10240x128xf32, #tpu.memory_space<hbm>> -> memref<10240x128xf32, #tpu.memory_space<hbm>>
    tpu.enqueue_indirect_dma source(%dma_start3A_68 : memref<10240x128xf32, #tpu.memory_space<hbm>>) target(%dma_start3A_62 : memref<128x128xf32, #tpu.memory_space<vmem>>) offsets(%dma_start3A_65 : memref<128xi32, #tpu.memory_space<vmem>>) semaphore(%arg12 : memref<!tpu.dma_semaphore, #tpu.memory_space<semaphore_mem>>)
    %mul3A_69 = arith.constant 632 : i32
    %mul3A_70 = arith.muli %arg1, %mul3A_69 : i32
    "tpu.region"() ({
      %run_scoped3A = tpu.sem_alloc : memref<!tpu.dma_semaphore, #tpu.memory_space<semaphore_mem>>
      %dma_start3A_572 = arith.constant 0 : i32
      %dma_start3A_573 = tpu.memref_slice %arg8[%mul3A_70, %dma_start3A_572] : memref<10112x128xf32, #tpu.memory_space<vmem_shared>> -> memref<632x128xf32, #tpu.memory_space<vmem_shared>>
      tpu.enqueue_dma source(%arg4 : memref<632x128xf32, #tpu.memory_space<hbm>>) target(%dma_start3A_573 : memref<632x128xf32, #tpu.memory_space<vmem_shared>>) target_semaphore(%run_scoped3A : memref<!tpu.dma_semaphore, #tpu.memory_space<semaphore_mem>>)
      %dma_wait3A_574 = arith.constant 0 : i32
      %dma_wait3A_575 = tpu.memref_slice %arg8[%mul3A_70, %dma_wait3A_574] : memref<10112x128xf32, #tpu.memory_space<vmem_shared>> -> memref<632x128xf32, #tpu.memory_space<vmem_shared>>
      tpu.wait_dma2 semaphore(%run_scoped3A : memref<!tpu.dma_semaphore, #tpu.memory_space<semaphore_mem>>) src(%arg4 : memref<632x128xf32, #tpu.memory_space<hbm>>) dst(%dma_wait3A_575 : memref<632x128xf32, #tpu.memory_space<vmem_shared>>)
      tpu.yield
    }) : () -> ()
    %barrier3A = arith.constant 0 : index
    tpu.barrier barrier_id(%barrier3A)
    %dma_wait3A_71 = arith.constant 0 : i32
    %dma_wait3A_72 = arith.constant 0 : i32
    %dma_wait3A_73 = arith.constant 0 : i32
    %dma_wait3A_74 = arith.constant 0 : i32
    %dma_wait3A_75 = arith.constant 0 : i32
    %dma_wait3A_76 = tpu.memref_slice %arg7[%dma_wait3A_73, %dma_wait3A_74, %dma_wait3A_75] : memref<3x128x128xf32, #tpu.memory_space<vmem>> -> memref<1x128x128xf32, #tpu.memory_space<vmem>>
    %dma_wait3A_77 = tpu.memref_squeeze %dma_wait3A_76 : memref<1x128x128xf32, #tpu.memory_space<vmem>> -> memref<128x128xf32, #tpu.memory_space<vmem>>
    %dma_wait3A_78 = arith.constant 0 : i32
    %dma_wait3A_79 = tpu.memref_slice %arg6[%dma_wait3A_71, %dma_wait3A_72, %dma_wait3A_78] : memref<3x2x128xi32, #tpu.memory_space<vmem>> -> memref<1x1x128xi32, #tpu.memory_space<vmem>>
    %dma_wait3A_80 = tpu.memref_squeeze %dma_wait3A_79 : memref<1x1x128xi32, #tpu.memory_space<vmem>> -> memref<128xi32, #tpu.memory_space<vmem>>
    %dma_wait3A_81 = arith.constant 0 : i32
    %dma_wait3A_82 = arith.constant 0 : i32
    %dma_wait3A_83 = tpu.memref_slice %arg2[%dma_wait3A_81, %dma_wait3A_82] : memref<10240x128xf32, #tpu.memory_space<hbm>> -> memref<10240x128xf32, #tpu.memory_space<hbm>>
    tpu.wait_indirect_dma semaphore(%arg12 : memref<!tpu.dma_semaphore, #tpu.memory_space<semaphore_mem>>) src(%dma_wait3A_83 : memref<10240x128xf32, #tpu.memory_space<hbm>>) dst(%dma_wait3A_77 : memref<128x128xf32, #tpu.memory_space<vmem>>)
    %dma_start3A_84 = arith.constant 0 : i32
    %dma_start3A_85 = arith.constant 0 : i32
    %dma_start3A_86 = arith.constant 1 : i32
    %dma_start3A_87 = arith.constant 0 : i32
    %dma_start3A_88 = arith.constant 0 : i32
    %dma_start3A_89 = tpu.memref_slice %arg7[%dma_start3A_84, %dma_start3A_87, %dma_start3A_88] : memref<3x128x128xf32, #tpu.memory_space<vmem>> -> memref<1x128x128xf32, #tpu.memory_space<vmem>>
    %dma_start3A_90 = tpu.memref_squeeze %dma_start3A_89 : memref<1x128x128xf32, #tpu.memory_space<vmem>> -> memref<128x128xf32, #tpu.memory_space<vmem>>
    %dma_start3A_91 = arith.constant 0 : i32
    %dma_start3A_92 = tpu.memref_slice %arg6[%dma_start3A_85, %dma_start3A_86, %dma_start3A_91] : memref<3x2x128xi32, #tpu.memory_space<vmem>> -> memref<1x1x128xi32, #tpu.memory_space<vmem>>
    %dma_start3A_93 = tpu.memref_squeeze %dma_start3A_92 : memref<1x1x128xi32, #tpu.memory_space<vmem>> -> memref<128xi32, #tpu.memory_space<vmem>>
    %dma_start3A_94 = arith.constant 0 : i32
    %dma_start3A_95 = arith.constant 0 : i32
    %dma_start3A_96 = tpu.memref_slice %arg8[%dma_start3A_94, %dma_start3A_95] : memref<10112x128xf32, #tpu.memory_space<vmem_shared>> -> memref<10112x128xf32, #tpu.memory_space<vmem_shared>>
    tpu.enqueue_indirect_dma source(%dma_start3A_90 : memref<128x128xf32, #tpu.memory_space<vmem>>) target(%dma_start3A_96 : memref<10112x128xf32, #tpu.memory_space<vmem_shared>>) offsets(%dma_start3A_93 : memref<128xi32, #tpu.memory_space<vmem>>) semaphore(%arg15 : memref<!tpu.dma_semaphore, #tpu.memory_space<semaphore_mem>>) {add = true}
    %dma_start3A_97 = arith.constant 2 : i32
    %dma_start3A_98 = arith.constant 2 : i32
    %dma_start3A_99 = arith.constant 0 : i32
    %dma_start3A_100 = arith.constant 0 : i32
    %dma_start3A_101 = tpu.memref_slice %arg6[%dma_start3A_98, %dma_start3A_99, %dma_start3A_100] : memref<3x2x128xi32, #tpu.memory_space<vmem>> -> memref<1x2x128xi32, #tpu.memory_space<vmem>>
    %dma_start3A_102 = tpu.memref_squeeze %dma_start3A_101 : memref<1x2x128xi32, #tpu.memory_space<vmem>> -> memref<2x128xi32, #tpu.memory_space<vmem>>
    %dma_start3A_103 = arith.constant 0 : i32
    %dma_start3A_104 = arith.constant 0 : i32
    %dma_start3A_105 = tpu.memref_slice %arg3[%add3A, %dma_start3A_97, %dma_start3A_103, %dma_start3A_104] : memref<32x81x2x128xi32, #tpu.memory_space<hbm>> -> memref<1x1x2x128xi32, #tpu.memory_space<hbm>>
    %dma_start3A_106 = tpu.memref_squeeze %dma_start3A_105 : memref<1x1x2x128xi32, #tpu.memory_space<hbm>> -> memref<2x128xi32, #tpu.memory_space<hbm>>
    %dma_start3A_107 = arith.constant 0 : i32
    %dma_start3A_108 = arith.constant 0 : i32
    %dma_start3A_109 = tpu.memref_slice %arg6[%dma_start3A_98, %dma_start3A_107, %dma_start3A_108] : memref<3x2x128xi32, #tpu.memory_space<vmem>> -> memref<1x2x128xi32, #tpu.memory_space<vmem>>
    %dma_start3A_110 = tpu.memref_squeeze %dma_start3A_109 : memref<1x2x128xi32, #tpu.memory_space<vmem>> -> memref<2x128xi32, #tpu.memory_space<vmem>>
    %dma_start3A_111 = arith.constant 0 : i32
    %dma_start3A_112 = arith.constant 0 : i32
    %dma_start3A_113 = tpu.memref_slice %arg3[%add3A, %dma_start3A_97, %dma_start3A_111, %dma_start3A_112] : memref<32x81x2x128xi32, #tpu.memory_space<hbm>> -> memref<1x1x2x128xi32, #tpu.memory_space<hbm>>
    %dma_start3A_114 = tpu.memref_squeeze %dma_start3A_113 : memref<1x1x2x128xi32, #tpu.memory_space<hbm>> -> memref<2x128xi32, #tpu.memory_space<hbm>>
    tpu.enqueue_dma source(%dma_start3A_114 : memref<2x128xi32, #tpu.memory_space<hbm>>) target(%dma_start3A_110 : memref<2x128xi32, #tpu.memory_space<vmem>>) target_semaphore(%arg11 : memref<!tpu.dma_semaphore, #tpu.memory_space<semaphore_mem>>)
    %dma_wait3A_115 = arith.constant 0 : i32
    %dma_wait3A_116 = arith.constant 1 : i32
    %dma_wait3A_117 = arith.constant 0 : i32
    %dma_wait3A_118 = arith.constant 0 : i32
    %dma_wait3A_119 = tpu.memref_slice %arg6[%dma_wait3A_116, %dma_wait3A_117, %dma_wait3A_118] : memref<3x2x128xi32, #tpu.memory_space<vmem>> -> memref<1x2x128xi32, #tpu.memory_space<vmem>>
    %dma_wait3A_120 = tpu.memref_squeeze %dma_wait3A_119 : memref<1x2x128xi32, #tpu.memory_space<vmem>> -> memref<2x128xi32, #tpu.memory_space<vmem>>
    %dma_wait3A_121 = arith.constant 0 : i32
    %dma_wait3A_122 = arith.constant 0 : i32
    %dma_wait3A_123 = tpu.memref_slice %arg3[%add3A, %dma_wait3A_115, %dma_wait3A_121, %dma_wait3A_122] : memref<32x81x2x128xi32, #tpu.memory_space<hbm>> -> memref<1x1x2x128xi32, #tpu.memory_space<hbm>>
    %dma_wait3A_124 = tpu.memref_squeeze %dma_wait3A_123 : memref<1x1x2x128xi32, #tpu.memory_space<hbm>> -> memref<2x128xi32, #tpu.memory_space<hbm>>
    %dma_wait3A_125 = arith.constant 0 : i32
    %dma_wait3A_126 = arith.constant 0 : i32
    %dma_wait3A_127 = tpu.memref_slice %arg6[%dma_wait3A_116, %dma_wait3A_125, %dma_wait3A_126] : memref<3x2x128xi32, #tpu.memory_space<vmem>> -> memref<1x2x128xi32, #tpu.memory_space<vmem>>
    %dma_wait3A_128 = tpu.memref_squeeze %dma_wait3A_127 : memref<1x2x128xi32, #tpu.memory_space<vmem>> -> memref<2x128xi32, #tpu.memory_space<vmem>>
    %dma_wait3A_129 = arith.constant 0 : i32
    %dma_wait3A_130 = arith.constant 0 : i32
    %dma_wait3A_131 = tpu.memref_slice %arg3[%add3A, %dma_wait3A_115, %dma_wait3A_129, %dma_wait3A_130] : memref<32x81x2x128xi32, #tpu.memory_space<hbm>> -> memref<1x1x2x128xi32, #tpu.memory_space<hbm>>
    %dma_wait3A_132 = tpu.memref_squeeze %dma_wait3A_131 : memref<1x1x2x128xi32, #tpu.memory_space<hbm>> -> memref<2x128xi32, #tpu.memory_space<hbm>>
    tpu.wait_dma2 semaphore(%arg10 : memref<!tpu.dma_semaphore, #tpu.memory_space<semaphore_mem>>) src(%dma_wait3A_132 : memref<2x128xi32, #tpu.memory_space<hbm>>) dst(%dma_wait3A_128 : memref<2x128xi32, #tpu.memory_space<vmem>>)
    %dma_start3A_133 = arith.constant 1 : i32
    %dma_start3A_134 = arith.constant 0 : i32
    %dma_start3A_135 = arith.constant 1 : i32
    %dma_start3A_136 = arith.constant 0 : i32
    %dma_start3A_137 = arith.constant 0 : i32
    %dma_start3A_138 = tpu.memref_slice %arg7[%dma_start3A_135, %dma_start3A_136, %dma_start3A_137] : memref<3x128x128xf32, #tpu.memory_space<vmem>> -> memref<1x128x128xf32, #tpu.memory_space<vmem>>
    %dma_start3A_139 = tpu.memref_squeeze %dma_start3A_138 : memref<1x128x128xf32, #tpu.memory_space<vmem>> -> memref<128x128xf32, #tpu.memory_space<vmem>>
    %dma_start3A_140 = arith.constant 0 : i32
    %dma_start3A_141 = tpu.memref_slice %arg6[%dma_start3A_133, %dma_start3A_134, %dma_start3A_140] : memref<3x2x128xi32, #tpu.memory_space<vmem>> -> memref<1x1x128xi32, #tpu.memory_space<vmem>>
    %dma_start3A_142 = tpu.memref_squeeze %dma_start3A_141 : memref<1x1x128xi32, #tpu.memory_space<vmem>> -> memref<128xi32, #tpu.memory_space<vmem>>
    %dma_start3A_143 = arith.constant 0 : i32
    %dma_start3A_144 = arith.constant 0 : i32
    %dma_start3A_145 = tpu.memref_slice %arg2[%dma_start3A_143, %dma_start3A_144] : memref<10240x128xf32, #tpu.memory_space<hbm>> -> memref<10240x128xf32, #tpu.memory_space<hbm>>
    tpu.enqueue_indirect_dma source(%dma_start3A_145 : memref<10240x128xf32, #tpu.memory_space<hbm>>) target(%dma_start3A_139 : memref<128x128xf32, #tpu.memory_space<vmem>>) offsets(%dma_start3A_142 : memref<128xi32, #tpu.memory_space<vmem>>) semaphore(%arg13 : memref<!tpu.dma_semaphore, #tpu.memory_space<semaphore_mem>>)
    %dma_wait3A_146 = arith.constant 1 : i32
    %dma_wait3A_147 = arith.constant 0 : i32
    %dma_wait3A_148 = arith.constant 1 : i32
    %dma_wait3A_149 = arith.constant 0 : i32
    %dma_wait3A_150 = arith.constant 0 : i32
    %dma_wait3A_151 = tpu.memref_slice %arg7[%dma_wait3A_148, %dma_wait3A_149, %dma_wait3A_150] : memref<3x128x128xf32, #tpu.memory_space<vmem>> -> memref<1x128x128xf32, #tpu.memory_space<vmem>>
    %dma_wait3A_152 = tpu.memref_squeeze %dma_wait3A_151 : memref<1x128x128xf32, #tpu.memory_space<vmem>> -> memref<128x128xf32, #tpu.memory_space<vmem>>
    %dma_wait3A_153 = arith.constant 0 : i32
    %dma_wait3A_154 = tpu.memref_slice %arg6[%dma_wait3A_146, %dma_wait3A_147, %dma_wait3A_153] : memref<3x2x128xi32, #tpu.memory_space<vmem>> -> memref<1x1x128xi32, #tpu.memory_space<vmem>>
    %dma_wait3A_155 = tpu.memref_squeeze %dma_wait3A_154 : memref<1x1x128xi32, #tpu.memory_space<vmem>> -> memref<128xi32, #tpu.memory_space<vmem>>
    %dma_wait3A_156 = arith.constant 0 : i32
    %dma_wait3A_157 = arith.constant 0 : i32
    %dma_wait3A_158 = tpu.memref_slice %arg2[%dma_wait3A_156, %dma_wait3A_157] : memref<10240x128xf32, #tpu.memory_space<hbm>> -> memref<10240x128xf32, #tpu.memory_space<hbm>>
    tpu.wait_indirect_dma semaphore(%arg13 : memref<!tpu.dma_semaphore, #tpu.memory_space<semaphore_mem>>) src(%dma_wait3A_158 : memref<10240x128xf32, #tpu.memory_space<hbm>>) dst(%dma_wait3A_152 : memref<128x128xf32, #tpu.memory_space<vmem>>)
    %dma_start3A_159 = arith.constant 1 : i32
    %dma_start3A_160 = arith.constant 1 : i32
    %dma_start3A_161 = arith.constant 1 : i32
    %dma_start3A_162 = arith.constant 0 : i32
    %dma_start3A_163 = arith.constant 0 : i32
    %dma_start3A_164 = tpu.memref_slice %arg7[%dma_start3A_159, %dma_start3A_162, %dma_start3A_163] : memref<3x128x128xf32, #tpu.memory_space<vmem>> -> memref<1x128x128xf32, #tpu.memory_space<vmem>>
    %dma_start3A_165 = tpu.memref_squeeze %dma_start3A_164 : memref<1x128x128xf32, #tpu.memory_space<vmem>> -> memref<128x128xf32, #tpu.memory_space<vmem>>
    %dma_start3A_166 = arith.constant 0 : i32
    %dma_start3A_167 = tpu.memref_slice %arg6[%dma_start3A_160, %dma_start3A_161, %dma_start3A_166] : memref<3x2x128xi32, #tpu.memory_space<vmem>> -> memref<1x1x128xi32, #tpu.memory_space<vmem>>
    %dma_start3A_168 = tpu.memref_squeeze %dma_start3A_167 : memref<1x1x128xi32, #tpu.memory_space<vmem>> -> memref<128xi32, #tpu.memory_space<vmem>>
    %dma_start3A_169 = arith.constant 0 : i32
    %dma_start3A_170 = arith.constant 0 : i32
    %dma_start3A_171 = tpu.memref_slice %arg8[%dma_start3A_169, %dma_start3A_170] : memref<10112x128xf32, #tpu.memory_space<vmem_shared>> -> memref<10112x128xf32, #tpu.memory_space<vmem_shared>>
    tpu.enqueue_indirect_dma source(%dma_start3A_165 : memref<128x128xf32, #tpu.memory_space<vmem>>) target(%dma_start3A_171 : memref<10112x128xf32, #tpu.memory_space<vmem_shared>>) offsets(%dma_start3A_168 : memref<128xi32, #tpu.memory_space<vmem>>) semaphore(%arg16 : memref<!tpu.dma_semaphore, #tpu.memory_space<semaphore_mem>>) {add = true}
    %dma_wait3A_172 = arith.constant 0 : i32
    %dma_wait3A_173 = arith.constant 0 : i32
    %dma_wait3A_174 = arith.constant 1 : i32
    %dma_wait3A_175 = arith.constant 0 : i32
    %dma_wait3A_176 = arith.constant 0 : i32
    %dma_wait3A_177 = tpu.memref_slice %arg7[%dma_wait3A_172, %dma_wait3A_175, %dma_wait3A_176] : memref<3x128x128xf32, #tpu.memory_space<vmem>> -> memref<1x128x128xf32, #tpu.memory_space<vmem>>
    %dma_wait3A_178 = tpu.memref_squeeze %dma_wait3A_177 : memref<1x128x128xf32, #tpu.memory_space<vmem>> -> memref<128x128xf32, #tpu.memory_space<vmem>>
    %dma_wait3A_179 = arith.constant 0 : i32
    %dma_wait3A_180 = tpu.memref_slice %arg6[%dma_wait3A_173, %dma_wait3A_174, %dma_wait3A_179] : memref<3x2x128xi32, #tpu.memory_space<vmem>> -> memref<1x1x128xi32, #tpu.memory_space<vmem>>
    %dma_wait3A_181 = tpu.memref_squeeze %dma_wait3A_180 : memref<1x1x128xi32, #tpu.memory_space<vmem>> -> memref<128xi32, #tpu.memory_space<vmem>>
    %dma_wait3A_182 = arith.constant 0 : i32
    %dma_wait3A_183 = arith.constant 0 : i32
    %dma_wait3A_184 = tpu.memref_slice %arg8[%dma_wait3A_182, %dma_wait3A_183] : memref<10112x128xf32, #tpu.memory_space<vmem_shared>> -> memref<10112x128xf32, #tpu.memory_space<vmem_shared>>
    tpu.wait_indirect_dma semaphore(%arg15 : memref<!tpu.dma_semaphore, #tpu.memory_space<semaphore_mem>>) src(%dma_wait3A_178 : memref<128x128xf32, #tpu.memory_space<vmem>>) dst(%dma_wait3A_184 : memref<10112x128xf32, #tpu.memory_space<vmem_shared>>)
    %dma_start3A_185 = arith.constant 3 : i32
    %dma_start3A_186 = arith.constant 0 : i32
    %dma_start3A_187 = arith.constant 0 : i32
    %dma_start3A_188 = arith.constant 0 : i32
    %dma_start3A_189 = tpu.memref_slice %arg6[%dma_start3A_186, %dma_start3A_187, %dma_start3A_188] : memref<3x2x128xi32, #tpu.memory_space<vmem>> -> memref<1x2x128xi32, #tpu.memory_space<vmem>>
    %dma_start3A_190 = tpu.memref_squeeze %dma_start3A_189 : memref<1x2x128xi32, #tpu.memory_space<vmem>> -> memref<2x128xi32, #tpu.memory_space<vmem>>
    %dma_start3A_191 = arith.constant 0 : i32
    %dma_start3A_192 = arith.constant 0 : i32
    %dma_start3A_193 = tpu.memref_slice %arg3[%add3A, %dma_start3A_185, %dma_start3A_191, %dma_start3A_192] : memref<32x81x2x128xi32, #tpu.memory_space<hbm>> -> memref<1x1x2x128xi32, #tpu.memory_space<hbm>>
    %dma_start3A_194 = tpu.memref_squeeze %dma_start3A_193 : memref<1x1x2x128xi32, #tpu.memory_space<hbm>> -> memref<2x128xi32, #tpu.memory_space<hbm>>
    %dma_start3A_195 = arith.constant 0 : i32
    %dma_start3A_196 = arith.constant 0 : i32
    %dma_start3A_197 = tpu.memref_slice %arg6[%dma_start3A_186, %dma_start3A_195, %dma_start3A_196] : memref<3x2x128xi32, #tpu.memory_space<vmem>> -> memref<1x2x128xi32, #tpu.memory_space<vmem>>
    %dma_start3A_198 = tpu.memref_squeeze %dma_start3A_197 : memref<1x2x128xi32, #tpu.memory_space<vmem>> -> memref<2x128xi32, #tpu.memory_space<vmem>>
    %dma_start3A_199 = arith.constant 0 : i32
    %dma_start3A_200 = arith.constant 0 : i32
    %dma_start3A_201 = tpu.memref_slice %arg3[%add3A, %dma_start3A_185, %dma_start3A_199, %dma_start3A_200] : memref<32x81x2x128xi32, #tpu.memory_space<hbm>> -> memref<1x1x2x128xi32, #tpu.memory_space<hbm>>
    %dma_start3A_202 = tpu.memref_squeeze %dma_start3A_201 : memref<1x1x2x128xi32, #tpu.memory_space<hbm>> -> memref<2x128xi32, #tpu.memory_space<hbm>>
    tpu.enqueue_dma source(%dma_start3A_202 : memref<2x128xi32, #tpu.memory_space<hbm>>) target(%dma_start3A_198 : memref<2x128xi32, #tpu.memory_space<vmem>>) target_semaphore(%arg9 : memref<!tpu.dma_semaphore, #tpu.memory_space<semaphore_mem>>)
    %dma_wait3A_203 = arith.constant 0 : i32
    %dma_wait3A_204 = arith.constant 2 : i32
    %dma_wait3A_205 = arith.constant 0 : i32
    %dma_wait3A_206 = arith.constant 0 : i32
    %dma_wait3A_207 = tpu.memref_slice %arg6[%dma_wait3A_204, %dma_wait3A_205, %dma_wait3A_206] : memref<3x2x128xi32, #tpu.memory_space<vmem>> -> memref<1x2x128xi32, #tpu.memory_space<vmem>>
    %dma_wait3A_208 = tpu.memref_squeeze %dma_wait3A_207 : memref<1x2x128xi32, #tpu.memory_space<vmem>> -> memref<2x128xi32, #tpu.memory_space<vmem>>
    %dma_wait3A_209 = arith.constant 0 : i32
    %dma_wait3A_210 = arith.constant 0 : i32
    %dma_wait3A_211 = tpu.memref_slice %arg3[%add3A, %dma_wait3A_203, %dma_wait3A_209, %dma_wait3A_210] : memref<32x81x2x128xi32, #tpu.memory_space<hbm>> -> memref<1x1x2x128xi32, #tpu.memory_space<hbm>>
    %dma_wait3A_212 = tpu.memref_squeeze %dma_wait3A_211 : memref<1x1x2x128xi32, #tpu.memory_space<hbm>> -> memref<2x128xi32, #tpu.memory_space<hbm>>
    %dma_wait3A_213 = arith.constant 0 : i32
    %dma_wait3A_214 = arith.constant 0 : i32
    %dma_wait3A_215 = tpu.memref_slice %arg6[%dma_wait3A_204, %dma_wait3A_213, %dma_wait3A_214] : memref<3x2x128xi32, #tpu.memory_space<vmem>> -> memref<1x2x128xi32, #tpu.memory_space<vmem>>
    %dma_wait3A_216 = tpu.memref_squeeze %dma_wait3A_215 : memref<1x2x128xi32, #tpu.memory_space<vmem>> -> memref<2x128xi32, #tpu.memory_space<vmem>>
    %dma_wait3A_217 = arith.constant 0 : i32
    %dma_wait3A_218 = arith.constant 0 : i32
    %dma_wait3A_219 = tpu.memref_slice %arg3[%add3A, %dma_wait3A_203, %dma_wait3A_217, %dma_wait3A_218] : memref<32x81x2x128xi32, #tpu.memory_space<hbm>> -> memref<1x1x2x128xi32, #tpu.memory_space<hbm>>
    %dma_wait3A_220 = tpu.memref_squeeze %dma_wait3A_219 : memref<1x1x2x128xi32, #tpu.memory_space<hbm>> -> memref<2x128xi32, #tpu.memory_space<hbm>>
    tpu.wait_dma2 semaphore(%arg11 : memref<!tpu.dma_semaphore, #tpu.memory_space<semaphore_mem>>) src(%dma_wait3A_220 : memref<2x128xi32, #tpu.memory_space<hbm>>) dst(%dma_wait3A_216 : memref<2x128xi32, #tpu.memory_space<vmem>>)
    %dma_start3A_221 = arith.constant 2 : i32
    %dma_start3A_222 = arith.constant 0 : i32
    %dma_start3A_223 = arith.constant 2 : i32
    %dma_start3A_224 = arith.constant 0 : i32
    %dma_start3A_225 = arith.constant 0 : i32
    %dma_start3A_226 = tpu.memref_slice %arg7[%dma_start3A_223, %dma_start3A_224, %dma_start3A_225] : memref<3x128x128xf32, #tpu.memory_space<vmem>> -> memref<1x128x128xf32, #tpu.memory_space<vmem>>
    %dma_start3A_227 = tpu.memref_squeeze %dma_start3A_226 : memref<1x128x128xf32, #tpu.memory_space<vmem>> -> memref<128x128xf32, #tpu.memory_space<vmem>>
    %dma_start3A_228 = arith.constant 0 : i32
    %dma_start3A_229 = tpu.memref_slice %arg6[%dma_start3A_221, %dma_start3A_222, %dma_start3A_228] : memref<3x2x128xi32, #tpu.memory_space<vmem>> -> memref<1x1x128xi32, #tpu.memory_space<vmem>>
    %dma_start3A_230 = tpu.memref_squeeze %dma_start3A_229 : memref<1x1x128xi32, #tpu.memory_space<vmem>> -> memref<128xi32, #tpu.memory_space<vmem>>
    %dma_start3A_231 = arith.constant 0 : i32
    %dma_start3A_232 = arith.constant 0 : i32
    %dma_start3A_233 = tpu.memref_slice %arg2[%dma_start3A_231, %dma_start3A_232] : memref<10240x128xf32, #tpu.memory_space<hbm>> -> memref<10240x128xf32, #tpu.memory_space<hbm>>
    tpu.enqueue_indirect_dma source(%dma_start3A_233 : memref<10240x128xf32, #tpu.memory_space<hbm>>) target(%dma_start3A_227 : memref<128x128xf32, #tpu.memory_space<vmem>>) offsets(%dma_start3A_230 : memref<128xi32, #tpu.memory_space<vmem>>) semaphore(%arg14 : memref<!tpu.dma_semaphore, #tpu.memory_space<semaphore_mem>>)
    %dma_wait3A_234 = arith.constant 2 : i32
    %dma_wait3A_235 = arith.constant 0 : i32
    %dma_wait3A_236 = arith.constant 2 : i32
    %dma_wait3A_237 = arith.constant 0 : i32
    %dma_wait3A_238 = arith.constant 0 : i32
    %dma_wait3A_239 = tpu.memref_slice %arg7[%dma_wait3A_236, %dma_wait3A_237, %dma_wait3A_238] : memref<3x128x128xf32, #tpu.memory_space<vmem>> -> memref<1x128x128xf32, #tpu.memory_space<vmem>>
    %dma_wait3A_240 = tpu.memref_squeeze %dma_wait3A_239 : memref<1x128x128xf32, #tpu.memory_space<vmem>> -> memref<128x128xf32, #tpu.memory_space<vmem>>
    %dma_wait3A_241 = arith.constant 0 : i32
    %dma_wait3A_242 = tpu.memref_slice %arg6[%dma_wait3A_234, %dma_wait3A_235, %dma_wait3A_241] : memref<3x2x128xi32, #tpu.memory_space<vmem>> -> memref<1x1x128xi32, #tpu.memory_space<vmem>>
    %dma_wait3A_243 = tpu.memref_squeeze %dma_wait3A_242 : memref<1x1x128xi32, #tpu.memory_space<vmem>> -> memref<128xi32, #tpu.memory_space<vmem>>
    %dma_wait3A_244 = arith.constant 0 : i32
    %dma_wait3A_245 = arith.constant 0 : i32
    %dma_wait3A_246 = tpu.memref_slice %arg2[%dma_wait3A_244, %dma_wait3A_245] : memref<10240x128xf32, #tpu.memory_space<hbm>> -> memref<10240x128xf32, #tpu.memory_space<hbm>>
    tpu.wait_indirect_dma semaphore(%arg14 : memref<!tpu.dma_semaphore, #tpu.memory_space<semaphore_mem>>) src(%dma_wait3A_246 : memref<10240x128xf32, #tpu.memory_space<hbm>>) dst(%dma_wait3A_240 : memref<128x128xf32, #tpu.memory_space<vmem>>)
    %dma_start3A_247 = arith.constant 2 : i32
    %dma_start3A_248 = arith.constant 2 : i32
    %dma_start3A_249 = arith.constant 1 : i32
    %dma_start3A_250 = arith.constant 0 : i32
    %dma_start3A_251 = arith.constant 0 : i32
    %dma_start3A_252 = tpu.memref_slice %arg7[%dma_start3A_247, %dma_start3A_250, %dma_start3A_251] : memref<3x128x128xf32, #tpu.memory_space<vmem>> -> memref<1x128x128xf32, #tpu.memory_space<vmem>>
    %dma_start3A_253 = tpu.memref_squeeze %dma_start3A_252 : memref<1x128x128xf32, #tpu.memory_space<vmem>> -> memref<128x128xf32, #tpu.memory_space<vmem>>
    %dma_start3A_254 = arith.constant 0 : i32
    %dma_start3A_255 = tpu.memref_slice %arg6[%dma_start3A_248, %dma_start3A_249, %dma_start3A_254] : memref<3x2x128xi32, #tpu.memory_space<vmem>> -> memref<1x1x128xi32, #tpu.memory_space<vmem>>
    %dma_start3A_256 = tpu.memref_squeeze %dma_start3A_255 : memref<1x1x128xi32, #tpu.memory_space<vmem>> -> memref<128xi32, #tpu.memory_space<vmem>>
    %dma_start3A_257 = arith.constant 0 : i32
    %dma_start3A_258 = arith.constant 0 : i32
    %dma_start3A_259 = tpu.memref_slice %arg8[%dma_start3A_257, %dma_start3A_258] : memref<10112x128xf32, #tpu.memory_space<vmem_shared>> -> memref<10112x128xf32, #tpu.memory_space<vmem_shared>>
    tpu.enqueue_indirect_dma source(%dma_start3A_253 : memref<128x128xf32, #tpu.memory_space<vmem>>) target(%dma_start3A_259 : memref<10112x128xf32, #tpu.memory_space<vmem_shared>>) offsets(%dma_start3A_256 : memref<128xi32, #tpu.memory_space<vmem>>) semaphore(%arg17 : memref<!tpu.dma_semaphore, #tpu.memory_space<semaphore_mem>>) {add = true}
    %dma_wait3A_260 = arith.constant 1 : i32
    %dma_wait3A_261 = arith.constant 1 : i32
    %dma_wait3A_262 = arith.constant 1 : i32
    %dma_wait3A_263 = arith.constant 0 : i32
    %dma_wait3A_264 = arith.constant 0 : i32
    %dma_wait3A_265 = tpu.memref_slice %arg7[%dma_wait3A_260, %dma_wait3A_263, %dma_wait3A_264] : memref<3x128x128xf32, #tpu.memory_space<vmem>> -> memref<1x128x128xf32, #tpu.memory_space<vmem>>
    %dma_wait3A_266 = tpu.memref_squeeze %dma_wait3A_265 : memref<1x128x128xf32, #tpu.memory_space<vmem>> -> memref<128x128xf32, #tpu.memory_space<vmem>>
    %dma_wait3A_267 = arith.constant 0 : i32
    %dma_wait3A_268 = tpu.memref_slice %arg6[%dma_wait3A_261, %dma_wait3A_262, %dma_wait3A_267] : memref<3x2x128xi32, #tpu.memory_space<vmem>> -> memref<1x1x128xi32, #tpu.memory_space<vmem>>
    %dma_wait3A_269 = tpu.memref_squeeze %dma_wait3A_268 : memref<1x1x128xi32, #tpu.memory_space<vmem>> -> memref<128xi32, #tpu.memory_space<vmem>>
    %dma_wait3A_270 = arith.constant 0 : i32
    %dma_wait3A_271 = arith.constant 0 : i32
    %dma_wait3A_272 = tpu.memref_slice %arg8[%dma_wait3A_270, %dma_wait3A_271] : memref<10112x128xf32, #tpu.memory_space<vmem_shared>> -> memref<10112x128xf32, #tpu.memory_space<vmem_shared>>
    tpu.wait_indirect_dma semaphore(%arg16 : memref<!tpu.dma_semaphore, #tpu.memory_space<semaphore_mem>>) src(%dma_wait3A_266 : memref<128x128xf32, #tpu.memory_space<vmem>>) dst(%dma_wait3A_272 : memref<10112x128xf32, #tpu.memory_space<vmem_shared>>)
    %dma_start3A_273 = arith.constant 4 : i32
    %dma_start3A_274 = arith.constant 1 : i32
    %dma_start3A_275 = arith.constant 0 : i32
    %dma_start3A_276 = arith.constant 0 : i32
    %dma_start3A_277 = tpu.memref_slice %arg6[%dma_start3A_274, %dma_start3A_275, %dma_start3A_276] : memref<3x2x128xi32, #tpu.memory_space<vmem>> -> memref<1x2x128xi32, #tpu.memory_space<vmem>>
    %dma_start3A_278 = tpu.memref_squeeze %dma_start3A_277 : memref<1x2x128xi32, #tpu.memory_space<vmem>> -> memref<2x128xi32, #tpu.memory_space<vmem>>
    %dma_start3A_279 = arith.constant 0 : i32
    %dma_start3A_280 = arith.constant 0 : i32
    %dma_start3A_281 = tpu.memref_slice %arg3[%add3A, %dma_start3A_273, %dma_start3A_279, %dma_start3A_280] : memref<32x81x2x128xi32, #tpu.memory_space<hbm>> -> memref<1x1x2x128xi32, #tpu.memory_space<hbm>>
    %dma_start3A_282 = tpu.memref_squeeze %dma_start3A_281 : memref<1x1x2x128xi32, #tpu.memory_space<hbm>> -> memref<2x128xi32, #tpu.memory_space<hbm>>
    %dma_start3A_283 = arith.constant 0 : i32
    %dma_start3A_284 = arith.constant 0 : i32
    %dma_start3A_285 = tpu.memref_slice %arg6[%dma_start3A_274, %dma_start3A_283, %dma_start3A_284] : memref<3x2x128xi32, #tpu.memory_space<vmem>> -> memref<1x2x128xi32, #tpu.memory_space<vmem>>
    %dma_start3A_286 = tpu.memref_squeeze %dma_start3A_285 : memref<1x2x128xi32, #tpu.memory_space<vmem>> -> memref<2x128xi32, #tpu.memory_space<vmem>>
    %dma_start3A_287 = arith.constant 0 : i32
    %dma_start3A_288 = arith.constant 0 : i32
    %dma_start3A_289 = tpu.memref_slice %arg3[%add3A, %dma_start3A_273, %dma_start3A_287, %dma_start3A_288] : memref<32x81x2x128xi32, #tpu.memory_space<hbm>> -> memref<1x1x2x128xi32, #tpu.memory_space<hbm>>
    %dma_start3A_290 = tpu.memref_squeeze %dma_start3A_289 : memref<1x1x2x128xi32, #tpu.memory_space<hbm>> -> memref<2x128xi32, #tpu.memory_space<hbm>>
    tpu.enqueue_dma source(%dma_start3A_290 : memref<2x128xi32, #tpu.memory_space<hbm>>) target(%dma_start3A_286 : memref<2x128xi32, #tpu.memory_space<vmem>>) target_semaphore(%arg10 : memref<!tpu.dma_semaphore, #tpu.memory_space<semaphore_mem>>)
    %dma_wait3A_291 = arith.constant 0 : i32
    %dma_wait3A_292 = arith.constant 0 : i32
    %dma_wait3A_293 = arith.constant 0 : i32
    %dma_wait3A_294 = arith.constant 0 : i32
    %dma_wait3A_295 = tpu.memref_slice %arg6[%dma_wait3A_292, %dma_wait3A_293, %dma_wait3A_294] : memref<3x2x128xi32, #tpu.memory_space<vmem>> -> memref<1x2x128xi32, #tpu.memory_space<vmem>>
    %dma_wait3A_296 = tpu.memref_squeeze %dma_wait3A_295 : memref<1x2x128xi32, #tpu.memory_space<vmem>> -> memref<2x128xi32, #tpu.memory_space<vmem>>
    %dma_wait3A_297 = arith.constant 0 : i32
    %dma_wait3A_298 = arith.constant 0 : i32
    %dma_wait3A_299 = tpu.memref_slice %arg3[%add3A, %dma_wait3A_291, %dma_wait3A_297, %dma_wait3A_298] : memref<32x81x2x128xi32, #tpu.memory_space<hbm>> -> memref<1x1x2x128xi32, #tpu.memory_space<hbm>>
    %dma_wait3A_300 = tpu.memref_squeeze %dma_wait3A_299 : memref<1x1x2x128xi32, #tpu.memory_space<hbm>> -> memref<2x128xi32, #tpu.memory_space<hbm>>
    %dma_wait3A_301 = arith.constant 0 : i32
    %dma_wait3A_302 = arith.constant 0 : i32
    %dma_wait3A_303 = tpu.memref_slice %arg6[%dma_wait3A_292, %dma_wait3A_301, %dma_wait3A_302] : memref<3x2x128xi32, #tpu.memory_space<vmem>> -> memref<1x2x128xi32, #tpu.memory_space<vmem>>
    %dma_wait3A_304 = tpu.memref_squeeze %dma_wait3A_303 : memref<1x2x128xi32, #tpu.memory_space<vmem>> -> memref<2x128xi32, #tpu.memory_space<vmem>>
    %dma_wait3A_305 = arith.constant 0 : i32
    %dma_wait3A_306 = arith.constant 0 : i32
    %dma_wait3A_307 = tpu.memref_slice %arg3[%add3A, %dma_wait3A_291, %dma_wait3A_305, %dma_wait3A_306] : memref<32x81x2x128xi32, #tpu.memory_space<hbm>> -> memref<1x1x2x128xi32, #tpu.memory_space<hbm>>
    %dma_wait3A_308 = tpu.memref_squeeze %dma_wait3A_307 : memref<1x1x2x128xi32, #tpu.memory_space<hbm>> -> memref<2x128xi32, #tpu.memory_space<hbm>>
    tpu.wait_dma2 semaphore(%arg9 : memref<!tpu.dma_semaphore, #tpu.memory_space<semaphore_mem>>) src(%dma_wait3A_308 : memref<2x128xi32, #tpu.memory_space<hbm>>) dst(%dma_wait3A_304 : memref<2x128xi32, #tpu.memory_space<vmem>>)
    %dma_start3A_309 = arith.constant 0 : i32
    %dma_start3A_310 = arith.constant 0 : i32
    %dma_start3A_311 = arith.constant 0 : i32
    %dma_start3A_312 = arith.constant 0 : i32
    %dma_start3A_313 = arith.constant 0 : i32
    %dma_start3A_314 = tpu.memref_slice %arg7[%dma_start3A_311, %dma_start3A_312, %dma_start3A_313] : memref<3x128x128xf32, #tpu.memory_space<vmem>> -> memref<1x128x128xf32, #tpu.memory_space<vmem>>
    %dma_start3A_315 = tpu.memref_squeeze %dma_start3A_314 : memref<1x128x128xf32, #tpu.memory_space<vmem>> -> memref<128x128xf32, #tpu.memory_space<vmem>>
    %dma_start3A_316 = arith.constant 0 : i32
    %dma_start3A_317 = tpu.memref_slice %arg6[%dma_start3A_309, %dma_start3A_310, %dma_start3A_316] : memref<3x2x128xi32, #tpu.memory_space<vmem>> -> memref<1x1x128xi32, #tpu.memory_space<vmem>>
    %dma_start3A_318 = tpu.memref_squeeze %dma_start3A_317 : memref<1x1x128xi32, #tpu.memory_space<vmem>> -> memref<128xi32, #tpu.memory_space<vmem>>
    %dma_start3A_319 = arith.constant 0 : i32
    %dma_start3A_320 = arith.constant 0 : i32
    %dma_start3A_321 = tpu.memref_slice %arg2[%dma_start3A_319, %dma_start3A_320] : memref<10240x128xf32, #tpu.memory_space<hbm>> -> memref<10240x128xf32, #tpu.memory_space<hbm>>
    tpu.enqueue_indirect_dma source(%dma_start3A_321 : memref<10240x128xf32, #tpu.memory_space<hbm>>) target(%dma_start3A_315 : memref<128x128xf32, #tpu.memory_space<vmem>>) offsets(%dma_start3A_318 : memref<128xi32, #tpu.memory_space<vmem>>) semaphore(%arg12 : memref<!tpu.dma_semaphore, #tpu.memory_space<semaphore_mem>>)
    %jit3A = arith.constant 3 : i32
    %div3A = arith.divsi %select_n3A_3, %jit3A : i32
    %sign3A = arith.constant 0 : i32
    %sign3A_322 = arith.cmpi sgt, %select_n3A_3, %sign3A : i32
    %sign3A_323 = arith.extui %sign3A_322 : i1 to i32
    %sign3A_324 = arith.constant 0 : i32
    %sign3A_325 = arith.cmpi slt, %select_n3A_3, %sign3A_324 : i32
    %sign3A_326 = arith.extui %sign3A_325 : i1 to i32
    %sign3A_327 = arith.subi %sign3A_323, %sign3A_326 : i32
    %sign3A_328 = arith.constant 0 : i32
    %sign3A_329 = arith.cmpi sgt, %jit3A, %sign3A_328 : i32
    %sign3A_330 = arith.extui %sign3A_329 : i1 to i32
    %sign3A_331 = arith.constant 0 : i32
    %sign3A_332 = arith.cmpi slt, %jit3A, %sign3A_331 : i32
    %sign3A_333 = arith.extui %sign3A_332 : i1 to i32
    %sign3A_334 = arith.subi %sign3A_330, %sign3A_333 : i32
    %ne3A = arith.cmpi ne, %sign3A_327, %sign3A_334 : i32
    %rem3A = arith.remsi %select_n3A_3, %jit3A : i32
    %ne3A_335 = arith.constant 0 : i32
    %ne3A_336 = arith.cmpi ne, %rem3A, %ne3A_335 : i32
    %and3A = arith.andi %ne3A, %ne3A_336 : i1
    %sub3A = arith.constant 1 : i32
    %sub3A_337 = arith.subi %div3A, %sub3A : i32
    %select_n3A_338 = arith.select %and3A, %sub3A_337, %div3A : i32
    %sub3A_339 = arith.constant 1 : i32
    %sub3A_340 = arith.subi %select_n3A_338, %sub3A_339 : i32
    %while3A = arith.constant 0 : i32
    %while3A_341 = arith.constant 1 : i32
    %while3A_342 = arith.subi %sub3A_340, %while3A_341 : i32
    %while3A_343 = arith.addi %while3A_341, %while3A_342 : i32
    %while3A_344 = arith.constant 1 : i32
    %while3A_345 = arith.divsi %while3A_342, %while3A_344 : i32
    %while3A_346 = arith.muli %while3A_345, %while3A_344 : i32
    %while3A_347 = arith.addi %while3A_341, %while3A_346 : i32
    %while3A_348 = arith.constant 1 : i32
    scf.for %while3A_572 = %while3A_341 to %while3A_347 step %while3A_348  : i32 {
      %mul3A_573 = arith.constant 3 : i32
      %mul3A_574 = arith.muli %while3A_572, %mul3A_573 : i32
      %dma_wait3A_575 = arith.constant 0 : i32
      %dma_wait3A_576 = arith.constant 0 : i32
      %dma_wait3A_577 = arith.constant 0 : i32
      %dma_wait3A_578 = arith.constant 0 : i32
      %dma_wait3A_579 = arith.constant 0 : i32
      %dma_wait3A_580 = tpu.memref_slice %arg7[%dma_wait3A_577, %dma_wait3A_578, %dma_wait3A_579] : memref<3x128x128xf32, #tpu.memory_space<vmem>> -> memref<1x128x128xf32, #tpu.memory_space<vmem>>
      %dma_wait3A_581 = tpu.memref_squeeze %dma_wait3A_580 : memref<1x128x128xf32, #tpu.memory_space<vmem>> -> memref<128x128xf32, #tpu.memory_space<vmem>>
      %dma_wait3A_582 = arith.constant 0 : i32
      %dma_wait3A_583 = tpu.memref_slice %arg6[%dma_wait3A_575, %dma_wait3A_576, %dma_wait3A_582] : memref<3x2x128xi32, #tpu.memory_space<vmem>> -> memref<1x1x128xi32, #tpu.memory_space<vmem>>
      %dma_wait3A_584 = tpu.memref_squeeze %dma_wait3A_583 : memref<1x1x128xi32, #tpu.memory_space<vmem>> -> memref<128xi32, #tpu.memory_space<vmem>>
      %dma_wait3A_585 = arith.constant 0 : i32
      %dma_wait3A_586 = arith.constant 0 : i32
      %dma_wait3A_587 = tpu.memref_slice %arg2[%dma_wait3A_585, %dma_wait3A_586] : memref<10240x128xf32, #tpu.memory_space<hbm>> -> memref<10240x128xf32, #tpu.memory_space<hbm>>
      tpu.wait_indirect_dma semaphore(%arg12 : memref<!tpu.dma_semaphore, #tpu.memory_space<semaphore_mem>>) src(%dma_wait3A_587 : memref<10240x128xf32, #tpu.memory_space<hbm>>) dst(%dma_wait3A_581 : memref<128x128xf32, #tpu.memory_space<vmem>>)
      %dma_start3A_588 = arith.constant 0 : i32
      %dma_start3A_589 = arith.constant 0 : i32
      %dma_start3A_590 = arith.constant 1 : i32
      %dma_start3A_591 = arith.constant 0 : i32
      %dma_start3A_592 = arith.constant 0 : i32
      %dma_start3A_593 = tpu.memref_slice %arg7[%dma_start3A_588, %dma_start3A_591, %dma_start3A_592] : memref<3x128x128xf32, #tpu.memory_space<vmem>> -> memref<1x128x128xf32, #tpu.memory_space<vmem>>
      %dma_start3A_594 = tpu.memref_squeeze %dma_start3A_593 : memref<1x128x128xf32, #tpu.memory_space<vmem>> -> memref<128x128xf32, #tpu.memory_space<vmem>>
      %dma_start3A_595 = arith.constant 0 : i32
      %dma_start3A_596 = tpu.memref_slice %arg6[%dma_start3A_589, %dma_start3A_590, %dma_start3A_595] : memref<3x2x128xi32, #tpu.memory_space<vmem>> -> memref<1x1x128xi32, #tpu.memory_space<vmem>>
      %dma_start3A_597 = tpu.memref_squeeze %dma_start3A_596 : memref<1x1x128xi32, #tpu.memory_space<vmem>> -> memref<128xi32, #tpu.memory_space<vmem>>
      %dma_start3A_598 = arith.constant 0 : i32
      %dma_start3A_599 = arith.constant 0 : i32
      %dma_start3A_600 = tpu.memref_slice %arg8[%dma_start3A_598, %dma_start3A_599] : memref<10112x128xf32, #tpu.memory_space<vmem_shared>> -> memref<10112x128xf32, #tpu.memory_space<vmem_shared>>
      tpu.enqueue_indirect_dma source(%dma_start3A_594 : memref<128x128xf32, #tpu.memory_space<vmem>>) target(%dma_start3A_600 : memref<10112x128xf32, #tpu.memory_space<vmem_shared>>) offsets(%dma_start3A_597 : memref<128xi32, #tpu.memory_space<vmem>>) semaphore(%arg15 : memref<!tpu.dma_semaphore, #tpu.memory_space<semaphore_mem>>) {add = true}
      %dma_wait3A_601 = arith.constant 2 : i32
      %dma_wait3A_602 = arith.constant 2 : i32
      %dma_wait3A_603 = arith.constant 1 : i32
      %dma_wait3A_604 = arith.constant 0 : i32
      %dma_wait3A_605 = arith.constant 0 : i32
      %dma_wait3A_606 = tpu.memref_slice %arg7[%dma_wait3A_601, %dma_wait3A_604, %dma_wait3A_605] : memref<3x128x128xf32, #tpu.memory_space<vmem>> -> memref<1x128x128xf32, #tpu.memory_space<vmem>>
      %dma_wait3A_607 = tpu.memref_squeeze %dma_wait3A_606 : memref<1x128x128xf32, #tpu.memory_space<vmem>> -> memref<128x128xf32, #tpu.memory_space<vmem>>
      %dma_wait3A_608 = arith.constant 0 : i32
      %dma_wait3A_609 = tpu.memref_slice %arg6[%dma_wait3A_602, %dma_wait3A_603, %dma_wait3A_608] : memref<3x2x128xi32, #tpu.memory_space<vmem>> -> memref<1x1x128xi32, #tpu.memory_space<vmem>>
      %dma_wait3A_610 = tpu.memref_squeeze %dma_wait3A_609 : memref<1x1x128xi32, #tpu.memory_space<vmem>> -> memref<128xi32, #tpu.memory_space<vmem>>
      %dma_wait3A_611 = arith.constant 0 : i32
      %dma_wait3A_612 = arith.constant 0 : i32
      %dma_wait3A_613 = tpu.memref_slice %arg8[%dma_wait3A_611, %dma_wait3A_612] : memref<10112x128xf32, #tpu.memory_space<vmem_shared>> -> memref<10112x128xf32, #tpu.memory_space<vmem_shared>>
      tpu.wait_indirect_dma semaphore(%arg17 : memref<!tpu.dma_semaphore, #tpu.memory_space<semaphore_mem>>) src(%dma_wait3A_607 : memref<128x128xf32, #tpu.memory_space<vmem>>) dst(%dma_wait3A_613 : memref<10112x128xf32, #tpu.memory_space<vmem_shared>>)
      %add3A_614 = arith.constant 2 : i32
      %add3A_615 = arith.addi %mul3A_574, %add3A_614 : i32
      %dma_start3A_616 = arith.constant 2 : i32
      %dma_start3A_617 = arith.constant 0 : i32
      %dma_start3A_618 = arith.constant 0 : i32
      %dma_start3A_619 = tpu.memref_slice %arg6[%dma_start3A_616, %dma_start3A_617, %dma_start3A_618] : memref<3x2x128xi32, #tpu.memory_space<vmem>> -> memref<1x2x128xi32, #tpu.memory_space<vmem>>
      %dma_start3A_620 = tpu.memref_squeeze %dma_start3A_619 : memref<1x2x128xi32, #tpu.memory_space<vmem>> -> memref<2x128xi32, #tpu.memory_space<vmem>>
      %dma_start3A_621 = arith.constant 0 : i32
      %dma_start3A_622 = arith.constant 0 : i32
      %dma_start3A_623 = tpu.memref_slice %arg3[%add3A, %add3A_615, %dma_start3A_621, %dma_start3A_622] : memref<32x81x2x128xi32, #tpu.memory_space<hbm>> -> memref<1x1x2x128xi32, #tpu.memory_space<hbm>>
      %dma_start3A_624 = tpu.memref_squeeze %dma_start3A_623 : memref<1x1x2x128xi32, #tpu.memory_space<hbm>> -> memref<2x128xi32, #tpu.memory_space<hbm>>
      %dma_start3A_625 = arith.constant 0 : i32
      %dma_start3A_626 = arith.constant 0 : i32
      %dma_start3A_627 = tpu.memref_slice %arg6[%dma_start3A_616, %dma_start3A_625, %dma_start3A_626] : memref<3x2x128xi32, #tpu.memory_space<vmem>> -> memref<1x2x128xi32, #tpu.memory_space<vmem>>
      %dma_start3A_628 = tpu.memref_squeeze %dma_start3A_627 : memref<1x2x128xi32, #tpu.memory_space<vmem>> -> memref<2x128xi32, #tpu.memory_space<vmem>>
      %dma_start3A_629 = arith.constant 0 : i32
      %dma_start3A_630 = arith.constant 0 : i32
      %dma_start3A_631 = tpu.memref_slice %arg3[%add3A, %add3A_615, %dma_start3A_629, %dma_start3A_630] : memref<32x81x2x128xi32, #tpu.memory_space<hbm>> -> memref<1x1x2x128xi32, #tpu.memory_space<hbm>>
      %dma_start3A_632 = tpu.memref_squeeze %dma_start3A_631 : memref<1x1x2x128xi32, #tpu.memory_space<hbm>> -> memref<2x128xi32, #tpu.memory_space<hbm>>
      tpu.enqueue_dma source(%dma_start3A_632 : memref<2x128xi32, #tpu.memory_space<hbm>>) target(%dma_start3A_628 : memref<2x128xi32, #tpu.memory_space<vmem>>) target_semaphore(%arg11 : memref<!tpu.dma_semaphore, #tpu.memory_space<semaphore_mem>>)
      %dma_wait3A_633 = arith.constant 0 : i32
      %dma_wait3A_634 = arith.constant 1 : i32
      %dma_wait3A_635 = arith.constant 0 : i32
      %dma_wait3A_636 = arith.constant 0 : i32
      %dma_wait3A_637 = tpu.memref_slice %arg6[%dma_wait3A_634, %dma_wait3A_635, %dma_wait3A_636] : memref<3x2x128xi32, #tpu.memory_space<vmem>> -> memref<1x2x128xi32, #tpu.memory_space<vmem>>
      %dma_wait3A_638 = tpu.memref_squeeze %dma_wait3A_637 : memref<1x2x128xi32, #tpu.memory_space<vmem>> -> memref<2x128xi32, #tpu.memory_space<vmem>>
      %dma_wait3A_639 = arith.constant 0 : i32
      %dma_wait3A_640 = arith.constant 0 : i32
      %dma_wait3A_641 = tpu.memref_slice %arg3[%add3A, %dma_wait3A_633, %dma_wait3A_639, %dma_wait3A_640] : memref<32x81x2x128xi32, #tpu.memory_space<hbm>> -> memref<1x1x2x128xi32, #tpu.memory_space<hbm>>
      %dma_wait3A_642 = tpu.memref_squeeze %dma_wait3A_641 : memref<1x1x2x128xi32, #tpu.memory_space<hbm>> -> memref<2x128xi32, #tpu.memory_space<hbm>>
      %dma_wait3A_643 = arith.constant 0 : i32
      %dma_wait3A_644 = arith.constant 0 : i32
      %dma_wait3A_645 = tpu.memref_slice %arg6[%dma_wait3A_634, %dma_wait3A_643, %dma_wait3A_644] : memref<3x2x128xi32, #tpu.memory_space<vmem>> -> memref<1x2x128xi32, #tpu.memory_space<vmem>>
      %dma_wait3A_646 = tpu.memref_squeeze %dma_wait3A_645 : memref<1x2x128xi32, #tpu.memory_space<vmem>> -> memref<2x128xi32, #tpu.memory_space<vmem>>
      %dma_wait3A_647 = arith.constant 0 : i32
      %dma_wait3A_648 = arith.constant 0 : i32
      %dma_wait3A_649 = tpu.memref_slice %arg3[%add3A, %dma_wait3A_633, %dma_wait3A_647, %dma_wait3A_648] : memref<32x81x2x128xi32, #tpu.memory_space<hbm>> -> memref<1x1x2x128xi32, #tpu.memory_space<hbm>>
      %dma_wait3A_650 = tpu.memref_squeeze %dma_wait3A_649 : memref<1x1x2x128xi32, #tpu.memory_space<hbm>> -> memref<2x128xi32, #tpu.memory_space<hbm>>
      tpu.wait_dma2 semaphore(%arg10 : memref<!tpu.dma_semaphore, #tpu.memory_space<semaphore_mem>>) src(%dma_wait3A_650 : memref<2x128xi32, #tpu.memory_space<hbm>>) dst(%dma_wait3A_646 : memref<2x128xi32, #tpu.memory_space<vmem>>)
      %dma_start3A_651 = arith.constant 1 : i32
      %dma_start3A_652 = arith.constant 0 : i32
      %dma_start3A_653 = arith.constant 1 : i32
      %dma_start3A_654 = arith.constant 0 : i32
      %dma_start3A_655 = arith.constant 0 : i32
      %dma_start3A_656 = tpu.memref_slice %arg7[%dma_start3A_653, %dma_start3A_654, %dma_start3A_655] : memref<3x128x128xf32, #tpu.memory_space<vmem>> -> memref<1x128x128xf32, #tpu.memory_space<vmem>>
      %dma_start3A_657 = tpu.memref_squeeze %dma_start3A_656 : memref<1x128x128xf32, #tpu.memory_space<vmem>> -> memref<128x128xf32, #tpu.memory_space<vmem>>
      %dma_start3A_658 = arith.constant 0 : i32
      %dma_start3A_659 = tpu.memref_slice %arg6[%dma_start3A_651, %dma_start3A_652, %dma_start3A_658] : memref<3x2x128xi32, #tpu.memory_space<vmem>> -> memref<1x1x128xi32, #tpu.memory_space<vmem>>
      %dma_start3A_660 = tpu.memref_squeeze %dma_start3A_659 : memref<1x1x128xi32, #tpu.memory_space<vmem>> -> memref<128xi32, #tpu.memory_space<vmem>>
      %dma_start3A_661 = arith.constant 0 : i32
      %dma_start3A_662 = arith.constant 0 : i32
      %dma_start3A_663 = tpu.memref_slice %arg2[%dma_start3A_661, %dma_start3A_662] : memref<10240x128xf32, #tpu.memory_space<hbm>> -> memref<10240x128xf32, #tpu.memory_space<hbm>>
      tpu.enqueue_indirect_dma source(%dma_start3A_663 : memref<10240x128xf32, #tpu.memory_space<hbm>>) target(%dma_start3A_657 : memref<128x128xf32, #tpu.memory_space<vmem>>) offsets(%dma_start3A_660 : memref<128xi32, #tpu.memory_space<vmem>>) semaphore(%arg13 : memref<!tpu.dma_semaphore, #tpu.memory_space<semaphore_mem>>)
      %add3A_664 = arith.constant 1 : i32
      %add3A_665 = arith.addi %mul3A_574, %add3A_664 : i32
      %dma_wait3A_666 = arith.constant 1 : i32
      %dma_wait3A_667 = arith.constant 0 : i32
      %dma_wait3A_668 = arith.constant 1 : i32
      %dma_wait3A_669 = arith.constant 0 : i32
      %dma_wait3A_670 = arith.constant 0 : i32
      %dma_wait3A_671 = tpu.memref_slice %arg7[%dma_wait3A_668, %dma_wait3A_669, %dma_wait3A_670] : memref<3x128x128xf32, #tpu.memory_space<vmem>> -> memref<1x128x128xf32, #tpu.memory_space<vmem>>
      %dma_wait3A_672 = tpu.memref_squeeze %dma_wait3A_671 : memref<1x128x128xf32, #tpu.memory_space<vmem>> -> memref<128x128xf32, #tpu.memory_space<vmem>>
      %dma_wait3A_673 = arith.constant 0 : i32
      %dma_wait3A_674 = tpu.memref_slice %arg6[%dma_wait3A_666, %dma_wait3A_667, %dma_wait3A_673] : memref<3x2x128xi32, #tpu.memory_space<vmem>> -> memref<1x1x128xi32, #tpu.memory_space<vmem>>
      %dma_wait3A_675 = tpu.memref_squeeze %dma_wait3A_674 : memref<1x1x128xi32, #tpu.memory_space<vmem>> -> memref<128xi32, #tpu.memory_space<vmem>>
      %dma_wait3A_676 = arith.constant 0 : i32
      %dma_wait3A_677 = arith.constant 0 : i32
      %dma_wait3A_678 = tpu.memref_slice %arg2[%dma_wait3A_676, %dma_wait3A_677] : memref<10240x128xf32, #tpu.memory_space<hbm>> -> memref<10240x128xf32, #tpu.memory_space<hbm>>
      tpu.wait_indirect_dma semaphore(%arg13 : memref<!tpu.dma_semaphore, #tpu.memory_space<semaphore_mem>>) src(%dma_wait3A_678 : memref<10240x128xf32, #tpu.memory_space<hbm>>) dst(%dma_wait3A_672 : memref<128x128xf32, #tpu.memory_space<vmem>>)
      %dma_start3A_679 = arith.constant 1 : i32
      %dma_start3A_680 = arith.constant 1 : i32
      %dma_start3A_681 = arith.constant 1 : i32
      %dma_start3A_682 = arith.constant 0 : i32
      %dma_start3A_683 = arith.constant 0 : i32
      %dma_start3A_684 = tpu.memref_slice %arg7[%dma_start3A_679, %dma_start3A_682, %dma_start3A_683] : memref<3x128x128xf32, #tpu.memory_space<vmem>> -> memref<1x128x128xf32, #tpu.memory_space<vmem>>
      %dma_start3A_685 = tpu.memref_squeeze %dma_start3A_684 : memref<1x128x128xf32, #tpu.memory_space<vmem>> -> memref<128x128xf32, #tpu.memory_space<vmem>>
      %dma_start3A_686 = arith.constant 0 : i32
      %dma_start3A_687 = tpu.memref_slice %arg6[%dma_start3A_680, %dma_start3A_681, %dma_start3A_686] : memref<3x2x128xi32, #tpu.memory_space<vmem>> -> memref<1x1x128xi32, #tpu.memory_space<vmem>>
      %dma_start3A_688 = tpu.memref_squeeze %dma_start3A_687 : memref<1x1x128xi32, #tpu.memory_space<vmem>> -> memref<128xi32, #tpu.memory_space<vmem>>
      %dma_start3A_689 = arith.constant 0 : i32
      %dma_start3A_690 = arith.constant 0 : i32
      %dma_start3A_691 = tpu.memref_slice %arg8[%dma_start3A_689, %dma_start3A_690] : memref<10112x128xf32, #tpu.memory_space<vmem_shared>> -> memref<10112x128xf32, #tpu.memory_space<vmem_shared>>
      tpu.enqueue_indirect_dma source(%dma_start3A_685 : memref<128x128xf32, #tpu.memory_space<vmem>>) target(%dma_start3A_691 : memref<10112x128xf32, #tpu.memory_space<vmem_shared>>) offsets(%dma_start3A_688 : memref<128xi32, #tpu.memory_space<vmem>>) semaphore(%arg16 : memref<!tpu.dma_semaphore, #tpu.memory_space<semaphore_mem>>) {add = true}
      %dma_wait3A_692 = arith.constant 0 : i32
      %dma_wait3A_693 = arith.constant 0 : i32
      %dma_wait3A_694 = arith.constant 1 : i32
      %dma_wait3A_695 = arith.constant 0 : i32
      %dma_wait3A_696 = arith.constant 0 : i32
      %dma_wait3A_697 = tpu.memref_slice %arg7[%dma_wait3A_692, %dma_wait3A_695, %dma_wait3A_696] : memref<3x128x128xf32, #tpu.memory_space<vmem>> -> memref<1x128x128xf32, #tpu.memory_space<vmem>>
      %dma_wait3A_698 = tpu.memref_squeeze %dma_wait3A_697 : memref<1x128x128xf32, #tpu.memory_space<vmem>> -> memref<128x128xf32, #tpu.memory_space<vmem>>
      %dma_wait3A_699 = arith.constant 0 : i32
      %dma_wait3A_700 = tpu.memref_slice %arg6[%dma_wait3A_693, %dma_wait3A_694, %dma_wait3A_699] : memref<3x2x128xi32, #tpu.memory_space<vmem>> -> memref<1x1x128xi32, #tpu.memory_space<vmem>>
      %dma_wait3A_701 = tpu.memref_squeeze %dma_wait3A_700 : memref<1x1x128xi32, #tpu.memory_space<vmem>> -> memref<128xi32, #tpu.memory_space<vmem>>
      %dma_wait3A_702 = arith.constant 0 : i32
      %dma_wait3A_703 = arith.constant 0 : i32
      %dma_wait3A_704 = tpu.memref_slice %arg8[%dma_wait3A_702, %dma_wait3A_703] : memref<10112x128xf32, #tpu.memory_space<vmem_shared>> -> memref<10112x128xf32, #tpu.memory_space<vmem_shared>>
      tpu.wait_indirect_dma semaphore(%arg15 : memref<!tpu.dma_semaphore, #tpu.memory_space<semaphore_mem>>) src(%dma_wait3A_698 : memref<128x128xf32, #tpu.memory_space<vmem>>) dst(%dma_wait3A_704 : memref<10112x128xf32, #tpu.memory_space<vmem_shared>>)
      %add3A_705 = arith.constant 2 : i32
      %add3A_706 = arith.addi %add3A_665, %add3A_705 : i32
      %dma_start3A_707 = arith.constant 0 : i32
      %dma_start3A_708 = arith.constant 0 : i32
      %dma_start3A_709 = arith.constant 0 : i32
      %dma_start3A_710 = tpu.memref_slice %arg6[%dma_start3A_707, %dma_start3A_708, %dma_start3A_709] : memref<3x2x128xi32, #tpu.memory_space<vmem>> -> memref<1x2x128xi32, #tpu.memory_space<vmem>>
      %dma_start3A_711 = tpu.memref_squeeze %dma_start3A_710 : memref<1x2x128xi32, #tpu.memory_space<vmem>> -> memref<2x128xi32, #tpu.memory_space<vmem>>
      %dma_start3A_712 = arith.constant 0 : i32
      %dma_start3A_713 = arith.constant 0 : i32
      %dma_start3A_714 = tpu.memref_slice %arg3[%add3A, %add3A_706, %dma_start3A_712, %dma_start3A_713] : memref<32x81x2x128xi32, #tpu.memory_space<hbm>> -> memref<1x1x2x128xi32, #tpu.memory_space<hbm>>
      %dma_start3A_715 = tpu.memref_squeeze %dma_start3A_714 : memref<1x1x2x128xi32, #tpu.memory_space<hbm>> -> memref<2x128xi32, #tpu.memory_space<hbm>>
      %dma_start3A_716 = arith.constant 0 : i32
      %dma_start3A_717 = arith.constant 0 : i32
      %dma_start3A_718 = tpu.memref_slice %arg6[%dma_start3A_707, %dma_start3A_716, %dma_start3A_717] : memref<3x2x128xi32, #tpu.memory_space<vmem>> -> memref<1x2x128xi32, #tpu.memory_space<vmem>>
      %dma_start3A_719 = tpu.memref_squeeze %dma_start3A_718 : memref<1x2x128xi32, #tpu.memory_space<vmem>> -> memref<2x128xi32, #tpu.memory_space<vmem>>
      %dma_start3A_720 = arith.constant 0 : i32
      %dma_start3A_721 = arith.constant 0 : i32
      %dma_start3A_722 = tpu.memref_slice %arg3[%add3A, %add3A_706, %dma_start3A_720, %dma_start3A_721] : memref<32x81x2x128xi32, #tpu.memory_space<hbm>> -> memref<1x1x2x128xi32, #tpu.memory_space<hbm>>
      %dma_start3A_723 = tpu.memref_squeeze %dma_start3A_722 : memref<1x1x2x128xi32, #tpu.memory_space<hbm>> -> memref<2x128xi32, #tpu.memory_space<hbm>>
      tpu.enqueue_dma source(%dma_start3A_723 : memref<2x128xi32, #tpu.memory_space<hbm>>) target(%dma_start3A_719 : memref<2x128xi32, #tpu.memory_space<vmem>>) target_semaphore(%arg9 : memref<!tpu.dma_semaphore, #tpu.memory_space<semaphore_mem>>)
      %dma_wait3A_724 = arith.constant 0 : i32
      %dma_wait3A_725 = arith.constant 2 : i32
      %dma_wait3A_726 = arith.constant 0 : i32
      %dma_wait3A_727 = arith.constant 0 : i32
      %dma_wait3A_728 = tpu.memref_slice %arg6[%dma_wait3A_725, %dma_wait3A_726, %dma_wait3A_727] : memref<3x2x128xi32, #tpu.memory_space<vmem>> -> memref<1x2x128xi32, #tpu.memory_space<vmem>>
      %dma_wait3A_729 = tpu.memref_squeeze %dma_wait3A_728 : memref<1x2x128xi32, #tpu.memory_space<vmem>> -> memref<2x128xi32, #tpu.memory_space<vmem>>
      %dma_wait3A_730 = arith.constant 0 : i32
      %dma_wait3A_731 = arith.constant 0 : i32
      %dma_wait3A_732 = tpu.memref_slice %arg3[%add3A, %dma_wait3A_724, %dma_wait3A_730, %dma_wait3A_731] : memref<32x81x2x128xi32, #tpu.memory_space<hbm>> -> memref<1x1x2x128xi32, #tpu.memory_space<hbm>>
      %dma_wait3A_733 = tpu.memref_squeeze %dma_wait3A_732 : memref<1x1x2x128xi32, #tpu.memory_space<hbm>> -> memref<2x128xi32, #tpu.memory_space<hbm>>
      %dma_wait3A_734 = arith.constant 0 : i32
      %dma_wait3A_735 = arith.constant 0 : i32
      %dma_wait3A_736 = tpu.memref_slice %arg6[%dma_wait3A_725, %dma_wait3A_734, %dma_wait3A_735] : memref<3x2x128xi32, #tpu.memory_space<vmem>> -> memref<1x2x128xi32, #tpu.memory_space<vmem>>
      %dma_wait3A_737 = tpu.memref_squeeze %dma_wait3A_736 : memref<1x2x128xi32, #tpu.memory_space<vmem>> -> memref<2x128xi32, #tpu.memory_space<vmem>>
      %dma_wait3A_738 = arith.constant 0 : i32
      %dma_wait3A_739 = arith.constant 0 : i32
      %dma_wait3A_740 = tpu.memref_slice %arg3[%add3A, %dma_wait3A_724, %dma_wait3A_738, %dma_wait3A_739] : memref<32x81x2x128xi32, #tpu.memory_space<hbm>> -> memref<1x1x2x128xi32, #tpu.memory_space<hbm>>
      %dma_wait3A_741 = tpu.memref_squeeze %dma_wait3A_740 : memref<1x1x2x128xi32, #tpu.memory_space<hbm>> -> memref<2x128xi32, #tpu.memory_space<hbm>>
      tpu.wait_dma2 semaphore(%arg11 : memref<!tpu.dma_semaphore, #tpu.memory_space<semaphore_mem>>) src(%dma_wait3A_741 : memref<2x128xi32, #tpu.memory_space<hbm>>) dst(%dma_wait3A_737 : memref<2x128xi32, #tpu.memory_space<vmem>>)
      %dma_start3A_742 = arith.constant 2 : i32
      %dma_start3A_743 = arith.constant 0 : i32
      %dma_start3A_744 = arith.constant 2 : i32
      %dma_start3A_745 = arith.constant 0 : i32
      %dma_start3A_746 = arith.constant 0 : i32
      %dma_start3A_747 = tpu.memref_slice %arg7[%dma_start3A_744, %dma_start3A_745, %dma_start3A_746] : memref<3x128x128xf32, #tpu.memory_space<vmem>> -> memref<1x128x128xf32, #tpu.memory_space<vmem>>
      %dma_start3A_748 = tpu.memref_squeeze %dma_start3A_747 : memref<1x128x128xf32, #tpu.memory_space<vmem>> -> memref<128x128xf32, #tpu.memory_space<vmem>>
      %dma_start3A_749 = arith.constant 0 : i32
      %dma_start3A_750 = tpu.memref_slice %arg6[%dma_start3A_742, %dma_start3A_743, %dma_start3A_749] : memref<3x2x128xi32, #tpu.memory_space<vmem>> -> memref<1x1x128xi32, #tpu.memory_space<vmem>>
      %dma_start3A_751 = tpu.memref_squeeze %dma_start3A_750 : memref<1x1x128xi32, #tpu.memory_space<vmem>> -> memref<128xi32, #tpu.memory_space<vmem>>
      %dma_start3A_752 = arith.constant 0 : i32
      %dma_start3A_753 = arith.constant 0 : i32
      %dma_start3A_754 = tpu.memref_slice %arg2[%dma_start3A_752, %dma_start3A_753] : memref<10240x128xf32, #tpu.memory_space<hbm>> -> memref<10240x128xf32, #tpu.memory_space<hbm>>
      tpu.enqueue_indirect_dma source(%dma_start3A_754 : memref<10240x128xf32, #tpu.memory_space<hbm>>) target(%dma_start3A_748 : memref<128x128xf32, #tpu.memory_space<vmem>>) offsets(%dma_start3A_751 : memref<128xi32, #tpu.memory_space<vmem>>) semaphore(%arg14 : memref<!tpu.dma_semaphore, #tpu.memory_space<semaphore_mem>>)
      %add3A_755 = arith.constant 2 : i32
      %add3A_756 = arith.addi %mul3A_574, %add3A_755 : i32
      %dma_wait3A_757 = arith.constant 2 : i32
      %dma_wait3A_758 = arith.constant 0 : i32
      %dma_wait3A_759 = arith.constant 2 : i32
      %dma_wait3A_760 = arith.constant 0 : i32
      %dma_wait3A_761 = arith.constant 0 : i32
      %dma_wait3A_762 = tpu.memref_slice %arg7[%dma_wait3A_759, %dma_wait3A_760, %dma_wait3A_761] : memref<3x128x128xf32, #tpu.memory_space<vmem>> -> memref<1x128x128xf32, #tpu.memory_space<vmem>>
      %dma_wait3A_763 = tpu.memref_squeeze %dma_wait3A_762 : memref<1x128x128xf32, #tpu.memory_space<vmem>> -> memref<128x128xf32, #tpu.memory_space<vmem>>
      %dma_wait3A_764 = arith.constant 0 : i32
      %dma_wait3A_765 = tpu.memref_slice %arg6[%dma_wait3A_757, %dma_wait3A_758, %dma_wait3A_764] : memref<3x2x128xi32, #tpu.memory_space<vmem>> -> memref<1x1x128xi32, #tpu.memory_space<vmem>>
      %dma_wait3A_766 = tpu.memref_squeeze %dma_wait3A_765 : memref<1x1x128xi32, #tpu.memory_space<vmem>> -> memref<128xi32, #tpu.memory_space<vmem>>
      %dma_wait3A_767 = arith.constant 0 : i32
      %dma_wait3A_768 = arith.constant 0 : i32
      %dma_wait3A_769 = tpu.memref_slice %arg2[%dma_wait3A_767, %dma_wait3A_768] : memref<10240x128xf32, #tpu.memory_space<hbm>> -> memref<10240x128xf32, #tpu.memory_space<hbm>>
      tpu.wait_indirect_dma semaphore(%arg14 : memref<!tpu.dma_semaphore, #tpu.memory_space<semaphore_mem>>) src(%dma_wait3A_769 : memref<10240x128xf32, #tpu.memory_space<hbm>>) dst(%dma_wait3A_763 : memref<128x128xf32, #tpu.memory_space<vmem>>)
      %dma_start3A_770 = arith.constant 2 : i32
      %dma_start3A_771 = arith.constant 2 : i32
      %dma_start3A_772 = arith.constant 1 : i32
      %dma_start3A_773 = arith.constant 0 : i32
      %dma_start3A_774 = arith.constant 0 : i32
      %dma_start3A_775 = tpu.memref_slice %arg7[%dma_start3A_770, %dma_start3A_773, %dma_start3A_774] : memref<3x128x128xf32, #tpu.memory_space<vmem>> -> memref<1x128x128xf32, #tpu.memory_space<vmem>>
      %dma_start3A_776 = tpu.memref_squeeze %dma_start3A_775 : memref<1x128x128xf32, #tpu.memory_space<vmem>> -> memref<128x128xf32, #tpu.memory_space<vmem>>
      %dma_start3A_777 = arith.constant 0 : i32
      %dma_start3A_778 = tpu.memref_slice %arg6[%dma_start3A_771, %dma_start3A_772, %dma_start3A_777] : memref<3x2x128xi32, #tpu.memory_space<vmem>> -> memref<1x1x128xi32, #tpu.memory_space<vmem>>
      %dma_start3A_779 = tpu.memref_squeeze %dma_start3A_778 : memref<1x1x128xi32, #tpu.memory_space<vmem>> -> memref<128xi32, #tpu.memory_space<vmem>>
      %dma_start3A_780 = arith.constant 0 : i32
      %dma_start3A_781 = arith.constant 0 : i32
      %dma_start3A_782 = tpu.memref_slice %arg8[%dma_start3A_780, %dma_start3A_781] : memref<10112x128xf32, #tpu.memory_space<vmem_shared>> -> memref<10112x128xf32, #tpu.memory_space<vmem_shared>>
      tpu.enqueue_indirect_dma source(%dma_start3A_776 : memref<128x128xf32, #tpu.memory_space<vmem>>) target(%dma_start3A_782 : memref<10112x128xf32, #tpu.memory_space<vmem_shared>>) offsets(%dma_start3A_779 : memref<128xi32, #tpu.memory_space<vmem>>) semaphore(%arg17 : memref<!tpu.dma_semaphore, #tpu.memory_space<semaphore_mem>>) {add = true}
      %dma_wait3A_783 = arith.constant 1 : i32
      %dma_wait3A_784 = arith.constant 1 : i32
      %dma_wait3A_785 = arith.constant 1 : i32
      %dma_wait3A_786 = arith.constant 0 : i32
      %dma_wait3A_787 = arith.constant 0 : i32
      %dma_wait3A_788 = tpu.memref_slice %arg7[%dma_wait3A_783, %dma_wait3A_786, %dma_wait3A_787] : memref<3x128x128xf32, #tpu.memory_space<vmem>> -> memref<1x128x128xf32, #tpu.memory_space<vmem>>
      %dma_wait3A_789 = tpu.memref_squeeze %dma_wait3A_788 : memref<1x128x128xf32, #tpu.memory_space<vmem>> -> memref<128x128xf32, #tpu.memory_space<vmem>>
      %dma_wait3A_790 = arith.constant 0 : i32
      %dma_wait3A_791 = tpu.memref_slice %arg6[%dma_wait3A_784, %dma_wait3A_785, %dma_wait3A_790] : memref<3x2x128xi32, #tpu.memory_space<vmem>> -> memref<1x1x128xi32, #tpu.memory_space<vmem>>
      %dma_wait3A_792 = tpu.memref_squeeze %dma_wait3A_791 : memref<1x1x128xi32, #tpu.memory_space<vmem>> -> memref<128xi32, #tpu.memory_space<vmem>>
      %dma_wait3A_793 = arith.constant 0 : i32
      %dma_wait3A_794 = arith.constant 0 : i32
      %dma_wait3A_795 = tpu.memref_slice %arg8[%dma_wait3A_793, %dma_wait3A_794] : memref<10112x128xf32, #tpu.memory_space<vmem_shared>> -> memref<10112x128xf32, #tpu.memory_space<vmem_shared>>
      tpu.wait_indirect_dma semaphore(%arg16 : memref<!tpu.dma_semaphore, #tpu.memory_space<semaphore_mem>>) src(%dma_wait3A_789 : memref<128x128xf32, #tpu.memory_space<vmem>>) dst(%dma_wait3A_795 : memref<10112x128xf32, #tpu.memory_space<vmem_shared>>)
      %add3A_796 = arith.constant 2 : i32
      %add3A_797 = arith.addi %add3A_756, %add3A_796 : i32
      %dma_start3A_798 = arith.constant 1 : i32
      %dma_start3A_799 = arith.constant 0 : i32
      %dma_start3A_800 = arith.constant 0 : i32
      %dma_start3A_801 = tpu.memref_slice %arg6[%dma_start3A_798, %dma_start3A_799, %dma_start3A_800] : memref<3x2x128xi32, #tpu.memory_space<vmem>> -> memref<1x2x128xi32, #tpu.memory_space<vmem>>
      %dma_start3A_802 = tpu.memref_squeeze %dma_start3A_801 : memref<1x2x128xi32, #tpu.memory_space<vmem>> -> memref<2x128xi32, #tpu.memory_space<vmem>>
      %dma_start3A_803 = arith.constant 0 : i32
      %dma_start3A_804 = arith.constant 0 : i32
      %dma_start3A_805 = tpu.memref_slice %arg3[%add3A, %add3A_797, %dma_start3A_803, %dma_start3A_804] : memref<32x81x2x128xi32, #tpu.memory_space<hbm>> -> memref<1x1x2x128xi32, #tpu.memory_space<hbm>>
      %dma_start3A_806 = tpu.memref_squeeze %dma_start3A_805 : memref<1x1x2x128xi32, #tpu.memory_space<hbm>> -> memref<2x128xi32, #tpu.memory_space<hbm>>
      %dma_start3A_807 = arith.constant 0 : i32
      %dma_start3A_808 = arith.constant 0 : i32
      %dma_start3A_809 = tpu.memref_slice %arg6[%dma_start3A_798, %dma_start3A_807, %dma_start3A_808] : memref<3x2x128xi32, #tpu.memory_space<vmem>> -> memref<1x2x128xi32, #tpu.memory_space<vmem>>
      %dma_start3A_810 = tpu.memref_squeeze %dma_start3A_809 : memref<1x2x128xi32, #tpu.memory_space<vmem>> -> memref<2x128xi32, #tpu.memory_space<vmem>>
      %dma_start3A_811 = arith.constant 0 : i32
      %dma_start3A_812 = arith.constant 0 : i32
      %dma_start3A_813 = tpu.memref_slice %arg3[%add3A, %add3A_797, %dma_start3A_811, %dma_start3A_812] : memref<32x81x2x128xi32, #tpu.memory_space<hbm>> -> memref<1x1x2x128xi32, #tpu.memory_space<hbm>>
      %dma_start3A_814 = tpu.memref_squeeze %dma_start3A_813 : memref<1x1x2x128xi32, #tpu.memory_space<hbm>> -> memref<2x128xi32, #tpu.memory_space<hbm>>
      tpu.enqueue_dma source(%dma_start3A_814 : memref<2x128xi32, #tpu.memory_space<hbm>>) target(%dma_start3A_810 : memref<2x128xi32, #tpu.memory_space<vmem>>) target_semaphore(%arg10 : memref<!tpu.dma_semaphore, #tpu.memory_space<semaphore_mem>>)
      %dma_wait3A_815 = arith.constant 0 : i32
      %dma_wait3A_816 = arith.constant 0 : i32
      %dma_wait3A_817 = arith.constant 0 : i32
      %dma_wait3A_818 = arith.constant 0 : i32
      %dma_wait3A_819 = tpu.memref_slice %arg6[%dma_wait3A_816, %dma_wait3A_817, %dma_wait3A_818] : memref<3x2x128xi32, #tpu.memory_space<vmem>> -> memref<1x2x128xi32, #tpu.memory_space<vmem>>
      %dma_wait3A_820 = tpu.memref_squeeze %dma_wait3A_819 : memref<1x2x128xi32, #tpu.memory_space<vmem>> -> memref<2x128xi32, #tpu.memory_space<vmem>>
      %dma_wait3A_821 = arith.constant 0 : i32
      %dma_wait3A_822 = arith.constant 0 : i32
      %dma_wait3A_823 = tpu.memref_slice %arg3[%add3A, %dma_wait3A_815, %dma_wait3A_821, %dma_wait3A_822] : memref<32x81x2x128xi32, #tpu.memory_space<hbm>> -> memref<1x1x2x128xi32, #tpu.memory_space<hbm>>
      %dma_wait3A_824 = tpu.memref_squeeze %dma_wait3A_823 : memref<1x1x2x128xi32, #tpu.memory_space<hbm>> -> memref<2x128xi32, #tpu.memory_space<hbm>>
      %dma_wait3A_825 = arith.constant 0 : i32
      %dma_wait3A_826 = arith.constant 0 : i32
      %dma_wait3A_827 = tpu.memref_slice %arg6[%dma_wait3A_816, %dma_wait3A_825, %dma_wait3A_826] : memref<3x2x128xi32, #tpu.memory_space<vmem>> -> memref<1x2x128xi32, #tpu.memory_space<vmem>>
      %dma_wait3A_828 = tpu.memref_squeeze %dma_wait3A_827 : memref<1x2x128xi32, #tpu.memory_space<vmem>> -> memref<2x128xi32, #tpu.memory_space<vmem>>
      %dma_wait3A_829 = arith.constant 0 : i32
      %dma_wait3A_830 = arith.constant 0 : i32
      %dma_wait3A_831 = tpu.memref_slice %arg3[%add3A, %dma_wait3A_815, %dma_wait3A_829, %dma_wait3A_830] : memref<32x81x2x128xi32, #tpu.memory_space<hbm>> -> memref<1x1x2x128xi32, #tpu.memory_space<hbm>>
      %dma_wait3A_832 = tpu.memref_squeeze %dma_wait3A_831 : memref<1x1x2x128xi32, #tpu.memory_space<hbm>> -> memref<2x128xi32, #tpu.memory_space<hbm>>
      tpu.wait_dma2 semaphore(%arg9 : memref<!tpu.dma_semaphore, #tpu.memory_space<semaphore_mem>>) src(%dma_wait3A_832 : memref<2x128xi32, #tpu.memory_space<hbm>>) dst(%dma_wait3A_828 : memref<2x128xi32, #tpu.memory_space<vmem>>)
      %dma_start3A_833 = arith.constant 0 : i32
      %dma_start3A_834 = arith.constant 0 : i32
      %dma_start3A_835 = arith.constant 0 : i32
      %dma_start3A_836 = arith.constant 0 : i32
      %dma_start3A_837 = arith.constant 0 : i32
      %dma_start3A_838 = tpu.memref_slice %arg7[%dma_start3A_835, %dma_start3A_836, %dma_start3A_837] : memref<3x128x128xf32, #tpu.memory_space<vmem>> -> memref<1x128x128xf32, #tpu.memory_space<vmem>>
      %dma_start3A_839 = tpu.memref_squeeze %dma_start3A_838 : memref<1x128x128xf32, #tpu.memory_space<vmem>> -> memref<128x128xf32, #tpu.memory_space<vmem>>
      %dma_start3A_840 = arith.constant 0 : i32
      %dma_start3A_841 = tpu.memref_slice %arg6[%dma_start3A_833, %dma_start3A_834, %dma_start3A_840] : memref<3x2x128xi32, #tpu.memory_space<vmem>> -> memref<1x1x128xi32, #tpu.memory_space<vmem>>
      %dma_start3A_842 = tpu.memref_squeeze %dma_start3A_841 : memref<1x1x128xi32, #tpu.memory_space<vmem>> -> memref<128xi32, #tpu.memory_space<vmem>>
      %dma_start3A_843 = arith.constant 0 : i32
      %dma_start3A_844 = arith.constant 0 : i32
      %dma_start3A_845 = tpu.memref_slice %arg2[%dma_start3A_843, %dma_start3A_844] : memref<10240x128xf32, #tpu.memory_space<hbm>> -> memref<10240x128xf32, #tpu.memory_space<hbm>>
      tpu.enqueue_indirect_dma source(%dma_start3A_845 : memref<10240x128xf32, #tpu.memory_space<hbm>>) target(%dma_start3A_839 : memref<128x128xf32, #tpu.memory_space<vmem>>) offsets(%dma_start3A_842 : memref<128xi32, #tpu.memory_space<vmem>>) semaphore(%arg12 : memref<!tpu.dma_semaphore, #tpu.memory_space<semaphore_mem>>)
    }
    %while3A_349 = arith.constant 1 : i32
    scf.for %while3A_572 = %while3A_347 to %while3A_343 step %while3A_349  : i32 {
      %mul3A_573 = arith.constant 3 : i32
      %mul3A_574 = arith.muli %while3A_572, %mul3A_573 : i32
      %dma_wait3A_575 = arith.constant 0 : i32
      %dma_wait3A_576 = arith.constant 0 : i32
      %dma_wait3A_577 = arith.constant 0 : i32
      %dma_wait3A_578 = arith.constant 0 : i32
      %dma_wait3A_579 = arith.constant 0 : i32
      %dma_wait3A_580 = tpu.memref_slice %arg7[%dma_wait3A_577, %dma_wait3A_578, %dma_wait3A_579] : memref<3x128x128xf32, #tpu.memory_space<vmem>> -> memref<1x128x128xf32, #tpu.memory_space<vmem>>
      %dma_wait3A_581 = tpu.memref_squeeze %dma_wait3A_580 : memref<1x128x128xf32, #tpu.memory_space<vmem>> -> memref<128x128xf32, #tpu.memory_space<vmem>>
      %dma_wait3A_582 = arith.constant 0 : i32
      %dma_wait3A_583 = tpu.memref_slice %arg6[%dma_wait3A_575, %dma_wait3A_576, %dma_wait3A_582] : memref<3x2x128xi32, #tpu.memory_space<vmem>> -> memref<1x1x128xi32, #tpu.memory_space<vmem>>
      %dma_wait3A_584 = tpu.memref_squeeze %dma_wait3A_583 : memref<1x1x128xi32, #tpu.memory_space<vmem>> -> memref<128xi32, #tpu.memory_space<vmem>>
      %dma_wait3A_585 = arith.constant 0 : i32
      %dma_wait3A_586 = arith.constant 0 : i32
      %dma_wait3A_587 = tpu.memref_slice %arg2[%dma_wait3A_585, %dma_wait3A_586] : memref<10240x128xf32, #tpu.memory_space<hbm>> -> memref<10240x128xf32, #tpu.memory_space<hbm>>
      tpu.wait_indirect_dma semaphore(%arg12 : memref<!tpu.dma_semaphore, #tpu.memory_space<semaphore_mem>>) src(%dma_wait3A_587 : memref<10240x128xf32, #tpu.memory_space<hbm>>) dst(%dma_wait3A_581 : memref<128x128xf32, #tpu.memory_space<vmem>>)
      %dma_start3A_588 = arith.constant 0 : i32
      %dma_start3A_589 = arith.constant 0 : i32
      %dma_start3A_590 = arith.constant 1 : i32
      %dma_start3A_591 = arith.constant 0 : i32
      %dma_start3A_592 = arith.constant 0 : i32
      %dma_start3A_593 = tpu.memref_slice %arg7[%dma_start3A_588, %dma_start3A_591, %dma_start3A_592] : memref<3x128x128xf32, #tpu.memory_space<vmem>> -> memref<1x128x128xf32, #tpu.memory_space<vmem>>
      %dma_start3A_594 = tpu.memref_squeeze %dma_start3A_593 : memref<1x128x128xf32, #tpu.memory_space<vmem>> -> memref<128x128xf32, #tpu.memory_space<vmem>>
      %dma_start3A_595 = arith.constant 0 : i32
      %dma_start3A_596 = tpu.memref_slice %arg6[%dma_start3A_589, %dma_start3A_590, %dma_start3A_595] : memref<3x2x128xi32, #tpu.memory_space<vmem>> -> memref<1x1x128xi32, #tpu.memory_space<vmem>>
      %dma_start3A_597 = tpu.memref_squeeze %dma_start3A_596 : memref<1x1x128xi32, #tpu.memory_space<vmem>> -> memref<128xi32, #tpu.memory_space<vmem>>
      %dma_start3A_598 = arith.constant 0 : i32
      %dma_start3A_599 = arith.constant 0 : i32
      %dma_start3A_600 = tpu.memref_slice %arg8[%dma_start3A_598, %dma_start3A_599] : memref<10112x128xf32, #tpu.memory_space<vmem_shared>> -> memref<10112x128xf32, #tpu.memory_space<vmem_shared>>
      tpu.enqueue_indirect_dma source(%dma_start3A_594 : memref<128x128xf32, #tpu.memory_space<vmem>>) target(%dma_start3A_600 : memref<10112x128xf32, #tpu.memory_space<vmem_shared>>) offsets(%dma_start3A_597 : memref<128xi32, #tpu.memory_space<vmem>>) semaphore(%arg15 : memref<!tpu.dma_semaphore, #tpu.memory_space<semaphore_mem>>) {add = true}
      %dma_wait3A_601 = arith.constant 2 : i32
      %dma_wait3A_602 = arith.constant 2 : i32
      %dma_wait3A_603 = arith.constant 1 : i32
      %dma_wait3A_604 = arith.constant 0 : i32
      %dma_wait3A_605 = arith.constant 0 : i32
      %dma_wait3A_606 = tpu.memref_slice %arg7[%dma_wait3A_601, %dma_wait3A_604, %dma_wait3A_605] : memref<3x128x128xf32, #tpu.memory_space<vmem>> -> memref<1x128x128xf32, #tpu.memory_space<vmem>>
      %dma_wait3A_607 = tpu.memref_squeeze %dma_wait3A_606 : memref<1x128x128xf32, #tpu.memory_space<vmem>> -> memref<128x128xf32, #tpu.memory_space<vmem>>
      %dma_wait3A_608 = arith.constant 0 : i32
      %dma_wait3A_609 = tpu.memref_slice %arg6[%dma_wait3A_602, %dma_wait3A_603, %dma_wait3A_608] : memref<3x2x128xi32, #tpu.memory_space<vmem>> -> memref<1x1x128xi32, #tpu.memory_space<vmem>>
      %dma_wait3A_610 = tpu.memref_squeeze %dma_wait3A_609 : memref<1x1x128xi32, #tpu.memory_space<vmem>> -> memref<128xi32, #tpu.memory_space<vmem>>
      %dma_wait3A_611 = arith.constant 0 : i32
      %dma_wait3A_612 = arith.constant 0 : i32
      %dma_wait3A_613 = tpu.memref_slice %arg8[%dma_wait3A_611, %dma_wait3A_612] : memref<10112x128xf32, #tpu.memory_space<vmem_shared>> -> memref<10112x128xf32, #tpu.memory_space<vmem_shared>>
      tpu.wait_indirect_dma semaphore(%arg17 : memref<!tpu.dma_semaphore, #tpu.memory_space<semaphore_mem>>) src(%dma_wait3A_607 : memref<128x128xf32, #tpu.memory_space<vmem>>) dst(%dma_wait3A_613 : memref<10112x128xf32, #tpu.memory_space<vmem_shared>>)
      %add3A_614 = arith.constant 2 : i32
      %add3A_615 = arith.addi %mul3A_574, %add3A_614 : i32
      %dma_start3A_616 = arith.constant 2 : i32
      %dma_start3A_617 = arith.constant 0 : i32
      %dma_start3A_618 = arith.constant 0 : i32
      %dma_start3A_619 = tpu.memref_slice %arg6[%dma_start3A_616, %dma_start3A_617, %dma_start3A_618] : memref<3x2x128xi32, #tpu.memory_space<vmem>> -> memref<1x2x128xi32, #tpu.memory_space<vmem>>
      %dma_start3A_620 = tpu.memref_squeeze %dma_start3A_619 : memref<1x2x128xi32, #tpu.memory_space<vmem>> -> memref<2x128xi32, #tpu.memory_space<vmem>>
      %dma_start3A_621 = arith.constant 0 : i32
      %dma_start3A_622 = arith.constant 0 : i32
      %dma_start3A_623 = tpu.memref_slice %arg3[%add3A, %add3A_615, %dma_start3A_621, %dma_start3A_622] : memref<32x81x2x128xi32, #tpu.memory_space<hbm>> -> memref<1x1x2x128xi32, #tpu.memory_space<hbm>>
      %dma_start3A_624 = tpu.memref_squeeze %dma_start3A_623 : memref<1x1x2x128xi32, #tpu.memory_space<hbm>> -> memref<2x128xi32, #tpu.memory_space<hbm>>
      %dma_start3A_625 = arith.constant 0 : i32
      %dma_start3A_626 = arith.constant 0 : i32
      %dma_start3A_627 = tpu.memref_slice %arg6[%dma_start3A_616, %dma_start3A_625, %dma_start3A_626] : memref<3x2x128xi32, #tpu.memory_space<vmem>> -> memref<1x2x128xi32, #tpu.memory_space<vmem>>
      %dma_start3A_628 = tpu.memref_squeeze %dma_start3A_627 : memref<1x2x128xi32, #tpu.memory_space<vmem>> -> memref<2x128xi32, #tpu.memory_space<vmem>>
      %dma_start3A_629 = arith.constant 0 : i32
      %dma_start3A_630 = arith.constant 0 : i32
      %dma_start3A_631 = tpu.memref_slice %arg3[%add3A, %add3A_615, %dma_start3A_629, %dma_start3A_630] : memref<32x81x2x128xi32, #tpu.memory_space<hbm>> -> memref<1x1x2x128xi32, #tpu.memory_space<hbm>>
      %dma_start3A_632 = tpu.memref_squeeze %dma_start3A_631 : memref<1x1x2x128xi32, #tpu.memory_space<hbm>> -> memref<2x128xi32, #tpu.memory_space<hbm>>
      tpu.enqueue_dma source(%dma_start3A_632 : memref<2x128xi32, #tpu.memory_space<hbm>>) target(%dma_start3A_628 : memref<2x128xi32, #tpu.memory_space<vmem>>) target_semaphore(%arg11 : memref<!tpu.dma_semaphore, #tpu.memory_space<semaphore_mem>>)
      %dma_wait3A_633 = arith.constant 0 : i32
      %dma_wait3A_634 = arith.constant 1 : i32
      %dma_wait3A_635 = arith.constant 0 : i32
      %dma_wait3A_636 = arith.constant 0 : i32
      %dma_wait3A_637 = tpu.memref_slice %arg6[%dma_wait3A_634, %dma_wait3A_635, %dma_wait3A_636] : memref<3x2x128xi32, #tpu.memory_space<vmem>> -> memref<1x2x128xi32, #tpu.memory_space<vmem>>
      %dma_wait3A_638 = tpu.memref_squeeze %dma_wait3A_637 : memref<1x2x128xi32, #tpu.memory_space<vmem>> -> memref<2x128xi32, #tpu.memory_space<vmem>>
      %dma_wait3A_639 = arith.constant 0 : i32
      %dma_wait3A_640 = arith.constant 0 : i32
      %dma_wait3A_641 = tpu.memref_slice %arg3[%add3A, %dma_wait3A_633, %dma_wait3A_639, %dma_wait3A_640] : memref<32x81x2x128xi32, #tpu.memory_space<hbm>> -> memref<1x1x2x128xi32, #tpu.memory_space<hbm>>
      %dma_wait3A_642 = tpu.memref_squeeze %dma_wait3A_641 : memref<1x1x2x128xi32, #tpu.memory_space<hbm>> -> memref<2x128xi32, #tpu.memory_space<hbm>>
      %dma_wait3A_643 = arith.constant 0 : i32
      %dma_wait3A_644 = arith.constant 0 : i32
      %dma_wait3A_645 = tpu.memref_slice %arg6[%dma_wait3A_634, %dma_wait3A_643, %dma_wait3A_644] : memref<3x2x128xi32, #tpu.memory_space<vmem>> -> memref<1x2x128xi32, #tpu.memory_space<vmem>>
      %dma_wait3A_646 = tpu.memref_squeeze %dma_wait3A_645 : memref<1x2x128xi32, #tpu.memory_space<vmem>> -> memref<2x128xi32, #tpu.memory_space<vmem>>
      %dma_wait3A_647 = arith.constant 0 : i32
      %dma_wait3A_648 = arith.constant 0 : i32
      %dma_wait3A_649 = tpu.memref_slice %arg3[%add3A, %dma_wait3A_633, %dma_wait3A_647, %dma_wait3A_648] : memref<32x81x2x128xi32, #tpu.memory_space<hbm>> -> memref<1x1x2x128xi32, #tpu.memory_space<hbm>>
      %dma_wait3A_650 = tpu.memref_squeeze %dma_wait3A_649 : memref<1x1x2x128xi32, #tpu.memory_space<hbm>> -> memref<2x128xi32, #tpu.memory_space<hbm>>
      tpu.wait_dma2 semaphore(%arg10 : memref<!tpu.dma_semaphore, #tpu.memory_space<semaphore_mem>>) src(%dma_wait3A_650 : memref<2x128xi32, #tpu.memory_space<hbm>>) dst(%dma_wait3A_646 : memref<2x128xi32, #tpu.memory_space<vmem>>)
      %dma_start3A_651 = arith.constant 1 : i32
      %dma_start3A_652 = arith.constant 0 : i32
      %dma_start3A_653 = arith.constant 1 : i32
      %dma_start3A_654 = arith.constant 0 : i32
      %dma_start3A_655 = arith.constant 0 : i32
      %dma_start3A_656 = tpu.memref_slice %arg7[%dma_start3A_653, %dma_start3A_654, %dma_start3A_655] : memref<3x128x128xf32, #tpu.memory_space<vmem>> -> memref<1x128x128xf32, #tpu.memory_space<vmem>>
      %dma_start3A_657 = tpu.memref_squeeze %dma_start3A_656 : memref<1x128x128xf32, #tpu.memory_space<vmem>> -> memref<128x128xf32, #tpu.memory_space<vmem>>
      %dma_start3A_658 = arith.constant 0 : i32
      %dma_start3A_659 = tpu.memref_slice %arg6[%dma_start3A_651, %dma_start3A_652, %dma_start3A_658] : memref<3x2x128xi32, #tpu.memory_space<vmem>> -> memref<1x1x128xi32, #tpu.memory_space<vmem>>
      %dma_start3A_660 = tpu.memref_squeeze %dma_start3A_659 : memref<1x1x128xi32, #tpu.memory_space<vmem>> -> memref<128xi32, #tpu.memory_space<vmem>>
      %dma_start3A_661 = arith.constant 0 : i32
      %dma_start3A_662 = arith.constant 0 : i32
      %dma_start3A_663 = tpu.memref_slice %arg2[%dma_start3A_661, %dma_start3A_662] : memref<10240x128xf32, #tpu.memory_space<hbm>> -> memref<10240x128xf32, #tpu.memory_space<hbm>>
      tpu.enqueue_indirect_dma source(%dma_start3A_663 : memref<10240x128xf32, #tpu.memory_space<hbm>>) target(%dma_start3A_657 : memref<128x128xf32, #tpu.memory_space<vmem>>) offsets(%dma_start3A_660 : memref<128xi32, #tpu.memory_space<vmem>>) semaphore(%arg13 : memref<!tpu.dma_semaphore, #tpu.memory_space<semaphore_mem>>)
      %add3A_664 = arith.constant 1 : i32
      %add3A_665 = arith.addi %mul3A_574, %add3A_664 : i32
      %dma_wait3A_666 = arith.constant 1 : i32
      %dma_wait3A_667 = arith.constant 0 : i32
      %dma_wait3A_668 = arith.constant 1 : i32
      %dma_wait3A_669 = arith.constant 0 : i32
      %dma_wait3A_670 = arith.constant 0 : i32
      %dma_wait3A_671 = tpu.memref_slice %arg7[%dma_wait3A_668, %dma_wait3A_669, %dma_wait3A_670] : memref<3x128x128xf32, #tpu.memory_space<vmem>> -> memref<1x128x128xf32, #tpu.memory_space<vmem>>
      %dma_wait3A_672 = tpu.memref_squeeze %dma_wait3A_671 : memref<1x128x128xf32, #tpu.memory_space<vmem>> -> memref<128x128xf32, #tpu.memory_space<vmem>>
      %dma_wait3A_673 = arith.constant 0 : i32
      %dma_wait3A_674 = tpu.memref_slice %arg6[%dma_wait3A_666, %dma_wait3A_667, %dma_wait3A_673] : memref<3x2x128xi32, #tpu.memory_space<vmem>> -> memref<1x1x128xi32, #tpu.memory_space<vmem>>
      %dma_wait3A_675 = tpu.memref_squeeze %dma_wait3A_674 : memref<1x1x128xi32, #tpu.memory_space<vmem>> -> memref<128xi32, #tpu.memory_space<vmem>>
      %dma_wait3A_676 = arith.constant 0 : i32
      %dma_wait3A_677 = arith.constant 0 : i32
      %dma_wait3A_678 = tpu.memref_slice %arg2[%dma_wait3A_676, %dma_wait3A_677] : memref<10240x128xf32, #tpu.memory_space<hbm>> -> memref<10240x128xf32, #tpu.memory_space<hbm>>
      tpu.wait_indirect_dma semaphore(%arg13 : memref<!tpu.dma_semaphore, #tpu.memory_space<semaphore_mem>>) src(%dma_wait3A_678 : memref<10240x128xf32, #tpu.memory_space<hbm>>) dst(%dma_wait3A_672 : memref<128x128xf32, #tpu.memory_space<vmem>>)
      %dma_start3A_679 = arith.constant 1 : i32
      %dma_start3A_680 = arith.constant 1 : i32
      %dma_start3A_681 = arith.constant 1 : i32
      %dma_start3A_682 = arith.constant 0 : i32
      %dma_start3A_683 = arith.constant 0 : i32
      %dma_start3A_684 = tpu.memref_slice %arg7[%dma_start3A_679, %dma_start3A_682, %dma_start3A_683] : memref<3x128x128xf32, #tpu.memory_space<vmem>> -> memref<1x128x128xf32, #tpu.memory_space<vmem>>
      %dma_start3A_685 = tpu.memref_squeeze %dma_start3A_684 : memref<1x128x128xf32, #tpu.memory_space<vmem>> -> memref<128x128xf32, #tpu.memory_space<vmem>>
      %dma_start3A_686 = arith.constant 0 : i32
      %dma_start3A_687 = tpu.memref_slice %arg6[%dma_start3A_680, %dma_start3A_681, %dma_start3A_686] : memref<3x2x128xi32, #tpu.memory_space<vmem>> -> memref<1x1x128xi32, #tpu.memory_space<vmem>>
      %dma_start3A_688 = tpu.memref_squeeze %dma_start3A_687 : memref<1x1x128xi32, #tpu.memory_space<vmem>> -> memref<128xi32, #tpu.memory_space<vmem>>
      %dma_start3A_689 = arith.constant 0 : i32
      %dma_start3A_690 = arith.constant 0 : i32
      %dma_start3A_691 = tpu.memref_slice %arg8[%dma_start3A_689, %dma_start3A_690] : memref<10112x128xf32, #tpu.memory_space<vmem_shared>> -> memref<10112x128xf32, #tpu.memory_space<vmem_shared>>
      tpu.enqueue_indirect_dma source(%dma_start3A_685 : memref<128x128xf32, #tpu.memory_space<vmem>>) target(%dma_start3A_691 : memref<10112x128xf32, #tpu.memory_space<vmem_shared>>) offsets(%dma_start3A_688 : memref<128xi32, #tpu.memory_space<vmem>>) semaphore(%arg16 : memref<!tpu.dma_semaphore, #tpu.memory_space<semaphore_mem>>) {add = true}
      %dma_wait3A_692 = arith.constant 0 : i32
      %dma_wait3A_693 = arith.constant 0 : i32
      %dma_wait3A_694 = arith.constant 1 : i32
      %dma_wait3A_695 = arith.constant 0 : i32
      %dma_wait3A_696 = arith.constant 0 : i32
      %dma_wait3A_697 = tpu.memref_slice %arg7[%dma_wait3A_692, %dma_wait3A_695, %dma_wait3A_696] : memref<3x128x128xf32, #tpu.memory_space<vmem>> -> memref<1x128x128xf32, #tpu.memory_space<vmem>>
      %dma_wait3A_698 = tpu.memref_squeeze %dma_wait3A_697 : memref<1x128x128xf32, #tpu.memory_space<vmem>> -> memref<128x128xf32, #tpu.memory_space<vmem>>
      %dma_wait3A_699 = arith.constant 0 : i32
      %dma_wait3A_700 = tpu.memref_slice %arg6[%dma_wait3A_693, %dma_wait3A_694, %dma_wait3A_699] : memref<3x2x128xi32, #tpu.memory_space<vmem>> -> memref<1x1x128xi32, #tpu.memory_space<vmem>>
      %dma_wait3A_701 = tpu.memref_squeeze %dma_wait3A_700 : memref<1x1x128xi32, #tpu.memory_space<vmem>> -> memref<128xi32, #tpu.memory_space<vmem>>
      %dma_wait3A_702 = arith.constant 0 : i32
      %dma_wait3A_703 = arith.constant 0 : i32
      %dma_wait3A_704 = tpu.memref_slice %arg8[%dma_wait3A_702, %dma_wait3A_703] : memref<10112x128xf32, #tpu.memory_space<vmem_shared>> -> memref<10112x128xf32, #tpu.memory_space<vmem_shared>>
      tpu.wait_indirect_dma semaphore(%arg15 : memref<!tpu.dma_semaphore, #tpu.memory_space<semaphore_mem>>) src(%dma_wait3A_698 : memref<128x128xf32, #tpu.memory_space<vmem>>) dst(%dma_wait3A_704 : memref<10112x128xf32, #tpu.memory_space<vmem_shared>>)
      %add3A_705 = arith.constant 2 : i32
      %add3A_706 = arith.addi %add3A_665, %add3A_705 : i32
      %dma_start3A_707 = arith.constant 0 : i32
      %dma_start3A_708 = arith.constant 0 : i32
      %dma_start3A_709 = arith.constant 0 : i32
      %dma_start3A_710 = tpu.memref_slice %arg6[%dma_start3A_707, %dma_start3A_708, %dma_start3A_709] : memref<3x2x128xi32, #tpu.memory_space<vmem>> -> memref<1x2x128xi32, #tpu.memory_space<vmem>>
      %dma_start3A_711 = tpu.memref_squeeze %dma_start3A_710 : memref<1x2x128xi32, #tpu.memory_space<vmem>> -> memref<2x128xi32, #tpu.memory_space<vmem>>
      %dma_start3A_712 = arith.constant 0 : i32
      %dma_start3A_713 = arith.constant 0 : i32
      %dma_start3A_714 = tpu.memref_slice %arg3[%add3A, %add3A_706, %dma_start3A_712, %dma_start3A_713] : memref<32x81x2x128xi32, #tpu.memory_space<hbm>> -> memref<1x1x2x128xi32, #tpu.memory_space<hbm>>
      %dma_start3A_715 = tpu.memref_squeeze %dma_start3A_714 : memref<1x1x2x128xi32, #tpu.memory_space<hbm>> -> memref<2x128xi32, #tpu.memory_space<hbm>>
      %dma_start3A_716 = arith.constant 0 : i32
      %dma_start3A_717 = arith.constant 0 : i32
      %dma_start3A_718 = tpu.memref_slice %arg6[%dma_start3A_707, %dma_start3A_716, %dma_start3A_717] : memref<3x2x128xi32, #tpu.memory_space<vmem>> -> memref<1x2x128xi32, #tpu.memory_space<vmem>>
      %dma_start3A_719 = tpu.memref_squeeze %dma_start3A_718 : memref<1x2x128xi32, #tpu.memory_space<vmem>> -> memref<2x128xi32, #tpu.memory_space<vmem>>
      %dma_start3A_720 = arith.constant 0 : i32
      %dma_start3A_721 = arith.constant 0 : i32
      %dma_start3A_722 = tpu.memref_slice %arg3[%add3A, %add3A_706, %dma_start3A_720, %dma_start3A_721] : memref<32x81x2x128xi32, #tpu.memory_space<hbm>> -> memref<1x1x2x128xi32, #tpu.memory_space<hbm>>
      %dma_start3A_723 = tpu.memref_squeeze %dma_start3A_722 : memref<1x1x2x128xi32, #tpu.memory_space<hbm>> -> memref<2x128xi32, #tpu.memory_space<hbm>>
      tpu.enqueue_dma source(%dma_start3A_723 : memref<2x128xi32, #tpu.memory_space<hbm>>) target(%dma_start3A_719 : memref<2x128xi32, #tpu.memory_space<vmem>>) target_semaphore(%arg9 : memref<!tpu.dma_semaphore, #tpu.memory_space<semaphore_mem>>)
      %dma_wait3A_724 = arith.constant 0 : i32
      %dma_wait3A_725 = arith.constant 2 : i32
      %dma_wait3A_726 = arith.constant 0 : i32
      %dma_wait3A_727 = arith.constant 0 : i32
      %dma_wait3A_728 = tpu.memref_slice %arg6[%dma_wait3A_725, %dma_wait3A_726, %dma_wait3A_727] : memref<3x2x128xi32, #tpu.memory_space<vmem>> -> memref<1x2x128xi32, #tpu.memory_space<vmem>>
      %dma_wait3A_729 = tpu.memref_squeeze %dma_wait3A_728 : memref<1x2x128xi32, #tpu.memory_space<vmem>> -> memref<2x128xi32, #tpu.memory_space<vmem>>
      %dma_wait3A_730 = arith.constant 0 : i32
      %dma_wait3A_731 = arith.constant 0 : i32
      %dma_wait3A_732 = tpu.memref_slice %arg3[%add3A, %dma_wait3A_724, %dma_wait3A_730, %dma_wait3A_731] : memref<32x81x2x128xi32, #tpu.memory_space<hbm>> -> memref<1x1x2x128xi32, #tpu.memory_space<hbm>>
      %dma_wait3A_733 = tpu.memref_squeeze %dma_wait3A_732 : memref<1x1x2x128xi32, #tpu.memory_space<hbm>> -> memref<2x128xi32, #tpu.memory_space<hbm>>
      %dma_wait3A_734 = arith.constant 0 : i32
      %dma_wait3A_735 = arith.constant 0 : i32
      %dma_wait3A_736 = tpu.memref_slice %arg6[%dma_wait3A_725, %dma_wait3A_734, %dma_wait3A_735] : memref<3x2x128xi32, #tpu.memory_space<vmem>> -> memref<1x2x128xi32, #tpu.memory_space<vmem>>
      %dma_wait3A_737 = tpu.memref_squeeze %dma_wait3A_736 : memref<1x2x128xi32, #tpu.memory_space<vmem>> -> memref<2x128xi32, #tpu.memory_space<vmem>>
      %dma_wait3A_738 = arith.constant 0 : i32
      %dma_wait3A_739 = arith.constant 0 : i32
      %dma_wait3A_740 = tpu.memref_slice %arg3[%add3A, %dma_wait3A_724, %dma_wait3A_738, %dma_wait3A_739] : memref<32x81x2x128xi32, #tpu.memory_space<hbm>> -> memref<1x1x2x128xi32, #tpu.memory_space<hbm>>
      %dma_wait3A_741 = tpu.memref_squeeze %dma_wait3A_740 : memref<1x1x2x128xi32, #tpu.memory_space<hbm>> -> memref<2x128xi32, #tpu.memory_space<hbm>>
      tpu.wait_dma2 semaphore(%arg11 : memref<!tpu.dma_semaphore, #tpu.memory_space<semaphore_mem>>) src(%dma_wait3A_741 : memref<2x128xi32, #tpu.memory_space<hbm>>) dst(%dma_wait3A_737 : memref<2x128xi32, #tpu.memory_space<vmem>>)
      %dma_start3A_742 = arith.constant 2 : i32
      %dma_start3A_743 = arith.constant 0 : i32
      %dma_start3A_744 = arith.constant 2 : i32
      %dma_start3A_745 = arith.constant 0 : i32
      %dma_start3A_746 = arith.constant 0 : i32
      %dma_start3A_747 = tpu.memref_slice %arg7[%dma_start3A_744, %dma_start3A_745, %dma_start3A_746] : memref<3x128x128xf32, #tpu.memory_space<vmem>> -> memref<1x128x128xf32, #tpu.memory_space<vmem>>
      %dma_start3A_748 = tpu.memref_squeeze %dma_start3A_747 : memref<1x128x128xf32, #tpu.memory_space<vmem>> -> memref<128x128xf32, #tpu.memory_space<vmem>>
      %dma_start3A_749 = arith.constant 0 : i32
      %dma_start3A_750 = tpu.memref_slice %arg6[%dma_start3A_742, %dma_start3A_743, %dma_start3A_749] : memref<3x2x128xi32, #tpu.memory_space<vmem>> -> memref<1x1x128xi32, #tpu.memory_space<vmem>>
      %dma_start3A_751 = tpu.memref_squeeze %dma_start3A_750 : memref<1x1x128xi32, #tpu.memory_space<vmem>> -> memref<128xi32, #tpu.memory_space<vmem>>
      %dma_start3A_752 = arith.constant 0 : i32
      %dma_start3A_753 = arith.constant 0 : i32
      %dma_start3A_754 = tpu.memref_slice %arg2[%dma_start3A_752, %dma_start3A_753] : memref<10240x128xf32, #tpu.memory_space<hbm>> -> memref<10240x128xf32, #tpu.memory_space<hbm>>
      tpu.enqueue_indirect_dma source(%dma_start3A_754 : memref<10240x128xf32, #tpu.memory_space<hbm>>) target(%dma_start3A_748 : memref<128x128xf32, #tpu.memory_space<vmem>>) offsets(%dma_start3A_751 : memref<128xi32, #tpu.memory_space<vmem>>) semaphore(%arg14 : memref<!tpu.dma_semaphore, #tpu.memory_space<semaphore_mem>>)
      %add3A_755 = arith.constant 2 : i32
      %add3A_756 = arith.addi %mul3A_574, %add3A_755 : i32
      %dma_wait3A_757 = arith.constant 2 : i32
      %dma_wait3A_758 = arith.constant 0 : i32
      %dma_wait3A_759 = arith.constant 2 : i32
      %dma_wait3A_760 = arith.constant 0 : i32
      %dma_wait3A_761 = arith.constant 0 : i32
      %dma_wait3A_762 = tpu.memref_slice %arg7[%dma_wait3A_759, %dma_wait3A_760, %dma_wait3A_761] : memref<3x128x128xf32, #tpu.memory_space<vmem>> -> memref<1x128x128xf32, #tpu.memory_space<vmem>>
      %dma_wait3A_763 = tpu.memref_squeeze %dma_wait3A_762 : memref<1x128x128xf32, #tpu.memory_space<vmem>> -> memref<128x128xf32, #tpu.memory_space<vmem>>
      %dma_wait3A_764 = arith.constant 0 : i32
      %dma_wait3A_765 = tpu.memref_slice %arg6[%dma_wait3A_757, %dma_wait3A_758, %dma_wait3A_764] : memref<3x2x128xi32, #tpu.memory_space<vmem>> -> memref<1x1x128xi32, #tpu.memory_space<vmem>>
      %dma_wait3A_766 = tpu.memref_squeeze %dma_wait3A_765 : memref<1x1x128xi32, #tpu.memory_space<vmem>> -> memref<128xi32, #tpu.memory_space<vmem>>
      %dma_wait3A_767 = arith.constant 0 : i32
      %dma_wait3A_768 = arith.constant 0 : i32
      %dma_wait3A_769 = tpu.memref_slice %arg2[%dma_wait3A_767, %dma_wait3A_768] : memref<10240x128xf32, #tpu.memory_space<hbm>> -> memref<10240x128xf32, #tpu.memory_space<hbm>>
      tpu.wait_indirect_dma semaphore(%arg14 : memref<!tpu.dma_semaphore, #tpu.memory_space<semaphore_mem>>) src(%dma_wait3A_769 : memref<10240x128xf32, #tpu.memory_space<hbm>>) dst(%dma_wait3A_763 : memref<128x128xf32, #tpu.memory_space<vmem>>)
      %dma_start3A_770 = arith.constant 2 : i32
      %dma_start3A_771 = arith.constant 2 : i32
      %dma_start3A_772 = arith.constant 1 : i32
      %dma_start3A_773 = arith.constant 0 : i32
      %dma_start3A_774 = arith.constant 0 : i32
      %dma_start3A_775 = tpu.memref_slice %arg7[%dma_start3A_770, %dma_start3A_773, %dma_start3A_774] : memref<3x128x128xf32, #tpu.memory_space<vmem>> -> memref<1x128x128xf32, #tpu.memory_space<vmem>>
      %dma_start3A_776 = tpu.memref_squeeze %dma_start3A_775 : memref<1x128x128xf32, #tpu.memory_space<vmem>> -> memref<128x128xf32, #tpu.memory_space<vmem>>
      %dma_start3A_777 = arith.constant 0 : i32
      %dma_start3A_778 = tpu.memref_slice %arg6[%dma_start3A_771, %dma_start3A_772, %dma_start3A_777] : memref<3x2x128xi32, #tpu.memory_space<vmem>> -> memref<1x1x128xi32, #tpu.memory_space<vmem>>
      %dma_start3A_779 = tpu.memref_squeeze %dma_start3A_778 : memref<1x1x128xi32, #tpu.memory_space<vmem>> -> memref<128xi32, #tpu.memory_space<vmem>>
      %dma_start3A_780 = arith.constant 0 : i32
      %dma_start3A_781 = arith.constant 0 : i32
      %dma_start3A_782 = tpu.memref_slice %arg8[%dma_start3A_780, %dma_start3A_781] : memref<10112x128xf32, #tpu.memory_space<vmem_shared>> -> memref<10112x128xf32, #tpu.memory_space<vmem_shared>>
      tpu.enqueue_indirect_dma source(%dma_start3A_776 : memref<128x128xf32, #tpu.memory_space<vmem>>) target(%dma_start3A_782 : memref<10112x128xf32, #tpu.memory_space<vmem_shared>>) offsets(%dma_start3A_779 : memref<128xi32, #tpu.memory_space<vmem>>) semaphore(%arg17 : memref<!tpu.dma_semaphore, #tpu.memory_space<semaphore_mem>>) {add = true}
      %dma_wait3A_783 = arith.constant 1 : i32
      %dma_wait3A_784 = arith.constant 1 : i32
      %dma_wait3A_785 = arith.constant 1 : i32
      %dma_wait3A_786 = arith.constant 0 : i32
      %dma_wait3A_787 = arith.constant 0 : i32
      %dma_wait3A_788 = tpu.memref_slice %arg7[%dma_wait3A_783, %dma_wait3A_786, %dma_wait3A_787] : memref<3x128x128xf32, #tpu.memory_space<vmem>> -> memref<1x128x128xf32, #tpu.memory_space<vmem>>
      %dma_wait3A_789 = tpu.memref_squeeze %dma_wait3A_788 : memref<1x128x128xf32, #tpu.memory_space<vmem>> -> memref<128x128xf32, #tpu.memory_space<vmem>>
      %dma_wait3A_790 = arith.constant 0 : i32
      %dma_wait3A_791 = tpu.memref_slice %arg6[%dma_wait3A_784, %dma_wait3A_785, %dma_wait3A_790] : memref<3x2x128xi32, #tpu.memory_space<vmem>> -> memref<1x1x128xi32, #tpu.memory_space<vmem>>
      %dma_wait3A_792 = tpu.memref_squeeze %dma_wait3A_791 : memref<1x1x128xi32, #tpu.memory_space<vmem>> -> memref<128xi32, #tpu.memory_space<vmem>>
      %dma_wait3A_793 = arith.constant 0 : i32
      %dma_wait3A_794 = arith.constant 0 : i32
      %dma_wait3A_795 = tpu.memref_slice %arg8[%dma_wait3A_793, %dma_wait3A_794] : memref<10112x128xf32, #tpu.memory_space<vmem_shared>> -> memref<10112x128xf32, #tpu.memory_space<vmem_shared>>
      tpu.wait_indirect_dma semaphore(%arg16 : memref<!tpu.dma_semaphore, #tpu.memory_space<semaphore_mem>>) src(%dma_wait3A_789 : memref<128x128xf32, #tpu.memory_space<vmem>>) dst(%dma_wait3A_795 : memref<10112x128xf32, #tpu.memory_space<vmem_shared>>)
      %add3A_796 = arith.constant 2 : i32
      %add3A_797 = arith.addi %add3A_756, %add3A_796 : i32
      %dma_start3A_798 = arith.constant 1 : i32
      %dma_start3A_799 = arith.constant 0 : i32
      %dma_start3A_800 = arith.constant 0 : i32
      %dma_start3A_801 = tpu.memref_slice %arg6[%dma_start3A_798, %dma_start3A_799, %dma_start3A_800] : memref<3x2x128xi32, #tpu.memory_space<vmem>> -> memref<1x2x128xi32, #tpu.memory_space<vmem>>
      %dma_start3A_802 = tpu.memref_squeeze %dma_start3A_801 : memref<1x2x128xi32, #tpu.memory_space<vmem>> -> memref<2x128xi32, #tpu.memory_space<vmem>>
      %dma_start3A_803 = arith.constant 0 : i32
      %dma_start3A_804 = arith.constant 0 : i32
      %dma_start3A_805 = tpu.memref_slice %arg3[%add3A, %add3A_797, %dma_start3A_803, %dma_start3A_804] : memref<32x81x2x128xi32, #tpu.memory_space<hbm>> -> memref<1x1x2x128xi32, #tpu.memory_space<hbm>>
      %dma_start3A_806 = tpu.memref_squeeze %dma_start3A_805 : memref<1x1x2x128xi32, #tpu.memory_space<hbm>> -> memref<2x128xi32, #tpu.memory_space<hbm>>
      %dma_start3A_807 = arith.constant 0 : i32
      %dma_start3A_808 = arith.constant 0 : i32
      %dma_start3A_809 = tpu.memref_slice %arg6[%dma_start3A_798, %dma_start3A_807, %dma_start3A_808] : memref<3x2x128xi32, #tpu.memory_space<vmem>> -> memref<1x2x128xi32, #tpu.memory_space<vmem>>
      %dma_start3A_810 = tpu.memref_squeeze %dma_start3A_809 : memref<1x2x128xi32, #tpu.memory_space<vmem>> -> memref<2x128xi32, #tpu.memory_space<vmem>>
      %dma_start3A_811 = arith.constant 0 : i32
      %dma_start3A_812 = arith.constant 0 : i32
      %dma_start3A_813 = tpu.memref_slice %arg3[%add3A, %add3A_797, %dma_start3A_811, %dma_start3A_812] : memref<32x81x2x128xi32, #tpu.memory_space<hbm>> -> memref<1x1x2x128xi32, #tpu.memory_space<hbm>>
      %dma_start3A_814 = tpu.memref_squeeze %dma_start3A_813 : memref<1x1x2x128xi32, #tpu.memory_space<hbm>> -> memref<2x128xi32, #tpu.memory_space<hbm>>
      tpu.enqueue_dma source(%dma_start3A_814 : memref<2x128xi32, #tpu.memory_space<hbm>>) target(%dma_start3A_810 : memref<2x128xi32, #tpu.memory_space<vmem>>) target_semaphore(%arg10 : memref<!tpu.dma_semaphore, #tpu.memory_space<semaphore_mem>>)
      %dma_wait3A_815 = arith.constant 0 : i32
      %dma_wait3A_816 = arith.constant 0 : i32
      %dma_wait3A_817 = arith.constant 0 : i32
      %dma_wait3A_818 = arith.constant 0 : i32
      %dma_wait3A_819 = tpu.memref_slice %arg6[%dma_wait3A_816, %dma_wait3A_817, %dma_wait3A_818] : memref<3x2x128xi32, #tpu.memory_space<vmem>> -> memref<1x2x128xi32, #tpu.memory_space<vmem>>
      %dma_wait3A_820 = tpu.memref_squeeze %dma_wait3A_819 : memref<1x2x128xi32, #tpu.memory_space<vmem>> -> memref<2x128xi32, #tpu.memory_space<vmem>>
      %dma_wait3A_821 = arith.constant 0 : i32
      %dma_wait3A_822 = arith.constant 0 : i32
      %dma_wait3A_823 = tpu.memref_slice %arg3[%add3A, %dma_wait3A_815, %dma_wait3A_821, %dma_wait3A_822] : memref<32x81x2x128xi32, #tpu.memory_space<hbm>> -> memref<1x1x2x128xi32, #tpu.memory_space<hbm>>
      %dma_wait3A_824 = tpu.memref_squeeze %dma_wait3A_823 : memref<1x1x2x128xi32, #tpu.memory_space<hbm>> -> memref<2x128xi32, #tpu.memory_space<hbm>>
      %dma_wait3A_825 = arith.constant 0 : i32
      %dma_wait3A_826 = arith.constant 0 : i32
      %dma_wait3A_827 = tpu.memref_slice %arg6[%dma_wait3A_816, %dma_wait3A_825, %dma_wait3A_826] : memref<3x2x128xi32, #tpu.memory_space<vmem>> -> memref<1x2x128xi32, #tpu.memory_space<vmem>>
      %dma_wait3A_828 = tpu.memref_squeeze %dma_wait3A_827 : memref<1x2x128xi32, #tpu.memory_space<vmem>> -> memref<2x128xi32, #tpu.memory_space<vmem>>
      %dma_wait3A_829 = arith.constant 0 : i32
      %dma_wait3A_830 = arith.constant 0 : i32
      %dma_wait3A_831 = tpu.memref_slice %arg3[%add3A, %dma_wait3A_815, %dma_wait3A_829, %dma_wait3A_830] : memref<32x81x2x128xi32, #tpu.memory_space<hbm>> -> memref<1x1x2x128xi32, #tpu.memory_space<hbm>>
      %dma_wait3A_832 = tpu.memref_squeeze %dma_wait3A_831 : memref<1x1x2x128xi32, #tpu.memory_space<hbm>> -> memref<2x128xi32, #tpu.memory_space<hbm>>
      tpu.wait_dma2 semaphore(%arg9 : memref<!tpu.dma_semaphore, #tpu.memory_space<semaphore_mem>>) src(%dma_wait3A_832 : memref<2x128xi32, #tpu.memory_space<hbm>>) dst(%dma_wait3A_828 : memref<2x128xi32, #tpu.memory_space<vmem>>)
      %dma_start3A_833 = arith.constant 0 : i32
      %dma_start3A_834 = arith.constant 0 : i32
      %dma_start3A_835 = arith.constant 0 : i32
      %dma_start3A_836 = arith.constant 0 : i32
      %dma_start3A_837 = arith.constant 0 : i32
      %dma_start3A_838 = tpu.memref_slice %arg7[%dma_start3A_835, %dma_start3A_836, %dma_start3A_837] : memref<3x128x128xf32, #tpu.memory_space<vmem>> -> memref<1x128x128xf32, #tpu.memory_space<vmem>>
      %dma_start3A_839 = tpu.memref_squeeze %dma_start3A_838 : memref<1x128x128xf32, #tpu.memory_space<vmem>> -> memref<128x128xf32, #tpu.memory_space<vmem>>
      %dma_start3A_840 = arith.constant 0 : i32
      %dma_start3A_841 = tpu.memref_slice %arg6[%dma_start3A_833, %dma_start3A_834, %dma_start3A_840] : memref<3x2x128xi32, #tpu.memory_space<vmem>> -> memref<1x1x128xi32, #tpu.memory_space<vmem>>
      %dma_start3A_842 = tpu.memref_squeeze %dma_start3A_841 : memref<1x1x128xi32, #tpu.memory_space<vmem>> -> memref<128xi32, #tpu.memory_space<vmem>>
      %dma_start3A_843 = arith.constant 0 : i32
      %dma_start3A_844 = arith.constant 0 : i32
      %dma_start3A_845 = tpu.memref_slice %arg2[%dma_start3A_843, %dma_start3A_844] : memref<10240x128xf32, #tpu.memory_space<hbm>> -> memref<10240x128xf32, #tpu.memory_space<hbm>>
      tpu.enqueue_indirect_dma source(%dma_start3A_845 : memref<10240x128xf32, #tpu.memory_space<hbm>>) target(%dma_start3A_839 : memref<128x128xf32, #tpu.memory_space<vmem>>) offsets(%dma_start3A_842 : memref<128xi32, #tpu.memory_space<vmem>>) semaphore(%arg12 : memref<!tpu.dma_semaphore, #tpu.memory_space<semaphore_mem>>)
    }
    %sub3A_350 = arith.constant 3 : i32
    %sub3A_351 = arith.subi %select_n3A_3, %sub3A_350 : i32
    %dma_wait3A_352 = arith.constant 0 : i32
    %dma_wait3A_353 = arith.constant 0 : i32
    %dma_wait3A_354 = arith.constant 0 : i32
    %dma_wait3A_355 = arith.constant 0 : i32
    %dma_wait3A_356 = arith.constant 0 : i32
    %dma_wait3A_357 = tpu.memref_slice %arg7[%dma_wait3A_354, %dma_wait3A_355, %dma_wait3A_356] : memref<3x128x128xf32, #tpu.memory_space<vmem>> -> memref<1x128x128xf32, #tpu.memory_space<vmem>>
    %dma_wait3A_358 = tpu.memref_squeeze %dma_wait3A_357 : memref<1x128x128xf32, #tpu.memory_space<vmem>> -> memref<128x128xf32, #tpu.memory_space<vmem>>
    %dma_wait3A_359 = arith.constant 0 : i32
    %dma_wait3A_360 = tpu.memref_slice %arg6[%dma_wait3A_352, %dma_wait3A_353, %dma_wait3A_359] : memref<3x2x128xi32, #tpu.memory_space<vmem>> -> memref<1x1x128xi32, #tpu.memory_space<vmem>>
    %dma_wait3A_361 = tpu.memref_squeeze %dma_wait3A_360 : memref<1x1x128xi32, #tpu.memory_space<vmem>> -> memref<128xi32, #tpu.memory_space<vmem>>
    %dma_wait3A_362 = arith.constant 0 : i32
    %dma_wait3A_363 = arith.constant 0 : i32
    %dma_wait3A_364 = tpu.memref_slice %arg2[%dma_wait3A_362, %dma_wait3A_363] : memref<10240x128xf32, #tpu.memory_space<hbm>> -> memref<10240x128xf32, #tpu.memory_space<hbm>>
    tpu.wait_indirect_dma semaphore(%arg12 : memref<!tpu.dma_semaphore, #tpu.memory_space<semaphore_mem>>) src(%dma_wait3A_364 : memref<10240x128xf32, #tpu.memory_space<hbm>>) dst(%dma_wait3A_358 : memref<128x128xf32, #tpu.memory_space<vmem>>)
    %dma_start3A_365 = arith.constant 0 : i32
    %dma_start3A_366 = arith.constant 0 : i32
    %dma_start3A_367 = arith.constant 1 : i32
    %dma_start3A_368 = arith.constant 0 : i32
    %dma_start3A_369 = arith.constant 0 : i32
    %dma_start3A_370 = tpu.memref_slice %arg7[%dma_start3A_365, %dma_start3A_368, %dma_start3A_369] : memref<3x128x128xf32, #tpu.memory_space<vmem>> -> memref<1x128x128xf32, #tpu.memory_space<vmem>>
    %dma_start3A_371 = tpu.memref_squeeze %dma_start3A_370 : memref<1x128x128xf32, #tpu.memory_space<vmem>> -> memref<128x128xf32, #tpu.memory_space<vmem>>
    %dma_start3A_372 = arith.constant 0 : i32
    %dma_start3A_373 = tpu.memref_slice %arg6[%dma_start3A_366, %dma_start3A_367, %dma_start3A_372] : memref<3x2x128xi32, #tpu.memory_space<vmem>> -> memref<1x1x128xi32, #tpu.memory_space<vmem>>
    %dma_start3A_374 = tpu.memref_squeeze %dma_start3A_373 : memref<1x1x128xi32, #tpu.memory_space<vmem>> -> memref<128xi32, #tpu.memory_space<vmem>>
    %dma_start3A_375 = arith.constant 0 : i32
    %dma_start3A_376 = arith.constant 0 : i32
    %dma_start3A_377 = tpu.memref_slice %arg8[%dma_start3A_375, %dma_start3A_376] : memref<10112x128xf32, #tpu.memory_space<vmem_shared>> -> memref<10112x128xf32, #tpu.memory_space<vmem_shared>>
    tpu.enqueue_indirect_dma source(%dma_start3A_371 : memref<128x128xf32, #tpu.memory_space<vmem>>) target(%dma_start3A_377 : memref<10112x128xf32, #tpu.memory_space<vmem_shared>>) offsets(%dma_start3A_374 : memref<128xi32, #tpu.memory_space<vmem>>) semaphore(%arg15 : memref<!tpu.dma_semaphore, #tpu.memory_space<semaphore_mem>>) {add = true}
    %dma_wait3A_378 = arith.constant 2 : i32
    %dma_wait3A_379 = arith.constant 2 : i32
    %dma_wait3A_380 = arith.constant 1 : i32
    %dma_wait3A_381 = arith.constant 0 : i32
    %dma_wait3A_382 = arith.constant 0 : i32
    %dma_wait3A_383 = tpu.memref_slice %arg7[%dma_wait3A_378, %dma_wait3A_381, %dma_wait3A_382] : memref<3x128x128xf32, #tpu.memory_space<vmem>> -> memref<1x128x128xf32, #tpu.memory_space<vmem>>
    %dma_wait3A_384 = tpu.memref_squeeze %dma_wait3A_383 : memref<1x128x128xf32, #tpu.memory_space<vmem>> -> memref<128x128xf32, #tpu.memory_space<vmem>>
    %dma_wait3A_385 = arith.constant 0 : i32
    %dma_wait3A_386 = tpu.memref_slice %arg6[%dma_wait3A_379, %dma_wait3A_380, %dma_wait3A_385] : memref<3x2x128xi32, #tpu.memory_space<vmem>> -> memref<1x1x128xi32, #tpu.memory_space<vmem>>
    %dma_wait3A_387 = tpu.memref_squeeze %dma_wait3A_386 : memref<1x1x128xi32, #tpu.memory_space<vmem>> -> memref<128xi32, #tpu.memory_space<vmem>>
    %dma_wait3A_388 = arith.constant 0 : i32
    %dma_wait3A_389 = arith.constant 0 : i32
    %dma_wait3A_390 = tpu.memref_slice %arg8[%dma_wait3A_388, %dma_wait3A_389] : memref<10112x128xf32, #tpu.memory_space<vmem_shared>> -> memref<10112x128xf32, #tpu.memory_space<vmem_shared>>
    tpu.wait_indirect_dma semaphore(%arg17 : memref<!tpu.dma_semaphore, #tpu.memory_space<semaphore_mem>>) src(%dma_wait3A_384 : memref<128x128xf32, #tpu.memory_space<vmem>>) dst(%dma_wait3A_390 : memref<10112x128xf32, #tpu.memory_space<vmem_shared>>)
    %add3A_391 = arith.constant 2 : i32
    %add3A_392 = arith.addi %sub3A_351, %add3A_391 : i32
    %dma_start3A_393 = arith.constant 2 : i32
    %dma_start3A_394 = arith.constant 0 : i32
    %dma_start3A_395 = arith.constant 0 : i32
    %dma_start3A_396 = tpu.memref_slice %arg6[%dma_start3A_393, %dma_start3A_394, %dma_start3A_395] : memref<3x2x128xi32, #tpu.memory_space<vmem>> -> memref<1x2x128xi32, #tpu.memory_space<vmem>>
    %dma_start3A_397 = tpu.memref_squeeze %dma_start3A_396 : memref<1x2x128xi32, #tpu.memory_space<vmem>> -> memref<2x128xi32, #tpu.memory_space<vmem>>
    %dma_start3A_398 = arith.constant 0 : i32
    %dma_start3A_399 = arith.constant 0 : i32
    %dma_start3A_400 = tpu.memref_slice %arg3[%add3A, %add3A_392, %dma_start3A_398, %dma_start3A_399] : memref<32x81x2x128xi32, #tpu.memory_space<hbm>> -> memref<1x1x2x128xi32, #tpu.memory_space<hbm>>
    %dma_start3A_401 = tpu.memref_squeeze %dma_start3A_400 : memref<1x1x2x128xi32, #tpu.memory_space<hbm>> -> memref<2x128xi32, #tpu.memory_space<hbm>>
    %dma_start3A_402 = arith.constant 0 : i32
    %dma_start3A_403 = arith.constant 0 : i32
    %dma_start3A_404 = tpu.memref_slice %arg6[%dma_start3A_393, %dma_start3A_402, %dma_start3A_403] : memref<3x2x128xi32, #tpu.memory_space<vmem>> -> memref<1x2x128xi32, #tpu.memory_space<vmem>>
    %dma_start3A_405 = tpu.memref_squeeze %dma_start3A_404 : memref<1x2x128xi32, #tpu.memory_space<vmem>> -> memref<2x128xi32, #tpu.memory_space<vmem>>
    %dma_start3A_406 = arith.constant 0 : i32
    %dma_start3A_407 = arith.constant 0 : i32
    %dma_start3A_408 = tpu.memref_slice %arg3[%add3A, %add3A_392, %dma_start3A_406, %dma_start3A_407] : memref<32x81x2x128xi32, #tpu.memory_space<hbm>> -> memref<1x1x2x128xi32, #tpu.memory_space<hbm>>
    %dma_start3A_409 = tpu.memref_squeeze %dma_start3A_408 : memref<1x1x2x128xi32, #tpu.memory_space<hbm>> -> memref<2x128xi32, #tpu.memory_space<hbm>>
    tpu.enqueue_dma source(%dma_start3A_409 : memref<2x128xi32, #tpu.memory_space<hbm>>) target(%dma_start3A_405 : memref<2x128xi32, #tpu.memory_space<vmem>>) target_semaphore(%arg11 : memref<!tpu.dma_semaphore, #tpu.memory_space<semaphore_mem>>)
    %dma_wait3A_410 = arith.constant 0 : i32
    %dma_wait3A_411 = arith.constant 1 : i32
    %dma_wait3A_412 = arith.constant 0 : i32
    %dma_wait3A_413 = arith.constant 0 : i32
    %dma_wait3A_414 = tpu.memref_slice %arg6[%dma_wait3A_411, %dma_wait3A_412, %dma_wait3A_413] : memref<3x2x128xi32, #tpu.memory_space<vmem>> -> memref<1x2x128xi32, #tpu.memory_space<vmem>>
    %dma_wait3A_415 = tpu.memref_squeeze %dma_wait3A_414 : memref<1x2x128xi32, #tpu.memory_space<vmem>> -> memref<2x128xi32, #tpu.memory_space<vmem>>
    %dma_wait3A_416 = arith.constant 0 : i32
    %dma_wait3A_417 = arith.constant 0 : i32
    %dma_wait3A_418 = tpu.memref_slice %arg3[%add3A, %dma_wait3A_410, %dma_wait3A_416, %dma_wait3A_417] : memref<32x81x2x128xi32, #tpu.memory_space<hbm>> -> memref<1x1x2x128xi32, #tpu.memory_space<hbm>>
    %dma_wait3A_419 = tpu.memref_squeeze %dma_wait3A_418 : memref<1x1x2x128xi32, #tpu.memory_space<hbm>> -> memref<2x128xi32, #tpu.memory_space<hbm>>
    %dma_wait3A_420 = arith.constant 0 : i32
    %dma_wait3A_421 = arith.constant 0 : i32
    %dma_wait3A_422 = tpu.memref_slice %arg6[%dma_wait3A_411, %dma_wait3A_420, %dma_wait3A_421] : memref<3x2x128xi32, #tpu.memory_space<vmem>> -> memref<1x2x128xi32, #tpu.memory_space<vmem>>
    %dma_wait3A_423 = tpu.memref_squeeze %dma_wait3A_422 : memref<1x2x128xi32, #tpu.memory_space<vmem>> -> memref<2x128xi32, #tpu.memory_space<vmem>>
    %dma_wait3A_424 = arith.constant 0 : i32
    %dma_wait3A_425 = arith.constant 0 : i32
    %dma_wait3A_426 = tpu.memref_slice %arg3[%add3A, %dma_wait3A_410, %dma_wait3A_424, %dma_wait3A_425] : memref<32x81x2x128xi32, #tpu.memory_space<hbm>> -> memref<1x1x2x128xi32, #tpu.memory_space<hbm>>
    %dma_wait3A_427 = tpu.memref_squeeze %dma_wait3A_426 : memref<1x1x2x128xi32, #tpu.memory_space<hbm>> -> memref<2x128xi32, #tpu.memory_space<hbm>>
    tpu.wait_dma2 semaphore(%arg10 : memref<!tpu.dma_semaphore, #tpu.memory_space<semaphore_mem>>) src(%dma_wait3A_427 : memref<2x128xi32, #tpu.memory_space<hbm>>) dst(%dma_wait3A_423 : memref<2x128xi32, #tpu.memory_space<vmem>>)
    %dma_start3A_428 = arith.constant 1 : i32
    %dma_start3A_429 = arith.constant 0 : i32
    %dma_start3A_430 = arith.constant 1 : i32
    %dma_start3A_431 = arith.constant 0 : i32
    %dma_start3A_432 = arith.constant 0 : i32
    %dma_start3A_433 = tpu.memref_slice %arg7[%dma_start3A_430, %dma_start3A_431, %dma_start3A_432] : memref<3x128x128xf32, #tpu.memory_space<vmem>> -> memref<1x128x128xf32, #tpu.memory_space<vmem>>
    %dma_start3A_434 = tpu.memref_squeeze %dma_start3A_433 : memref<1x128x128xf32, #tpu.memory_space<vmem>> -> memref<128x128xf32, #tpu.memory_space<vmem>>
    %dma_start3A_435 = arith.constant 0 : i32
    %dma_start3A_436 = tpu.memref_slice %arg6[%dma_start3A_428, %dma_start3A_429, %dma_start3A_435] : memref<3x2x128xi32, #tpu.memory_space<vmem>> -> memref<1x1x128xi32, #tpu.memory_space<vmem>>
    %dma_start3A_437 = tpu.memref_squeeze %dma_start3A_436 : memref<1x1x128xi32, #tpu.memory_space<vmem>> -> memref<128xi32, #tpu.memory_space<vmem>>
    %dma_start3A_438 = arith.constant 0 : i32
    %dma_start3A_439 = arith.constant 0 : i32
    %dma_start3A_440 = tpu.memref_slice %arg2[%dma_start3A_438, %dma_start3A_439] : memref<10240x128xf32, #tpu.memory_space<hbm>> -> memref<10240x128xf32, #tpu.memory_space<hbm>>
    tpu.enqueue_indirect_dma source(%dma_start3A_440 : memref<10240x128xf32, #tpu.memory_space<hbm>>) target(%dma_start3A_434 : memref<128x128xf32, #tpu.memory_space<vmem>>) offsets(%dma_start3A_437 : memref<128xi32, #tpu.memory_space<vmem>>) semaphore(%arg13 : memref<!tpu.dma_semaphore, #tpu.memory_space<semaphore_mem>>)
    %sub3A_441 = arith.constant 2 : i32
    %sub3A_442 = arith.subi %select_n3A_3, %sub3A_441 : i32
    %dma_wait3A_443 = arith.constant 1 : i32
    %dma_wait3A_444 = arith.constant 0 : i32
    %dma_wait3A_445 = arith.constant 1 : i32
    %dma_wait3A_446 = arith.constant 0 : i32
    %dma_wait3A_447 = arith.constant 0 : i32
    %dma_wait3A_448 = tpu.memref_slice %arg7[%dma_wait3A_445, %dma_wait3A_446, %dma_wait3A_447] : memref<3x128x128xf32, #tpu.memory_space<vmem>> -> memref<1x128x128xf32, #tpu.memory_space<vmem>>
    %dma_wait3A_449 = tpu.memref_squeeze %dma_wait3A_448 : memref<1x128x128xf32, #tpu.memory_space<vmem>> -> memref<128x128xf32, #tpu.memory_space<vmem>>
    %dma_wait3A_450 = arith.constant 0 : i32
    %dma_wait3A_451 = tpu.memref_slice %arg6[%dma_wait3A_443, %dma_wait3A_444, %dma_wait3A_450] : memref<3x2x128xi32, #tpu.memory_space<vmem>> -> memref<1x1x128xi32, #tpu.memory_space<vmem>>
    %dma_wait3A_452 = tpu.memref_squeeze %dma_wait3A_451 : memref<1x1x128xi32, #tpu.memory_space<vmem>> -> memref<128xi32, #tpu.memory_space<vmem>>
    %dma_wait3A_453 = arith.constant 0 : i32
    %dma_wait3A_454 = arith.constant 0 : i32
    %dma_wait3A_455 = tpu.memref_slice %arg2[%dma_wait3A_453, %dma_wait3A_454] : memref<10240x128xf32, #tpu.memory_space<hbm>> -> memref<10240x128xf32, #tpu.memory_space<hbm>>
    tpu.wait_indirect_dma semaphore(%arg13 : memref<!tpu.dma_semaphore, #tpu.memory_space<semaphore_mem>>) src(%dma_wait3A_455 : memref<10240x128xf32, #tpu.memory_space<hbm>>) dst(%dma_wait3A_449 : memref<128x128xf32, #tpu.memory_space<vmem>>)
    %dma_start3A_456 = arith.constant 1 : i32
    %dma_start3A_457 = arith.constant 1 : i32
    %dma_start3A_458 = arith.constant 1 : i32
    %dma_start3A_459 = arith.constant 0 : i32
    %dma_start3A_460 = arith.constant 0 : i32
    %dma_start3A_461 = tpu.memref_slice %arg7[%dma_start3A_456, %dma_start3A_459, %dma_start3A_460] : memref<3x128x128xf32, #tpu.memory_space<vmem>> -> memref<1x128x128xf32, #tpu.memory_space<vmem>>
    %dma_start3A_462 = tpu.memref_squeeze %dma_start3A_461 : memref<1x128x128xf32, #tpu.memory_space<vmem>> -> memref<128x128xf32, #tpu.memory_space<vmem>>
    %dma_start3A_463 = arith.constant 0 : i32
    %dma_start3A_464 = tpu.memref_slice %arg6[%dma_start3A_457, %dma_start3A_458, %dma_start3A_463] : memref<3x2x128xi32, #tpu.memory_space<vmem>> -> memref<1x1x128xi32, #tpu.memory_space<vmem>>
    %dma_start3A_465 = tpu.memref_squeeze %dma_start3A_464 : memref<1x1x128xi32, #tpu.memory_space<vmem>> -> memref<128xi32, #tpu.memory_space<vmem>>
    %dma_start3A_466 = arith.constant 0 : i32
    %dma_start3A_467 = arith.constant 0 : i32
    %dma_start3A_468 = tpu.memref_slice %arg8[%dma_start3A_466, %dma_start3A_467] : memref<10112x128xf32, #tpu.memory_space<vmem_shared>> -> memref<10112x128xf32, #tpu.memory_space<vmem_shared>>
    tpu.enqueue_indirect_dma source(%dma_start3A_462 : memref<128x128xf32, #tpu.memory_space<vmem>>) target(%dma_start3A_468 : memref<10112x128xf32, #tpu.memory_space<vmem_shared>>) offsets(%dma_start3A_465 : memref<128xi32, #tpu.memory_space<vmem>>) semaphore(%arg16 : memref<!tpu.dma_semaphore, #tpu.memory_space<semaphore_mem>>) {add = true}
    %dma_wait3A_469 = arith.constant 0 : i32
    %dma_wait3A_470 = arith.constant 0 : i32
    %dma_wait3A_471 = arith.constant 1 : i32
    %dma_wait3A_472 = arith.constant 0 : i32
    %dma_wait3A_473 = arith.constant 0 : i32
    %dma_wait3A_474 = tpu.memref_slice %arg7[%dma_wait3A_469, %dma_wait3A_472, %dma_wait3A_473] : memref<3x128x128xf32, #tpu.memory_space<vmem>> -> memref<1x128x128xf32, #tpu.memory_space<vmem>>
    %dma_wait3A_475 = tpu.memref_squeeze %dma_wait3A_474 : memref<1x128x128xf32, #tpu.memory_space<vmem>> -> memref<128x128xf32, #tpu.memory_space<vmem>>
    %dma_wait3A_476 = arith.constant 0 : i32
    %dma_wait3A_477 = tpu.memref_slice %arg6[%dma_wait3A_470, %dma_wait3A_471, %dma_wait3A_476] : memref<3x2x128xi32, #tpu.memory_space<vmem>> -> memref<1x1x128xi32, #tpu.memory_space<vmem>>
    %dma_wait3A_478 = tpu.memref_squeeze %dma_wait3A_477 : memref<1x1x128xi32, #tpu.memory_space<vmem>> -> memref<128xi32, #tpu.memory_space<vmem>>
    %dma_wait3A_479 = arith.constant 0 : i32
    %dma_wait3A_480 = arith.constant 0 : i32
    %dma_wait3A_481 = tpu.memref_slice %arg8[%dma_wait3A_479, %dma_wait3A_480] : memref<10112x128xf32, #tpu.memory_space<vmem_shared>> -> memref<10112x128xf32, #tpu.memory_space<vmem_shared>>
    tpu.wait_indirect_dma semaphore(%arg15 : memref<!tpu.dma_semaphore, #tpu.memory_space<semaphore_mem>>) src(%dma_wait3A_475 : memref<128x128xf32, #tpu.memory_space<vmem>>) dst(%dma_wait3A_481 : memref<10112x128xf32, #tpu.memory_space<vmem_shared>>)
    %dma_wait3A_482 = arith.constant 0 : i32
    %dma_wait3A_483 = arith.constant 2 : i32
    %dma_wait3A_484 = arith.constant 0 : i32
    %dma_wait3A_485 = arith.constant 0 : i32
    %dma_wait3A_486 = tpu.memref_slice %arg6[%dma_wait3A_483, %dma_wait3A_484, %dma_wait3A_485] : memref<3x2x128xi32, #tpu.memory_space<vmem>> -> memref<1x2x128xi32, #tpu.memory_space<vmem>>
    %dma_wait3A_487 = tpu.memref_squeeze %dma_wait3A_486 : memref<1x2x128xi32, #tpu.memory_space<vmem>> -> memref<2x128xi32, #tpu.memory_space<vmem>>
    %dma_wait3A_488 = arith.constant 0 : i32
    %dma_wait3A_489 = arith.constant 0 : i32
    %dma_wait3A_490 = tpu.memref_slice %arg3[%add3A, %dma_wait3A_482, %dma_wait3A_488, %dma_wait3A_489] : memref<32x81x2x128xi32, #tpu.memory_space<hbm>> -> memref<1x1x2x128xi32, #tpu.memory_space<hbm>>
    %dma_wait3A_491 = tpu.memref_squeeze %dma_wait3A_490 : memref<1x1x2x128xi32, #tpu.memory_space<hbm>> -> memref<2x128xi32, #tpu.memory_space<hbm>>
    %dma_wait3A_492 = arith.constant 0 : i32
    %dma_wait3A_493 = arith.constant 0 : i32
    %dma_wait3A_494 = tpu.memref_slice %arg6[%dma_wait3A_483, %dma_wait3A_492, %dma_wait3A_493] : memref<3x2x128xi32, #tpu.memory_space<vmem>> -> memref<1x2x128xi32, #tpu.memory_space<vmem>>
    %dma_wait3A_495 = tpu.memref_squeeze %dma_wait3A_494 : memref<1x2x128xi32, #tpu.memory_space<vmem>> -> memref<2x128xi32, #tpu.memory_space<vmem>>
    %dma_wait3A_496 = arith.constant 0 : i32
    %dma_wait3A_497 = arith.constant 0 : i32
    %dma_wait3A_498 = tpu.memref_slice %arg3[%add3A, %dma_wait3A_482, %dma_wait3A_496, %dma_wait3A_497] : memref<32x81x2x128xi32, #tpu.memory_space<hbm>> -> memref<1x1x2x128xi32, #tpu.memory_space<hbm>>
    %dma_wait3A_499 = tpu.memref_squeeze %dma_wait3A_498 : memref<1x1x2x128xi32, #tpu.memory_space<hbm>> -> memref<2x128xi32, #tpu.memory_space<hbm>>
    tpu.wait_dma2 semaphore(%arg11 : memref<!tpu.dma_semaphore, #tpu.memory_space<semaphore_mem>>) src(%dma_wait3A_499 : memref<2x128xi32, #tpu.memory_space<hbm>>) dst(%dma_wait3A_495 : memref<2x128xi32, #tpu.memory_space<vmem>>)
    %dma_start3A_500 = arith.constant 2 : i32
    %dma_start3A_501 = arith.constant 0 : i32
    %dma_start3A_502 = arith.constant 2 : i32
    %dma_start3A_503 = arith.constant 0 : i32
    %dma_start3A_504 = arith.constant 0 : i32
    %dma_start3A_505 = tpu.memref_slice %arg7[%dma_start3A_502, %dma_start3A_503, %dma_start3A_504] : memref<3x128x128xf32, #tpu.memory_space<vmem>> -> memref<1x128x128xf32, #tpu.memory_space<vmem>>
    %dma_start3A_506 = tpu.memref_squeeze %dma_start3A_505 : memref<1x128x128xf32, #tpu.memory_space<vmem>> -> memref<128x128xf32, #tpu.memory_space<vmem>>
    %dma_start3A_507 = arith.constant 0 : i32
    %dma_start3A_508 = tpu.memref_slice %arg6[%dma_start3A_500, %dma_start3A_501, %dma_start3A_507] : memref<3x2x128xi32, #tpu.memory_space<vmem>> -> memref<1x1x128xi32, #tpu.memory_space<vmem>>
    %dma_start3A_509 = tpu.memref_squeeze %dma_start3A_508 : memref<1x1x128xi32, #tpu.memory_space<vmem>> -> memref<128xi32, #tpu.memory_space<vmem>>
    %dma_start3A_510 = arith.constant 0 : i32
    %dma_start3A_511 = arith.constant 0 : i32
    %dma_start3A_512 = tpu.memref_slice %arg2[%dma_start3A_510, %dma_start3A_511] : memref<10240x128xf32, #tpu.memory_space<hbm>> -> memref<10240x128xf32, #tpu.memory_space<hbm>>
    tpu.enqueue_indirect_dma source(%dma_start3A_512 : memref<10240x128xf32, #tpu.memory_space<hbm>>) target(%dma_start3A_506 : memref<128x128xf32, #tpu.memory_space<vmem>>) offsets(%dma_start3A_509 : memref<128xi32, #tpu.memory_space<vmem>>) semaphore(%arg14 : memref<!tpu.dma_semaphore, #tpu.memory_space<semaphore_mem>>)
    %sub3A_513 = arith.constant 1 : i32
    %sub3A_514 = arith.subi %select_n3A_3, %sub3A_513 : i32
    %dma_wait3A_515 = arith.constant 2 : i32
    %dma_wait3A_516 = arith.constant 0 : i32
    %dma_wait3A_517 = arith.constant 2 : i32
    %dma_wait3A_518 = arith.constant 0 : i32
    %dma_wait3A_519 = arith.constant 0 : i32
    %dma_wait3A_520 = tpu.memref_slice %arg7[%dma_wait3A_517, %dma_wait3A_518, %dma_wait3A_519] : memref<3x128x128xf32, #tpu.memory_space<vmem>> -> memref<1x128x128xf32, #tpu.memory_space<vmem>>
    %dma_wait3A_521 = tpu.memref_squeeze %dma_wait3A_520 : memref<1x128x128xf32, #tpu.memory_space<vmem>> -> memref<128x128xf32, #tpu.memory_space<vmem>>
    %dma_wait3A_522 = arith.constant 0 : i32
    %dma_wait3A_523 = tpu.memref_slice %arg6[%dma_wait3A_515, %dma_wait3A_516, %dma_wait3A_522] : memref<3x2x128xi32, #tpu.memory_space<vmem>> -> memref<1x1x128xi32, #tpu.memory_space<vmem>>
    %dma_wait3A_524 = tpu.memref_squeeze %dma_wait3A_523 : memref<1x1x128xi32, #tpu.memory_space<vmem>> -> memref<128xi32, #tpu.memory_space<vmem>>
    %dma_wait3A_525 = arith.constant 0 : i32
    %dma_wait3A_526 = arith.constant 0 : i32
    %dma_wait3A_527 = tpu.memref_slice %arg2[%dma_wait3A_525, %dma_wait3A_526] : memref<10240x128xf32, #tpu.memory_space<hbm>> -> memref<10240x128xf32, #tpu.memory_space<hbm>>
    tpu.wait_indirect_dma semaphore(%arg14 : memref<!tpu.dma_semaphore, #tpu.memory_space<semaphore_mem>>) src(%dma_wait3A_527 : memref<10240x128xf32, #tpu.memory_space<hbm>>) dst(%dma_wait3A_521 : memref<128x128xf32, #tpu.memory_space<vmem>>)
    %dma_start3A_528 = arith.constant 2 : i32
    %dma_start3A_529 = arith.constant 2 : i32
    %dma_start3A_530 = arith.constant 1 : i32
    %dma_start3A_531 = arith.constant 0 : i32
    %dma_start3A_532 = arith.constant 0 : i32
    %dma_start3A_533 = tpu.memref_slice %arg7[%dma_start3A_528, %dma_start3A_531, %dma_start3A_532] : memref<3x128x128xf32, #tpu.memory_space<vmem>> -> memref<1x128x128xf32, #tpu.memory_space<vmem>>
    %dma_start3A_534 = tpu.memref_squeeze %dma_start3A_533 : memref<1x128x128xf32, #tpu.memory_space<vmem>> -> memref<128x128xf32, #tpu.memory_space<vmem>>
    %dma_start3A_535 = arith.constant 0 : i32
    %dma_start3A_536 = tpu.memref_slice %arg6[%dma_start3A_529, %dma_start3A_530, %dma_start3A_535] : memref<3x2x128xi32, #tpu.memory_space<vmem>> -> memref<1x1x128xi32, #tpu.memory_space<vmem>>
    %dma_start3A_537 = tpu.memref_squeeze %dma_start3A_536 : memref<1x1x128xi32, #tpu.memory_space<vmem>> -> memref<128xi32, #tpu.memory_space<vmem>>
    %dma_start3A_538 = arith.constant 0 : i32
    %dma_start3A_539 = arith.constant 0 : i32
    %dma_start3A_540 = tpu.memref_slice %arg8[%dma_start3A_538, %dma_start3A_539] : memref<10112x128xf32, #tpu.memory_space<vmem_shared>> -> memref<10112x128xf32, #tpu.memory_space<vmem_shared>>
    tpu.enqueue_indirect_dma source(%dma_start3A_534 : memref<128x128xf32, #tpu.memory_space<vmem>>) target(%dma_start3A_540 : memref<10112x128xf32, #tpu.memory_space<vmem_shared>>) offsets(%dma_start3A_537 : memref<128xi32, #tpu.memory_space<vmem>>) semaphore(%arg17 : memref<!tpu.dma_semaphore, #tpu.memory_space<semaphore_mem>>) {add = true}
    %dma_wait3A_541 = arith.constant 1 : i32
    %dma_wait3A_542 = arith.constant 1 : i32
    %dma_wait3A_543 = arith.constant 1 : i32
    %dma_wait3A_544 = arith.constant 0 : i32
    %dma_wait3A_545 = arith.constant 0 : i32
    %dma_wait3A_546 = tpu.memref_slice %arg7[%dma_wait3A_541, %dma_wait3A_544, %dma_wait3A_545] : memref<3x128x128xf32, #tpu.memory_space<vmem>> -> memref<1x128x128xf32, #tpu.memory_space<vmem>>
    %dma_wait3A_547 = tpu.memref_squeeze %dma_wait3A_546 : memref<1x128x128xf32, #tpu.memory_space<vmem>> -> memref<128x128xf32, #tpu.memory_space<vmem>>
    %dma_wait3A_548 = arith.constant 0 : i32
    %dma_wait3A_549 = tpu.memref_slice %arg6[%dma_wait3A_542, %dma_wait3A_543, %dma_wait3A_548] : memref<3x2x128xi32, #tpu.memory_space<vmem>> -> memref<1x1x128xi32, #tpu.memory_space<vmem>>
    %dma_wait3A_550 = tpu.memref_squeeze %dma_wait3A_549 : memref<1x1x128xi32, #tpu.memory_space<vmem>> -> memref<128xi32, #tpu.memory_space<vmem>>
    %dma_wait3A_551 = arith.constant 0 : i32
    %dma_wait3A_552 = arith.constant 0 : i32
    %dma_wait3A_553 = tpu.memref_slice %arg8[%dma_wait3A_551, %dma_wait3A_552] : memref<10112x128xf32, #tpu.memory_space<vmem_shared>> -> memref<10112x128xf32, #tpu.memory_space<vmem_shared>>
    tpu.wait_indirect_dma semaphore(%arg16 : memref<!tpu.dma_semaphore, #tpu.memory_space<semaphore_mem>>) src(%dma_wait3A_547 : memref<128x128xf32, #tpu.memory_space<vmem>>) dst(%dma_wait3A_553 : memref<10112x128xf32, #tpu.memory_space<vmem_shared>>)
    %dma_wait3A_554 = arith.constant 2 : i32
    %dma_wait3A_555 = arith.constant 2 : i32
    %dma_wait3A_556 = arith.constant 1 : i32
    %dma_wait3A_557 = arith.constant 0 : i32
    %dma_wait3A_558 = arith.constant 0 : i32
    %dma_wait3A_559 = tpu.memref_slice %arg7[%dma_wait3A_554, %dma_wait3A_557, %dma_wait3A_558] : memref<3x128x128xf32, #tpu.memory_space<vmem>> -> memref<1x128x128xf32, #tpu.memory_space<vmem>>
    %dma_wait3A_560 = tpu.memref_squeeze %dma_wait3A_559 : memref<1x128x128xf32, #tpu.memory_space<vmem>> -> memref<128x128xf32, #tpu.memory_space<vmem>>
    %dma_wait3A_561 = arith.constant 0 : i32
    %dma_wait3A_562 = tpu.memref_slice %arg6[%dma_wait3A_555, %dma_wait3A_556, %dma_wait3A_561] : memref<3x2x128xi32, #tpu.memory_space<vmem>> -> memref<1x1x128xi32, #tpu.memory_space<vmem>>
    %dma_wait3A_563 = tpu.memref_squeeze %dma_wait3A_562 : memref<1x1x128xi32, #tpu.memory_space<vmem>> -> memref<128xi32, #tpu.memory_space<vmem>>
    %dma_wait3A_564 = arith.constant 0 : i32
    %dma_wait3A_565 = arith.constant 0 : i32
    %dma_wait3A_566 = tpu.memref_slice %arg8[%dma_wait3A_564, %dma_wait3A_565] : memref<10112x128xf32, #tpu.memory_space<vmem_shared>> -> memref<10112x128xf32, #tpu.memory_space<vmem_shared>>
    tpu.wait_indirect_dma semaphore(%arg17 : memref<!tpu.dma_semaphore, #tpu.memory_space<semaphore_mem>>) src(%dma_wait3A_560 : memref<128x128xf32, #tpu.memory_space<vmem>>) dst(%dma_wait3A_566 : memref<10112x128xf32, #tpu.memory_space<vmem_shared>>)
    %barrier3A_567 = arith.constant 0 : index
    tpu.barrier barrier_id(%barrier3A_567)
    %mul3A_568 = arith.constant 632 : i32
    %mul3A_569 = arith.muli %arg1, %mul3A_568 : i32
    %mul3A_570 = arith.constant 632 : i32
    %mul3A_571 = arith.muli %arg1, %mul3A_570 : i32
    "tpu.region"() ({
      %run_scoped3A = tpu.sem_alloc : memref<!tpu.dma_semaphore, #tpu.memory_space<semaphore_mem>>
      %dma_start3A_572 = arith.constant 0 : i32
      %dma_start3A_573 = arith.constant 0 : i32
      %dma_start3A_574 = tpu.memref_slice %arg5[%arg0, %dma_start3A_572, %dma_start3A_573] : memref<2x10240x128xf32, #tpu.memory_space<hbm>> -> memref<1x10240x128xf32, #tpu.memory_space<hbm>>
      %dma_start3A_575 = tpu.memref_squeeze %dma_start3A_574 : memref<1x10240x128xf32, #tpu.memory_space<hbm>> -> memref<10240x128xf32, #tpu.memory_space<hbm>>
      %dma_start3A_576 = arith.constant 0 : i32
      %dma_start3A_577 = tpu.memref_slice %dma_start3A_575[%mul3A_571, %dma_start3A_576] : memref<10240x128xf32, #tpu.memory_space<hbm>> -> memref<632x128xf32, #tpu.memory_space<hbm>>
      %dma_start3A_578 = arith.constant 0 : i32
      %dma_start3A_579 = tpu.memref_slice %arg8[%mul3A_569, %dma_start3A_578] : memref<10112x128xf32, #tpu.memory_space<vmem_shared>> -> memref<632x128xf32, #tpu.memory_space<vmem_shared>>
      tpu.enqueue_dma source(%dma_start3A_579 : memref<632x128xf32, #tpu.memory_space<vmem_shared>>) target(%dma_start3A_577 : memref<632x128xf32, #tpu.memory_space<hbm>>) target_semaphore(%run_scoped3A : memref<!tpu.dma_semaphore, #tpu.memory_space<semaphore_mem>>)
      %dma_wait3A_580 = arith.constant 0 : i32
      %dma_wait3A_581 = arith.constant 0 : i32
      %dma_wait3A_582 = tpu.memref_slice %arg5[%arg0, %dma_wait3A_580, %dma_wait3A_581] : memref<2x10240x128xf32, #tpu.memory_space<hbm>> -> memref<1x10240x128xf32, #tpu.memory_space<hbm>>
      %dma_wait3A_583 = tpu.memref_squeeze %dma_wait3A_582 : memref<1x10240x128xf32, #tpu.memory_space<hbm>> -> memref<10240x128xf32, #tpu.memory_space<hbm>>
      %dma_wait3A_584 = arith.constant 0 : i32
      %dma_wait3A_585 = tpu.memref_slice %dma_wait3A_583[%mul3A_571, %dma_wait3A_584] : memref<10240x128xf32, #tpu.memory_space<hbm>> -> memref<632x128xf32, #tpu.memory_space<hbm>>
      %dma_wait3A_586 = arith.constant 0 : i32
      %dma_wait3A_587 = tpu.memref_slice %arg8[%mul3A_569, %dma_wait3A_586] : memref<10112x128xf32, #tpu.memory_space<vmem_shared>> -> memref<632x128xf32, #tpu.memory_space<vmem_shared>>
      tpu.wait_dma2 semaphore(%run_scoped3A : memref<!tpu.dma_semaphore, #tpu.memory_space<semaphore_mem>>) src(%dma_wait3A_587 : memref<632x128xf32, #tpu.memory_space<vmem_shared>>) dst(%dma_wait3A_585 : memref<632x128xf32, #tpu.memory_space<hbm>>)
      tpu.yield
    }) : () -> ()
    return
  }
}

#map = affine_map<(d0, d1) -> (0, 0)>
#map1 = affine_map<(d0, d1) -> (0, 0, 0, 0)>
#map2 = affine_map<(d0, d1) -> (0, 0, 0)>
module attributes {stable_mosaic.version = 14 : i64} {
  func.func @_scatter_kernel(%arg0: i32, %arg1: i32, %arg2: memref<10240x128xf32, #tpu.memory_space<hbm>>, %arg3: memref<32x81x2x128xi32, #tpu.memory_space<hbm>>, %arg4: memref<632x128xf32, #tpu.memory_space<hbm>>, %arg5: memref<2x10240x128xf32, #tpu.memory_space<hbm>>, %arg6: memref<3x2x128xi32, #tpu.memory_space<vmem>>, %arg7: memref<3x128x128xf32, #tpu.memory_space<vmem>>, %arg8: memref<10112x128xf32, #tpu.memory_space<vmem_shared>>, %arg9: memref<!tpu.dma_semaphore, #tpu.memory_space<semaphore_mem>>, %arg10: memref<!tpu.dma_semaphore, #tpu.memory_space<semaphore_mem>>, %arg11: memref<!tpu.dma_semaphore, #tpu.memory_space<semaphore_mem>>, %arg12: memref<!tpu.dma_semaphore, #tpu.memory_space<semaphore_mem>>, %arg13: memref<!tpu.dma_semaphore, #tpu.memory_space<semaphore_mem>>, %arg14: memref<!tpu.dma_semaphore, #tpu.memory_space<semaphore_mem>>, %arg15: memref<!tpu.dma_semaphore, #tpu.memory_space<semaphore_mem>>, %arg16: memref<!tpu.dma_semaphore, #tpu.memory_space<semaphore_mem>>, %arg17: memref<!tpu.dma_semaphore, #tpu.memory_space<semaphore_mem>>) attributes {dimension_semantics = [#tpu.dimension_semantics<core_parallel>, #tpu.dimension_semantics<subcore_parallel>], iteration_bounds = array<i64: 2, 16>, scalar_prefetch = 0 : i64, scratch_operands = 12 : i64, tpu.core_type = #tpu.core_type<sc_vector_subcore>, window_params = [{transform_indices = #map}, {transform_indices = #map1}, {transform_indices = #map}, {transform_indices = #map2}]} {
    %mul3A = arith.constant 16 : i32
    %mul3A_0 = arith.muli %arg0, %mul3A : i32
    %add3A = arith.addi %mul3A_0, %arg1 : i32
    %eq3A = arith.constant 0 : i32
    %eq3A_1 = arith.cmpi eq, %arg0, %eq3A : i32
    %select_n3A = arith.constant 81 : i32
    %select_n3A_2 = arith.constant 81 : i32
    %select_n3A_3 = arith.select %eq3A_1, %select_n3A_2, %select_n3A : i32
    %dma_start3A = arith.constant 0 : i32
    %dma_start3A_4 = arith.constant 0 : i32
    %dma_start3A_5 = arith.constant 0 : i32
    %dma_start3A_6 = arith.constant 0 : i32
    %dma_start3A_7 = tpu.memref_slice %arg6[%dma_start3A_4, %dma_start3A_5, %dma_start3A_6] : memref<3x2x128xi32, #tpu.memory_space<vmem>> -> memref<1x2x128xi32, #tpu.memory_space<vmem>>
    %dma_start3A_8 = tpu.memref_squeeze %dma_start3A_7 : memref<1x2x128xi32, #tpu.memory_space<vmem>> -> memref<2x128xi32, #tpu.memory_space<vmem>>
    %dma_start3A_9 = arith.constant 0 : i32
    %dma_start3A_10 = arith.constant 0 : i32
    %dma_start3A_11 = tpu.memref_slice %arg3[%add3A, %dma_start3A, %dma_start3A_9, %dma_start3A_10] : memref<32x81x2x128xi32, #tpu.memory_space<hbm>> -> memref<1x1x2x128xi32, #tpu.memory_space<hbm>>
    %dma_start3A_12 = tpu.memref_squeeze %dma_start3A_11 : memref<1x1x2x128xi32, #tpu.memory_space<hbm>> -> memref<2x128xi32, #tpu.memory_space<hbm>>
    %dma_start3A_13 = arith.constant 0 : i32
    %dma_start3A_14 = arith.constant 0 : i32
    %dma_start3A_15 = tpu.memref_slice %arg6[%dma_start3A_4, %dma_start3A_13, %dma_start3A_14] : memref<3x2x128xi32, #tpu.memory_space<vmem>> -> memref<1x2x128xi32, #tpu.memory_space<vmem>>
    %dma_start3A_16 = tpu.memref_squeeze %dma_start3A_15 : memref<1x2x128xi32, #tpu.memory_space<vmem>> -> memref<2x128xi32, #tpu.memory_space<vmem>>
    %dma_start3A_17 = arith.constant 0 : i32
    %dma_start3A_18 = arith.constant 0 : i32
    %dma_start3A_19 = tpu.memref_slice %arg3[%add3A, %dma_start3A, %dma_start3A_17, %dma_start3A_18] : memref<32x81x2x128xi32, #tpu.memory_space<hbm>> -> memref<1x1x2x128xi32, #tpu.memory_space<hbm>>
    %dma_start3A_20 = tpu.memref_squeeze %dma_start3A_19 : memref<1x1x2x128xi32, #tpu.memory_space<hbm>> -> memref<2x128xi32, #tpu.memory_space<hbm>>
    tpu.enqueue_dma source(%dma_start3A_20 : memref<2x128xi32, #tpu.memory_space<hbm>>) target(%dma_start3A_16 : memref<2x128xi32, #tpu.memory_space<vmem>>) target_semaphore(%arg9 : memref<!tpu.dma_semaphore, #tpu.memory_space<semaphore_mem>>)
    %dma_start3A_21 = arith.constant 1 : i32
    %dma_start3A_22 = arith.constant 1 : i32
    %dma_start3A_23 = arith.constant 0 : i32
    %dma_start3A_24 = arith.constant 0 : i32
    %dma_start3A_25 = tpu.memref_slice %arg6[%dma_start3A_22, %dma_start3A_23, %dma_start3A_24] : memref<3x2x128xi32, #tpu.memory_space<vmem>> -> memref<1x2x128xi32, #tpu.memory_space<vmem>>
    %dma_start3A_26 = tpu.memref_squeeze %dma_start3A_25 : memref<1x2x128xi32, #tpu.memory_space<vmem>> -> memref<2x128xi32, #tpu.memory_space<vmem>>
    %dma_start3A_27 = arith.constant 0 : i32
    %dma_start3A_28 = arith.constant 0 : i32
    %dma_start3A_29 = tpu.memref_slice %arg3[%add3A, %dma_start3A_21, %dma_start3A_27, %dma_start3A_28] : memref<32x81x2x128xi32, #tpu.memory_space<hbm>> -> memref<1x1x2x128xi32, #tpu.memory_space<hbm>>
    %dma_start3A_30 = tpu.memref_squeeze %dma_start3A_29 : memref<1x1x2x128xi32, #tpu.memory_space<hbm>> -> memref<2x128xi32, #tpu.memory_space<hbm>>
    %dma_start3A_31 = arith.constant 0 : i32
    %dma_start3A_32 = arith.constant 0 : i32
    %dma_start3A_33 = tpu.memref_slice %arg6[%dma_start3A_22, %dma_start3A_31, %dma_start3A_32] : memref<3x2x128xi32, #tpu.memory_space<vmem>> -> memref<1x2x128xi32, #tpu.memory_space<vmem>>
    %dma_start3A_34 = tpu.memref_squeeze %dma_start3A_33 : memref<1x2x128xi32, #tpu.memory_space<vmem>> -> memref<2x128xi32, #tpu.memory_space<vmem>>
    %dma_start3A_35 = arith.constant 0 : i32
    %dma_start3A_36 = arith.constant 0 : i32
    %dma_start3A_37 = tpu.memref_slice %arg3[%add3A, %dma_start3A_21, %dma_start3A_35, %dma_start3A_36] : memref<32x81x2x128xi32, #tpu.memory_space<hbm>> -> memref<1x1x2x128xi32, #tpu.memory_space<hbm>>
    %dma_start3A_38 = tpu.memref_squeeze %dma_start3A_37 : memref<1x1x2x128xi32, #tpu.memory_space<hbm>> -> memref<2x128xi32, #tpu.memory_space<hbm>>
    tpu.enqueue_dma source(%dma_start3A_38 : memref<2x128xi32, #tpu.memory_space<hbm>>) target(%dma_start3A_34 : memref<2x128xi32, #tpu.memory_space<vmem>>) target_semaphore(%arg10 : memref<!tpu.dma_semaphore, #tpu.memory_space<semaphore_mem>>)
    %dma_wait3A = arith.constant 0 : i32
    %dma_wait3A_39 = arith.constant 0 : i32
    %dma_wait3A_40 = arith.constant 0 : i32
    %dma_wait3A_41 = arith.constant 0 : i32
    %dma_wait3A_42 = tpu.memref_slice %arg6[%dma_wait3A_39, %dma_wait3A_40, %dma_wait3A_41] : memref<3x2x128xi32, #tpu.memory_space<vmem>> -> memref<1x2x128xi32, #tpu.memory_space<vmem>>
    %dma_wait3A_43 = tpu.memref_squeeze %dma_wait3A_42 : memref<1x2x128xi32, #tpu.memory_space<vmem>> -> memref<2x128xi32, #tpu.memory_space<vmem>>
    %dma_wait3A_44 = arith.constant 0 : i32
    %dma_wait3A_45 = arith.constant 0 : i32
    %dma_wait3A_46 = tpu.memref_slice %arg3[%add3A, %dma_wait3A, %dma_wait3A_44, %dma_wait3A_45] : memref<32x81x2x128xi32, #tpu.memory_space<hbm>> -> memref<1x1x2x128xi32, #tpu.memory_space<hbm>>
    %dma_wait3A_47 = tpu.memref_squeeze %dma_wait3A_46 : memref<1x1x2x128xi32, #tpu.memory_space<hbm>> -> memref<2x128xi32, #tpu.memory_space<hbm>>
    %dma_wait3A_48 = arith.constant 0 : i32
    %dma_wait3A_49 = arith.constant 0 : i32
    %dma_wait3A_50 = tpu.memref_slice %arg6[%dma_wait3A_39, %dma_wait3A_48, %dma_wait3A_49] : memref<3x2x128xi32, #tpu.memory_space<vmem>> -> memref<1x2x128xi32, #tpu.memory_space<vmem>>
    %dma_wait3A_51 = tpu.memref_squeeze %dma_wait3A_50 : memref<1x2x128xi32, #tpu.memory_space<vmem>> -> memref<2x128xi32, #tpu.memory_space<vmem>>
    %dma_wait3A_52 = arith.constant 0 : i32
    %dma_wait3A_53 = arith.constant 0 : i32
    %dma_wait3A_54 = tpu.memref_slice %arg3[%add3A, %dma_wait3A, %dma_wait3A_52, %dma_wait3A_53] : memref<32x81x2x128xi32, #tpu.memory_space<hbm>> -> memref<1x1x2x128xi32, #tpu.memory_space<hbm>>
    %dma_wait3A_55 = tpu.memref_squeeze %dma_wait3A_54 : memref<1x1x2x128xi32, #tpu.memory_space<hbm>> -> memref<2x128xi32, #tpu.memory_space<hbm>>
    tpu.wait_dma2 semaphore(%arg9 : memref<!tpu.dma_semaphore, #tpu.memory_space<semaphore_mem>>) src(%dma_wait3A_55 : memref<2x128xi32, #tpu.memory_space<hbm>>) dst(%dma_wait3A_51 : memref<2x128xi32, #tpu.memory_space<vmem>>)
    %dma_start3A_56 = arith.constant 0 : i32
    %dma_start3A_57 = arith.constant 0 : i32
    %dma_start3A_58 = arith.constant 0 : i32
    %dma_start3A_59 = arith.constant 0 : i32
    %dma_start3A_60 = arith.constant 0 : i32
    %dma_start3A_61 = tpu.memref_slice %arg7[%dma_start3A_58, %dma_start3A_59, %dma_start3A_60] : memref<3x128x128xf32, #tpu.memory_space<vmem>> -> memref<1x128x128xf32, #tpu.memory_space<vmem>>
    %dma_start3A_62 = tpu.memref_squeeze %dma_start3A_61 : memref<1x128x128xf32, #tpu.memory_space<vmem>> -> memref<128x128xf32, #tpu.memory_space<vmem>>
    %dma_start3A_63 = arith.constant 0 : i32
    %dma_start3A_64 = tpu.memref_slice %arg6[%dma_start3A_56, %dma_start3A_57, %dma_start3A_63] : memref<3x2x128xi32, #tpu.memory_space<vmem>> -> memref<1x1x128xi32, #tpu.memory_space<vmem>>
    %dma_start3A_65 = tpu.memref_squeeze %dma_start3A_64 : memref<1x1x128xi32, #tpu.memory_space<vmem>> -> memref<128xi32, #tpu.memory_space<vmem>>
    %dma_start3A_66 = arith.constant 0 : i32
    %dma_start3A_67 = arith.constant 0 : i32
    %dma_start3A_68 = tpu.memref_slice %arg2[%dma_start3A_66, %dma_start3A_67] : memref<10240x128xf32, #tpu.memory_space<hbm>> -> memref<10240x128xf32, #tpu.memory_space<hbm>>
    tpu.enqueue_indirect_dma source(%dma_start3A_68 : memref<10240x128xf32, #tpu.memory_space<hbm>>) target(%dma_start3A_62 : memref<128x128xf32, #tpu.memory_space<vmem>>) offsets(%dma_start3A_65 : memref<128xi32, #tpu.memory_space<vmem>>) semaphore(%arg12 : memref<!tpu.dma_semaphore, #tpu.memory_space<semaphore_mem>>)
    %mul3A_69 = arith.constant 632 : i32
    %mul3A_70 = arith.muli %arg1, %mul3A_69 : i32
    "tpu.region"() ({
      %run_scoped3A = tpu.sem_alloc : memref<!tpu.dma_semaphore, #tpu.memory_space<semaphore_mem>>
      %dma_start3A_572 = arith.constant 0 : i32
      %dma_start3A_573 = tpu.memref_slice %arg8[%mul3A_70, %dma_start3A_572] : memref<10112x128xf32, #tpu.memory_space<vmem_shared>> -> memref<632x128xf32, #tpu.memory_space<vmem_shared>>
      tpu.enqueue_dma source(%arg4 : memref<632x128xf32, #tpu.memory_space<hbm>>) target(%dma_start3A_573 : memref<632x128xf32, #tpu.memory_space<vmem_shared>>) target_semaphore(%run_scoped3A : memref<!tpu.dma_semaphore, #tpu.memory_space<semaphore_mem>>)
      %dma_wait3A_574 = arith.constant 0 : i32
      %dma_wait3A_575 = tpu.memref_slice %arg8[%mul3A_70, %dma_wait3A_574] : memref<10112x128xf32, #tpu.memory_space<vmem_shared>> -> memref<632x128xf32, #tpu.memory_space<vmem_shared>>
      tpu.wait_dma2 semaphore(%run_scoped3A : memref<!tpu.dma_semaphore, #tpu.memory_space<semaphore_mem>>) src(%arg4 : memref<632x128xf32, #tpu.memory_space<hbm>>) dst(%dma_wait3A_575 : memref<632x128xf32, #tpu.memory_space<vmem_shared>>)
      tpu.yield
    }) : () -> ()
    %barrier3A = arith.constant 0 : index
    tpu.barrier barrier_id(%barrier3A)
    %dma_wait3A_71 = arith.constant 0 : i32
    %dma_wait3A_72 = arith.constant 0 : i32
    %dma_wait3A_73 = arith.constant 0 : i32
    %dma_wait3A_74 = arith.constant 0 : i32
    %dma_wait3A_75 = arith.constant 0 : i32
    %dma_wait3A_76 = tpu.memref_slice %arg7[%dma_wait3A_73, %dma_wait3A_74, %dma_wait3A_75] : memref<3x128x128xf32, #tpu.memory_space<vmem>> -> memref<1x128x128xf32, #tpu.memory_space<vmem>>
    %dma_wait3A_77 = tpu.memref_squeeze %dma_wait3A_76 : memref<1x128x128xf32, #tpu.memory_space<vmem>> -> memref<128x128xf32, #tpu.memory_space<vmem>>
    %dma_wait3A_78 = arith.constant 0 : i32
    %dma_wait3A_79 = tpu.memref_slice %arg6[%dma_wait3A_71, %dma_wait3A_72, %dma_wait3A_78] : memref<3x2x128xi32, #tpu.memory_space<vmem>> -> memref<1x1x128xi32, #tpu.memory_space<vmem>>
    %dma_wait3A_80 = tpu.memref_squeeze %dma_wait3A_79 : memref<1x1x128xi32, #tpu.memory_space<vmem>> -> memref<128xi32, #tpu.memory_space<vmem>>
    %dma_wait3A_81 = arith.constant 0 : i32
    %dma_wait3A_82 = arith.constant 0 : i32
    %dma_wait3A_83 = tpu.memref_slice %arg2[%dma_wait3A_81, %dma_wait3A_82] : memref<10240x128xf32, #tpu.memory_space<hbm>> -> memref<10240x128xf32, #tpu.memory_space<hbm>>
    tpu.wait_indirect_dma semaphore(%arg12 : memref<!tpu.dma_semaphore, #tpu.memory_space<semaphore_mem>>) src(%dma_wait3A_83 : memref<10240x128xf32, #tpu.memory_space<hbm>>) dst(%dma_wait3A_77 : memref<128x128xf32, #tpu.memory_space<vmem>>)
    %dma_start3A_84 = arith.constant 0 : i32
    %dma_start3A_85 = arith.constant 0 : i32
    %dma_start3A_86 = arith.constant 1 : i32
    %dma_start3A_87 = arith.constant 0 : i32
    %dma_start3A_88 = arith.constant 0 : i32
    %dma_start3A_89 = tpu.memref_slice %arg7[%dma_start3A_84, %dma_start3A_87, %dma_start3A_88] : memref<3x128x128xf32, #tpu.memory_space<vmem>> -> memref<1x128x128xf32, #tpu.memory_space<vmem>>
    %dma_start3A_90 = tpu.memref_squeeze %dma_start3A_89 : memref<1x128x128xf32, #tpu.memory_space<vmem>> -> memref<128x128xf32, #tpu.memory_space<vmem>>
    %dma_start3A_91 = arith.constant 0 : i32
    %dma_start3A_92 = tpu.memref_slice %arg6[%dma_start3A_85, %dma_start3A_86, %dma_start3A_91] : memref<3x2x128xi32, #tpu.memory_space<vmem>> -> memref<1x1x128xi32, #tpu.memory_space<vmem>>
    %dma_start3A_93 = tpu.memref_squeeze %dma_start3A_92 : memref<1x1x128xi32, #tpu.memory_space<vmem>> -> memref<128xi32, #tpu.memory_space<vmem>>
    %dma_start3A_94 = arith.constant 0 : i32
    %dma_start3A_95 = arith.constant 0 : i32
    %dma_start3A_96 = tpu.memref_slice %arg8[%dma_start3A_94, %dma_start3A_95] : memref<10112x128xf32, #tpu.memory_space<vmem_shared>> -> memref<10112x128xf32, #tpu.memory_space<vmem_shared>>
    tpu.enqueue_indirect_dma source(%dma_start3A_90 : memref<128x128xf32, #tpu.memory_space<vmem>>) target(%dma_start3A_96 : memref<10112x128xf32, #tpu.memory_space<vmem_shared>>) offsets(%dma_start3A_93 : memref<128xi32, #tpu.memory_space<vmem>>) semaphore(%arg15 : memref<!tpu.dma_semaphore, #tpu.memory_space<semaphore_mem>>) {add = true}
    %dma_start3A_97 = arith.constant 2 : i32
    %dma_start3A_98 = arith.constant 2 : i32
    %dma_start3A_99 = arith.constant 0 : i32
    %dma_start3A_100 = arith.constant 0 : i32
    %dma_start3A_101 = tpu.memref_slice %arg6[%dma_start3A_98, %dma_start3A_99, %dma_start3A_100] : memref<3x2x128xi32, #tpu.memory_space<vmem>> -> memref<1x2x128xi32, #tpu.memory_space<vmem>>
    %dma_start3A_102 = tpu.memref_squeeze %dma_start3A_101 : memref<1x2x128xi32, #tpu.memory_space<vmem>> -> memref<2x128xi32, #tpu.memory_space<vmem>>
    %dma_start3A_103 = arith.constant 0 : i32
    %dma_start3A_104 = arith.constant 0 : i32
    %dma_start3A_105 = tpu.memref_slice %arg3[%add3A, %dma_start3A_97, %dma_start3A_103, %dma_start3A_104] : memref<32x81x2x128xi32, #tpu.memory_space<hbm>> -> memref<1x1x2x128xi32, #tpu.memory_space<hbm>>
    %dma_start3A_106 = tpu.memref_squeeze %dma_start3A_105 : memref<1x1x2x128xi32, #tpu.memory_space<hbm>> -> memref<2x128xi32, #tpu.memory_space<hbm>>
    %dma_start3A_107 = arith.constant 0 : i32
    %dma_start3A_108 = arith.constant 0 : i32
    %dma_start3A_109 = tpu.memref_slice %arg6[%dma_start3A_98, %dma_start3A_107, %dma_start3A_108] : memref<3x2x128xi32, #tpu.memory_space<vmem>> -> memref<1x2x128xi32, #tpu.memory_space<vmem>>
    %dma_start3A_110 = tpu.memref_squeeze %dma_start3A_109 : memref<1x2x128xi32, #tpu.memory_space<vmem>> -> memref<2x128xi32, #tpu.memory_space<vmem>>
    %dma_start3A_111 = arith.constant 0 : i32
    %dma_start3A_112 = arith.constant 0 : i32
    %dma_start3A_113 = tpu.memref_slice %arg3[%add3A, %dma_start3A_97, %dma_start3A_111, %dma_start3A_112] : memref<32x81x2x128xi32, #tpu.memory_space<hbm>> -> memref<1x1x2x128xi32, #tpu.memory_space<hbm>>
    %dma_start3A_114 = tpu.memref_squeeze %dma_start3A_113 : memref<1x1x2x128xi32, #tpu.memory_space<hbm>> -> memref<2x128xi32, #tpu.memory_space<hbm>>
    tpu.enqueue_dma source(%dma_start3A_114 : memref<2x128xi32, #tpu.memory_space<hbm>>) target(%dma_start3A_110 : memref<2x128xi32, #tpu.memory_space<vmem>>) target_semaphore(%arg11 : memref<!tpu.dma_semaphore, #tpu.memory_space<semaphore_mem>>)
    %dma_wait3A_115 = arith.constant 0 : i32
    %dma_wait3A_116 = arith.constant 1 : i32
    %dma_wait3A_117 = arith.constant 0 : i32
    %dma_wait3A_118 = arith.constant 0 : i32
    %dma_wait3A_119 = tpu.memref_slice %arg6[%dma_wait3A_116, %dma_wait3A_117, %dma_wait3A_118] : memref<3x2x128xi32, #tpu.memory_space<vmem>> -> memref<1x2x128xi32, #tpu.memory_space<vmem>>
    %dma_wait3A_120 = tpu.memref_squeeze %dma_wait3A_119 : memref<1x2x128xi32, #tpu.memory_space<vmem>> -> memref<2x128xi32, #tpu.memory_space<vmem>>
    %dma_wait3A_121 = arith.constant 0 : i32
    %dma_wait3A_122 = arith.constant 0 : i32
    %dma_wait3A_123 = tpu.memref_slice %arg3[%add3A, %dma_wait3A_115, %dma_wait3A_121, %dma_wait3A_122] : memref<32x81x2x128xi32, #tpu.memory_space<hbm>> -> memref<1x1x2x128xi32, #tpu.memory_space<hbm>>
    %dma_wait3A_124 = tpu.memref_squeeze %dma_wait3A_123 : memref<1x1x2x128xi32, #tpu.memory_space<hbm>> -> memref<2x128xi32, #tpu.memory_space<hbm>>
    %dma_wait3A_125 = arith.constant 0 : i32
    %dma_wait3A_126 = arith.constant 0 : i32
    %dma_wait3A_127 = tpu.memref_slice %arg6[%dma_wait3A_116, %dma_wait3A_125, %dma_wait3A_126] : memref<3x2x128xi32, #tpu.memory_space<vmem>> -> memref<1x2x128xi32, #tpu.memory_space<vmem>>
    %dma_wait3A_128 = tpu.memref_squeeze %dma_wait3A_127 : memref<1x2x128xi32, #tpu.memory_space<vmem>> -> memref<2x128xi32, #tpu.memory_space<vmem>>
    %dma_wait3A_129 = arith.constant 0 : i32
    %dma_wait3A_130 = arith.constant 0 : i32
    %dma_wait3A_131 = tpu.memref_slice %arg3[%add3A, %dma_wait3A_115, %dma_wait3A_129, %dma_wait3A_130] : memref<32x81x2x128xi32, #tpu.memory_space<hbm>> -> memref<1x1x2x128xi32, #tpu.memory_space<hbm>>
    %dma_wait3A_132 = tpu.memref_squeeze %dma_wait3A_131 : memref<1x1x2x128xi32, #tpu.memory_space<hbm>> -> memref<2x128xi32, #tpu.memory_space<hbm>>
    tpu.wait_dma2 semaphore(%arg10 : memref<!tpu.dma_semaphore, #tpu.memory_space<semaphore_mem>>) src(%dma_wait3A_132 : memref<2x128xi32, #tpu.memory_space<hbm>>) dst(%dma_wait3A_128 : memref<2x128xi32, #tpu.memory_space<vmem>>)
    %dma_start3A_133 = arith.constant 1 : i32
    %dma_start3A_134 = arith.constant 0 : i32
    %dma_start3A_135 = arith.constant 1 : i32
    %dma_start3A_136 = arith.constant 0 : i32
    %dma_start3A_137 = arith.constant 0 : i32
    %dma_start3A_138 = tpu.memref_slice %arg7[%dma_start3A_135, %dma_start3A_136, %dma_start3A_137] : memref<3x128x128xf32, #tpu.memory_space<vmem>> -> memref<1x128x128xf32, #tpu.memory_space<vmem>>
    %dma_start3A_139 = tpu.memref_squeeze %dma_start3A_138 : memref<1x128x128xf32, #tpu.memory_space<vmem>> -> memref<128x128xf32, #tpu.memory_space<vmem>>
    %dma_start3A_140 = arith.constant 0 : i32
    %dma_start3A_141 = tpu.memref_slice %arg6[%dma_start3A_133, %dma_start3A_134, %dma_start3A_140] : memref<3x2x128xi32, #tpu.memory_space<vmem>> -> memref<1x1x128xi32, #tpu.memory_space<vmem>>
    %dma_start3A_142 = tpu.memref_squeeze %dma_start3A_141 : memref<1x1x128xi32, #tpu.memory_space<vmem>> -> memref<128xi32, #tpu.memory_space<vmem>>
    %dma_start3A_143 = arith.constant 0 : i32
    %dma_start3A_144 = arith.constant 0 : i32
    %dma_start3A_145 = tpu.memref_slice %arg2[%dma_start3A_143, %dma_start3A_144] : memref<10240x128xf32, #tpu.memory_space<hbm>> -> memref<10240x128xf32, #tpu.memory_space<hbm>>
    tpu.enqueue_indirect_dma source(%dma_start3A_145 : memref<10240x128xf32, #tpu.memory_space<hbm>>) target(%dma_start3A_139 : memref<128x128xf32, #tpu.memory_space<vmem>>) offsets(%dma_start3A_142 : memref<128xi32, #tpu.memory_space<vmem>>) semaphore(%arg13 : memref<!tpu.dma_semaphore, #tpu.memory_space<semaphore_mem>>)
    %dma_wait3A_146 = arith.constant 1 : i32
    %dma_wait3A_147 = arith.constant 0 : i32
    %dma_wait3A_148 = arith.constant 1 : i32
    %dma_wait3A_149 = arith.constant 0 : i32
    %dma_wait3A_150 = arith.constant 0 : i32
    %dma_wait3A_151 = tpu.memref_slice %arg7[%dma_wait3A_148, %dma_wait3A_149, %dma_wait3A_150] : memref<3x128x128xf32, #tpu.memory_space<vmem>> -> memref<1x128x128xf32, #tpu.memory_space<vmem>>
    %dma_wait3A_152 = tpu.memref_squeeze %dma_wait3A_151 : memref<1x128x128xf32, #tpu.memory_space<vmem>> -> memref<128x128xf32, #tpu.memory_space<vmem>>
    %dma_wait3A_153 = arith.constant 0 : i32
    %dma_wait3A_154 = tpu.memref_slice %arg6[%dma_wait3A_146, %dma_wait3A_147, %dma_wait3A_153] : memref<3x2x128xi32, #tpu.memory_space<vmem>> -> memref<1x1x128xi32, #tpu.memory_space<vmem>>
    %dma_wait3A_155 = tpu.memref_squeeze %dma_wait3A_154 : memref<1x1x128xi32, #tpu.memory_space<vmem>> -> memref<128xi32, #tpu.memory_space<vmem>>
    %dma_wait3A_156 = arith.constant 0 : i32
    %dma_wait3A_157 = arith.constant 0 : i32
    %dma_wait3A_158 = tpu.memref_slice %arg2[%dma_wait3A_156, %dma_wait3A_157] : memref<10240x128xf32, #tpu.memory_space<hbm>> -> memref<10240x128xf32, #tpu.memory_space<hbm>>
    tpu.wait_indirect_dma semaphore(%arg13 : memref<!tpu.dma_semaphore, #tpu.memory_space<semaphore_mem>>) src(%dma_wait3A_158 : memref<10240x128xf32, #tpu.memory_space<hbm>>) dst(%dma_wait3A_152 : memref<128x128xf32, #tpu.memory_space<vmem>>)
    %dma_start3A_159 = arith.constant 1 : i32
    %dma_start3A_160 = arith.constant 1 : i32
    %dma_start3A_161 = arith.constant 1 : i32
    %dma_start3A_162 = arith.constant 0 : i32
    %dma_start3A_163 = arith.constant 0 : i32
    %dma_start3A_164 = tpu.memref_slice %arg7[%dma_start3A_159, %dma_start3A_162, %dma_start3A_163] : memref<3x128x128xf32, #tpu.memory_space<vmem>> -> memref<1x128x128xf32, #tpu.memory_space<vmem>>
    %dma_start3A_165 = tpu.memref_squeeze %dma_start3A_164 : memref<1x128x128xf32, #tpu.memory_space<vmem>> -> memref<128x128xf32, #tpu.memory_space<vmem>>
    %dma_start3A_166 = arith.constant 0 : i32
    %dma_start3A_167 = tpu.memref_slice %arg6[%dma_start3A_160, %dma_start3A_161, %dma_start3A_166] : memref<3x2x128xi32, #tpu.memory_space<vmem>> -> memref<1x1x128xi32, #tpu.memory_space<vmem>>
    %dma_start3A_168 = tpu.memref_squeeze %dma_start3A_167 : memref<1x1x128xi32, #tpu.memory_space<vmem>> -> memref<128xi32, #tpu.memory_space<vmem>>
    %dma_start3A_169 = arith.constant 0 : i32
    %dma_start3A_170 = arith.constant 0 : i32
    %dma_start3A_171 = tpu.memref_slice %arg8[%dma_start3A_169, %dma_start3A_170] : memref<10112x128xf32, #tpu.memory_space<vmem_shared>> -> memref<10112x128xf32, #tpu.memory_space<vmem_shared>>
    tpu.enqueue_indirect_dma source(%dma_start3A_165 : memref<128x128xf32, #tpu.memory_space<vmem>>) target(%dma_start3A_171 : memref<10112x128xf32, #tpu.memory_space<vmem_shared>>) offsets(%dma_start3A_168 : memref<128xi32, #tpu.memory_space<vmem>>) semaphore(%arg16 : memref<!tpu.dma_semaphore, #tpu.memory_space<semaphore_mem>>) {add = true}
    %dma_wait3A_172 = arith.constant 0 : i32
    %dma_wait3A_173 = arith.constant 0 : i32
    %dma_wait3A_174 = arith.constant 1 : i32
    %dma_wait3A_175 = arith.constant 0 : i32
    %dma_wait3A_176 = arith.constant 0 : i32
    %dma_wait3A_177 = tpu.memref_slice %arg7[%dma_wait3A_172, %dma_wait3A_175, %dma_wait3A_176] : memref<3x128x128xf32, #tpu.memory_space<vmem>> -> memref<1x128x128xf32, #tpu.memory_space<vmem>>
    %dma_wait3A_178 = tpu.memref_squeeze %dma_wait3A_177 : memref<1x128x128xf32, #tpu.memory_space<vmem>> -> memref<128x128xf32, #tpu.memory_space<vmem>>
    %dma_wait3A_179 = arith.constant 0 : i32
    %dma_wait3A_180 = tpu.memref_slice %arg6[%dma_wait3A_173, %dma_wait3A_174, %dma_wait3A_179] : memref<3x2x128xi32, #tpu.memory_space<vmem>> -> memref<1x1x128xi32, #tpu.memory_space<vmem>>
    %dma_wait3A_181 = tpu.memref_squeeze %dma_wait3A_180 : memref<1x1x128xi32, #tpu.memory_space<vmem>> -> memref<128xi32, #tpu.memory_space<vmem>>
    %dma_wait3A_182 = arith.constant 0 : i32
    %dma_wait3A_183 = arith.constant 0 : i32
    %dma_wait3A_184 = tpu.memref_slice %arg8[%dma_wait3A_182, %dma_wait3A_183] : memref<10112x128xf32, #tpu.memory_space<vmem_shared>> -> memref<10112x128xf32, #tpu.memory_space<vmem_shared>>
    tpu.wait_indirect_dma semaphore(%arg15 : memref<!tpu.dma_semaphore, #tpu.memory_space<semaphore_mem>>) src(%dma_wait3A_178 : memref<128x128xf32, #tpu.memory_space<vmem>>) dst(%dma_wait3A_184 : memref<10112x128xf32, #tpu.memory_space<vmem_shared>>)
    %dma_start3A_185 = arith.constant 3 : i32
    %dma_start3A_186 = arith.constant 0 : i32
    %dma_start3A_187 = arith.constant 0 : i32
    %dma_start3A_188 = arith.constant 0 : i32
    %dma_start3A_189 = tpu.memref_slice %arg6[%dma_start3A_186, %dma_start3A_187, %dma_start3A_188] : memref<3x2x128xi32, #tpu.memory_space<vmem>> -> memref<1x2x128xi32, #tpu.memory_space<vmem>>
    %dma_start3A_190 = tpu.memref_squeeze %dma_start3A_189 : memref<1x2x128xi32, #tpu.memory_space<vmem>> -> memref<2x128xi32, #tpu.memory_space<vmem>>
    %dma_start3A_191 = arith.constant 0 : i32
    %dma_start3A_192 = arith.constant 0 : i32
    %dma_start3A_193 = tpu.memref_slice %arg3[%add3A, %dma_start3A_185, %dma_start3A_191, %dma_start3A_192] : memref<32x81x2x128xi32, #tpu.memory_space<hbm>> -> memref<1x1x2x128xi32, #tpu.memory_space<hbm>>
    %dma_start3A_194 = tpu.memref_squeeze %dma_start3A_193 : memref<1x1x2x128xi32, #tpu.memory_space<hbm>> -> memref<2x128xi32, #tpu.memory_space<hbm>>
    %dma_start3A_195 = arith.constant 0 : i32
    %dma_start3A_196 = arith.constant 0 : i32
    %dma_start3A_197 = tpu.memref_slice %arg6[%dma_start3A_186, %dma_start3A_195, %dma_start3A_196] : memref<3x2x128xi32, #tpu.memory_space<vmem>> -> memref<1x2x128xi32, #tpu.memory_space<vmem>>
    %dma_start3A_198 = tpu.memref_squeeze %dma_start3A_197 : memref<1x2x128xi32, #tpu.memory_space<vmem>> -> memref<2x128xi32, #tpu.memory_space<vmem>>
    %dma_start3A_199 = arith.constant 0 : i32
    %dma_start3A_200 = arith.constant 0 : i32
    %dma_start3A_201 = tpu.memref_slice %arg3[%add3A, %dma_start3A_185, %dma_start3A_199, %dma_start3A_200] : memref<32x81x2x128xi32, #tpu.memory_space<hbm>> -> memref<1x1x2x128xi32, #tpu.memory_space<hbm>>
    %dma_start3A_202 = tpu.memref_squeeze %dma_start3A_201 : memref<1x1x2x128xi32, #tpu.memory_space<hbm>> -> memref<2x128xi32, #tpu.memory_space<hbm>>
    tpu.enqueue_dma source(%dma_start3A_202 : memref<2x128xi32, #tpu.memory_space<hbm>>) target(%dma_start3A_198 : memref<2x128xi32, #tpu.memory_space<vmem>>) target_semaphore(%arg9 : memref<!tpu.dma_semaphore, #tpu.memory_space<semaphore_mem>>)
    %dma_wait3A_203 = arith.constant 0 : i32
    %dma_wait3A_204 = arith.constant 2 : i32
    %dma_wait3A_205 = arith.constant 0 : i32
    %dma_wait3A_206 = arith.constant 0 : i32
    %dma_wait3A_207 = tpu.memref_slice %arg6[%dma_wait3A_204, %dma_wait3A_205, %dma_wait3A_206] : memref<3x2x128xi32, #tpu.memory_space<vmem>> -> memref<1x2x128xi32, #tpu.memory_space<vmem>>
    %dma_wait3A_208 = tpu.memref_squeeze %dma_wait3A_207 : memref<1x2x128xi32, #tpu.memory_space<vmem>> -> memref<2x128xi32, #tpu.memory_space<vmem>>
    %dma_wait3A_209 = arith.constant 0 : i32
    %dma_wait3A_210 = arith.constant 0 : i32
    %dma_wait3A_211 = tpu.memref_slice %arg3[%add3A, %dma_wait3A_203, %dma_wait3A_209, %dma_wait3A_210] : memref<32x81x2x128xi32, #tpu.memory_space<hbm>> -> memref<1x1x2x128xi32, #tpu.memory_space<hbm>>
    %dma_wait3A_212 = tpu.memref_squeeze %dma_wait3A_211 : memref<1x1x2x128xi32, #tpu.memory_space<hbm>> -> memref<2x128xi32, #tpu.memory_space<hbm>>
    %dma_wait3A_213 = arith.constant 0 : i32
    %dma_wait3A_214 = arith.constant 0 : i32
    %dma_wait3A_215 = tpu.memref_slice %arg6[%dma_wait3A_204, %dma_wait3A_213, %dma_wait3A_214] : memref<3x2x128xi32, #tpu.memory_space<vmem>> -> memref<1x2x128xi32, #tpu.memory_space<vmem>>
    %dma_wait3A_216 = tpu.memref_squeeze %dma_wait3A_215 : memref<1x2x128xi32, #tpu.memory_space<vmem>> -> memref<2x128xi32, #tpu.memory_space<vmem>>
    %dma_wait3A_217 = arith.constant 0 : i32
    %dma_wait3A_218 = arith.constant 0 : i32
    %dma_wait3A_219 = tpu.memref_slice %arg3[%add3A, %dma_wait3A_203, %dma_wait3A_217, %dma_wait3A_218] : memref<32x81x2x128xi32, #tpu.memory_space<hbm>> -> memref<1x1x2x128xi32, #tpu.memory_space<hbm>>
    %dma_wait3A_220 = tpu.memref_squeeze %dma_wait3A_219 : memref<1x1x2x128xi32, #tpu.memory_space<hbm>> -> memref<2x128xi32, #tpu.memory_space<hbm>>
    tpu.wait_dma2 semaphore(%arg11 : memref<!tpu.dma_semaphore, #tpu.memory_space<semaphore_mem>>) src(%dma_wait3A_220 : memref<2x128xi32, #tpu.memory_space<hbm>>) dst(%dma_wait3A_216 : memref<2x128xi32, #tpu.memory_space<vmem>>)
    %dma_start3A_221 = arith.constant 2 : i32
    %dma_start3A_222 = arith.constant 0 : i32
    %dma_start3A_223 = arith.constant 2 : i32
    %dma_start3A_224 = arith.constant 0 : i32
    %dma_start3A_225 = arith.constant 0 : i32
    %dma_start3A_226 = tpu.memref_slice %arg7[%dma_start3A_223, %dma_start3A_224, %dma_start3A_225] : memref<3x128x128xf32, #tpu.memory_space<vmem>> -> memref<1x128x128xf32, #tpu.memory_space<vmem>>
    %dma_start3A_227 = tpu.memref_squeeze %dma_start3A_226 : memref<1x128x128xf32, #tpu.memory_space<vmem>> -> memref<128x128xf32, #tpu.memory_space<vmem>>
    %dma_start3A_228 = arith.constant 0 : i32
    %dma_start3A_229 = tpu.memref_slice %arg6[%dma_start3A_221, %dma_start3A_222, %dma_start3A_228] : memref<3x2x128xi32, #tpu.memory_space<vmem>> -> memref<1x1x128xi32, #tpu.memory_space<vmem>>
    %dma_start3A_230 = tpu.memref_squeeze %dma_start3A_229 : memref<1x1x128xi32, #tpu.memory_space<vmem>> -> memref<128xi32, #tpu.memory_space<vmem>>
    %dma_start3A_231 = arith.constant 0 : i32
    %dma_start3A_232 = arith.constant 0 : i32
    %dma_start3A_233 = tpu.memref_slice %arg2[%dma_start3A_231, %dma_start3A_232] : memref<10240x128xf32, #tpu.memory_space<hbm>> -> memref<10240x128xf32, #tpu.memory_space<hbm>>
    tpu.enqueue_indirect_dma source(%dma_start3A_233 : memref<10240x128xf32, #tpu.memory_space<hbm>>) target(%dma_start3A_227 : memref<128x128xf32, #tpu.memory_space<vmem>>) offsets(%dma_start3A_230 : memref<128xi32, #tpu.memory_space<vmem>>) semaphore(%arg14 : memref<!tpu.dma_semaphore, #tpu.memory_space<semaphore_mem>>)
    %dma_wait3A_234 = arith.constant 2 : i32
    %dma_wait3A_235 = arith.constant 0 : i32
    %dma_wait3A_236 = arith.constant 2 : i32
    %dma_wait3A_237 = arith.constant 0 : i32
    %dma_wait3A_238 = arith.constant 0 : i32
    %dma_wait3A_239 = tpu.memref_slice %arg7[%dma_wait3A_236, %dma_wait3A_237, %dma_wait3A_238] : memref<3x128x128xf32, #tpu.memory_space<vmem>> -> memref<1x128x128xf32, #tpu.memory_space<vmem>>
    %dma_wait3A_240 = tpu.memref_squeeze %dma_wait3A_239 : memref<1x128x128xf32, #tpu.memory_space<vmem>> -> memref<128x128xf32, #tpu.memory_space<vmem>>
    %dma_wait3A_241 = arith.constant 0 : i32
    %dma_wait3A_242 = tpu.memref_slice %arg6[%dma_wait3A_234, %dma_wait3A_235, %dma_wait3A_241] : memref<3x2x128xi32, #tpu.memory_space<vmem>> -> memref<1x1x128xi32, #tpu.memory_space<vmem>>
    %dma_wait3A_243 = tpu.memref_squeeze %dma_wait3A_242 : memref<1x1x128xi32, #tpu.memory_space<vmem>> -> memref<128xi32, #tpu.memory_space<vmem>>
    %dma_wait3A_244 = arith.constant 0 : i32
    %dma_wait3A_245 = arith.constant 0 : i32
    %dma_wait3A_246 = tpu.memref_slice %arg2[%dma_wait3A_244, %dma_wait3A_245] : memref<10240x128xf32, #tpu.memory_space<hbm>> -> memref<10240x128xf32, #tpu.memory_space<hbm>>
    tpu.wait_indirect_dma semaphore(%arg14 : memref<!tpu.dma_semaphore, #tpu.memory_space<semaphore_mem>>) src(%dma_wait3A_246 : memref<10240x128xf32, #tpu.memory_space<hbm>>) dst(%dma_wait3A_240 : memref<128x128xf32, #tpu.memory_space<vmem>>)
    %dma_start3A_247 = arith.constant 2 : i32
    %dma_start3A_248 = arith.constant 2 : i32
    %dma_start3A_249 = arith.constant 1 : i32
    %dma_start3A_250 = arith.constant 0 : i32
    %dma_start3A_251 = arith.constant 0 : i32
    %dma_start3A_252 = tpu.memref_slice %arg7[%dma_start3A_247, %dma_start3A_250, %dma_start3A_251] : memref<3x128x128xf32, #tpu.memory_space<vmem>> -> memref<1x128x128xf32, #tpu.memory_space<vmem>>
    %dma_start3A_253 = tpu.memref_squeeze %dma_start3A_252 : memref<1x128x128xf32, #tpu.memory_space<vmem>> -> memref<128x128xf32, #tpu.memory_space<vmem>>
    %dma_start3A_254 = arith.constant 0 : i32
    %dma_start3A_255 = tpu.memref_slice %arg6[%dma_start3A_248, %dma_start3A_249, %dma_start3A_254] : memref<3x2x128xi32, #tpu.memory_space<vmem>> -> memref<1x1x128xi32, #tpu.memory_space<vmem>>
    %dma_start3A_256 = tpu.memref_squeeze %dma_start3A_255 : memref<1x1x128xi32, #tpu.memory_space<vmem>> -> memref<128xi32, #tpu.memory_space<vmem>>
    %dma_start3A_257 = arith.constant 0 : i32
    %dma_start3A_258 = arith.constant 0 : i32
    %dma_start3A_259 = tpu.memref_slice %arg8[%dma_start3A_257, %dma_start3A_258] : memref<10112x128xf32, #tpu.memory_space<vmem_shared>> -> memref<10112x128xf32, #tpu.memory_space<vmem_shared>>
    tpu.enqueue_indirect_dma source(%dma_start3A_253 : memref<128x128xf32, #tpu.memory_space<vmem>>) target(%dma_start3A_259 : memref<10112x128xf32, #tpu.memory_space<vmem_shared>>) offsets(%dma_start3A_256 : memref<128xi32, #tpu.memory_space<vmem>>) semaphore(%arg17 : memref<!tpu.dma_semaphore, #tpu.memory_space<semaphore_mem>>) {add = true}
    %dma_wait3A_260 = arith.constant 1 : i32
    %dma_wait3A_261 = arith.constant 1 : i32
    %dma_wait3A_262 = arith.constant 1 : i32
    %dma_wait3A_263 = arith.constant 0 : i32
    %dma_wait3A_264 = arith.constant 0 : i32
    %dma_wait3A_265 = tpu.memref_slice %arg7[%dma_wait3A_260, %dma_wait3A_263, %dma_wait3A_264] : memref<3x128x128xf32, #tpu.memory_space<vmem>> -> memref<1x128x128xf32, #tpu.memory_space<vmem>>
    %dma_wait3A_266 = tpu.memref_squeeze %dma_wait3A_265 : memref<1x128x128xf32, #tpu.memory_space<vmem>> -> memref<128x128xf32, #tpu.memory_space<vmem>>
    %dma_wait3A_267 = arith.constant 0 : i32
    %dma_wait3A_268 = tpu.memref_slice %arg6[%dma_wait3A_261, %dma_wait3A_262, %dma_wait3A_267] : memref<3x2x128xi32, #tpu.memory_space<vmem>> -> memref<1x1x128xi32, #tpu.memory_space<vmem>>
    %dma_wait3A_269 = tpu.memref_squeeze %dma_wait3A_268 : memref<1x1x128xi32, #tpu.memory_space<vmem>> -> memref<128xi32, #tpu.memory_space<vmem>>
    %dma_wait3A_270 = arith.constant 0 : i32
    %dma_wait3A_271 = arith.constant 0 : i32
    %dma_wait3A_272 = tpu.memref_slice %arg8[%dma_wait3A_270, %dma_wait3A_271] : memref<10112x128xf32, #tpu.memory_space<vmem_shared>> -> memref<10112x128xf32, #tpu.memory_space<vmem_shared>>
    tpu.wait_indirect_dma semaphore(%arg16 : memref<!tpu.dma_semaphore, #tpu.memory_space<semaphore_mem>>) src(%dma_wait3A_266 : memref<128x128xf32, #tpu.memory_space<vmem>>) dst(%dma_wait3A_272 : memref<10112x128xf32, #tpu.memory_space<vmem_shared>>)
    %dma_start3A_273 = arith.constant 4 : i32
    %dma_start3A_274 = arith.constant 1 : i32
    %dma_start3A_275 = arith.constant 0 : i32
    %dma_start3A_276 = arith.constant 0 : i32
    %dma_start3A_277 = tpu.memref_slice %arg6[%dma_start3A_274, %dma_start3A_275, %dma_start3A_276] : memref<3x2x128xi32, #tpu.memory_space<vmem>> -> memref<1x2x128xi32, #tpu.memory_space<vmem>>
    %dma_start3A_278 = tpu.memref_squeeze %dma_start3A_277 : memref<1x2x128xi32, #tpu.memory_space<vmem>> -> memref<2x128xi32, #tpu.memory_space<vmem>>
    %dma_start3A_279 = arith.constant 0 : i32
    %dma_start3A_280 = arith.constant 0 : i32
    %dma_start3A_281 = tpu.memref_slice %arg3[%add3A, %dma_start3A_273, %dma_start3A_279, %dma_start3A_280] : memref<32x81x2x128xi32, #tpu.memory_space<hbm>> -> memref<1x1x2x128xi32, #tpu.memory_space<hbm>>
    %dma_start3A_282 = tpu.memref_squeeze %dma_start3A_281 : memref<1x1x2x128xi32, #tpu.memory_space<hbm>> -> memref<2x128xi32, #tpu.memory_space<hbm>>
    %dma_start3A_283 = arith.constant 0 : i32
    %dma_start3A_284 = arith.constant 0 : i32
    %dma_start3A_285 = tpu.memref_slice %arg6[%dma_start3A_274, %dma_start3A_283, %dma_start3A_284] : memref<3x2x128xi32, #tpu.memory_space<vmem>> -> memref<1x2x128xi32, #tpu.memory_space<vmem>>
    %dma_start3A_286 = tpu.memref_squeeze %dma_start3A_285 : memref<1x2x128xi32, #tpu.memory_space<vmem>> -> memref<2x128xi32, #tpu.memory_space<vmem>>
    %dma_start3A_287 = arith.constant 0 : i32
    %dma_start3A_288 = arith.constant 0 : i32
    %dma_start3A_289 = tpu.memref_slice %arg3[%add3A, %dma_start3A_273, %dma_start3A_287, %dma_start3A_288] : memref<32x81x2x128xi32, #tpu.memory_space<hbm>> -> memref<1x1x2x128xi32, #tpu.memory_space<hbm>>
    %dma_start3A_290 = tpu.memref_squeeze %dma_start3A_289 : memref<1x1x2x128xi32, #tpu.memory_space<hbm>> -> memref<2x128xi32, #tpu.memory_space<hbm>>
    tpu.enqueue_dma source(%dma_start3A_290 : memref<2x128xi32, #tpu.memory_space<hbm>>) target(%dma_start3A_286 : memref<2x128xi32, #tpu.memory_space<vmem>>) target_semaphore(%arg10 : memref<!tpu.dma_semaphore, #tpu.memory_space<semaphore_mem>>)
    %dma_wait3A_291 = arith.constant 0 : i32
    %dma_wait3A_292 = arith.constant 0 : i32
    %dma_wait3A_293 = arith.constant 0 : i32
    %dma_wait3A_294 = arith.constant 0 : i32
    %dma_wait3A_295 = tpu.memref_slice %arg6[%dma_wait3A_292, %dma_wait3A_293, %dma_wait3A_294] : memref<3x2x128xi32, #tpu.memory_space<vmem>> -> memref<1x2x128xi32, #tpu.memory_space<vmem>>
    %dma_wait3A_296 = tpu.memref_squeeze %dma_wait3A_295 : memref<1x2x128xi32, #tpu.memory_space<vmem>> -> memref<2x128xi32, #tpu.memory_space<vmem>>
    %dma_wait3A_297 = arith.constant 0 : i32
    %dma_wait3A_298 = arith.constant 0 : i32
    %dma_wait3A_299 = tpu.memref_slice %arg3[%add3A, %dma_wait3A_291, %dma_wait3A_297, %dma_wait3A_298] : memref<32x81x2x128xi32, #tpu.memory_space<hbm>> -> memref<1x1x2x128xi32, #tpu.memory_space<hbm>>
    %dma_wait3A_300 = tpu.memref_squeeze %dma_wait3A_299 : memref<1x1x2x128xi32, #tpu.memory_space<hbm>> -> memref<2x128xi32, #tpu.memory_space<hbm>>
    %dma_wait3A_301 = arith.constant 0 : i32
    %dma_wait3A_302 = arith.constant 0 : i32
    %dma_wait3A_303 = tpu.memref_slice %arg6[%dma_wait3A_292, %dma_wait3A_301, %dma_wait3A_302] : memref<3x2x128xi32, #tpu.memory_space<vmem>> -> memref<1x2x128xi32, #tpu.memory_space<vmem>>
    %dma_wait3A_304 = tpu.memref_squeeze %dma_wait3A_303 : memref<1x2x128xi32, #tpu.memory_space<vmem>> -> memref<2x128xi32, #tpu.memory_space<vmem>>
    %dma_wait3A_305 = arith.constant 0 : i32
    %dma_wait3A_306 = arith.constant 0 : i32
    %dma_wait3A_307 = tpu.memref_slice %arg3[%add3A, %dma_wait3A_291, %dma_wait3A_305, %dma_wait3A_306] : memref<32x81x2x128xi32, #tpu.memory_space<hbm>> -> memref<1x1x2x128xi32, #tpu.memory_space<hbm>>
    %dma_wait3A_308 = tpu.memref_squeeze %dma_wait3A_307 : memref<1x1x2x128xi32, #tpu.memory_space<hbm>> -> memref<2x128xi32, #tpu.memory_space<hbm>>
    tpu.wait_dma2 semaphore(%arg9 : memref<!tpu.dma_semaphore, #tpu.memory_space<semaphore_mem>>) src(%dma_wait3A_308 : memref<2x128xi32, #tpu.memory_space<hbm>>) dst(%dma_wait3A_304 : memref<2x128xi32, #tpu.memory_space<vmem>>)
    %dma_start3A_309 = arith.constant 0 : i32
    %dma_start3A_310 = arith.constant 0 : i32
    %dma_start3A_311 = arith.constant 0 : i32
    %dma_start3A_312 = arith.constant 0 : i32
    %dma_start3A_313 = arith.constant 0 : i32
    %dma_start3A_314 = tpu.memref_slice %arg7[%dma_start3A_311, %dma_start3A_312, %dma_start3A_313] : memref<3x128x128xf32, #tpu.memory_space<vmem>> -> memref<1x128x128xf32, #tpu.memory_space<vmem>>
    %dma_start3A_315 = tpu.memref_squeeze %dma_start3A_314 : memref<1x128x128xf32, #tpu.memory_space<vmem>> -> memref<128x128xf32, #tpu.memory_space<vmem>>
    %dma_start3A_316 = arith.constant 0 : i32
    %dma_start3A_317 = tpu.memref_slice %arg6[%dma_start3A_309, %dma_start3A_310, %dma_start3A_316] : memref<3x2x128xi32, #tpu.memory_space<vmem>> -> memref<1x1x128xi32, #tpu.memory_space<vmem>>
    %dma_start3A_318 = tpu.memref_squeeze %dma_start3A_317 : memref<1x1x128xi32, #tpu.memory_space<vmem>> -> memref<128xi32, #tpu.memory_space<vmem>>
    %dma_start3A_319 = arith.constant 0 : i32
    %dma_start3A_320 = arith.constant 0 : i32
    %dma_start3A_321 = tpu.memref_slice %arg2[%dma_start3A_319, %dma_start3A_320] : memref<10240x128xf32, #tpu.memory_space<hbm>> -> memref<10240x128xf32, #tpu.memory_space<hbm>>
    tpu.enqueue_indirect_dma source(%dma_start3A_321 : memref<10240x128xf32, #tpu.memory_space<hbm>>) target(%dma_start3A_315 : memref<128x128xf32, #tpu.memory_space<vmem>>) offsets(%dma_start3A_318 : memref<128xi32, #tpu.memory_space<vmem>>) semaphore(%arg12 : memref<!tpu.dma_semaphore, #tpu.memory_space<semaphore_mem>>)
    %jit3A = arith.constant 3 : i32
    %div3A = arith.divsi %select_n3A_3, %jit3A : i32
    %sign3A = arith.constant 0 : i32
    %sign3A_322 = arith.cmpi sgt, %select_n3A_3, %sign3A : i32
    %sign3A_323 = arith.extui %sign3A_322 : i1 to i32
    %sign3A_324 = arith.constant 0 : i32
    %sign3A_325 = arith.cmpi slt, %select_n3A_3, %sign3A_324 : i32
    %sign3A_326 = arith.extui %sign3A_325 : i1 to i32
    %sign3A_327 = arith.subi %sign3A_323, %sign3A_326 : i32
    %sign3A_328 = arith.constant 0 : i32
    %sign3A_329 = arith.cmpi sgt, %jit3A, %sign3A_328 : i32
    %sign3A_330 = arith.extui %sign3A_329 : i1 to i32
    %sign3A_331 = arith.constant 0 : i32
    %sign3A_332 = arith.cmpi slt, %jit3A, %sign3A_331 : i32
    %sign3A_333 = arith.extui %sign3A_332 : i1 to i32
    %sign3A_334 = arith.subi %sign3A_330, %sign3A_333 : i32
    %ne3A = arith.cmpi ne, %sign3A_327, %sign3A_334 : i32
    %rem3A = arith.remsi %select_n3A_3, %jit3A : i32
    %ne3A_335 = arith.constant 0 : i32
    %ne3A_336 = arith.cmpi ne, %rem3A, %ne3A_335 : i32
    %and3A = arith.andi %ne3A, %ne3A_336 : i1
    %sub3A = arith.constant 1 : i32
    %sub3A_337 = arith.subi %div3A, %sub3A : i32
    %select_n3A_338 = arith.select %and3A, %sub3A_337, %div3A : i32
    %sub3A_339 = arith.constant 1 : i32
    %sub3A_340 = arith.subi %select_n3A_338, %sub3A_339 : i32
    %while3A = arith.constant 0 : i32
    %while3A_341 = arith.constant 1 : i32
    %while3A_342 = arith.subi %sub3A_340, %while3A_341 : i32
    %while3A_343 = arith.addi %while3A_341, %while3A_342 : i32
    %while3A_344 = arith.constant 1 : i32
    %while3A_345 = arith.divsi %while3A_342, %while3A_344 : i32
    %while3A_346 = arith.muli %while3A_345, %while3A_344 : i32
    %while3A_347 = arith.addi %while3A_341, %while3A_346 : i32
    %while3A_348 = arith.constant 1 : i32
    scf.for %while3A_572 = %while3A_341 to %while3A_347 step %while3A_348  : i32 {
      %mul3A_573 = arith.constant 3 : i32
      %mul3A_574 = arith.muli %while3A_572, %mul3A_573 : i32
      %dma_wait3A_575 = arith.constant 0 : i32
      %dma_wait3A_576 = arith.constant 0 : i32
      %dma_wait3A_577 = arith.constant 0 : i32
      %dma_wait3A_578 = arith.constant 0 : i32
      %dma_wait3A_579 = arith.constant 0 : i32
      %dma_wait3A_580 = tpu.memref_slice %arg7[%dma_wait3A_577, %dma_wait3A_578, %dma_wait3A_579] : memref<3x128x128xf32, #tpu.memory_space<vmem>> -> memref<1x128x128xf32, #tpu.memory_space<vmem>>
      %dma_wait3A_581 = tpu.memref_squeeze %dma_wait3A_580 : memref<1x128x128xf32, #tpu.memory_space<vmem>> -> memref<128x128xf32, #tpu.memory_space<vmem>>
      %dma_wait3A_582 = arith.constant 0 : i32
      %dma_wait3A_583 = tpu.memref_slice %arg6[%dma_wait3A_575, %dma_wait3A_576, %dma_wait3A_582] : memref<3x2x128xi32, #tpu.memory_space<vmem>> -> memref<1x1x128xi32, #tpu.memory_space<vmem>>
      %dma_wait3A_584 = tpu.memref_squeeze %dma_wait3A_583 : memref<1x1x128xi32, #tpu.memory_space<vmem>> -> memref<128xi32, #tpu.memory_space<vmem>>
      %dma_wait3A_585 = arith.constant 0 : i32
      %dma_wait3A_586 = arith.constant 0 : i32
      %dma_wait3A_587 = tpu.memref_slice %arg2[%dma_wait3A_585, %dma_wait3A_586] : memref<10240x128xf32, #tpu.memory_space<hbm>> -> memref<10240x128xf32, #tpu.memory_space<hbm>>
      tpu.wait_indirect_dma semaphore(%arg12 : memref<!tpu.dma_semaphore, #tpu.memory_space<semaphore_mem>>) src(%dma_wait3A_587 : memref<10240x128xf32, #tpu.memory_space<hbm>>) dst(%dma_wait3A_581 : memref<128x128xf32, #tpu.memory_space<vmem>>)
      %dma_start3A_588 = arith.constant 0 : i32
      %dma_start3A_589 = arith.constant 0 : i32
      %dma_start3A_590 = arith.constant 1 : i32
      %dma_start3A_591 = arith.constant 0 : i32
      %dma_start3A_592 = arith.constant 0 : i32
      %dma_start3A_593 = tpu.memref_slice %arg7[%dma_start3A_588, %dma_start3A_591, %dma_start3A_592] : memref<3x128x128xf32, #tpu.memory_space<vmem>> -> memref<1x128x128xf32, #tpu.memory_space<vmem>>
      %dma_start3A_594 = tpu.memref_squeeze %dma_start3A_593 : memref<1x128x128xf32, #tpu.memory_space<vmem>> -> memref<128x128xf32, #tpu.memory_space<vmem>>
      %dma_start3A_595 = arith.constant 0 : i32
      %dma_start3A_596 = tpu.memref_slice %arg6[%dma_start3A_589, %dma_start3A_590, %dma_start3A_595] : memref<3x2x128xi32, #tpu.memory_space<vmem>> -> memref<1x1x128xi32, #tpu.memory_space<vmem>>
      %dma_start3A_597 = tpu.memref_squeeze %dma_start3A_596 : memref<1x1x128xi32, #tpu.memory_space<vmem>> -> memref<128xi32, #tpu.memory_space<vmem>>
      %dma_start3A_598 = arith.constant 0 : i32
      %dma_start3A_599 = arith.constant 0 : i32
      %dma_start3A_600 = tpu.memref_slice %arg8[%dma_start3A_598, %dma_start3A_599] : memref<10112x128xf32, #tpu.memory_space<vmem_shared>> -> memref<10112x128xf32, #tpu.memory_space<vmem_shared>>
      tpu.enqueue_indirect_dma source(%dma_start3A_594 : memref<128x128xf32, #tpu.memory_space<vmem>>) target(%dma_start3A_600 : memref<10112x128xf32, #tpu.memory_space<vmem_shared>>) offsets(%dma_start3A_597 : memref<128xi32, #tpu.memory_space<vmem>>) semaphore(%arg15 : memref<!tpu.dma_semaphore, #tpu.memory_space<semaphore_mem>>) {add = true}
      %dma_wait3A_601 = arith.constant 2 : i32
      %dma_wait3A_602 = arith.constant 2 : i32
      %dma_wait3A_603 = arith.constant 1 : i32
      %dma_wait3A_604 = arith.constant 0 : i32
      %dma_wait3A_605 = arith.constant 0 : i32
      %dma_wait3A_606 = tpu.memref_slice %arg7[%dma_wait3A_601, %dma_wait3A_604, %dma_wait3A_605] : memref<3x128x128xf32, #tpu.memory_space<vmem>> -> memref<1x128x128xf32, #tpu.memory_space<vmem>>
      %dma_wait3A_607 = tpu.memref_squeeze %dma_wait3A_606 : memref<1x128x128xf32, #tpu.memory_space<vmem>> -> memref<128x128xf32, #tpu.memory_space<vmem>>
      %dma_wait3A_608 = arith.constant 0 : i32
      %dma_wait3A_609 = tpu.memref_slice %arg6[%dma_wait3A_602, %dma_wait3A_603, %dma_wait3A_608] : memref<3x2x128xi32, #tpu.memory_space<vmem>> -> memref<1x1x128xi32, #tpu.memory_space<vmem>>
      %dma_wait3A_610 = tpu.memref_squeeze %dma_wait3A_609 : memref<1x1x128xi32, #tpu.memory_space<vmem>> -> memref<128xi32, #tpu.memory_space<vmem>>
      %dma_wait3A_611 = arith.constant 0 : i32
      %dma_wait3A_612 = arith.constant 0 : i32
      %dma_wait3A_613 = tpu.memref_slice %arg8[%dma_wait3A_611, %dma_wait3A_612] : memref<10112x128xf32, #tpu.memory_space<vmem_shared>> -> memref<10112x128xf32, #tpu.memory_space<vmem_shared>>
      tpu.wait_indirect_dma semaphore(%arg17 : memref<!tpu.dma_semaphore, #tpu.memory_space<semaphore_mem>>) src(%dma_wait3A_607 : memref<128x128xf32, #tpu.memory_space<vmem>>) dst(%dma_wait3A_613 : memref<10112x128xf32, #tpu.memory_space<vmem_shared>>)
      %add3A_614 = arith.constant 2 : i32
      %add3A_615 = arith.addi %mul3A_574, %add3A_614 : i32
      %dma_start3A_616 = arith.constant 2 : i32
      %dma_start3A_617 = arith.constant 0 : i32
      %dma_start3A_618 = arith.constant 0 : i32
      %dma_start3A_619 = tpu.memref_slice %arg6[%dma_start3A_616, %dma_start3A_617, %dma_start3A_618] : memref<3x2x128xi32, #tpu.memory_space<vmem>> -> memref<1x2x128xi32, #tpu.memory_space<vmem>>
      %dma_start3A_620 = tpu.memref_squeeze %dma_start3A_619 : memref<1x2x128xi32, #tpu.memory_space<vmem>> -> memref<2x128xi32, #tpu.memory_space<vmem>>
      %dma_start3A_621 = arith.constant 0 : i32
      %dma_start3A_622 = arith.constant 0 : i32
      %dma_start3A_623 = tpu.memref_slice %arg3[%add3A, %add3A_615, %dma_start3A_621, %dma_start3A_622] : memref<32x81x2x128xi32, #tpu.memory_space<hbm>> -> memref<1x1x2x128xi32, #tpu.memory_space<hbm>>
      %dma_start3A_624 = tpu.memref_squeeze %dma_start3A_623 : memref<1x1x2x128xi32, #tpu.memory_space<hbm>> -> memref<2x128xi32, #tpu.memory_space<hbm>>
      %dma_start3A_625 = arith.constant 0 : i32
      %dma_start3A_626 = arith.constant 0 : i32
      %dma_start3A_627 = tpu.memref_slice %arg6[%dma_start3A_616, %dma_start3A_625, %dma_start3A_626] : memref<3x2x128xi32, #tpu.memory_space<vmem>> -> memref<1x2x128xi32, #tpu.memory_space<vmem>>
      %dma_start3A_628 = tpu.memref_squeeze %dma_start3A_627 : memref<1x2x128xi32, #tpu.memory_space<vmem>> -> memref<2x128xi32, #tpu.memory_space<vmem>>
      %dma_start3A_629 = arith.constant 0 : i32
      %dma_start3A_630 = arith.constant 0 : i32
      %dma_start3A_631 = tpu.memref_slice %arg3[%add3A, %add3A_615, %dma_start3A_629, %dma_start3A_630] : memref<32x81x2x128xi32, #tpu.memory_space<hbm>> -> memref<1x1x2x128xi32, #tpu.memory_space<hbm>>
      %dma_start3A_632 = tpu.memref_squeeze %dma_start3A_631 : memref<1x1x2x128xi32, #tpu.memory_space<hbm>> -> memref<2x128xi32, #tpu.memory_space<hbm>>
      tpu.enqueue_dma source(%dma_start3A_632 : memref<2x128xi32, #tpu.memory_space<hbm>>) target(%dma_start3A_628 : memref<2x128xi32, #tpu.memory_space<vmem>>) target_semaphore(%arg11 : memref<!tpu.dma_semaphore, #tpu.memory_space<semaphore_mem>>)
      %dma_wait3A_633 = arith.constant 0 : i32
      %dma_wait3A_634 = arith.constant 1 : i32
      %dma_wait3A_635 = arith.constant 0 : i32
      %dma_wait3A_636 = arith.constant 0 : i32
      %dma_wait3A_637 = tpu.memref_slice %arg6[%dma_wait3A_634, %dma_wait3A_635, %dma_wait3A_636] : memref<3x2x128xi32, #tpu.memory_space<vmem>> -> memref<1x2x128xi32, #tpu.memory_space<vmem>>
      %dma_wait3A_638 = tpu.memref_squeeze %dma_wait3A_637 : memref<1x2x128xi32, #tpu.memory_space<vmem>> -> memref<2x128xi32, #tpu.memory_space<vmem>>
      %dma_wait3A_639 = arith.constant 0 : i32
      %dma_wait3A_640 = arith.constant 0 : i32
      %dma_wait3A_641 = tpu.memref_slice %arg3[%add3A, %dma_wait3A_633, %dma_wait3A_639, %dma_wait3A_640] : memref<32x81x2x128xi32, #tpu.memory_space<hbm>> -> memref<1x1x2x128xi32, #tpu.memory_space<hbm>>
      %dma_wait3A_642 = tpu.memref_squeeze %dma_wait3A_641 : memref<1x1x2x128xi32, #tpu.memory_space<hbm>> -> memref<2x128xi32, #tpu.memory_space<hbm>>
      %dma_wait3A_643 = arith.constant 0 : i32
      %dma_wait3A_644 = arith.constant 0 : i32
      %dma_wait3A_645 = tpu.memref_slice %arg6[%dma_wait3A_634, %dma_wait3A_643, %dma_wait3A_644] : memref<3x2x128xi32, #tpu.memory_space<vmem>> -> memref<1x2x128xi32, #tpu.memory_space<vmem>>
      %dma_wait3A_646 = tpu.memref_squeeze %dma_wait3A_645 : memref<1x2x128xi32, #tpu.memory_space<vmem>> -> memref<2x128xi32, #tpu.memory_space<vmem>>
      %dma_wait3A_647 = arith.constant 0 : i32
      %dma_wait3A_648 = arith.constant 0 : i32
      %dma_wait3A_649 = tpu.memref_slice %arg3[%add3A, %dma_wait3A_633, %dma_wait3A_647, %dma_wait3A_648] : memref<32x81x2x128xi32, #tpu.memory_space<hbm>> -> memref<1x1x2x128xi32, #tpu.memory_space<hbm>>
      %dma_wait3A_650 = tpu.memref_squeeze %dma_wait3A_649 : memref<1x1x2x128xi32, #tpu.memory_space<hbm>> -> memref<2x128xi32, #tpu.memory_space<hbm>>
      tpu.wait_dma2 semaphore(%arg10 : memref<!tpu.dma_semaphore, #tpu.memory_space<semaphore_mem>>) src(%dma_wait3A_650 : memref<2x128xi32, #tpu.memory_space<hbm>>) dst(%dma_wait3A_646 : memref<2x128xi32, #tpu.memory_space<vmem>>)
      %dma_start3A_651 = arith.constant 1 : i32
      %dma_start3A_652 = arith.constant 0 : i32
      %dma_start3A_653 = arith.constant 1 : i32
      %dma_start3A_654 = arith.constant 0 : i32
      %dma_start3A_655 = arith.constant 0 : i32
      %dma_start3A_656 = tpu.memref_slice %arg7[%dma_start3A_653, %dma_start3A_654, %dma_start3A_655] : memref<3x128x128xf32, #tpu.memory_space<vmem>> -> memref<1x128x128xf32, #tpu.memory_space<vmem>>
      %dma_start3A_657 = tpu.memref_squeeze %dma_start3A_656 : memref<1x128x128xf32, #tpu.memory_space<vmem>> -> memref<128x128xf32, #tpu.memory_space<vmem>>
      %dma_start3A_658 = arith.constant 0 : i32
      %dma_start3A_659 = tpu.memref_slice %arg6[%dma_start3A_651, %dma_start3A_652, %dma_start3A_658] : memref<3x2x128xi32, #tpu.memory_space<vmem>> -> memref<1x1x128xi32, #tpu.memory_space<vmem>>
      %dma_start3A_660 = tpu.memref_squeeze %dma_start3A_659 : memref<1x1x128xi32, #tpu.memory_space<vmem>> -> memref<128xi32, #tpu.memory_space<vmem>>
      %dma_start3A_661 = arith.constant 0 : i32
      %dma_start3A_662 = arith.constant 0 : i32
      %dma_start3A_663 = tpu.memref_slice %arg2[%dma_start3A_661, %dma_start3A_662] : memref<10240x128xf32, #tpu.memory_space<hbm>> -> memref<10240x128xf32, #tpu.memory_space<hbm>>
      tpu.enqueue_indirect_dma source(%dma_start3A_663 : memref<10240x128xf32, #tpu.memory_space<hbm>>) target(%dma_start3A_657 : memref<128x128xf32, #tpu.memory_space<vmem>>) offsets(%dma_start3A_660 : memref<128xi32, #tpu.memory_space<vmem>>) semaphore(%arg13 : memref<!tpu.dma_semaphore, #tpu.memory_space<semaphore_mem>>)
      %add3A_664 = arith.constant 1 : i32
      %add3A_665 = arith.addi %mul3A_574, %add3A_664 : i32
      %dma_wait3A_666 = arith.constant 1 : i32
      %dma_wait3A_667 = arith.constant 0 : i32
      %dma_wait3A_668 = arith.constant 1 : i32
      %dma_wait3A_669 = arith.constant 0 : i32
      %dma_wait3A_670 = arith.constant 0 : i32
      %dma_wait3A_671 = tpu.memref_slice %arg7[%dma_wait3A_668, %dma_wait3A_669, %dma_wait3A_670] : memref<3x128x128xf32, #tpu.memory_space<vmem>> -> memref<1x128x128xf32, #tpu.memory_space<vmem>>
      %dma_wait3A_672 = tpu.memref_squeeze %dma_wait3A_671 : memref<1x128x128xf32, #tpu.memory_space<vmem>> -> memref<128x128xf32, #tpu.memory_space<vmem>>
      %dma_wait3A_673 = arith.constant 0 : i32
      %dma_wait3A_674 = tpu.memref_slice %arg6[%dma_wait3A_666, %dma_wait3A_667, %dma_wait3A_673] : memref<3x2x128xi32, #tpu.memory_space<vmem>> -> memref<1x1x128xi32, #tpu.memory_space<vmem>>
      %dma_wait3A_675 = tpu.memref_squeeze %dma_wait3A_674 : memref<1x1x128xi32, #tpu.memory_space<vmem>> -> memref<128xi32, #tpu.memory_space<vmem>>
      %dma_wait3A_676 = arith.constant 0 : i32
      %dma_wait3A_677 = arith.constant 0 : i32
      %dma_wait3A_678 = tpu.memref_slice %arg2[%dma_wait3A_676, %dma_wait3A_677] : memref<10240x128xf32, #tpu.memory_space<hbm>> -> memref<10240x128xf32, #tpu.memory_space<hbm>>
      tpu.wait_indirect_dma semaphore(%arg13 : memref<!tpu.dma_semaphore, #tpu.memory_space<semaphore_mem>>) src(%dma_wait3A_678 : memref<10240x128xf32, #tpu.memory_space<hbm>>) dst(%dma_wait3A_672 : memref<128x128xf32, #tpu.memory_space<vmem>>)
      %dma_start3A_679 = arith.constant 1 : i32
      %dma_start3A_680 = arith.constant 1 : i32
      %dma_start3A_681 = arith.constant 1 : i32
      %dma_start3A_682 = arith.constant 0 : i32
      %dma_start3A_683 = arith.constant 0 : i32
      %dma_start3A_684 = tpu.memref_slice %arg7[%dma_start3A_679, %dma_start3A_682, %dma_start3A_683] : memref<3x128x128xf32, #tpu.memory_space<vmem>> -> memref<1x128x128xf32, #tpu.memory_space<vmem>>
      %dma_start3A_685 = tpu.memref_squeeze %dma_start3A_684 : memref<1x128x128xf32, #tpu.memory_space<vmem>> -> memref<128x128xf32, #tpu.memory_space<vmem>>
      %dma_start3A_686 = arith.constant 0 : i32
      %dma_start3A_687 = tpu.memref_slice %arg6[%dma_start3A_680, %dma_start3A_681, %dma_start3A_686] : memref<3x2x128xi32, #tpu.memory_space<vmem>> -> memref<1x1x128xi32, #tpu.memory_space<vmem>>
      %dma_start3A_688 = tpu.memref_squeeze %dma_start3A_687 : memref<1x1x128xi32, #tpu.memory_space<vmem>> -> memref<128xi32, #tpu.memory_space<vmem>>
      %dma_start3A_689 = arith.constant 0 : i32
      %dma_start3A_690 = arith.constant 0 : i32
      %dma_start3A_691 = tpu.memref_slice %arg8[%dma_start3A_689, %dma_start3A_690] : memref<10112x128xf32, #tpu.memory_space<vmem_shared>> -> memref<10112x128xf32, #tpu.memory_space<vmem_shared>>
      tpu.enqueue_indirect_dma source(%dma_start3A_685 : memref<128x128xf32, #tpu.memory_space<vmem>>) target(%dma_start3A_691 : memref<10112x128xf32, #tpu.memory_space<vmem_shared>>) offsets(%dma_start3A_688 : memref<128xi32, #tpu.memory_space<vmem>>) semaphore(%arg16 : memref<!tpu.dma_semaphore, #tpu.memory_space<semaphore_mem>>) {add = true}
      %dma_wait3A_692 = arith.constant 0 : i32
      %dma_wait3A_693 = arith.constant 0 : i32
      %dma_wait3A_694 = arith.constant 1 : i32
      %dma_wait3A_695 = arith.constant 0 : i32
      %dma_wait3A_696 = arith.constant 0 : i32
      %dma_wait3A_697 = tpu.memref_slice %arg7[%dma_wait3A_692, %dma_wait3A_695, %dma_wait3A_696] : memref<3x128x128xf32, #tpu.memory_space<vmem>> -> memref<1x128x128xf32, #tpu.memory_space<vmem>>
      %dma_wait3A_698 = tpu.memref_squeeze %dma_wait3A_697 : memref<1x128x128xf32, #tpu.memory_space<vmem>> -> memref<128x128xf32, #tpu.memory_space<vmem>>
      %dma_wait3A_699 = arith.constant 0 : i32
      %dma_wait3A_700 = tpu.memref_slice %arg6[%dma_wait3A_693, %dma_wait3A_694, %dma_wait3A_699] : memref<3x2x128xi32, #tpu.memory_space<vmem>> -> memref<1x1x128xi32, #tpu.memory_space<vmem>>
      %dma_wait3A_701 = tpu.memref_squeeze %dma_wait3A_700 : memref<1x1x128xi32, #tpu.memory_space<vmem>> -> memref<128xi32, #tpu.memory_space<vmem>>
      %dma_wait3A_702 = arith.constant 0 : i32
      %dma_wait3A_703 = arith.constant 0 : i32
      %dma_wait3A_704 = tpu.memref_slice %arg8[%dma_wait3A_702, %dma_wait3A_703] : memref<10112x128xf32, #tpu.memory_space<vmem_shared>> -> memref<10112x128xf32, #tpu.memory_space<vmem_shared>>
      tpu.wait_indirect_dma semaphore(%arg15 : memref<!tpu.dma_semaphore, #tpu.memory_space<semaphore_mem>>) src(%dma_wait3A_698 : memref<128x128xf32, #tpu.memory_space<vmem>>) dst(%dma_wait3A_704 : memref<10112x128xf32, #tpu.memory_space<vmem_shared>>)
      %add3A_705 = arith.constant 2 : i32
      %add3A_706 = arith.addi %add3A_665, %add3A_705 : i32
      %dma_start3A_707 = arith.constant 0 : i32
      %dma_start3A_708 = arith.constant 0 : i32
      %dma_start3A_709 = arith.constant 0 : i32
      %dma_start3A_710 = tpu.memref_slice %arg6[%dma_start3A_707, %dma_start3A_708, %dma_start3A_709] : memref<3x2x128xi32, #tpu.memory_space<vmem>> -> memref<1x2x128xi32, #tpu.memory_space<vmem>>
      %dma_start3A_711 = tpu.memref_squeeze %dma_start3A_710 : memref<1x2x128xi32, #tpu.memory_space<vmem>> -> memref<2x128xi32, #tpu.memory_space<vmem>>
      %dma_start3A_712 = arith.constant 0 : i32
      %dma_start3A_713 = arith.constant 0 : i32
      %dma_start3A_714 = tpu.memref_slice %arg3[%add3A, %add3A_706, %dma_start3A_712, %dma_start3A_713] : memref<32x81x2x128xi32, #tpu.memory_space<hbm>> -> memref<1x1x2x128xi32, #tpu.memory_space<hbm>>
      %dma_start3A_715 = tpu.memref_squeeze %dma_start3A_714 : memref<1x1x2x128xi32, #tpu.memory_space<hbm>> -> memref<2x128xi32, #tpu.memory_space<hbm>>
      %dma_start3A_716 = arith.constant 0 : i32
      %dma_start3A_717 = arith.constant 0 : i32
      %dma_start3A_718 = tpu.memref_slice %arg6[%dma_start3A_707, %dma_start3A_716, %dma_start3A_717] : memref<3x2x128xi32, #tpu.memory_space<vmem>> -> memref<1x2x128xi32, #tpu.memory_space<vmem>>
      %dma_start3A_719 = tpu.memref_squeeze %dma_start3A_718 : memref<1x2x128xi32, #tpu.memory_space<vmem>> -> memref<2x128xi32, #tpu.memory_space<vmem>>
      %dma_start3A_720 = arith.constant 0 : i32
      %dma_start3A_721 = arith.constant 0 : i32
      %dma_start3A_722 = tpu.memref_slice %arg3[%add3A, %add3A_706, %dma_start3A_720, %dma_start3A_721] : memref<32x81x2x128xi32, #tpu.memory_space<hbm>> -> memref<1x1x2x128xi32, #tpu.memory_space<hbm>>
      %dma_start3A_723 = tpu.memref_squeeze %dma_start3A_722 : memref<1x1x2x128xi32, #tpu.memory_space<hbm>> -> memref<2x128xi32, #tpu.memory_space<hbm>>
      tpu.enqueue_dma source(%dma_start3A_723 : memref<2x128xi32, #tpu.memory_space<hbm>>) target(%dma_start3A_719 : memref<2x128xi32, #tpu.memory_space<vmem>>) target_semaphore(%arg9 : memref<!tpu.dma_semaphore, #tpu.memory_space<semaphore_mem>>)
      %dma_wait3A_724 = arith.constant 0 : i32
      %dma_wait3A_725 = arith.constant 2 : i32
      %dma_wait3A_726 = arith.constant 0 : i32
      %dma_wait3A_727 = arith.constant 0 : i32
      %dma_wait3A_728 = tpu.memref_slice %arg6[%dma_wait3A_725, %dma_wait3A_726, %dma_wait3A_727] : memref<3x2x128xi32, #tpu.memory_space<vmem>> -> memref<1x2x128xi32, #tpu.memory_space<vmem>>
      %dma_wait3A_729 = tpu.memref_squeeze %dma_wait3A_728 : memref<1x2x128xi32, #tpu.memory_space<vmem>> -> memref<2x128xi32, #tpu.memory_space<vmem>>
      %dma_wait3A_730 = arith.constant 0 : i32
      %dma_wait3A_731 = arith.constant 0 : i32
      %dma_wait3A_732 = tpu.memref_slice %arg3[%add3A, %dma_wait3A_724, %dma_wait3A_730, %dma_wait3A_731] : memref<32x81x2x128xi32, #tpu.memory_space<hbm>> -> memref<1x1x2x128xi32, #tpu.memory_space<hbm>>
      %dma_wait3A_733 = tpu.memref_squeeze %dma_wait3A_732 : memref<1x1x2x128xi32, #tpu.memory_space<hbm>> -> memref<2x128xi32, #tpu.memory_space<hbm>>
      %dma_wait3A_734 = arith.constant 0 : i32
      %dma_wait3A_735 = arith.constant 0 : i32
      %dma_wait3A_736 = tpu.memref_slice %arg6[%dma_wait3A_725, %dma_wait3A_734, %dma_wait3A_735] : memref<3x2x128xi32, #tpu.memory_space<vmem>> -> memref<1x2x128xi32, #tpu.memory_space<vmem>>
      %dma_wait3A_737 = tpu.memref_squeeze %dma_wait3A_736 : memref<1x2x128xi32, #tpu.memory_space<vmem>> -> memref<2x128xi32, #tpu.memory_space<vmem>>
      %dma_wait3A_738 = arith.constant 0 : i32
      %dma_wait3A_739 = arith.constant 0 : i32
      %dma_wait3A_740 = tpu.memref_slice %arg3[%add3A, %dma_wait3A_724, %dma_wait3A_738, %dma_wait3A_739] : memref<32x81x2x128xi32, #tpu.memory_space<hbm>> -> memref<1x1x2x128xi32, #tpu.memory_space<hbm>>
      %dma_wait3A_741 = tpu.memref_squeeze %dma_wait3A_740 : memref<1x1x2x128xi32, #tpu.memory_space<hbm>> -> memref<2x128xi32, #tpu.memory_space<hbm>>
      tpu.wait_dma2 semaphore(%arg11 : memref<!tpu.dma_semaphore, #tpu.memory_space<semaphore_mem>>) src(%dma_wait3A_741 : memref<2x128xi32, #tpu.memory_space<hbm>>) dst(%dma_wait3A_737 : memref<2x128xi32, #tpu.memory_space<vmem>>)
      %dma_start3A_742 = arith.constant 2 : i32
      %dma_start3A_743 = arith.constant 0 : i32
      %dma_start3A_744 = arith.constant 2 : i32
      %dma_start3A_745 = arith.constant 0 : i32
      %dma_start3A_746 = arith.constant 0 : i32
      %dma_start3A_747 = tpu.memref_slice %arg7[%dma_start3A_744, %dma_start3A_745, %dma_start3A_746] : memref<3x128x128xf32, #tpu.memory_space<vmem>> -> memref<1x128x128xf32, #tpu.memory_space<vmem>>
      %dma_start3A_748 = tpu.memref_squeeze %dma_start3A_747 : memref<1x128x128xf32, #tpu.memory_space<vmem>> -> memref<128x128xf32, #tpu.memory_space<vmem>>
      %dma_start3A_749 = arith.constant 0 : i32
      %dma_start3A_750 = tpu.memref_slice %arg6[%dma_start3A_742, %dma_start3A_743, %dma_start3A_749] : memref<3x2x128xi32, #tpu.memory_space<vmem>> -> memref<1x1x128xi32, #tpu.memory_space<vmem>>
      %dma_start3A_751 = tpu.memref_squeeze %dma_start3A_750 : memref<1x1x128xi32, #tpu.memory_space<vmem>> -> memref<128xi32, #tpu.memory_space<vmem>>
      %dma_start3A_752 = arith.constant 0 : i32
      %dma_start3A_753 = arith.constant 0 : i32
      %dma_start3A_754 = tpu.memref_slice %arg2[%dma_start3A_752, %dma_start3A_753] : memref<10240x128xf32, #tpu.memory_space<hbm>> -> memref<10240x128xf32, #tpu.memory_space<hbm>>
      tpu.enqueue_indirect_dma source(%dma_start3A_754 : memref<10240x128xf32, #tpu.memory_space<hbm>>) target(%dma_start3A_748 : memref<128x128xf32, #tpu.memory_space<vmem>>) offsets(%dma_start3A_751 : memref<128xi32, #tpu.memory_space<vmem>>) semaphore(%arg14 : memref<!tpu.dma_semaphore, #tpu.memory_space<semaphore_mem>>)
      %add3A_755 = arith.constant 2 : i32
      %add3A_756 = arith.addi %mul3A_574, %add3A_755 : i32
      %dma_wait3A_757 = arith.constant 2 : i32
      %dma_wait3A_758 = arith.constant 0 : i32
      %dma_wait3A_759 = arith.constant 2 : i32
      %dma_wait3A_760 = arith.constant 0 : i32
      %dma_wait3A_761 = arith.constant 0 : i32
      %dma_wait3A_762 = tpu.memref_slice %arg7[%dma_wait3A_759, %dma_wait3A_760, %dma_wait3A_761] : memref<3x128x128xf32, #tpu.memory_space<vmem>> -> memref<1x128x128xf32, #tpu.memory_space<vmem>>
      %dma_wait3A_763 = tpu.memref_squeeze %dma_wait3A_762 : memref<1x128x128xf32, #tpu.memory_space<vmem>> -> memref<128x128xf32, #tpu.memory_space<vmem>>
      %dma_wait3A_764 = arith.constant 0 : i32
      %dma_wait3A_765 = tpu.memref_slice %arg6[%dma_wait3A_757, %dma_wait3A_758, %dma_wait3A_764] : memref<3x2x128xi32, #tpu.memory_space<vmem>> -> memref<1x1x128xi32, #tpu.memory_space<vmem>>
      %dma_wait3A_766 = tpu.memref_squeeze %dma_wait3A_765 : memref<1x1x128xi32, #tpu.memory_space<vmem>> -> memref<128xi32, #tpu.memory_space<vmem>>
      %dma_wait3A_767 = arith.constant 0 : i32
      %dma_wait3A_768 = arith.constant 0 : i32
      %dma_wait3A_769 = tpu.memref_slice %arg2[%dma_wait3A_767, %dma_wait3A_768] : memref<10240x128xf32, #tpu.memory_space<hbm>> -> memref<10240x128xf32, #tpu.memory_space<hbm>>
      tpu.wait_indirect_dma semaphore(%arg14 : memref<!tpu.dma_semaphore, #tpu.memory_space<semaphore_mem>>) src(%dma_wait3A_769 : memref<10240x128xf32, #tpu.memory_space<hbm>>) dst(%dma_wait3A_763 : memref<128x128xf32, #tpu.memory_space<vmem>>)
      %dma_start3A_770 = arith.constant 2 : i32
      %dma_start3A_771 = arith.constant 2 : i32
      %dma_start3A_772 = arith.constant 1 : i32
      %dma_start3A_773 = arith.constant 0 : i32
      %dma_start3A_774 = arith.constant 0 : i32
      %dma_start3A_775 = tpu.memref_slice %arg7[%dma_start3A_770, %dma_start3A_773, %dma_start3A_774] : memref<3x128x128xf32, #tpu.memory_space<vmem>> -> memref<1x128x128xf32, #tpu.memory_space<vmem>>
      %dma_start3A_776 = tpu.memref_squeeze %dma_start3A_775 : memref<1x128x128xf32, #tpu.memory_space<vmem>> -> memref<128x128xf32, #tpu.memory_space<vmem>>
      %dma_start3A_777 = arith.constant 0 : i32
      %dma_start3A_778 = tpu.memref_slice %arg6[%dma_start3A_771, %dma_start3A_772, %dma_start3A_777] : memref<3x2x128xi32, #tpu.memory_space<vmem>> -> memref<1x1x128xi32, #tpu.memory_space<vmem>>
      %dma_start3A_779 = tpu.memref_squeeze %dma_start3A_778 : memref<1x1x128xi32, #tpu.memory_space<vmem>> -> memref<128xi32, #tpu.memory_space<vmem>>
      %dma_start3A_780 = arith.constant 0 : i32
      %dma_start3A_781 = arith.constant 0 : i32
      %dma_start3A_782 = tpu.memref_slice %arg8[%dma_start3A_780, %dma_start3A_781] : memref<10112x128xf32, #tpu.memory_space<vmem_shared>> -> memref<10112x128xf32, #tpu.memory_space<vmem_shared>>
      tpu.enqueue_indirect_dma source(%dma_start3A_776 : memref<128x128xf32, #tpu.memory_space<vmem>>) target(%dma_start3A_782 : memref<10112x128xf32, #tpu.memory_space<vmem_shared>>) offsets(%dma_start3A_779 : memref<128xi32, #tpu.memory_space<vmem>>) semaphore(%arg17 : memref<!tpu.dma_semaphore, #tpu.memory_space<semaphore_mem>>) {add = true}
      %dma_wait3A_783 = arith.constant 1 : i32
      %dma_wait3A_784 = arith.constant 1 : i32
      %dma_wait3A_785 = arith.constant 1 : i32
      %dma_wait3A_786 = arith.constant 0 : i32
      %dma_wait3A_787 = arith.constant 0 : i32
      %dma_wait3A_788 = tpu.memref_slice %arg7[%dma_wait3A_783, %dma_wait3A_786, %dma_wait3A_787] : memref<3x128x128xf32, #tpu.memory_space<vmem>> -> memref<1x128x128xf32, #tpu.memory_space<vmem>>
      %dma_wait3A_789 = tpu.memref_squeeze %dma_wait3A_788 : memref<1x128x128xf32, #tpu.memory_space<vmem>> -> memref<128x128xf32, #tpu.memory_space<vmem>>
      %dma_wait3A_790 = arith.constant 0 : i32
      %dma_wait3A_791 = tpu.memref_slice %arg6[%dma_wait3A_784, %dma_wait3A_785, %dma_wait3A_790] : memref<3x2x128xi32, #tpu.memory_space<vmem>> -> memref<1x1x128xi32, #tpu.memory_space<vmem>>
      %dma_wait3A_792 = tpu.memref_squeeze %dma_wait3A_791 : memref<1x1x128xi32, #tpu.memory_space<vmem>> -> memref<128xi32, #tpu.memory_space<vmem>>
      %dma_wait3A_793 = arith.constant 0 : i32
      %dma_wait3A_794 = arith.constant 0 : i32
      %dma_wait3A_795 = tpu.memref_slice %arg8[%dma_wait3A_793, %dma_wait3A_794] : memref<10112x128xf32, #tpu.memory_space<vmem_shared>> -> memref<10112x128xf32, #tpu.memory_space<vmem_shared>>
      tpu.wait_indirect_dma semaphore(%arg16 : memref<!tpu.dma_semaphore, #tpu.memory_space<semaphore_mem>>) src(%dma_wait3A_789 : memref<128x128xf32, #tpu.memory_space<vmem>>) dst(%dma_wait3A_795 : memref<10112x128xf32, #tpu.memory_space<vmem_shared>>)
      %add3A_796 = arith.constant 2 : i32
      %add3A_797 = arith.addi %add3A_756, %add3A_796 : i32
      %dma_start3A_798 = arith.constant 1 : i32
      %dma_start3A_799 = arith.constant 0 : i32
      %dma_start3A_800 = arith.constant 0 : i32
      %dma_start3A_801 = tpu.memref_slice %arg6[%dma_start3A_798, %dma_start3A_799, %dma_start3A_800] : memref<3x2x128xi32, #tpu.memory_space<vmem>> -> memref<1x2x128xi32, #tpu.memory_space<vmem>>
      %dma_start3A_802 = tpu.memref_squeeze %dma_start3A_801 : memref<1x2x128xi32, #tpu.memory_space<vmem>> -> memref<2x128xi32, #tpu.memory_space<vmem>>
      %dma_start3A_803 = arith.constant 0 : i32
      %dma_start3A_804 = arith.constant 0 : i32
      %dma_start3A_805 = tpu.memref_slice %arg3[%add3A, %add3A_797, %dma_start3A_803, %dma_start3A_804] : memref<32x81x2x128xi32, #tpu.memory_space<hbm>> -> memref<1x1x2x128xi32, #tpu.memory_space<hbm>>
      %dma_start3A_806 = tpu.memref_squeeze %dma_start3A_805 : memref<1x1x2x128xi32, #tpu.memory_space<hbm>> -> memref<2x128xi32, #tpu.memory_space<hbm>>
      %dma_start3A_807 = arith.constant 0 : i32
      %dma_start3A_808 = arith.constant 0 : i32
      %dma_start3A_809 = tpu.memref_slice %arg6[%dma_start3A_798, %dma_start3A_807, %dma_start3A_808] : memref<3x2x128xi32, #tpu.memory_space<vmem>> -> memref<1x2x128xi32, #tpu.memory_space<vmem>>
      %dma_start3A_810 = tpu.memref_squeeze %dma_start3A_809 : memref<1x2x128xi32, #tpu.memory_space<vmem>> -> memref<2x128xi32, #tpu.memory_space<vmem>>
      %dma_start3A_811 = arith.constant 0 : i32
      %dma_start3A_812 = arith.constant 0 : i32
      %dma_start3A_813 = tpu.memref_slice %arg3[%add3A, %add3A_797, %dma_start3A_811, %dma_start3A_812] : memref<32x81x2x128xi32, #tpu.memory_space<hbm>> -> memref<1x1x2x128xi32, #tpu.memory_space<hbm>>
      %dma_start3A_814 = tpu.memref_squeeze %dma_start3A_813 : memref<1x1x2x128xi32, #tpu.memory_space<hbm>> -> memref<2x128xi32, #tpu.memory_space<hbm>>
      tpu.enqueue_dma source(%dma_start3A_814 : memref<2x128xi32, #tpu.memory_space<hbm>>) target(%dma_start3A_810 : memref<2x128xi32, #tpu.memory_space<vmem>>) target_semaphore(%arg10 : memref<!tpu.dma_semaphore, #tpu.memory_space<semaphore_mem>>)
      %dma_wait3A_815 = arith.constant 0 : i32
      %dma_wait3A_816 = arith.constant 0 : i32
      %dma_wait3A_817 = arith.constant 0 : i32
      %dma_wait3A_818 = arith.constant 0 : i32
      %dma_wait3A_819 = tpu.memref_slice %arg6[%dma_wait3A_816, %dma_wait3A_817, %dma_wait3A_818] : memref<3x2x128xi32, #tpu.memory_space<vmem>> -> memref<1x2x128xi32, #tpu.memory_space<vmem>>
      %dma_wait3A_820 = tpu.memref_squeeze %dma_wait3A_819 : memref<1x2x128xi32, #tpu.memory_space<vmem>> -> memref<2x128xi32, #tpu.memory_space<vmem>>
      %dma_wait3A_821 = arith.constant 0 : i32
      %dma_wait3A_822 = arith.constant 0 : i32
      %dma_wait3A_823 = tpu.memref_slice %arg3[%add3A, %dma_wait3A_815, %dma_wait3A_821, %dma_wait3A_822] : memref<32x81x2x128xi32, #tpu.memory_space<hbm>> -> memref<1x1x2x128xi32, #tpu.memory_space<hbm>>
      %dma_wait3A_824 = tpu.memref_squeeze %dma_wait3A_823 : memref<1x1x2x128xi32, #tpu.memory_space<hbm>> -> memref<2x128xi32, #tpu.memory_space<hbm>>
      %dma_wait3A_825 = arith.constant 0 : i32
      %dma_wait3A_826 = arith.constant 0 : i32
      %dma_wait3A_827 = tpu.memref_slice %arg6[%dma_wait3A_816, %dma_wait3A_825, %dma_wait3A_826] : memref<3x2x128xi32, #tpu.memory_space<vmem>> -> memref<1x2x128xi32, #tpu.memory_space<vmem>>
      %dma_wait3A_828 = tpu.memref_squeeze %dma_wait3A_827 : memref<1x2x128xi32, #tpu.memory_space<vmem>> -> memref<2x128xi32, #tpu.memory_space<vmem>>
      %dma_wait3A_829 = arith.constant 0 : i32
      %dma_wait3A_830 = arith.constant 0 : i32
      %dma_wait3A_831 = tpu.memref_slice %arg3[%add3A, %dma_wait3A_815, %dma_wait3A_829, %dma_wait3A_830] : memref<32x81x2x128xi32, #tpu.memory_space<hbm>> -> memref<1x1x2x128xi32, #tpu.memory_space<hbm>>
      %dma_wait3A_832 = tpu.memref_squeeze %dma_wait3A_831 : memref<1x1x2x128xi32, #tpu.memory_space<hbm>> -> memref<2x128xi32, #tpu.memory_space<hbm>>
      tpu.wait_dma2 semaphore(%arg9 : memref<!tpu.dma_semaphore, #tpu.memory_space<semaphore_mem>>) src(%dma_wait3A_832 : memref<2x128xi32, #tpu.memory_space<hbm>>) dst(%dma_wait3A_828 : memref<2x128xi32, #tpu.memory_space<vmem>>)
      %dma_start3A_833 = arith.constant 0 : i32
      %dma_start3A_834 = arith.constant 0 : i32
      %dma_start3A_835 = arith.constant 0 : i32
      %dma_start3A_836 = arith.constant 0 : i32
      %dma_start3A_837 = arith.constant 0 : i32
      %dma_start3A_838 = tpu.memref_slice %arg7[%dma_start3A_835, %dma_start3A_836, %dma_start3A_837] : memref<3x128x128xf32, #tpu.memory_space<vmem>> -> memref<1x128x128xf32, #tpu.memory_space<vmem>>
      %dma_start3A_839 = tpu.memref_squeeze %dma_start3A_838 : memref<1x128x128xf32, #tpu.memory_space<vmem>> -> memref<128x128xf32, #tpu.memory_space<vmem>>
      %dma_start3A_840 = arith.constant 0 : i32
      %dma_start3A_841 = tpu.memref_slice %arg6[%dma_start3A_833, %dma_start3A_834, %dma_start3A_840] : memref<3x2x128xi32, #tpu.memory_space<vmem>> -> memref<1x1x128xi32, #tpu.memory_space<vmem>>
      %dma_start3A_842 = tpu.memref_squeeze %dma_start3A_841 : memref<1x1x128xi32, #tpu.memory_space<vmem>> -> memref<128xi32, #tpu.memory_space<vmem>>
      %dma_start3A_843 = arith.constant 0 : i32
      %dma_start3A_844 = arith.constant 0 : i32
      %dma_start3A_845 = tpu.memref_slice %arg2[%dma_start3A_843, %dma_start3A_844] : memref<10240x128xf32, #tpu.memory_space<hbm>> -> memref<10240x128xf32, #tpu.memory_space<hbm>>
      tpu.enqueue_indirect_dma source(%dma_start3A_845 : memref<10240x128xf32, #tpu.memory_space<hbm>>) target(%dma_start3A_839 : memref<128x128xf32, #tpu.memory_space<vmem>>) offsets(%dma_start3A_842 : memref<128xi32, #tpu.memory_space<vmem>>) semaphore(%arg12 : memref<!tpu.dma_semaphore, #tpu.memory_space<semaphore_mem>>)
    }
    %while3A_349 = arith.constant 1 : i32
    scf.for %while3A_572 = %while3A_347 to %while3A_343 step %while3A_349  : i32 {
      %mul3A_573 = arith.constant 3 : i32
      %mul3A_574 = arith.muli %while3A_572, %mul3A_573 : i32
      %dma_wait3A_575 = arith.constant 0 : i32
      %dma_wait3A_576 = arith.constant 0 : i32
      %dma_wait3A_577 = arith.constant 0 : i32
      %dma_wait3A_578 = arith.constant 0 : i32
      %dma_wait3A_579 = arith.constant 0 : i32
      %dma_wait3A_580 = tpu.memref_slice %arg7[%dma_wait3A_577, %dma_wait3A_578, %dma_wait3A_579] : memref<3x128x128xf32, #tpu.memory_space<vmem>> -> memref<1x128x128xf32, #tpu.memory_space<vmem>>
      %dma_wait3A_581 = tpu.memref_squeeze %dma_wait3A_580 : memref<1x128x128xf32, #tpu.memory_space<vmem>> -> memref<128x128xf32, #tpu.memory_space<vmem>>
      %dma_wait3A_582 = arith.constant 0 : i32
      %dma_wait3A_583 = tpu.memref_slice %arg6[%dma_wait3A_575, %dma_wait3A_576, %dma_wait3A_582] : memref<3x2x128xi32, #tpu.memory_space<vmem>> -> memref<1x1x128xi32, #tpu.memory_space<vmem>>
      %dma_wait3A_584 = tpu.memref_squeeze %dma_wait3A_583 : memref<1x1x128xi32, #tpu.memory_space<vmem>> -> memref<128xi32, #tpu.memory_space<vmem>>
      %dma_wait3A_585 = arith.constant 0 : i32
      %dma_wait3A_586 = arith.constant 0 : i32
      %dma_wait3A_587 = tpu.memref_slice %arg2[%dma_wait3A_585, %dma_wait3A_586] : memref<10240x128xf32, #tpu.memory_space<hbm>> -> memref<10240x128xf32, #tpu.memory_space<hbm>>
      tpu.wait_indirect_dma semaphore(%arg12 : memref<!tpu.dma_semaphore, #tpu.memory_space<semaphore_mem>>) src(%dma_wait3A_587 : memref<10240x128xf32, #tpu.memory_space<hbm>>) dst(%dma_wait3A_581 : memref<128x128xf32, #tpu.memory_space<vmem>>)
      %dma_start3A_588 = arith.constant 0 : i32
      %dma_start3A_589 = arith.constant 0 : i32
      %dma_start3A_590 = arith.constant 1 : i32
      %dma_start3A_591 = arith.constant 0 : i32
      %dma_start3A_592 = arith.constant 0 : i32
      %dma_start3A_593 = tpu.memref_slice %arg7[%dma_start3A_588, %dma_start3A_591, %dma_start3A_592] : memref<3x128x128xf32, #tpu.memory_space<vmem>> -> memref<1x128x128xf32, #tpu.memory_space<vmem>>
      %dma_start3A_594 = tpu.memref_squeeze %dma_start3A_593 : memref<1x128x128xf32, #tpu.memory_space<vmem>> -> memref<128x128xf32, #tpu.memory_space<vmem>>
      %dma_start3A_595 = arith.constant 0 : i32
      %dma_start3A_596 = tpu.memref_slice %arg6[%dma_start3A_589, %dma_start3A_590, %dma_start3A_595] : memref<3x2x128xi32, #tpu.memory_space<vmem>> -> memref<1x1x128xi32, #tpu.memory_space<vmem>>
      %dma_start3A_597 = tpu.memref_squeeze %dma_start3A_596 : memref<1x1x128xi32, #tpu.memory_space<vmem>> -> memref<128xi32, #tpu.memory_space<vmem>>
      %dma_start3A_598 = arith.constant 0 : i32
      %dma_start3A_599 = arith.constant 0 : i32
      %dma_start3A_600 = tpu.memref_slice %arg8[%dma_start3A_598, %dma_start3A_599] : memref<10112x128xf32, #tpu.memory_space<vmem_shared>> -> memref<10112x128xf32, #tpu.memory_space<vmem_shared>>
      tpu.enqueue_indirect_dma source(%dma_start3A_594 : memref<128x128xf32, #tpu.memory_space<vmem>>) target(%dma_start3A_600 : memref<10112x128xf32, #tpu.memory_space<vmem_shared>>) offsets(%dma_start3A_597 : memref<128xi32, #tpu.memory_space<vmem>>) semaphore(%arg15 : memref<!tpu.dma_semaphore, #tpu.memory_space<semaphore_mem>>) {add = true}
      %dma_wait3A_601 = arith.constant 2 : i32
      %dma_wait3A_602 = arith.constant 2 : i32
      %dma_wait3A_603 = arith.constant 1 : i32
      %dma_wait3A_604 = arith.constant 0 : i32
      %dma_wait3A_605 = arith.constant 0 : i32
      %dma_wait3A_606 = tpu.memref_slice %arg7[%dma_wait3A_601, %dma_wait3A_604, %dma_wait3A_605] : memref<3x128x128xf32, #tpu.memory_space<vmem>> -> memref<1x128x128xf32, #tpu.memory_space<vmem>>
      %dma_wait3A_607 = tpu.memref_squeeze %dma_wait3A_606 : memref<1x128x128xf32, #tpu.memory_space<vmem>> -> memref<128x128xf32, #tpu.memory_space<vmem>>
      %dma_wait3A_608 = arith.constant 0 : i32
      %dma_wait3A_609 = tpu.memref_slice %arg6[%dma_wait3A_602, %dma_wait3A_603, %dma_wait3A_608] : memref<3x2x128xi32, #tpu.memory_space<vmem>> -> memref<1x1x128xi32, #tpu.memory_space<vmem>>
      %dma_wait3A_610 = tpu.memref_squeeze %dma_wait3A_609 : memref<1x1x128xi32, #tpu.memory_space<vmem>> -> memref<128xi32, #tpu.memory_space<vmem>>
      %dma_wait3A_611 = arith.constant 0 : i32
      %dma_wait3A_612 = arith.constant 0 : i32
      %dma_wait3A_613 = tpu.memref_slice %arg8[%dma_wait3A_611, %dma_wait3A_612] : memref<10112x128xf32, #tpu.memory_space<vmem_shared>> -> memref<10112x128xf32, #tpu.memory_space<vmem_shared>>
      tpu.wait_indirect_dma semaphore(%arg17 : memref<!tpu.dma_semaphore, #tpu.memory_space<semaphore_mem>>) src(%dma_wait3A_607 : memref<128x128xf32, #tpu.memory_space<vmem>>) dst(%dma_wait3A_613 : memref<10112x128xf32, #tpu.memory_space<vmem_shared>>)
      %add3A_614 = arith.constant 2 : i32
      %add3A_615 = arith.addi %mul3A_574, %add3A_614 : i32
      %dma_start3A_616 = arith.constant 2 : i32
      %dma_start3A_617 = arith.constant 0 : i32
      %dma_start3A_618 = arith.constant 0 : i32
      %dma_start3A_619 = tpu.memref_slice %arg6[%dma_start3A_616, %dma_start3A_617, %dma_start3A_618] : memref<3x2x128xi32, #tpu.memory_space<vmem>> -> memref<1x2x128xi32, #tpu.memory_space<vmem>>
      %dma_start3A_620 = tpu.memref_squeeze %dma_start3A_619 : memref<1x2x128xi32, #tpu.memory_space<vmem>> -> memref<2x128xi32, #tpu.memory_space<vmem>>
      %dma_start3A_621 = arith.constant 0 : i32
      %dma_start3A_622 = arith.constant 0 : i32
      %dma_start3A_623 = tpu.memref_slice %arg3[%add3A, %add3A_615, %dma_start3A_621, %dma_start3A_622] : memref<32x81x2x128xi32, #tpu.memory_space<hbm>> -> memref<1x1x2x128xi32, #tpu.memory_space<hbm>>
      %dma_start3A_624 = tpu.memref_squeeze %dma_start3A_623 : memref<1x1x2x128xi32, #tpu.memory_space<hbm>> -> memref<2x128xi32, #tpu.memory_space<hbm>>
      %dma_start3A_625 = arith.constant 0 : i32
      %dma_start3A_626 = arith.constant 0 : i32
      %dma_start3A_627 = tpu.memref_slice %arg6[%dma_start3A_616, %dma_start3A_625, %dma_start3A_626] : memref<3x2x128xi32, #tpu.memory_space<vmem>> -> memref<1x2x128xi32, #tpu.memory_space<vmem>>
      %dma_start3A_628 = tpu.memref_squeeze %dma_start3A_627 : memref<1x2x128xi32, #tpu.memory_space<vmem>> -> memref<2x128xi32, #tpu.memory_space<vmem>>
      %dma_start3A_629 = arith.constant 0 : i32
      %dma_start3A_630 = arith.constant 0 : i32
      %dma_start3A_631 = tpu.memref_slice %arg3[%add3A, %add3A_615, %dma_start3A_629, %dma_start3A_630] : memref<32x81x2x128xi32, #tpu.memory_space<hbm>> -> memref<1x1x2x128xi32, #tpu.memory_space<hbm>>
      %dma_start3A_632 = tpu.memref_squeeze %dma_start3A_631 : memref<1x1x2x128xi32, #tpu.memory_space<hbm>> -> memref<2x128xi32, #tpu.memory_space<hbm>>
      tpu.enqueue_dma source(%dma_start3A_632 : memref<2x128xi32, #tpu.memory_space<hbm>>) target(%dma_start3A_628 : memref<2x128xi32, #tpu.memory_space<vmem>>) target_semaphore(%arg11 : memref<!tpu.dma_semaphore, #tpu.memory_space<semaphore_mem>>)
      %dma_wait3A_633 = arith.constant 0 : i32
      %dma_wait3A_634 = arith.constant 1 : i32
      %dma_wait3A_635 = arith.constant 0 : i32
      %dma_wait3A_636 = arith.constant 0 : i32
      %dma_wait3A_637 = tpu.memref_slice %arg6[%dma_wait3A_634, %dma_wait3A_635, %dma_wait3A_636] : memref<3x2x128xi32, #tpu.memory_space<vmem>> -> memref<1x2x128xi32, #tpu.memory_space<vmem>>
      %dma_wait3A_638 = tpu.memref_squeeze %dma_wait3A_637 : memref<1x2x128xi32, #tpu.memory_space<vmem>> -> memref<2x128xi32, #tpu.memory_space<vmem>>
      %dma_wait3A_639 = arith.constant 0 : i32
      %dma_wait3A_640 = arith.constant 0 : i32
      %dma_wait3A_641 = tpu.memref_slice %arg3[%add3A, %dma_wait3A_633, %dma_wait3A_639, %dma_wait3A_640] : memref<32x81x2x128xi32, #tpu.memory_space<hbm>> -> memref<1x1x2x128xi32, #tpu.memory_space<hbm>>
      %dma_wait3A_642 = tpu.memref_squeeze %dma_wait3A_641 : memref<1x1x2x128xi32, #tpu.memory_space<hbm>> -> memref<2x128xi32, #tpu.memory_space<hbm>>
      %dma_wait3A_643 = arith.constant 0 : i32
      %dma_wait3A_644 = arith.constant 0 : i32
      %dma_wait3A_645 = tpu.memref_slice %arg6[%dma_wait3A_634, %dma_wait3A_643, %dma_wait3A_644] : memref<3x2x128xi32, #tpu.memory_space<vmem>> -> memref<1x2x128xi32, #tpu.memory_space<vmem>>
      %dma_wait3A_646 = tpu.memref_squeeze %dma_wait3A_645 : memref<1x2x128xi32, #tpu.memory_space<vmem>> -> memref<2x128xi32, #tpu.memory_space<vmem>>
      %dma_wait3A_647 = arith.constant 0 : i32
      %dma_wait3A_648 = arith.constant 0 : i32
      %dma_wait3A_649 = tpu.memref_slice %arg3[%add3A, %dma_wait3A_633, %dma_wait3A_647, %dma_wait3A_648] : memref<32x81x2x128xi32, #tpu.memory_space<hbm>> -> memref<1x1x2x128xi32, #tpu.memory_space<hbm>>
      %dma_wait3A_650 = tpu.memref_squeeze %dma_wait3A_649 : memref<1x1x2x128xi32, #tpu.memory_space<hbm>> -> memref<2x128xi32, #tpu.memory_space<hbm>>
      tpu.wait_dma2 semaphore(%arg10 : memref<!tpu.dma_semaphore, #tpu.memory_space<semaphore_mem>>) src(%dma_wait3A_650 : memref<2x128xi32, #tpu.memory_space<hbm>>) dst(%dma_wait3A_646 : memref<2x128xi32, #tpu.memory_space<vmem>>)
      %dma_start3A_651 = arith.constant 1 : i32
      %dma_start3A_652 = arith.constant 0 : i32
      %dma_start3A_653 = arith.constant 1 : i32
      %dma_start3A_654 = arith.constant 0 : i32
      %dma_start3A_655 = arith.constant 0 : i32
      %dma_start3A_656 = tpu.memref_slice %arg7[%dma_start3A_653, %dma_start3A_654, %dma_start3A_655] : memref<3x128x128xf32, #tpu.memory_space<vmem>> -> memref<1x128x128xf32, #tpu.memory_space<vmem>>
      %dma_start3A_657 = tpu.memref_squeeze %dma_start3A_656 : memref<1x128x128xf32, #tpu.memory_space<vmem>> -> memref<128x128xf32, #tpu.memory_space<vmem>>
      %dma_start3A_658 = arith.constant 0 : i32
      %dma_start3A_659 = tpu.memref_slice %arg6[%dma_start3A_651, %dma_start3A_652, %dma_start3A_658] : memref<3x2x128xi32, #tpu.memory_space<vmem>> -> memref<1x1x128xi32, #tpu.memory_space<vmem>>
      %dma_start3A_660 = tpu.memref_squeeze %dma_start3A_659 : memref<1x1x128xi32, #tpu.memory_space<vmem>> -> memref<128xi32, #tpu.memory_space<vmem>>
      %dma_start3A_661 = arith.constant 0 : i32
      %dma_start3A_662 = arith.constant 0 : i32
      %dma_start3A_663 = tpu.memref_slice %arg2[%dma_start3A_661, %dma_start3A_662] : memref<10240x128xf32, #tpu.memory_space<hbm>> -> memref<10240x128xf32, #tpu.memory_space<hbm>>
      tpu.enqueue_indirect_dma source(%dma_start3A_663 : memref<10240x128xf32, #tpu.memory_space<hbm>>) target(%dma_start3A_657 : memref<128x128xf32, #tpu.memory_space<vmem>>) offsets(%dma_start3A_660 : memref<128xi32, #tpu.memory_space<vmem>>) semaphore(%arg13 : memref<!tpu.dma_semaphore, #tpu.memory_space<semaphore_mem>>)
      %add3A_664 = arith.constant 1 : i32
      %add3A_665 = arith.addi %mul3A_574, %add3A_664 : i32
      %dma_wait3A_666 = arith.constant 1 : i32
      %dma_wait3A_667 = arith.constant 0 : i32
      %dma_wait3A_668 = arith.constant 1 : i32
      %dma_wait3A_669 = arith.constant 0 : i32
      %dma_wait3A_670 = arith.constant 0 : i32
      %dma_wait3A_671 = tpu.memref_slice %arg7[%dma_wait3A_668, %dma_wait3A_669, %dma_wait3A_670] : memref<3x128x128xf32, #tpu.memory_space<vmem>> -> memref<1x128x128xf32, #tpu.memory_space<vmem>>
      %dma_wait3A_672 = tpu.memref_squeeze %dma_wait3A_671 : memref<1x128x128xf32, #tpu.memory_space<vmem>> -> memref<128x128xf32, #tpu.memory_space<vmem>>
      %dma_wait3A_673 = arith.constant 0 : i32
      %dma_wait3A_674 = tpu.memref_slice %arg6[%dma_wait3A_666, %dma_wait3A_667, %dma_wait3A_673] : memref<3x2x128xi32, #tpu.memory_space<vmem>> -> memref<1x1x128xi32, #tpu.memory_space<vmem>>
      %dma_wait3A_675 = tpu.memref_squeeze %dma_wait3A_674 : memref<1x1x128xi32, #tpu.memory_space<vmem>> -> memref<128xi32, #tpu.memory_space<vmem>>
      %dma_wait3A_676 = arith.constant 0 : i32
      %dma_wait3A_677 = arith.constant 0 : i32
      %dma_wait3A_678 = tpu.memref_slice %arg2[%dma_wait3A_676, %dma_wait3A_677] : memref<10240x128xf32, #tpu.memory_space<hbm>> -> memref<10240x128xf32, #tpu.memory_space<hbm>>
      tpu.wait_indirect_dma semaphore(%arg13 : memref<!tpu.dma_semaphore, #tpu.memory_space<semaphore_mem>>) src(%dma_wait3A_678 : memref<10240x128xf32, #tpu.memory_space<hbm>>) dst(%dma_wait3A_672 : memref<128x128xf32, #tpu.memory_space<vmem>>)
      %dma_start3A_679 = arith.constant 1 : i32
      %dma_start3A_680 = arith.constant 1 : i32
      %dma_start3A_681 = arith.constant 1 : i32
      %dma_start3A_682 = arith.constant 0 : i32
      %dma_start3A_683 = arith.constant 0 : i32
      %dma_start3A_684 = tpu.memref_slice %arg7[%dma_start3A_679, %dma_start3A_682, %dma_start3A_683] : memref<3x128x128xf32, #tpu.memory_space<vmem>> -> memref<1x128x128xf32, #tpu.memory_space<vmem>>
      %dma_start3A_685 = tpu.memref_squeeze %dma_start3A_684 : memref<1x128x128xf32, #tpu.memory_space<vmem>> -> memref<128x128xf32, #tpu.memory_space<vmem>>
      %dma_start3A_686 = arith.constant 0 : i32
      %dma_start3A_687 = tpu.memref_slice %arg6[%dma_start3A_680, %dma_start3A_681, %dma_start3A_686] : memref<3x2x128xi32, #tpu.memory_space<vmem>> -> memref<1x1x128xi32, #tpu.memory_space<vmem>>
      %dma_start3A_688 = tpu.memref_squeeze %dma_start3A_687 : memref<1x1x128xi32, #tpu.memory_space<vmem>> -> memref<128xi32, #tpu.memory_space<vmem>>
      %dma_start3A_689 = arith.constant 0 : i32
      %dma_start3A_690 = arith.constant 0 : i32
      %dma_start3A_691 = tpu.memref_slice %arg8[%dma_start3A_689, %dma_start3A_690] : memref<10112x128xf32, #tpu.memory_space<vmem_shared>> -> memref<10112x128xf32, #tpu.memory_space<vmem_shared>>
      tpu.enqueue_indirect_dma source(%dma_start3A_685 : memref<128x128xf32, #tpu.memory_space<vmem>>) target(%dma_start3A_691 : memref<10112x128xf32, #tpu.memory_space<vmem_shared>>) offsets(%dma_start3A_688 : memref<128xi32, #tpu.memory_space<vmem>>) semaphore(%arg16 : memref<!tpu.dma_semaphore, #tpu.memory_space<semaphore_mem>>) {add = true}
      %dma_wait3A_692 = arith.constant 0 : i32
      %dma_wait3A_693 = arith.constant 0 : i32
      %dma_wait3A_694 = arith.constant 1 : i32
      %dma_wait3A_695 = arith.constant 0 : i32
      %dma_wait3A_696 = arith.constant 0 : i32
      %dma_wait3A_697 = tpu.memref_slice %arg7[%dma_wait3A_692, %dma_wait3A_695, %dma_wait3A_696] : memref<3x128x128xf32, #tpu.memory_space<vmem>> -> memref<1x128x128xf32, #tpu.memory_space<vmem>>
      %dma_wait3A_698 = tpu.memref_squeeze %dma_wait3A_697 : memref<1x128x128xf32, #tpu.memory_space<vmem>> -> memref<128x128xf32, #tpu.memory_space<vmem>>
      %dma_wait3A_699 = arith.constant 0 : i32
      %dma_wait3A_700 = tpu.memref_slice %arg6[%dma_wait3A_693, %dma_wait3A_694, %dma_wait3A_699] : memref<3x2x128xi32, #tpu.memory_space<vmem>> -> memref<1x1x128xi32, #tpu.memory_space<vmem>>
      %dma_wait3A_701 = tpu.memref_squeeze %dma_wait3A_700 : memref<1x1x128xi32, #tpu.memory_space<vmem>> -> memref<128xi32, #tpu.memory_space<vmem>>
      %dma_wait3A_702 = arith.constant 0 : i32
      %dma_wait3A_703 = arith.constant 0 : i32
      %dma_wait3A_704 = tpu.memref_slice %arg8[%dma_wait3A_702, %dma_wait3A_703] : memref<10112x128xf32, #tpu.memory_space<vmem_shared>> -> memref<10112x128xf32, #tpu.memory_space<vmem_shared>>
      tpu.wait_indirect_dma semaphore(%arg15 : memref<!tpu.dma_semaphore, #tpu.memory_space<semaphore_mem>>) src(%dma_wait3A_698 : memref<128x128xf32, #tpu.memory_space<vmem>>) dst(%dma_wait3A_704 : memref<10112x128xf32, #tpu.memory_space<vmem_shared>>)
      %add3A_705 = arith.constant 2 : i32
      %add3A_706 = arith.addi %add3A_665, %add3A_705 : i32
      %dma_start3A_707 = arith.constant 0 : i32
      %dma_start3A_708 = arith.constant 0 : i32
      %dma_start3A_709 = arith.constant 0 : i32
      %dma_start3A_710 = tpu.memref_slice %arg6[%dma_start3A_707, %dma_start3A_708, %dma_start3A_709] : memref<3x2x128xi32, #tpu.memory_space<vmem>> -> memref<1x2x128xi32, #tpu.memory_space<vmem>>
      %dma_start3A_711 = tpu.memref_squeeze %dma_start3A_710 : memref<1x2x128xi32, #tpu.memory_space<vmem>> -> memref<2x128xi32, #tpu.memory_space<vmem>>
      %dma_start3A_712 = arith.constant 0 : i32
      %dma_start3A_713 = arith.constant 0 : i32
      %dma_start3A_714 = tpu.memref_slice %arg3[%add3A, %add3A_706, %dma_start3A_712, %dma_start3A_713] : memref<32x81x2x128xi32, #tpu.memory_space<hbm>> -> memref<1x1x2x128xi32, #tpu.memory_space<hbm>>
      %dma_start3A_715 = tpu.memref_squeeze %dma_start3A_714 : memref<1x1x2x128xi32, #tpu.memory_space<hbm>> -> memref<2x128xi32, #tpu.memory_space<hbm>>
      %dma_start3A_716 = arith.constant 0 : i32
      %dma_start3A_717 = arith.constant 0 : i32
      %dma_start3A_718 = tpu.memref_slice %arg6[%dma_start3A_707, %dma_start3A_716, %dma_start3A_717] : memref<3x2x128xi32, #tpu.memory_space<vmem>> -> memref<1x2x128xi32, #tpu.memory_space<vmem>>
      %dma_start3A_719 = tpu.memref_squeeze %dma_start3A_718 : memref<1x2x128xi32, #tpu.memory_space<vmem>> -> memref<2x128xi32, #tpu.memory_space<vmem>>
      %dma_start3A_720 = arith.constant 0 : i32
      %dma_start3A_721 = arith.constant 0 : i32
      %dma_start3A_722 = tpu.memref_slice %arg3[%add3A, %add3A_706, %dma_start3A_720, %dma_start3A_721] : memref<32x81x2x128xi32, #tpu.memory_space<hbm>> -> memref<1x1x2x128xi32, #tpu.memory_space<hbm>>
      %dma_start3A_723 = tpu.memref_squeeze %dma_start3A_722 : memref<1x1x2x128xi32, #tpu.memory_space<hbm>> -> memref<2x128xi32, #tpu.memory_space<hbm>>
      tpu.enqueue_dma source(%dma_start3A_723 : memref<2x128xi32, #tpu.memory_space<hbm>>) target(%dma_start3A_719 : memref<2x128xi32, #tpu.memory_space<vmem>>) target_semaphore(%arg9 : memref<!tpu.dma_semaphore, #tpu.memory_space<semaphore_mem>>)
      %dma_wait3A_724 = arith.constant 0 : i32
      %dma_wait3A_725 = arith.constant 2 : i32
      %dma_wait3A_726 = arith.constant 0 : i32
      %dma_wait3A_727 = arith.constant 0 : i32
      %dma_wait3A_728 = tpu.memref_slice %arg6[%dma_wait3A_725, %dma_wait3A_726, %dma_wait3A_727] : memref<3x2x128xi32, #tpu.memory_space<vmem>> -> memref<1x2x128xi32, #tpu.memory_space<vmem>>
      %dma_wait3A_729 = tpu.memref_squeeze %dma_wait3A_728 : memref<1x2x128xi32, #tpu.memory_space<vmem>> -> memref<2x128xi32, #tpu.memory_space<vmem>>
      %dma_wait3A_730 = arith.constant 0 : i32
      %dma_wait3A_731 = arith.constant 0 : i32
      %dma_wait3A_732 = tpu.memref_slice %arg3[%add3A, %dma_wait3A_724, %dma_wait3A_730, %dma_wait3A_731] : memref<32x81x2x128xi32, #tpu.memory_space<hbm>> -> memref<1x1x2x128xi32, #tpu.memory_space<hbm>>
      %dma_wait3A_733 = tpu.memref_squeeze %dma_wait3A_732 : memref<1x1x2x128xi32, #tpu.memory_space<hbm>> -> memref<2x128xi32, #tpu.memory_space<hbm>>
      %dma_wait3A_734 = arith.constant 0 : i32
      %dma_wait3A_735 = arith.constant 0 : i32
      %dma_wait3A_736 = tpu.memref_slice %arg6[%dma_wait3A_725, %dma_wait3A_734, %dma_wait3A_735] : memref<3x2x128xi32, #tpu.memory_space<vmem>> -> memref<1x2x128xi32, #tpu.memory_space<vmem>>
      %dma_wait3A_737 = tpu.memref_squeeze %dma_wait3A_736 : memref<1x2x128xi32, #tpu.memory_space<vmem>> -> memref<2x128xi32, #tpu.memory_space<vmem>>
      %dma_wait3A_738 = arith.constant 0 : i32
      %dma_wait3A_739 = arith.constant 0 : i32
      %dma_wait3A_740 = tpu.memref_slice %arg3[%add3A, %dma_wait3A_724, %dma_wait3A_738, %dma_wait3A_739] : memref<32x81x2x128xi32, #tpu.memory_space<hbm>> -> memref<1x1x2x128xi32, #tpu.memory_space<hbm>>
      %dma_wait3A_741 = tpu.memref_squeeze %dma_wait3A_740 : memref<1x1x2x128xi32, #tpu.memory_space<hbm>> -> memref<2x128xi32, #tpu.memory_space<hbm>>
      tpu.wait_dma2 semaphore(%arg11 : memref<!tpu.dma_semaphore, #tpu.memory_space<semaphore_mem>>) src(%dma_wait3A_741 : memref<2x128xi32, #tpu.memory_space<hbm>>) dst(%dma_wait3A_737 : memref<2x128xi32, #tpu.memory_space<vmem>>)
      %dma_start3A_742 = arith.constant 2 : i32
      %dma_start3A_743 = arith.constant 0 : i32
      %dma_start3A_744 = arith.constant 2 : i32
      %dma_start3A_745 = arith.constant 0 : i32
      %dma_start3A_746 = arith.constant 0 : i32
      %dma_start3A_747 = tpu.memref_slice %arg7[%dma_start3A_744, %dma_start3A_745, %dma_start3A_746] : memref<3x128x128xf32, #tpu.memory_space<vmem>> -> memref<1x128x128xf32, #tpu.memory_space<vmem>>
      %dma_start3A_748 = tpu.memref_squeeze %dma_start3A_747 : memref<1x128x128xf32, #tpu.memory_space<vmem>> -> memref<128x128xf32, #tpu.memory_space<vmem>>
      %dma_start3A_749 = arith.constant 0 : i32
      %dma_start3A_750 = tpu.memref_slice %arg6[%dma_start3A_742, %dma_start3A_743, %dma_start3A_749] : memref<3x2x128xi32, #tpu.memory_space<vmem>> -> memref<1x1x128xi32, #tpu.memory_space<vmem>>
      %dma_start3A_751 = tpu.memref_squeeze %dma_start3A_750 : memref<1x1x128xi32, #tpu.memory_space<vmem>> -> memref<128xi32, #tpu.memory_space<vmem>>
      %dma_start3A_752 = arith.constant 0 : i32
      %dma_start3A_753 = arith.constant 0 : i32
      %dma_start3A_754 = tpu.memref_slice %arg2[%dma_start3A_752, %dma_start3A_753] : memref<10240x128xf32, #tpu.memory_space<hbm>> -> memref<10240x128xf32, #tpu.memory_space<hbm>>
      tpu.enqueue_indirect_dma source(%dma_start3A_754 : memref<10240x128xf32, #tpu.memory_space<hbm>>) target(%dma_start3A_748 : memref<128x128xf32, #tpu.memory_space<vmem>>) offsets(%dma_start3A_751 : memref<128xi32, #tpu.memory_space<vmem>>) semaphore(%arg14 : memref<!tpu.dma_semaphore, #tpu.memory_space<semaphore_mem>>)
      %add3A_755 = arith.constant 2 : i32
      %add3A_756 = arith.addi %mul3A_574, %add3A_755 : i32
      %dma_wait3A_757 = arith.constant 2 : i32
      %dma_wait3A_758 = arith.constant 0 : i32
      %dma_wait3A_759 = arith.constant 2 : i32
      %dma_wait3A_760 = arith.constant 0 : i32
      %dma_wait3A_761 = arith.constant 0 : i32
      %dma_wait3A_762 = tpu.memref_slice %arg7[%dma_wait3A_759, %dma_wait3A_760, %dma_wait3A_761] : memref<3x128x128xf32, #tpu.memory_space<vmem>> -> memref<1x128x128xf32, #tpu.memory_space<vmem>>
      %dma_wait3A_763 = tpu.memref_squeeze %dma_wait3A_762 : memref<1x128x128xf32, #tpu.memory_space<vmem>> -> memref<128x128xf32, #tpu.memory_space<vmem>>
      %dma_wait3A_764 = arith.constant 0 : i32
      %dma_wait3A_765 = tpu.memref_slice %arg6[%dma_wait3A_757, %dma_wait3A_758, %dma_wait3A_764] : memref<3x2x128xi32, #tpu.memory_space<vmem>> -> memref<1x1x128xi32, #tpu.memory_space<vmem>>
      %dma_wait3A_766 = tpu.memref_squeeze %dma_wait3A_765 : memref<1x1x128xi32, #tpu.memory_space<vmem>> -> memref<128xi32, #tpu.memory_space<vmem>>
      %dma_wait3A_767 = arith.constant 0 : i32
      %dma_wait3A_768 = arith.constant 0 : i32
      %dma_wait3A_769 = tpu.memref_slice %arg2[%dma_wait3A_767, %dma_wait3A_768] : memref<10240x128xf32, #tpu.memory_space<hbm>> -> memref<10240x128xf32, #tpu.memory_space<hbm>>
      tpu.wait_indirect_dma semaphore(%arg14 : memref<!tpu.dma_semaphore, #tpu.memory_space<semaphore_mem>>) src(%dma_wait3A_769 : memref<10240x128xf32, #tpu.memory_space<hbm>>) dst(%dma_wait3A_763 : memref<128x128xf32, #tpu.memory_space<vmem>>)
      %dma_start3A_770 = arith.constant 2 : i32
      %dma_start3A_771 = arith.constant 2 : i32
      %dma_start3A_772 = arith.constant 1 : i32
      %dma_start3A_773 = arith.constant 0 : i32
      %dma_start3A_774 = arith.constant 0 : i32
      %dma_start3A_775 = tpu.memref_slice %arg7[%dma_start3A_770, %dma_start3A_773, %dma_start3A_774] : memref<3x128x128xf32, #tpu.memory_space<vmem>> -> memref<1x128x128xf32, #tpu.memory_space<vmem>>
      %dma_start3A_776 = tpu.memref_squeeze %dma_start3A_775 : memref<1x128x128xf32, #tpu.memory_space<vmem>> -> memref<128x128xf32, #tpu.memory_space<vmem>>
      %dma_start3A_777 = arith.constant 0 : i32
      %dma_start3A_778 = tpu.memref_slice %arg6[%dma_start3A_771, %dma_start3A_772, %dma_start3A_777] : memref<3x2x128xi32, #tpu.memory_space<vmem>> -> memref<1x1x128xi32, #tpu.memory_space<vmem>>
      %dma_start3A_779 = tpu.memref_squeeze %dma_start3A_778 : memref<1x1x128xi32, #tpu.memory_space<vmem>> -> memref<128xi32, #tpu.memory_space<vmem>>
      %dma_start3A_780 = arith.constant 0 : i32
      %dma_start3A_781 = arith.constant 0 : i32
      %dma_start3A_782 = tpu.memref_slice %arg8[%dma_start3A_780, %dma_start3A_781] : memref<10112x128xf32, #tpu.memory_space<vmem_shared>> -> memref<10112x128xf32, #tpu.memory_space<vmem_shared>>
      tpu.enqueue_indirect_dma source(%dma_start3A_776 : memref<128x128xf32, #tpu.memory_space<vmem>>) target(%dma_start3A_782 : memref<10112x128xf32, #tpu.memory_space<vmem_shared>>) offsets(%dma_start3A_779 : memref<128xi32, #tpu.memory_space<vmem>>) semaphore(%arg17 : memref<!tpu.dma_semaphore, #tpu.memory_space<semaphore_mem>>) {add = true}
      %dma_wait3A_783 = arith.constant 1 : i32
      %dma_wait3A_784 = arith.constant 1 : i32
      %dma_wait3A_785 = arith.constant 1 : i32
      %dma_wait3A_786 = arith.constant 0 : i32
      %dma_wait3A_787 = arith.constant 0 : i32
      %dma_wait3A_788 = tpu.memref_slice %arg7[%dma_wait3A_783, %dma_wait3A_786, %dma_wait3A_787] : memref<3x128x128xf32, #tpu.memory_space<vmem>> -> memref<1x128x128xf32, #tpu.memory_space<vmem>>
      %dma_wait3A_789 = tpu.memref_squeeze %dma_wait3A_788 : memref<1x128x128xf32, #tpu.memory_space<vmem>> -> memref<128x128xf32, #tpu.memory_space<vmem>>
      %dma_wait3A_790 = arith.constant 0 : i32
      %dma_wait3A_791 = tpu.memref_slice %arg6[%dma_wait3A_784, %dma_wait3A_785, %dma_wait3A_790] : memref<3x2x128xi32, #tpu.memory_space<vmem>> -> memref<1x1x128xi32, #tpu.memory_space<vmem>>
      %dma_wait3A_792 = tpu.memref_squeeze %dma_wait3A_791 : memref<1x1x128xi32, #tpu.memory_space<vmem>> -> memref<128xi32, #tpu.memory_space<vmem>>
      %dma_wait3A_793 = arith.constant 0 : i32
      %dma_wait3A_794 = arith.constant 0 : i32
      %dma_wait3A_795 = tpu.memref_slice %arg8[%dma_wait3A_793, %dma_wait3A_794] : memref<10112x128xf32, #tpu.memory_space<vmem_shared>> -> memref<10112x128xf32, #tpu.memory_space<vmem_shared>>
      tpu.wait_indirect_dma semaphore(%arg16 : memref<!tpu.dma_semaphore, #tpu.memory_space<semaphore_mem>>) src(%dma_wait3A_789 : memref<128x128xf32, #tpu.memory_space<vmem>>) dst(%dma_wait3A_795 : memref<10112x128xf32, #tpu.memory_space<vmem_shared>>)
      %add3A_796 = arith.constant 2 : i32
      %add3A_797 = arith.addi %add3A_756, %add3A_796 : i32
      %dma_start3A_798 = arith.constant 1 : i32
      %dma_start3A_799 = arith.constant 0 : i32
      %dma_start3A_800 = arith.constant 0 : i32
      %dma_start3A_801 = tpu.memref_slice %arg6[%dma_start3A_798, %dma_start3A_799, %dma_start3A_800] : memref<3x2x128xi32, #tpu.memory_space<vmem>> -> memref<1x2x128xi32, #tpu.memory_space<vmem>>
      %dma_start3A_802 = tpu.memref_squeeze %dma_start3A_801 : memref<1x2x128xi32, #tpu.memory_space<vmem>> -> memref<2x128xi32, #tpu.memory_space<vmem>>
      %dma_start3A_803 = arith.constant 0 : i32
      %dma_start3A_804 = arith.constant 0 : i32
      %dma_start3A_805 = tpu.memref_slice %arg3[%add3A, %add3A_797, %dma_start3A_803, %dma_start3A_804] : memref<32x81x2x128xi32, #tpu.memory_space<hbm>> -> memref<1x1x2x128xi32, #tpu.memory_space<hbm>>
      %dma_start3A_806 = tpu.memref_squeeze %dma_start3A_805 : memref<1x1x2x128xi32, #tpu.memory_space<hbm>> -> memref<2x128xi32, #tpu.memory_space<hbm>>
      %dma_start3A_807 = arith.constant 0 : i32
      %dma_start3A_808 = arith.constant 0 : i32
      %dma_start3A_809 = tpu.memref_slice %arg6[%dma_start3A_798, %dma_start3A_807, %dma_start3A_808] : memref<3x2x128xi32, #tpu.memory_space<vmem>> -> memref<1x2x128xi32, #tpu.memory_space<vmem>>
      %dma_start3A_810 = tpu.memref_squeeze %dma_start3A_809 : memref<1x2x128xi32, #tpu.memory_space<vmem>> -> memref<2x128xi32, #tpu.memory_space<vmem>>
      %dma_start3A_811 = arith.constant 0 : i32
      %dma_start3A_812 = arith.constant 0 : i32
      %dma_start3A_813 = tpu.memref_slice %arg3[%add3A, %add3A_797, %dma_start3A_811, %dma_start3A_812] : memref<32x81x2x128xi32, #tpu.memory_space<hbm>> -> memref<1x1x2x128xi32, #tpu.memory_space<hbm>>
      %dma_start3A_814 = tpu.memref_squeeze %dma_start3A_813 : memref<1x1x2x128xi32, #tpu.memory_space<hbm>> -> memref<2x128xi32, #tpu.memory_space<hbm>>
      tpu.enqueue_dma source(%dma_start3A_814 : memref<2x128xi32, #tpu.memory_space<hbm>>) target(%dma_start3A_810 : memref<2x128xi32, #tpu.memory_space<vmem>>) target_semaphore(%arg10 : memref<!tpu.dma_semaphore, #tpu.memory_space<semaphore_mem>>)
      %dma_wait3A_815 = arith.constant 0 : i32
      %dma_wait3A_816 = arith.constant 0 : i32
      %dma_wait3A_817 = arith.constant 0 : i32
      %dma_wait3A_818 = arith.constant 0 : i32
      %dma_wait3A_819 = tpu.memref_slice %arg6[%dma_wait3A_816, %dma_wait3A_817, %dma_wait3A_818] : memref<3x2x128xi32, #tpu.memory_space<vmem>> -> memref<1x2x128xi32, #tpu.memory_space<vmem>>
      %dma_wait3A_820 = tpu.memref_squeeze %dma_wait3A_819 : memref<1x2x128xi32, #tpu.memory_space<vmem>> -> memref<2x128xi32, #tpu.memory_space<vmem>>
      %dma_wait3A_821 = arith.constant 0 : i32
      %dma_wait3A_822 = arith.constant 0 : i32
      %dma_wait3A_823 = tpu.memref_slice %arg3[%add3A, %dma_wait3A_815, %dma_wait3A_821, %dma_wait3A_822] : memref<32x81x2x128xi32, #tpu.memory_space<hbm>> -> memref<1x1x2x128xi32, #tpu.memory_space<hbm>>
      %dma_wait3A_824 = tpu.memref_squeeze %dma_wait3A_823 : memref<1x1x2x128xi32, #tpu.memory_space<hbm>> -> memref<2x128xi32, #tpu.memory_space<hbm>>
      %dma_wait3A_825 = arith.constant 0 : i32
      %dma_wait3A_826 = arith.constant 0 : i32
      %dma_wait3A_827 = tpu.memref_slice %arg6[%dma_wait3A_816, %dma_wait3A_825, %dma_wait3A_826] : memref<3x2x128xi32, #tpu.memory_space<vmem>> -> memref<1x2x128xi32, #tpu.memory_space<vmem>>
      %dma_wait3A_828 = tpu.memref_squeeze %dma_wait3A_827 : memref<1x2x128xi32, #tpu.memory_space<vmem>> -> memref<2x128xi32, #tpu.memory_space<vmem>>
      %dma_wait3A_829 = arith.constant 0 : i32
      %dma_wait3A_830 = arith.constant 0 : i32
      %dma_wait3A_831 = tpu.memref_slice %arg3[%add3A, %dma_wait3A_815, %dma_wait3A_829, %dma_wait3A_830] : memref<32x81x2x128xi32, #tpu.memory_space<hbm>> -> memref<1x1x2x128xi32, #tpu.memory_space<hbm>>
      %dma_wait3A_832 = tpu.memref_squeeze %dma_wait3A_831 : memref<1x1x2x128xi32, #tpu.memory_space<hbm>> -> memref<2x128xi32, #tpu.memory_space<hbm>>
      tpu.wait_dma2 semaphore(%arg9 : memref<!tpu.dma_semaphore, #tpu.memory_space<semaphore_mem>>) src(%dma_wait3A_832 : memref<2x128xi32, #tpu.memory_space<hbm>>) dst(%dma_wait3A_828 : memref<2x128xi32, #tpu.memory_space<vmem>>)
      %dma_start3A_833 = arith.constant 0 : i32
      %dma_start3A_834 = arith.constant 0 : i32
      %dma_start3A_835 = arith.constant 0 : i32
      %dma_start3A_836 = arith.constant 0 : i32
      %dma_start3A_837 = arith.constant 0 : i32
      %dma_start3A_838 = tpu.memref_slice %arg7[%dma_start3A_835, %dma_start3A_836, %dma_start3A_837] : memref<3x128x128xf32, #tpu.memory_space<vmem>> -> memref<1x128x128xf32, #tpu.memory_space<vmem>>
      %dma_start3A_839 = tpu.memref_squeeze %dma_start3A_838 : memref<1x128x128xf32, #tpu.memory_space<vmem>> -> memref<128x128xf32, #tpu.memory_space<vmem>>
      %dma_start3A_840 = arith.constant 0 : i32
      %dma_start3A_841 = tpu.memref_slice %arg6[%dma_start3A_833, %dma_start3A_834, %dma_start3A_840] : memref<3x2x128xi32, #tpu.memory_space<vmem>> -> memref<1x1x128xi32, #tpu.memory_space<vmem>>
      %dma_start3A_842 = tpu.memref_squeeze %dma_start3A_841 : memref<1x1x128xi32, #tpu.memory_space<vmem>> -> memref<128xi32, #tpu.memory_space<vmem>>
      %dma_start3A_843 = arith.constant 0 : i32
      %dma_start3A_844 = arith.constant 0 : i32
      %dma_start3A_845 = tpu.memref_slice %arg2[%dma_start3A_843, %dma_start3A_844] : memref<10240x128xf32, #tpu.memory_space<hbm>> -> memref<10240x128xf32, #tpu.memory_space<hbm>>
      tpu.enqueue_indirect_dma source(%dma_start3A_845 : memref<10240x128xf32, #tpu.memory_space<hbm>>) target(%dma_start3A_839 : memref<128x128xf32, #tpu.memory_space<vmem>>) offsets(%dma_start3A_842 : memref<128xi32, #tpu.memory_space<vmem>>) semaphore(%arg12 : memref<!tpu.dma_semaphore, #tpu.memory_space<semaphore_mem>>)
    }
    %sub3A_350 = arith.constant 3 : i32
    %sub3A_351 = arith.subi %select_n3A_3, %sub3A_350 : i32
    %dma_wait3A_352 = arith.constant 0 : i32
    %dma_wait3A_353 = arith.constant 0 : i32
    %dma_wait3A_354 = arith.constant 0 : i32
    %dma_wait3A_355 = arith.constant 0 : i32
    %dma_wait3A_356 = arith.constant 0 : i32
    %dma_wait3A_357 = tpu.memref_slice %arg7[%dma_wait3A_354, %dma_wait3A_355, %dma_wait3A_356] : memref<3x128x128xf32, #tpu.memory_space<vmem>> -> memref<1x128x128xf32, #tpu.memory_space<vmem>>
    %dma_wait3A_358 = tpu.memref_squeeze %dma_wait3A_357 : memref<1x128x128xf32, #tpu.memory_space<vmem>> -> memref<128x128xf32, #tpu.memory_space<vmem>>
    %dma_wait3A_359 = arith.constant 0 : i32
    %dma_wait3A_360 = tpu.memref_slice %arg6[%dma_wait3A_352, %dma_wait3A_353, %dma_wait3A_359] : memref<3x2x128xi32, #tpu.memory_space<vmem>> -> memref<1x1x128xi32, #tpu.memory_space<vmem>>
    %dma_wait3A_361 = tpu.memref_squeeze %dma_wait3A_360 : memref<1x1x128xi32, #tpu.memory_space<vmem>> -> memref<128xi32, #tpu.memory_space<vmem>>
    %dma_wait3A_362 = arith.constant 0 : i32
    %dma_wait3A_363 = arith.constant 0 : i32
    %dma_wait3A_364 = tpu.memref_slice %arg2[%dma_wait3A_362, %dma_wait3A_363] : memref<10240x128xf32, #tpu.memory_space<hbm>> -> memref<10240x128xf32, #tpu.memory_space<hbm>>
    tpu.wait_indirect_dma semaphore(%arg12 : memref<!tpu.dma_semaphore, #tpu.memory_space<semaphore_mem>>) src(%dma_wait3A_364 : memref<10240x128xf32, #tpu.memory_space<hbm>>) dst(%dma_wait3A_358 : memref<128x128xf32, #tpu.memory_space<vmem>>)
    %dma_start3A_365 = arith.constant 0 : i32
    %dma_start3A_366 = arith.constant 0 : i32
    %dma_start3A_367 = arith.constant 1 : i32
    %dma_start3A_368 = arith.constant 0 : i32
    %dma_start3A_369 = arith.constant 0 : i32
    %dma_start3A_370 = tpu.memref_slice %arg7[%dma_start3A_365, %dma_start3A_368, %dma_start3A_369] : memref<3x128x128xf32, #tpu.memory_space<vmem>> -> memref<1x128x128xf32, #tpu.memory_space<vmem>>
    %dma_start3A_371 = tpu.memref_squeeze %dma_start3A_370 : memref<1x128x128xf32, #tpu.memory_space<vmem>> -> memref<128x128xf32, #tpu.memory_space<vmem>>
    %dma_start3A_372 = arith.constant 0 : i32
    %dma_start3A_373 = tpu.memref_slice %arg6[%dma_start3A_366, %dma_start3A_367, %dma_start3A_372] : memref<3x2x128xi32, #tpu.memory_space<vmem>> -> memref<1x1x128xi32, #tpu.memory_space<vmem>>
    %dma_start3A_374 = tpu.memref_squeeze %dma_start3A_373 : memref<1x1x128xi32, #tpu.memory_space<vmem>> -> memref<128xi32, #tpu.memory_space<vmem>>
    %dma_start3A_375 = arith.constant 0 : i32
    %dma_start3A_376 = arith.constant 0 : i32
    %dma_start3A_377 = tpu.memref_slice %arg8[%dma_start3A_375, %dma_start3A_376] : memref<10112x128xf32, #tpu.memory_space<vmem_shared>> -> memref<10112x128xf32, #tpu.memory_space<vmem_shared>>
    tpu.enqueue_indirect_dma source(%dma_start3A_371 : memref<128x128xf32, #tpu.memory_space<vmem>>) target(%dma_start3A_377 : memref<10112x128xf32, #tpu.memory_space<vmem_shared>>) offsets(%dma_start3A_374 : memref<128xi32, #tpu.memory_space<vmem>>) semaphore(%arg15 : memref<!tpu.dma_semaphore, #tpu.memory_space<semaphore_mem>>) {add = true}
    %dma_wait3A_378 = arith.constant 2 : i32
    %dma_wait3A_379 = arith.constant 2 : i32
    %dma_wait3A_380 = arith.constant 1 : i32
    %dma_wait3A_381 = arith.constant 0 : i32
    %dma_wait3A_382 = arith.constant 0 : i32
    %dma_wait3A_383 = tpu.memref_slice %arg7[%dma_wait3A_378, %dma_wait3A_381, %dma_wait3A_382] : memref<3x128x128xf32, #tpu.memory_space<vmem>> -> memref<1x128x128xf32, #tpu.memory_space<vmem>>
    %dma_wait3A_384 = tpu.memref_squeeze %dma_wait3A_383 : memref<1x128x128xf32, #tpu.memory_space<vmem>> -> memref<128x128xf32, #tpu.memory_space<vmem>>
    %dma_wait3A_385 = arith.constant 0 : i32
    %dma_wait3A_386 = tpu.memref_slice %arg6[%dma_wait3A_379, %dma_wait3A_380, %dma_wait3A_385] : memref<3x2x128xi32, #tpu.memory_space<vmem>> -> memref<1x1x128xi32, #tpu.memory_space<vmem>>
    %dma_wait3A_387 = tpu.memref_squeeze %dma_wait3A_386 : memref<1x1x128xi32, #tpu.memory_space<vmem>> -> memref<128xi32, #tpu.memory_space<vmem>>
    %dma_wait3A_388 = arith.constant 0 : i32
    %dma_wait3A_389 = arith.constant 0 : i32
    %dma_wait3A_390 = tpu.memref_slice %arg8[%dma_wait3A_388, %dma_wait3A_389] : memref<10112x128xf32, #tpu.memory_space<vmem_shared>> -> memref<10112x128xf32, #tpu.memory_space<vmem_shared>>
    tpu.wait_indirect_dma semaphore(%arg17 : memref<!tpu.dma_semaphore, #tpu.memory_space<semaphore_mem>>) src(%dma_wait3A_384 : memref<128x128xf32, #tpu.memory_space<vmem>>) dst(%dma_wait3A_390 : memref<10112x128xf32, #tpu.memory_space<vmem_shared>>)
    %add3A_391 = arith.constant 2 : i32
    %add3A_392 = arith.addi %sub3A_351, %add3A_391 : i32
    %dma_start3A_393 = arith.constant 2 : i32
    %dma_start3A_394 = arith.constant 0 : i32
    %dma_start3A_395 = arith.constant 0 : i32
    %dma_start3A_396 = tpu.memref_slice %arg6[%dma_start3A_393, %dma_start3A_394, %dma_start3A_395] : memref<3x2x128xi32, #tpu.memory_space<vmem>> -> memref<1x2x128xi32, #tpu.memory_space<vmem>>
    %dma_start3A_397 = tpu.memref_squeeze %dma_start3A_396 : memref<1x2x128xi32, #tpu.memory_space<vmem>> -> memref<2x128xi32, #tpu.memory_space<vmem>>
    %dma_start3A_398 = arith.constant 0 : i32
    %dma_start3A_399 = arith.constant 0 : i32
    %dma_start3A_400 = tpu.memref_slice %arg3[%add3A, %add3A_392, %dma_start3A_398, %dma_start3A_399] : memref<32x81x2x128xi32, #tpu.memory_space<hbm>> -> memref<1x1x2x128xi32, #tpu.memory_space<hbm>>
    %dma_start3A_401 = tpu.memref_squeeze %dma_start3A_400 : memref<1x1x2x128xi32, #tpu.memory_space<hbm>> -> memref<2x128xi32, #tpu.memory_space<hbm>>
    %dma_start3A_402 = arith.constant 0 : i32
    %dma_start3A_403 = arith.constant 0 : i32
    %dma_start3A_404 = tpu.memref_slice %arg6[%dma_start3A_393, %dma_start3A_402, %dma_start3A_403] : memref<3x2x128xi32, #tpu.memory_space<vmem>> -> memref<1x2x128xi32, #tpu.memory_space<vmem>>
    %dma_start3A_405 = tpu.memref_squeeze %dma_start3A_404 : memref<1x2x128xi32, #tpu.memory_space<vmem>> -> memref<2x128xi32, #tpu.memory_space<vmem>>
    %dma_start3A_406 = arith.constant 0 : i32
    %dma_start3A_407 = arith.constant 0 : i32
    %dma_start3A_408 = tpu.memref_slice %arg3[%add3A, %add3A_392, %dma_start3A_406, %dma_start3A_407] : memref<32x81x2x128xi32, #tpu.memory_space<hbm>> -> memref<1x1x2x128xi32, #tpu.memory_space<hbm>>
    %dma_start3A_409 = tpu.memref_squeeze %dma_start3A_408 : memref<1x1x2x128xi32, #tpu.memory_space<hbm>> -> memref<2x128xi32, #tpu.memory_space<hbm>>
    tpu.enqueue_dma source(%dma_start3A_409 : memref<2x128xi32, #tpu.memory_space<hbm>>) target(%dma_start3A_405 : memref<2x128xi32, #tpu.memory_space<vmem>>) target_semaphore(%arg11 : memref<!tpu.dma_semaphore, #tpu.memory_space<semaphore_mem>>)
    %dma_wait3A_410 = arith.constant 0 : i32
    %dma_wait3A_411 = arith.constant 1 : i32
    %dma_wait3A_412 = arith.constant 0 : i32
    %dma_wait3A_413 = arith.constant 0 : i32
    %dma_wait3A_414 = tpu.memref_slice %arg6[%dma_wait3A_411, %dma_wait3A_412, %dma_wait3A_413] : memref<3x2x128xi32, #tpu.memory_space<vmem>> -> memref<1x2x128xi32, #tpu.memory_space<vmem>>
    %dma_wait3A_415 = tpu.memref_squeeze %dma_wait3A_414 : memref<1x2x128xi32, #tpu.memory_space<vmem>> -> memref<2x128xi32, #tpu.memory_space<vmem>>
    %dma_wait3A_416 = arith.constant 0 : i32
    %dma_wait3A_417 = arith.constant 0 : i32
    %dma_wait3A_418 = tpu.memref_slice %arg3[%add3A, %dma_wait3A_410, %dma_wait3A_416, %dma_wait3A_417] : memref<32x81x2x128xi32, #tpu.memory_space<hbm>> -> memref<1x1x2x128xi32, #tpu.memory_space<hbm>>
    %dma_wait3A_419 = tpu.memref_squeeze %dma_wait3A_418 : memref<1x1x2x128xi32, #tpu.memory_space<hbm>> -> memref<2x128xi32, #tpu.memory_space<hbm>>
    %dma_wait3A_420 = arith.constant 0 : i32
    %dma_wait3A_421 = arith.constant 0 : i32
    %dma_wait3A_422 = tpu.memref_slice %arg6[%dma_wait3A_411, %dma_wait3A_420, %dma_wait3A_421] : memref<3x2x128xi32, #tpu.memory_space<vmem>> -> memref<1x2x128xi32, #tpu.memory_space<vmem>>
    %dma_wait3A_423 = tpu.memref_squeeze %dma_wait3A_422 : memref<1x2x128xi32, #tpu.memory_space<vmem>> -> memref<2x128xi32, #tpu.memory_space<vmem>>
    %dma_wait3A_424 = arith.constant 0 : i32
    %dma_wait3A_425 = arith.constant 0 : i32
    %dma_wait3A_426 = tpu.memref_slice %arg3[%add3A, %dma_wait3A_410, %dma_wait3A_424, %dma_wait3A_425] : memref<32x81x2x128xi32, #tpu.memory_space<hbm>> -> memref<1x1x2x128xi32, #tpu.memory_space<hbm>>
    %dma_wait3A_427 = tpu.memref_squeeze %dma_wait3A_426 : memref<1x1x2x128xi32, #tpu.memory_space<hbm>> -> memref<2x128xi32, #tpu.memory_space<hbm>>
    tpu.wait_dma2 semaphore(%arg10 : memref<!tpu.dma_semaphore, #tpu.memory_space<semaphore_mem>>) src(%dma_wait3A_427 : memref<2x128xi32, #tpu.memory_space<hbm>>) dst(%dma_wait3A_423 : memref<2x128xi32, #tpu.memory_space<vmem>>)
    %dma_start3A_428 = arith.constant 1 : i32
    %dma_start3A_429 = arith.constant 0 : i32
    %dma_start3A_430 = arith.constant 1 : i32
    %dma_start3A_431 = arith.constant 0 : i32
    %dma_start3A_432 = arith.constant 0 : i32
    %dma_start3A_433 = tpu.memref_slice %arg7[%dma_start3A_430, %dma_start3A_431, %dma_start3A_432] : memref<3x128x128xf32, #tpu.memory_space<vmem>> -> memref<1x128x128xf32, #tpu.memory_space<vmem>>
    %dma_start3A_434 = tpu.memref_squeeze %dma_start3A_433 : memref<1x128x128xf32, #tpu.memory_space<vmem>> -> memref<128x128xf32, #tpu.memory_space<vmem>>
    %dma_start3A_435 = arith.constant 0 : i32
    %dma_start3A_436 = tpu.memref_slice %arg6[%dma_start3A_428, %dma_start3A_429, %dma_start3A_435] : memref<3x2x128xi32, #tpu.memory_space<vmem>> -> memref<1x1x128xi32, #tpu.memory_space<vmem>>
    %dma_start3A_437 = tpu.memref_squeeze %dma_start3A_436 : memref<1x1x128xi32, #tpu.memory_space<vmem>> -> memref<128xi32, #tpu.memory_space<vmem>>
    %dma_start3A_438 = arith.constant 0 : i32
    %dma_start3A_439 = arith.constant 0 : i32
    %dma_start3A_440 = tpu.memref_slice %arg2[%dma_start3A_438, %dma_start3A_439] : memref<10240x128xf32, #tpu.memory_space<hbm>> -> memref<10240x128xf32, #tpu.memory_space<hbm>>
    tpu.enqueue_indirect_dma source(%dma_start3A_440 : memref<10240x128xf32, #tpu.memory_space<hbm>>) target(%dma_start3A_434 : memref<128x128xf32, #tpu.memory_space<vmem>>) offsets(%dma_start3A_437 : memref<128xi32, #tpu.memory_space<vmem>>) semaphore(%arg13 : memref<!tpu.dma_semaphore, #tpu.memory_space<semaphore_mem>>)
    %sub3A_441 = arith.constant 2 : i32
    %sub3A_442 = arith.subi %select_n3A_3, %sub3A_441 : i32
    %dma_wait3A_443 = arith.constant 1 : i32
    %dma_wait3A_444 = arith.constant 0 : i32
    %dma_wait3A_445 = arith.constant 1 : i32
    %dma_wait3A_446 = arith.constant 0 : i32
    %dma_wait3A_447 = arith.constant 0 : i32
    %dma_wait3A_448 = tpu.memref_slice %arg7[%dma_wait3A_445, %dma_wait3A_446, %dma_wait3A_447] : memref<3x128x128xf32, #tpu.memory_space<vmem>> -> memref<1x128x128xf32, #tpu.memory_space<vmem>>
    %dma_wait3A_449 = tpu.memref_squeeze %dma_wait3A_448 : memref<1x128x128xf32, #tpu.memory_space<vmem>> -> memref<128x128xf32, #tpu.memory_space<vmem>>
    %dma_wait3A_450 = arith.constant 0 : i32
    %dma_wait3A_451 = tpu.memref_slice %arg6[%dma_wait3A_443, %dma_wait3A_444, %dma_wait3A_450] : memref<3x2x128xi32, #tpu.memory_space<vmem>> -> memref<1x1x128xi32, #tpu.memory_space<vmem>>
    %dma_wait3A_452 = tpu.memref_squeeze %dma_wait3A_451 : memref<1x1x128xi32, #tpu.memory_space<vmem>> -> memref<128xi32, #tpu.memory_space<vmem>>
    %dma_wait3A_453 = arith.constant 0 : i32
    %dma_wait3A_454 = arith.constant 0 : i32
    %dma_wait3A_455 = tpu.memref_slice %arg2[%dma_wait3A_453, %dma_wait3A_454] : memref<10240x128xf32, #tpu.memory_space<hbm>> -> memref<10240x128xf32, #tpu.memory_space<hbm>>
    tpu.wait_indirect_dma semaphore(%arg13 : memref<!tpu.dma_semaphore, #tpu.memory_space<semaphore_mem>>) src(%dma_wait3A_455 : memref<10240x128xf32, #tpu.memory_space<hbm>>) dst(%dma_wait3A_449 : memref<128x128xf32, #tpu.memory_space<vmem>>)
    %dma_start3A_456 = arith.constant 1 : i32
    %dma_start3A_457 = arith.constant 1 : i32
    %dma_start3A_458 = arith.constant 1 : i32
    %dma_start3A_459 = arith.constant 0 : i32
    %dma_start3A_460 = arith.constant 0 : i32
    %dma_start3A_461 = tpu.memref_slice %arg7[%dma_start3A_456, %dma_start3A_459, %dma_start3A_460] : memref<3x128x128xf32, #tpu.memory_space<vmem>> -> memref<1x128x128xf32, #tpu.memory_space<vmem>>
    %dma_start3A_462 = tpu.memref_squeeze %dma_start3A_461 : memref<1x128x128xf32, #tpu.memory_space<vmem>> -> memref<128x128xf32, #tpu.memory_space<vmem>>
    %dma_start3A_463 = arith.constant 0 : i32
    %dma_start3A_464 = tpu.memref_slice %arg6[%dma_start3A_457, %dma_start3A_458, %dma_start3A_463] : memref<3x2x128xi32, #tpu.memory_space<vmem>> -> memref<1x1x128xi32, #tpu.memory_space<vmem>>
    %dma_start3A_465 = tpu.memref_squeeze %dma_start3A_464 : memref<1x1x128xi32, #tpu.memory_space<vmem>> -> memref<128xi32, #tpu.memory_space<vmem>>
    %dma_start3A_466 = arith.constant 0 : i32
    %dma_start3A_467 = arith.constant 0 : i32
    %dma_start3A_468 = tpu.memref_slice %arg8[%dma_start3A_466, %dma_start3A_467] : memref<10112x128xf32, #tpu.memory_space<vmem_shared>> -> memref<10112x128xf32, #tpu.memory_space<vmem_shared>>
    tpu.enqueue_indirect_dma source(%dma_start3A_462 : memref<128x128xf32, #tpu.memory_space<vmem>>) target(%dma_start3A_468 : memref<10112x128xf32, #tpu.memory_space<vmem_shared>>) offsets(%dma_start3A_465 : memref<128xi32, #tpu.memory_space<vmem>>) semaphore(%arg16 : memref<!tpu.dma_semaphore, #tpu.memory_space<semaphore_mem>>) {add = true}
    %dma_wait3A_469 = arith.constant 0 : i32
    %dma_wait3A_470 = arith.constant 0 : i32
    %dma_wait3A_471 = arith.constant 1 : i32
    %dma_wait3A_472 = arith.constant 0 : i32
    %dma_wait3A_473 = arith.constant 0 : i32
    %dma_wait3A_474 = tpu.memref_slice %arg7[%dma_wait3A_469, %dma_wait3A_472, %dma_wait3A_473] : memref<3x128x128xf32, #tpu.memory_space<vmem>> -> memref<1x128x128xf32, #tpu.memory_space<vmem>>
    %dma_wait3A_475 = tpu.memref_squeeze %dma_wait3A_474 : memref<1x128x128xf32, #tpu.memory_space<vmem>> -> memref<128x128xf32, #tpu.memory_space<vmem>>
    %dma_wait3A_476 = arith.constant 0 : i32
    %dma_wait3A_477 = tpu.memref_slice %arg6[%dma_wait3A_470, %dma_wait3A_471, %dma_wait3A_476] : memref<3x2x128xi32, #tpu.memory_space<vmem>> -> memref<1x1x128xi32, #tpu.memory_space<vmem>>
    %dma_wait3A_478 = tpu.memref_squeeze %dma_wait3A_477 : memref<1x1x128xi32, #tpu.memory_space<vmem>> -> memref<128xi32, #tpu.memory_space<vmem>>
    %dma_wait3A_479 = arith.constant 0 : i32
    %dma_wait3A_480 = arith.constant 0 : i32
    %dma_wait3A_481 = tpu.memref_slice %arg8[%dma_wait3A_479, %dma_wait3A_480] : memref<10112x128xf32, #tpu.memory_space<vmem_shared>> -> memref<10112x128xf32, #tpu.memory_space<vmem_shared>>
    tpu.wait_indirect_dma semaphore(%arg15 : memref<!tpu.dma_semaphore, #tpu.memory_space<semaphore_mem>>) src(%dma_wait3A_475 : memref<128x128xf32, #tpu.memory_space<vmem>>) dst(%dma_wait3A_481 : memref<10112x128xf32, #tpu.memory_space<vmem_shared>>)
    %dma_wait3A_482 = arith.constant 0 : i32
    %dma_wait3A_483 = arith.constant 2 : i32
    %dma_wait3A_484 = arith.constant 0 : i32
    %dma_wait3A_485 = arith.constant 0 : i32
    %dma_wait3A_486 = tpu.memref_slice %arg6[%dma_wait3A_483, %dma_wait3A_484, %dma_wait3A_485] : memref<3x2x128xi32, #tpu.memory_space<vmem>> -> memref<1x2x128xi32, #tpu.memory_space<vmem>>
    %dma_wait3A_487 = tpu.memref_squeeze %dma_wait3A_486 : memref<1x2x128xi32, #tpu.memory_space<vmem>> -> memref<2x128xi32, #tpu.memory_space<vmem>>
    %dma_wait3A_488 = arith.constant 0 : i32
    %dma_wait3A_489 = arith.constant 0 : i32
    %dma_wait3A_490 = tpu.memref_slice %arg3[%add3A, %dma_wait3A_482, %dma_wait3A_488, %dma_wait3A_489] : memref<32x81x2x128xi32, #tpu.memory_space<hbm>> -> memref<1x1x2x128xi32, #tpu.memory_space<hbm>>
    %dma_wait3A_491 = tpu.memref_squeeze %dma_wait3A_490 : memref<1x1x2x128xi32, #tpu.memory_space<hbm>> -> memref<2x128xi32, #tpu.memory_space<hbm>>
    %dma_wait3A_492 = arith.constant 0 : i32
    %dma_wait3A_493 = arith.constant 0 : i32
    %dma_wait3A_494 = tpu.memref_slice %arg6[%dma_wait3A_483, %dma_wait3A_492, %dma_wait3A_493] : memref<3x2x128xi32, #tpu.memory_space<vmem>> -> memref<1x2x128xi32, #tpu.memory_space<vmem>>
    %dma_wait3A_495 = tpu.memref_squeeze %dma_wait3A_494 : memref<1x2x128xi32, #tpu.memory_space<vmem>> -> memref<2x128xi32, #tpu.memory_space<vmem>>
    %dma_wait3A_496 = arith.constant 0 : i32
    %dma_wait3A_497 = arith.constant 0 : i32
    %dma_wait3A_498 = tpu.memref_slice %arg3[%add3A, %dma_wait3A_482, %dma_wait3A_496, %dma_wait3A_497] : memref<32x81x2x128xi32, #tpu.memory_space<hbm>> -> memref<1x1x2x128xi32, #tpu.memory_space<hbm>>
    %dma_wait3A_499 = tpu.memref_squeeze %dma_wait3A_498 : memref<1x1x2x128xi32, #tpu.memory_space<hbm>> -> memref<2x128xi32, #tpu.memory_space<hbm>>
    tpu.wait_dma2 semaphore(%arg11 : memref<!tpu.dma_semaphore, #tpu.memory_space<semaphore_mem>>) src(%dma_wait3A_499 : memref<2x128xi32, #tpu.memory_space<hbm>>) dst(%dma_wait3A_495 : memref<2x128xi32, #tpu.memory_space<vmem>>)
    %dma_start3A_500 = arith.constant 2 : i32
    %dma_start3A_501 = arith.constant 0 : i32
    %dma_start3A_502 = arith.constant 2 : i32
    %dma_start3A_503 = arith.constant 0 : i32
    %dma_start3A_504 = arith.constant 0 : i32
    %dma_start3A_505 = tpu.memref_slice %arg7[%dma_start3A_502, %dma_start3A_503, %dma_start3A_504] : memref<3x128x128xf32, #tpu.memory_space<vmem>> -> memref<1x128x128xf32, #tpu.memory_space<vmem>>
    %dma_start3A_506 = tpu.memref_squeeze %dma_start3A_505 : memref<1x128x128xf32, #tpu.memory_space<vmem>> -> memref<128x128xf32, #tpu.memory_space<vmem>>
    %dma_start3A_507 = arith.constant 0 : i32
    %dma_start3A_508 = tpu.memref_slice %arg6[%dma_start3A_500, %dma_start3A_501, %dma_start3A_507] : memref<3x2x128xi32, #tpu.memory_space<vmem>> -> memref<1x1x128xi32, #tpu.memory_space<vmem>>
    %dma_start3A_509 = tpu.memref_squeeze %dma_start3A_508 : memref<1x1x128xi32, #tpu.memory_space<vmem>> -> memref<128xi32, #tpu.memory_space<vmem>>
    %dma_start3A_510 = arith.constant 0 : i32
    %dma_start3A_511 = arith.constant 0 : i32
    %dma_start3A_512 = tpu.memref_slice %arg2[%dma_start3A_510, %dma_start3A_511] : memref<10240x128xf32, #tpu.memory_space<hbm>> -> memref<10240x128xf32, #tpu.memory_space<hbm>>
    tpu.enqueue_indirect_dma source(%dma_start3A_512 : memref<10240x128xf32, #tpu.memory_space<hbm>>) target(%dma_start3A_506 : memref<128x128xf32, #tpu.memory_space<vmem>>) offsets(%dma_start3A_509 : memref<128xi32, #tpu.memory_space<vmem>>) semaphore(%arg14 : memref<!tpu.dma_semaphore, #tpu.memory_space<semaphore_mem>>)
    %sub3A_513 = arith.constant 1 : i32
    %sub3A_514 = arith.subi %select_n3A_3, %sub3A_513 : i32
    %dma_wait3A_515 = arith.constant 2 : i32
    %dma_wait3A_516 = arith.constant 0 : i32
    %dma_wait3A_517 = arith.constant 2 : i32
    %dma_wait3A_518 = arith.constant 0 : i32
    %dma_wait3A_519 = arith.constant 0 : i32
    %dma_wait3A_520 = tpu.memref_slice %arg7[%dma_wait3A_517, %dma_wait3A_518, %dma_wait3A_519] : memref<3x128x128xf32, #tpu.memory_space<vmem>> -> memref<1x128x128xf32, #tpu.memory_space<vmem>>
    %dma_wait3A_521 = tpu.memref_squeeze %dma_wait3A_520 : memref<1x128x128xf32, #tpu.memory_space<vmem>> -> memref<128x128xf32, #tpu.memory_space<vmem>>
    %dma_wait3A_522 = arith.constant 0 : i32
    %dma_wait3A_523 = tpu.memref_slice %arg6[%dma_wait3A_515, %dma_wait3A_516, %dma_wait3A_522] : memref<3x2x128xi32, #tpu.memory_space<vmem>> -> memref<1x1x128xi32, #tpu.memory_space<vmem>>
    %dma_wait3A_524 = tpu.memref_squeeze %dma_wait3A_523 : memref<1x1x128xi32, #tpu.memory_space<vmem>> -> memref<128xi32, #tpu.memory_space<vmem>>
    %dma_wait3A_525 = arith.constant 0 : i32
    %dma_wait3A_526 = arith.constant 0 : i32
    %dma_wait3A_527 = tpu.memref_slice %arg2[%dma_wait3A_525, %dma_wait3A_526] : memref<10240x128xf32, #tpu.memory_space<hbm>> -> memref<10240x128xf32, #tpu.memory_space<hbm>>
    tpu.wait_indirect_dma semaphore(%arg14 : memref<!tpu.dma_semaphore, #tpu.memory_space<semaphore_mem>>) src(%dma_wait3A_527 : memref<10240x128xf32, #tpu.memory_space<hbm>>) dst(%dma_wait3A_521 : memref<128x128xf32, #tpu.memory_space<vmem>>)
    %dma_start3A_528 = arith.constant 2 : i32
    %dma_start3A_529 = arith.constant 2 : i32
    %dma_start3A_530 = arith.constant 1 : i32
    %dma_start3A_531 = arith.constant 0 : i32
    %dma_start3A_532 = arith.constant 0 : i32
    %dma_start3A_533 = tpu.memref_slice %arg7[%dma_start3A_528, %dma_start3A_531, %dma_start3A_532] : memref<3x128x128xf32, #tpu.memory_space<vmem>> -> memref<1x128x128xf32, #tpu.memory_space<vmem>>
    %dma_start3A_534 = tpu.memref_squeeze %dma_start3A_533 : memref<1x128x128xf32, #tpu.memory_space<vmem>> -> memref<128x128xf32, #tpu.memory_space<vmem>>
    %dma_start3A_535 = arith.constant 0 : i32
    %dma_start3A_536 = tpu.memref_slice %arg6[%dma_start3A_529, %dma_start3A_530, %dma_start3A_535] : memref<3x2x128xi32, #tpu.memory_space<vmem>> -> memref<1x1x128xi32, #tpu.memory_space<vmem>>
    %dma_start3A_537 = tpu.memref_squeeze %dma_start3A_536 : memref<1x1x128xi32, #tpu.memory_space<vmem>> -> memref<128xi32, #tpu.memory_space<vmem>>
    %dma_start3A_538 = arith.constant 0 : i32
    %dma_start3A_539 = arith.constant 0 : i32
    %dma_start3A_540 = tpu.memref_slice %arg8[%dma_start3A_538, %dma_start3A_539] : memref<10112x128xf32, #tpu.memory_space<vmem_shared>> -> memref<10112x128xf32, #tpu.memory_space<vmem_shared>>
    tpu.enqueue_indirect_dma source(%dma_start3A_534 : memref<128x128xf32, #tpu.memory_space<vmem>>) target(%dma_start3A_540 : memref<10112x128xf32, #tpu.memory_space<vmem_shared>>) offsets(%dma_start3A_537 : memref<128xi32, #tpu.memory_space<vmem>>) semaphore(%arg17 : memref<!tpu.dma_semaphore, #tpu.memory_space<semaphore_mem>>) {add = true}
    %dma_wait3A_541 = arith.constant 1 : i32
    %dma_wait3A_542 = arith.constant 1 : i32
    %dma_wait3A_543 = arith.constant 1 : i32
    %dma_wait3A_544 = arith.constant 0 : i32
    %dma_wait3A_545 = arith.constant 0 : i32
    %dma_wait3A_546 = tpu.memref_slice %arg7[%dma_wait3A_541, %dma_wait3A_544, %dma_wait3A_545] : memref<3x128x128xf32, #tpu.memory_space<vmem>> -> memref<1x128x128xf32, #tpu.memory_space<vmem>>
    %dma_wait3A_547 = tpu.memref_squeeze %dma_wait3A_546 : memref<1x128x128xf32, #tpu.memory_space<vmem>> -> memref<128x128xf32, #tpu.memory_space<vmem>>
    %dma_wait3A_548 = arith.constant 0 : i32
    %dma_wait3A_549 = tpu.memref_slice %arg6[%dma_wait3A_542, %dma_wait3A_543, %dma_wait3A_548] : memref<3x2x128xi32, #tpu.memory_space<vmem>> -> memref<1x1x128xi32, #tpu.memory_space<vmem>>
    %dma_wait3A_550 = tpu.memref_squeeze %dma_wait3A_549 : memref<1x1x128xi32, #tpu.memory_space<vmem>> -> memref<128xi32, #tpu.memory_space<vmem>>
    %dma_wait3A_551 = arith.constant 0 : i32
    %dma_wait3A_552 = arith.constant 0 : i32
    %dma_wait3A_553 = tpu.memref_slice %arg8[%dma_wait3A_551, %dma_wait3A_552] : memref<10112x128xf32, #tpu.memory_space<vmem_shared>> -> memref<10112x128xf32, #tpu.memory_space<vmem_shared>>
    tpu.wait_indirect_dma semaphore(%arg16 : memref<!tpu.dma_semaphore, #tpu.memory_space<semaphore_mem>>) src(%dma_wait3A_547 : memref<128x128xf32, #tpu.memory_space<vmem>>) dst(%dma_wait3A_553 : memref<10112x128xf32, #tpu.memory_space<vmem_shared>>)
    %dma_wait3A_554 = arith.constant 2 : i32
    %dma_wait3A_555 = arith.constant 2 : i32
    %dma_wait3A_556 = arith.constant 1 : i32
    %dma_wait3A_557 = arith.constant 0 : i32
    %dma_wait3A_558 = arith.constant 0 : i32
    %dma_wait3A_559 = tpu.memref_slice %arg7[%dma_wait3A_554, %dma_wait3A_557, %dma_wait3A_558] : memref<3x128x128xf32, #tpu.memory_space<vmem>> -> memref<1x128x128xf32, #tpu.memory_space<vmem>>
    %dma_wait3A_560 = tpu.memref_squeeze %dma_wait3A_559 : memref<1x128x128xf32, #tpu.memory_space<vmem>> -> memref<128x128xf32, #tpu.memory_space<vmem>>
    %dma_wait3A_561 = arith.constant 0 : i32
    %dma_wait3A_562 = tpu.memref_slice %arg6[%dma_wait3A_555, %dma_wait3A_556, %dma_wait3A_561] : memref<3x2x128xi32, #tpu.memory_space<vmem>> -> memref<1x1x128xi32, #tpu.memory_space<vmem>>
    %dma_wait3A_563 = tpu.memref_squeeze %dma_wait3A_562 : memref<1x1x128xi32, #tpu.memory_space<vmem>> -> memref<128xi32, #tpu.memory_space<vmem>>
    %dma_wait3A_564 = arith.constant 0 : i32
    %dma_wait3A_565 = arith.constant 0 : i32
    %dma_wait3A_566 = tpu.memref_slice %arg8[%dma_wait3A_564, %dma_wait3A_565] : memref<10112x128xf32, #tpu.memory_space<vmem_shared>> -> memref<10112x128xf32, #tpu.memory_space<vmem_shared>>
    tpu.wait_indirect_dma semaphore(%arg17 : memref<!tpu.dma_semaphore, #tpu.memory_space<semaphore_mem>>) src(%dma_wait3A_560 : memref<128x128xf32, #tpu.memory_space<vmem>>) dst(%dma_wait3A_566 : memref<10112x128xf32, #tpu.memory_space<vmem_shared>>)
    %barrier3A_567 = arith.constant 0 : index
    tpu.barrier barrier_id(%barrier3A_567)
    %mul3A_568 = arith.constant 632 : i32
    %mul3A_569 = arith.muli %arg1, %mul3A_568 : i32
    %mul3A_570 = arith.constant 632 : i32
    %mul3A_571 = arith.muli %arg1, %mul3A_570 : i32
    "tpu.region"() ({
      %run_scoped3A = tpu.sem_alloc : memref<!tpu.dma_semaphore, #tpu.memory_space<semaphore_mem>>
      %dma_start3A_572 = arith.constant 0 : i32
      %dma_start3A_573 = arith.constant 0 : i32
      %dma_start3A_574 = tpu.memref_slice %arg5[%arg0, %dma_start3A_572, %dma_start3A_573] : memref<2x10240x128xf32, #tpu.memory_space<hbm>> -> memref<1x10240x128xf32, #tpu.memory_space<hbm>>
      %dma_start3A_575 = tpu.memref_squeeze %dma_start3A_574 : memref<1x10240x128xf32, #tpu.memory_space<hbm>> -> memref<10240x128xf32, #tpu.memory_space<hbm>>
      %dma_start3A_576 = arith.constant 0 : i32
      %dma_start3A_577 = tpu.memref_slice %dma_start3A_575[%mul3A_571, %dma_start3A_576] : memref<10240x128xf32, #tpu.memory_space<hbm>> -> memref<632x128xf32, #tpu.memory_space<hbm>>
      %dma_start3A_578 = arith.constant 0 : i32
      %dma_start3A_579 = tpu.memref_slice %arg8[%mul3A_569, %dma_start3A_578] : memref<10112x128xf32, #tpu.memory_space<vmem_shared>> -> memref<632x128xf32, #tpu.memory_space<vmem_shared>>
      tpu.enqueue_dma source(%dma_start3A_579 : memref<632x128xf32, #tpu.memory_space<vmem_shared>>) target(%dma_start3A_577 : memref<632x128xf32, #tpu.memory_space<hbm>>) target_semaphore(%run_scoped3A : memref<!tpu.dma_semaphore, #tpu.memory_space<semaphore_mem>>)
      %dma_wait3A_580 = arith.constant 0 : i32
      %dma_wait3A_581 = arith.constant 0 : i32
      %dma_wait3A_582 = tpu.memref_slice %arg5[%arg0, %dma_wait3A_580, %dma_wait3A_581] : memref<2x10240x128xf32, #tpu.memory_space<hbm>> -> memref<1x10240x128xf32, #tpu.memory_space<hbm>>
      %dma_wait3A_583 = tpu.memref_squeeze %dma_wait3A_582 : memref<1x10240x128xf32, #tpu.memory_space<hbm>> -> memref<10240x128xf32, #tpu.memory_space<hbm>>
      %dma_wait3A_584 = arith.constant 0 : i32
      %dma_wait3A_585 = tpu.memref_slice %dma_wait3A_583[%mul3A_571, %dma_wait3A_584] : memref<10240x128xf32, #tpu.memory_space<hbm>> -> memref<632x128xf32, #tpu.memory_space<hbm>>
      %dma_wait3A_586 = arith.constant 0 : i32
      %dma_wait3A_587 = tpu.memref_slice %arg8[%mul3A_569, %dma_wait3A_586] : memref<10112x128xf32, #tpu.memory_space<vmem_shared>> -> memref<632x128xf32, #tpu.memory_space<vmem_shared>>
      tpu.wait_dma2 semaphore(%run_scoped3A : memref<!tpu.dma_semaphore, #tpu.memory_space<semaphore_mem>>) src(%dma_wait3A_587 : memref<632x128xf32, #tpu.memory_space<vmem_shared>>) dst(%dma_wait3A_585 : memref<632x128xf32, #tpu.memory_space<hbm>>)
      tpu.yield
    }) : () -> ()
    return
  }
}

module attributes {stable_mosaic.version = 14 : i64} {
  func.func @_mm_body(%arg0: i32, %arg1: memref<1024x128xf32, #tpu.memory_space<vmem>>, %arg2: memref<128x128xf32, #tpu.memory_space<vmem>>, %arg3: memref<1024x128xf32, #tpu.memory_space<vmem>>) attributes {dimension_semantics = [#tpu.dimension_semantics<arbitrary>], iteration_bounds = array<i64: 10>, scalar_prefetch = 0 : i64, scratch_operands = 0 : i64, tpu.core_type = #tpu.core_type<tc>, window_params = [{transform_indices = @transform_0, window_bounds = array<i64: 1024, 128>}, {pipeline_mode = #tpu.pipeline_mode<synchronous>, transform_indices = @transform_1, window_bounds = array<i64: 128, 128>}, {transform_indices = @transform_2, window_bounds = array<i64: 1024, 128>}]} {
    %get3A = arith.constant 0 : index
    %get3A_0 = arith.constant 0 : index
    %get3A_1 = vector.load %arg1[%get3A, %get3A_0] : memref<1024x128xf32, #tpu.memory_space<vmem>>, vector<1024x128xf32>
    %get3A_2 = arith.constant 0 : index
    %get3A_3 = arith.constant 0 : index
    %get3A_4 = vector.load %arg2[%get3A_2, %get3A_3] : memref<128x128xf32, #tpu.memory_space<vmem>>, vector<128x128xf32>
    %dot_general3A = arith.constant dense<0.000000e+00> : vector<1024x128xf32>
    %dot_general3A_5 = tpu.matmul %get3A_1, %get3A_4, %dot_general3A {dimension_numbers = #tpu.dot_dimension_numbers<[1], [0], [0], [1], [0, 0, 1, 1], [], []>, precision = #tpu.contract_precision<fp32>, transpose_lhs_hint = false} : vector<1024x128xf32>, vector<128x128xf32>, vector<1024x128xf32> -> vector<1024x128xf32>
    %swap3A = arith.constant 0 : index
    %swap3A_6 = arith.constant 0 : index
    %swap3A_7 = vector.load %arg3[%swap3A, %swap3A_6] : memref<1024x128xf32, #tpu.memory_space<vmem>>, vector<1024x128xf32>
    tpu.vector_store %arg3[%swap3A, %swap3A_6], %dot_general3A_5 {strides = array<i32>} : memref<1024x128xf32, #tpu.memory_space<vmem>>, vector<1024x128xf32>,
    return
  }
  func.func @transform_0(%arg0: i32) -> (i32, i32) {
    %c0_i32 = arith.constant 0 : i32
    %c0_i32_0 = arith.constant 0 : i32
    return %arg0, %c0_i32 : i32, i32
  }
  func.func @transform_1(%arg0: i32) -> (i32, i32) {
    %c0_i32 = arith.constant 0 : i32
    %c0_i32_0 = arith.constant 0 : i32
    %c0_i32_1 = arith.constant 0 : i32
    return %c0_i32, %c0_i32_0 : i32, i32
  }
  func.func @transform_2(%arg0: i32) -> (i32, i32) {
    %c0_i32 = arith.constant 0 : i32
    %c0_i32_0 = arith.constant 0 : i32
    return %arg0, %c0_i32 : i32, i32
  }
}

module attributes {stable_mosaic.version = 14 : i64} {
  func.func @_scale_body(%arg0: i32, %arg1: memref<1024x128xf32, #tpu.memory_space<vmem>>, %arg2: memref<32x1024xf32, #tpu.memory_space<vmem>>, %arg3: memref<1024x128xf32, #tpu.memory_space<vmem>>, %arg4: memref<1024x1xf32, #tpu.memory_space<vmem>>) attributes {dimension_semantics = [#tpu.dimension_semantics<arbitrary>], iteration_bounds = array<i64: 10>, scalar_prefetch = 0 : i64, scratch_operands = 0 : i64, tpu.core_type = #tpu.core_type<tc>, window_params = [{transform_indices = @transform_0, window_bounds = array<i64: 1024, 128>}, {transform_indices = @transform_1, window_bounds = array<i64: 32, 1024>}, {transform_indices = @transform_2, window_bounds = array<i64: 1024, 128>}, {transform_indices = @transform_3, window_bounds = array<i64: 1024, 1>}]} {
    %get3A = arith.constant 0 : index
    %get3A_0 = arith.constant 0 : index
    %get3A_1 = vector.load %arg2[%get3A, %get3A_0] : memref<32x1024xf32, #tpu.memory_space<vmem>>, vector<32x1024xf32>
    %reduce_sum3A = arith.constant dense<0.000000e+00> : vector<1024xf32>
    %reduce_sum3A_2 = vector.multi_reduction <add>, %get3A_1, %reduce_sum3A [0] : vector<32x1024xf32> to vector<1024xf32>
    %add3A = arith.constant 1.000000e+00 : f32
    %add3A_3 = vector.broadcast %add3A : f32 to vector<1024xf32>
    %add3A_4 = arith.addf %reduce_sum3A_2, %add3A_3 : vector<1024xf32>
    %max3A = arith.constant 1.000000e+00 : f32
    %max3A_5 = vector.broadcast %max3A : f32 to vector<1024xf32>
    %max3A_6 = arith.maximumf %add3A_4, %max3A_5 : vector<1024xf32>
    %rsqrt3A = math.rsqrt %max3A_6 : vector<1024xf32>
    %get3A_7 = arith.constant 0 : index
    %get3A_8 = arith.constant 0 : index
    %get3A_9 = vector.load %arg1[%get3A_7, %get3A_8] : memref<1024x128xf32, #tpu.memory_space<vmem>>, vector<1024x128xf32>
    %broadcast_in_dim3A = vector.shape_cast %rsqrt3A : vector<1024xf32> to vector<1024x1xf32>
    %mul3A = vector.broadcast %broadcast_in_dim3A : vector<1024x1xf32> to vector<1024x128xf32>
    %mul3A_10 = arith.mulf %get3A_9, %mul3A : vector<1024x128xf32>
    %swap3A = arith.constant 0 : index
    %swap3A_11 = arith.constant 0 : index
    %swap3A_12 = vector.load %arg3[%swap3A, %swap3A_11] : memref<1024x128xf32, #tpu.memory_space<vmem>>, vector<1024x128xf32>
    tpu.vector_store %arg3[%swap3A, %swap3A_11], %mul3A_10 {strides = array<i32>} : memref<1024x128xf32, #tpu.memory_space<vmem>>, vector<1024x128xf32>,
    %broadcast_in_dim3A_13 = vector.shape_cast %rsqrt3A : vector<1024xf32> to vector<1024x1xf32>
    %swap3A_14 = arith.constant 0 : index
    %swap3A_15 = arith.constant 0 : index
    %swap3A_16 = vector.load %arg4[%swap3A_14, %swap3A_15] : memref<1024x1xf32, #tpu.memory_space<vmem>>, vector<1024x1xf32>
    tpu.vector_store %arg4[%swap3A_14, %swap3A_15], %broadcast_in_dim3A_13 {strides = array<i32>} : memref<1024x1xf32, #tpu.memory_space<vmem>>, vector<1024x1xf32>,
    return
  }
  func.func @transform_0(%arg0: i32) -> (i32, i32) {
    %c0_i32 = arith.constant 0 : i32
    %c0_i32_0 = arith.constant 0 : i32
    return %arg0, %c0_i32 : i32, i32
  }
  func.func @transform_1(%arg0: i32) -> (i32, i32) {
    %c0_i32 = arith.constant 0 : i32
    %c0_i32_0 = arith.constant 0 : i32
    return %c0_i32, %arg0 : i32, i32
  }
  func.func @transform_2(%arg0: i32) -> (i32, i32) {
    %c0_i32 = arith.constant 0 : i32
    %c0_i32_0 = arith.constant 0 : i32
    return %arg0, %c0_i32 : i32, i32
  }
  func.func @transform_3(%arg0: i32) -> (i32, i32) {
    %c0_i32 = arith.constant 0 : i32
    %c0_i32_0 = arith.constant 0 : i32
    return %arg0, %c0_i32 : i32, i32
  }
}

module attributes {stable_mosaic.version = 14 : i64} {
  func.func @_mid_body(%arg0: i32, %arg1: memref<1x1024x128xf32, #tpu.memory_space<vmem>>, %arg2: memref<1x1024x128xf32, #tpu.memory_space<vmem>>, %arg3: memref<1024x128xf32, #tpu.memory_space<vmem>>, %arg4: memref<1024x1xf32, #tpu.memory_space<vmem>>, %arg5: memref<1x128xf32, #tpu.memory_space<vmem>>, %arg6: memref<128x128xf32, #tpu.memory_space<vmem>>, %arg7: memref<1024x128xf32, #tpu.memory_space<vmem>>) attributes {dimension_semantics = [#tpu.dimension_semantics<arbitrary>], iteration_bounds = array<i64: 10>, scalar_prefetch = 0 : i64, scratch_operands = 0 : i64, tpu.core_type = #tpu.core_type<tc>, window_params = [{transform_indices = @transform_0, window_bounds = array<i64: 1, 1024, 128>}, {transform_indices = @transform_1, window_bounds = array<i64: 1, 1024, 128>}, {transform_indices = @transform_2, window_bounds = array<i64: 1024, 128>}, {transform_indices = @transform_3, window_bounds = array<i64: 1024, 1>}, {pipeline_mode = #tpu.pipeline_mode<synchronous>, transform_indices = @transform_4, window_bounds = array<i64: 1, 128>}, {pipeline_mode = #tpu.pipeline_mode<synchronous>, transform_indices = @transform_5, window_bounds = array<i64: 128, 128>}, {transform_indices = @transform_6, window_bounds = array<i64: 1024, 128>}]} {
    %get3A = arith.constant 0 : index
    %get3A_0 = arith.constant 0 : index
    %get3A_1 = vector.load %arg4[%get3A, %get3A_0] : memref<1024x1xf32, #tpu.memory_space<vmem>>, vector<1024x1xf32>
    %get3A_2 = arith.constant 0 : index
    %get3A_3 = arith.constant 0 : index
    %get3A_4 = arith.constant 0 : index
    %get3A_5 = vector.load %arg1[%get3A_2, %get3A_3, %get3A_4] : memref<1x1024x128xf32, #tpu.memory_space<vmem>>, vector<1x1024x128xf32>
    %get3A_6 = vector.shape_cast %get3A_5 : vector<1x1024x128xf32> to vector<1024x128xf32>
    %get3A_7 = arith.constant 0 : index
    %get3A_8 = arith.constant 0 : index
    %get3A_9 = arith.constant 0 : index
    %get3A_10 = vector.load %arg2[%get3A_7, %get3A_8, %get3A_9] : memref<1x1024x128xf32, #tpu.memory_space<vmem>>, vector<1x1024x128xf32>
    %get3A_11 = vector.shape_cast %get3A_10 : vector<1x1024x128xf32> to vector<1024x128xf32>
    %add3A = arith.addf %get3A_6, %get3A_11 : vector<1024x128xf32>
    %get3A_12 = arith.constant 0 : index
    %get3A_13 = arith.constant 0 : index
    %get3A_14 = vector.load %arg3[%get3A_12, %get3A_13] : memref<1024x128xf32, #tpu.memory_space<vmem>>, vector<1024x128xf32>
    %add3A_15 = arith.addf %add3A, %get3A_14 : vector<1024x128xf32>
    %mul3A = vector.broadcast %get3A_1 : vector<1024x1xf32> to vector<1024x128xf32>
    %mul3A_16 = arith.mulf %add3A_15, %mul3A : vector<1024x128xf32>
    %get3A_17 = arith.constant 0 : index
    %get3A_18 = arith.constant 0 : index
    %get3A_19 = vector.load %arg5[%get3A_17, %get3A_18] : memref<1x128xf32, #tpu.memory_space<vmem>>, vector<1x128xf32>
    %add3A_20 = vector.broadcast %get3A_19 : vector<1x128xf32> to vector<1024x128xf32>
    %add3A_21 = arith.addf %mul3A_16, %add3A_20 : vector<1024x128xf32>
    %max3A = arith.constant 0.000000e+00 : f32
    %max3A_22 = vector.broadcast %max3A : f32 to vector<1024x128xf32>
    %max3A_23 = arith.maximumf %add3A_21, %max3A_22 : vector<1024x128xf32>
    %mul3A_24 = arith.constant 1024 : i32
    %mul3A_25 = arith.muli %arg0, %mul3A_24 : i32
    %iota3A = tpu.iota {dimensions = array<i32: 0>} : vector<1024x1xi32>
    %add3A_26 = vector.broadcast %mul3A_25 : i32 to vector<1024x1xi32>
    %add3A_27 = arith.addi %add3A_26, %iota3A : vector<1024x1xi32>
    %lt3A = arith.constant 10000 : i32
    %lt3A_28 = vector.broadcast %lt3A : i32 to vector<1024x1xi32>
    %lt3A_29 = arith.cmpi slt, %add3A_27, %lt3A_28 : vector<1024x1xi32>
    %jit3A = arith.constant 0.000000e+00 : f32
    %broadcast_in_dim3A = vector.shape_cast %lt3A_29 : vector<1024x1xi1> to vector<1024x1xi1>
    %broadcast_in_dim3A_30 = vector.broadcast %broadcast_in_dim3A : vector<1024x1xi1> to vector<1024x128xi1>
    %broadcast_in_dim3A_31 = vector.broadcast %jit3A : f32 to vector<1024x128xf32>
    %select_n3A = arith.select %broadcast_in_dim3A_30, %max3A_23, %broadcast_in_dim3A_31 : vector<1024x128xi1>, vector<1024x128xf32>
    %get3A_32 = arith.constant 0 : index
    %get3A_33 = arith.constant 0 : index
    %get3A_34 = vector.load %arg6[%get3A_32, %get3A_33] : memref<128x128xf32, #tpu.memory_space<vmem>>, vector<128x128xf32>
    %dot_general3A = arith.constant dense<0.000000e+00> : vector<1024x128xf32>
    %dot_general3A_35 = tpu.matmul %select_n3A, %get3A_34, %dot_general3A {dimension_numbers = #tpu.dot_dimension_numbers<[1], [0], [0], [1], [0, 0, 1, 1], [], []>, precision = #tpu.contract_precision<fp32>, transpose_lhs_hint = false} : vector<1024x128xf32>, vector<128x128xf32>, vector<1024x128xf32> -> vector<1024x128xf32>
    %mul3A_36 = vector.broadcast %get3A_1 : vector<1024x1xf32> to vector<1024x128xf32>
    %mul3A_37 = arith.mulf %dot_general3A_35, %mul3A_36 : vector<1024x128xf32>
    %swap3A = arith.constant 0 : index
    %swap3A_38 = arith.constant 0 : index
    %swap3A_39 = vector.load %arg7[%swap3A, %swap3A_38] : memref<1024x128xf32, #tpu.memory_space<vmem>>, vector<1024x128xf32>
    tpu.vector_store %arg7[%swap3A, %swap3A_38], %mul3A_37 {strides = array<i32>} : memref<1024x128xf32, #tpu.memory_space<vmem>>, vector<1024x128xf32>,
    return
  }
  func.func @transform_0(%arg0: i32) -> (i32, i32, i32) {
    %c0_i32 = arith.constant 0 : i32
    %c0_i32_0 = arith.constant 0 : i32
    %c0_i32_1 = arith.constant 0 : i32
    return %c0_i32, %arg0, %c0_i32_0 : i32, i32, i32
  }
  func.func @transform_1(%arg0: i32) -> (i32, i32, i32) {
    %c1_i32 = arith.constant 1 : i32
    %c0_i32 = arith.constant 0 : i32
    %c0_i32_0 = arith.constant 0 : i32
    return %c1_i32, %arg0, %c0_i32 : i32, i32, i32
  }
  func.func @transform_2(%arg0: i32) -> (i32, i32) {
    %c0_i32 = arith.constant 0 : i32
    %c0_i32_0 = arith.constant 0 : i32
    return %arg0, %c0_i32 : i32, i32
  }
  func.func @transform_3(%arg0: i32) -> (i32, i32) {
    %c0_i32 = arith.constant 0 : i32
    %c0_i32_0 = arith.constant 0 : i32
    return %arg0, %c0_i32 : i32, i32
  }
  func.func @transform_4(%arg0: i32) -> (i32, i32) {
    %c0_i32 = arith.constant 0 : i32
    %c0_i32_0 = arith.constant 0 : i32
    %c0_i32_1 = arith.constant 0 : i32
    return %c0_i32, %c0_i32_0 : i32, i32
  }
  func.func @transform_5(%arg0: i32) -> (i32, i32) {
    %c0_i32 = arith.constant 0 : i32
    %c0_i32_0 = arith.constant 0 : i32
    %c0_i32_1 = arith.constant 0 : i32
    return %c0_i32, %c0_i32_0 : i32, i32
  }
  func.func @transform_6(%arg0: i32) -> (i32, i32) {
    %c0_i32 = arith.constant 0 : i32
    %c0_i32_0 = arith.constant 0 : i32
    return %arg0, %c0_i32 : i32, i32
  }
}

module attributes {stable_mosaic.version = 14 : i64} {
  func.func @_final_body(%arg0: i32, %arg1: memref<1x1024x128xf32, #tpu.memory_space<vmem>>, %arg2: memref<1x1024x128xf32, #tpu.memory_space<vmem>>, %arg3: memref<1024x128xf32, #tpu.memory_space<vmem>>, %arg4: memref<1024x1xf32, #tpu.memory_space<vmem>>, %arg5: memref<1x128xf32, #tpu.memory_space<vmem>>, %arg6: memref<1024x128xf32, #tpu.memory_space<vmem>>) attributes {dimension_semantics = [#tpu.dimension_semantics<arbitrary>], iteration_bounds = array<i64: 10>, scalar_prefetch = 0 : i64, scratch_operands = 0 : i64, tpu.core_type = #tpu.core_type<tc>, window_params = [{transform_indices = @transform_0, window_bounds = array<i64: 1, 1024, 128>}, {transform_indices = @transform_1, window_bounds = array<i64: 1, 1024, 128>}, {transform_indices = @transform_2, window_bounds = array<i64: 1024, 128>}, {transform_indices = @transform_3, window_bounds = array<i64: 1024, 1>}, {pipeline_mode = #tpu.pipeline_mode<synchronous>, transform_indices = @transform_4, window_bounds = array<i64: 1, 128>}, {transform_indices = @transform_5, window_bounds = array<i64: 1024, 128>}]} {
    %get3A = arith.constant 0 : index
    %get3A_0 = arith.constant 0 : index
    %get3A_1 = arith.constant 0 : index
    %get3A_2 = vector.load %arg1[%get3A, %get3A_0, %get3A_1] : memref<1x1024x128xf32, #tpu.memory_space<vmem>>, vector<1x1024x128xf32>
    %get3A_3 = vector.shape_cast %get3A_2 : vector<1x1024x128xf32> to vector<1024x128xf32>
    %get3A_4 = arith.constant 0 : index
    %get3A_5 = arith.constant 0 : index
    %get3A_6 = arith.constant 0 : index
    %get3A_7 = vector.load %arg2[%get3A_4, %get3A_5, %get3A_6] : memref<1x1024x128xf32, #tpu.memory_space<vmem>>, vector<1x1024x128xf32>
    %get3A_8 = vector.shape_cast %get3A_7 : vector<1x1024x128xf32> to vector<1024x128xf32>
    %add3A = arith.addf %get3A_3, %get3A_8 : vector<1024x128xf32>
    %get3A_9 = arith.constant 0 : index
    %get3A_10 = arith.constant 0 : index
    %get3A_11 = vector.load %arg3[%get3A_9, %get3A_10] : memref<1024x128xf32, #tpu.memory_space<vmem>>, vector<1024x128xf32>
    %add3A_12 = arith.addf %add3A, %get3A_11 : vector<1024x128xf32>
    %get3A_13 = arith.constant 0 : index
    %get3A_14 = arith.constant 0 : index
    %get3A_15 = vector.load %arg4[%get3A_13, %get3A_14] : memref<1024x1xf32, #tpu.memory_space<vmem>>, vector<1024x1xf32>
    %mul3A = vector.broadcast %get3A_15 : vector<1024x1xf32> to vector<1024x128xf32>
    %mul3A_16 = arith.mulf %add3A_12, %mul3A : vector<1024x128xf32>
    %get3A_17 = arith.constant 0 : index
    %get3A_18 = arith.constant 0 : index
    %get3A_19 = vector.load %arg5[%get3A_17, %get3A_18] : memref<1x128xf32, #tpu.memory_space<vmem>>, vector<1x128xf32>
    %add3A_20 = vector.broadcast %get3A_19 : vector<1x128xf32> to vector<1024x128xf32>
    %add3A_21 = arith.addf %mul3A_16, %add3A_20 : vector<1024x128xf32>
    %swap3A = arith.constant 0 : index
    %swap3A_22 = arith.constant 0 : index
    %swap3A_23 = vector.load %arg6[%swap3A, %swap3A_22] : memref<1024x128xf32, #tpu.memory_space<vmem>>, vector<1024x128xf32>
    tpu.vector_store %arg6[%swap3A, %swap3A_22], %add3A_21 {strides = array<i32>} : memref<1024x128xf32, #tpu.memory_space<vmem>>, vector<1024x128xf32>,
    return
  }
  func.func @transform_0(%arg0: i32) -> (i32, i32, i32) {
    %c0_i32 = arith.constant 0 : i32
    %c0_i32_0 = arith.constant 0 : i32
    %c0_i32_1 = arith.constant 0 : i32
    return %c0_i32, %arg0, %c0_i32_0 : i32, i32, i32
  }
  func.func @transform_1(%arg0: i32) -> (i32, i32, i32) {
    %c1_i32 = arith.constant 1 : i32
    %c0_i32 = arith.constant 0 : i32
    %c0_i32_0 = arith.constant 0 : i32
    return %c1_i32, %arg0, %c0_i32 : i32, i32, i32
  }
  func.func @transform_2(%arg0: i32) -> (i32, i32) {
    %c0_i32 = arith.constant 0 : i32
    %c0_i32_0 = arith.constant 0 : i32
    return %arg0, %c0_i32 : i32, i32
  }
  func.func @transform_3(%arg0: i32) -> (i32, i32) {
    %c0_i32 = arith.constant 0 : i32
    %c0_i32_0 = arith.constant 0 : i32
    return %arg0, %c0_i32 : i32, i32
  }
  func.func @transform_4(%arg0: i32) -> (i32, i32) {
    %c0_i32 = arith.constant 0 : i32
    %c0_i32_0 = arith.constant 0 : i32
    %c0_i32_1 = arith.constant 0 : i32
    return %c0_i32, %c0_i32_0 : i32, i32
  }
  func.func @transform_5(%arg0: i32) -> (i32, i32) {
    %c0_i32 = arith.constant 0 : i32
    %c0_i32_0 = arith.constant 0 : i32
    return %arg0, %c0_i32 : i32, i32
  }
}

</mosaic_0001>

<sc_bundles>
// kernel: kernel.12.cloned.1.call-start
scs
__scs_entry_jumppad:
0x0: {  	(pc) =	sbr.rel $0x88, $3  }
0x1: {  	(tag) =	ssettag $0x0;
	lr =	simm.s32 $0x1  }
0x2: {  	[smem:$0x3F9B] =	sst lr;
	_ =	strace $0xD0000000  }
0x3: {  	_ = 	snop  }
0x4: {  	_ = 	snop  }
0x5: {  	_ = 	snop  }
0x6: {  	_ = 	snop  }
0x7: {  	_ = 	snop  }
__scs_overlays_trampoline_lowered:
0x8: {  	[smem:$0x3FAA] =	sst s0  }
0x9: {  	[smem:$0x3FAB] =	sst s1  }
0xa: {  	[smem:$0x3FAC] =	sst s2  }
0xb: {  	[smem:$0x3FAD] =	sst s3  }
0xc: {  	[smem:$0x3FAE] =	sst s4  }
0xd: {  	[smem:$0x3FAF] =	sst s5  }
0xe: {  	[smem:$0x3FB0] =	sst s6  }
0xf: {  	[smem:$0x3FB1] =	sst s7  }
0x10: {  	[smem:$0x3FB2] =	sst s8  }
0x11: {  	[smem:$0x3FB3] =	sst s9;
	s0 =	simm.s32 @!p0 $0x0  }
0x12: {  	s1 =	sld [smem:$0x3F99];
	s0 =	simm.s32 @p0 $0x1  }
0x13: {  	[smem:$0x3FB4] =	sst s0;
	s0 =	simm.s32 @!p1 $0x0  }
0x14: {  	s2 =	sld [smem:$0x3F98];
	s0 =	simm.s32 @p1 $0x1  }
0x15: {  	[smem:$0x3FB5] =	sst s0;
	s0 =	simm.s32 @!p2 $0x0  }
0x16: {  	s3 =	sld [smem:$0x3FDB];
	s0 =	simm.s32 @p2 $0x1  }
0x17: {  	s4 =	simm.s32 $0x1BF5;
	[smem:$0x3FB7] =	sst s0  }
0x18: {  	s0 =	sld [smem:$0x3F9A];
	_ =	swait.ge [sflag:s4], $0x0  }
0x19: {  	s7 =	sld [smem:$0x3F9B]  }
0x1a: {  	s8 =	sadd.s32 $0xFFFFE003, lr  }
0x1b: {  	s9 =	sadd.s32 $0xFFFFFEF7, lr;
	s5 =	simm.s32 $0xFFFFFFFF;
	p2 =	slt.u32 s8, $0xFFFFF086  }
0x1c: {  	p1 =	slt.u32 s9, $0xF7A;
	s5 =	simm.s32 @!p2 $0x0  }
0x1d: {  	s5 =	simm.s32 @p1 $0x1;
	p0 =	seq.s32 s7, s2  }
0x1e: {  	s7 =	smul.u32 @!p0 $0xF7A, s2;
	p2 =	seq.s32 @!p0 s5, $0x0  }
0x1f: {  	s9 =	smul.u32 $0xF7A, s1;
	s8 =	simm.s32 @!p0 $0x1BF5;
	p2 =	por !p2, p0  }
0x20: {  	[sflag:s8] =	ssyncset.s32 @!p0 $0xFFFFF086;
	s6 =	sadd.s32 @!p0 s3, s7;
	s7 =	simm.s32 @!p0 $0x108  }
0x21: {  	s3 =	sadd.s32 s3, s9;
	s6 =	sadd.s32 @!p0 $0x88, s6;
	s7 =	simm.s32 @p2 $0x1082  }
0x22: {  	[simem:s7], [sflag:s8] =	dma.local @!p0 [hbm:s6], $0xF7A  }
0x23: {  	s9 =	sor.u32 $0xD0000000, s2;
	s6 =	simm.s32 $0x108;
	_ =	swait.ge @!p0 [sflag:s8], $0x0  }
0x24: {  	s3 =	sadd.s32 $0x88, s3;
	s6 =	simm.s32 @!p1 $0x1082;
	[sflag:s4] =	ssyncset.s32 $0xFFFFF086  }
0x25: {  	[simem:s6], [sflag:s4] =	dma.local [hbm:s3], $0xF7A  }
0x26: {  	[smem:$0x3F9B] =	sst s1;
	(tag) =	ssettag s2;
	_ =	strace s9  }
0x27: {  	s1 =	sld [smem:$0x3FAB]  }
0x28: {  	s2 =	sld [smem:$0x3FAC]  }
0x29: {  	s4 =	sld [smem:$0x3FAE]  }
0x2a: {  	p0 =	seq.s32 s5, $0x0;
	s5 =	sld [smem:$0x3FAF]  }
0x2b: {  	s6 =	sld [smem:$0x3FB0]  }
0x2c: {  	s7 =	sld [smem:$0x3FB1]  }
0x2d: {  	s3 =	simm.s32 $0x108;
	s8 =	sld [smem:$0x3FB2]  }
0x2e: {  	s3 =	simm.s32 @!p0 $0x1082;
	s9 =	sld [smem:$0x3FB3]  }
0x2f: {  	lr =	sadd.s32 s0, s3;
	s0 =	sld [smem:$0x3FAA]  }
0x30: {  	s3 =	sld [smem:$0x3FAD]  }
0x31: {  	[smem:$0x3FB6] =	sst s10  }
0x32: {  	s10 =	sld [smem:$0x3FB4];
	_ =	sdelay $0x3  }
0x33: {  	p0 =	seq.s32 s10, $0x1;
	s10 =	sld [smem:$0x3FB6];
	_ =	sdelay $0x3  }
0x34: {  	[smem:$0x3FB6] =	sst s10  }
0x35: {  	s10 =	sld [smem:$0x3FB5];
	_ =	sdelay $0x3  }
0x36: {  	p1 =	seq.s32 s10, $0x1;
	s10 =	sld [smem:$0x3FB6];
	_ =	sdelay $0x3  }
0x37: {  	[smem:$0x3FB6] =	sst s10  }
0x38: {  	s10 =	sld [smem:$0x3FB7]  }
0x39: {  	_ = 	snop;
	(pc) =	sbr.ind lr, $3  }
0x3a: {  	_ = 	snop  }
0x3b: {  	_ = 	snop  }
0x3c: {  	p2 =	seq.s32 s10, $0x1;
	s10 =	sld [smem:$0x3FB6]  }
0x3d: {  	_ =	shalt  }
0x3e: {  	_ =	shalt  }
0x3f: {  	_ =	shalt  }
0x40: {  	_ =	shalt  }
0x41: {  	_ =	shalt  }
0x42: {  	_ =	shalt  }
0x43: {  	_ =	shalt  }
0x44: {  	_ =	shalt  }
0x45: {  	_ =	shalt  }
0x46: {  	_ =	shalt  }
0x47: {  	_ =	shalt  }
0x48: {  	_ =	shalt  }
0x49: {  	_ =	shalt  }
0x4a: {  	_ =	shalt  }
0x4b: {  	_ =	shalt  }
0x4c: {  	_ =	shalt  }
0x4d: {  	_ =	shalt  }
0x4e: {  	_ =	shalt  }
0x4f: {  	_ =	shalt  }
0x50: {  	_ =	shalt  }
0x51: {  	_ =	shalt  }
0x52: {  	_ =	shalt  }
0x53: {  	_ =	shalt  }
0x54: {  	_ =	shalt  }
0x55: {  	_ =	shalt  }
0x56: {  	_ =	shalt  }
0x57: {  	_ =	shalt  }
0x58: {  	_ =	shalt  }
0x59: {  	_ =	shalt  }
0x5a: {  	_ =	shalt  }
0x5b: {  	_ =	shalt  }
0x5c: {  	_ =	shalt  }
0x5d: {  	_ =	shalt  }
0x5e: {  	_ =	shalt  }
0x5f: {  	_ =	shalt  }
0x60: {  	_ =	shalt  }
0x61: {  	_ =	shalt  }
0x62: {  	_ =	shalt  }
0x63: {  	_ =	shalt  }
0x64: {  	_ =	shalt  }
0x65: {  	_ =	shalt  }
0x66: {  	_ =	shalt  }
0x67: {  	_ =	shalt  }
0x68: {  	_ =	shalt  }
0x69: {  	_ =	shalt  }
0x6a: {  	_ =	shalt  }
0x6b: {  	_ =	shalt  }
0x6c: {  	_ =	shalt  }
0x6d: {  	_ =	shalt  }
0x6e: {  	_ =	shalt  }
0x6f: {  	_ =	shalt  }
0x70: {  	_ =	shalt  }
0x71: {  	_ =	shalt  }
0x72: {  	_ =	shalt  }
0x73: {  	_ =	shalt  }
0x74: {  	_ =	shalt  }
0x75: {  	_ =	shalt  }
0x76: {  	_ =	shalt  }
0x77: {  	_ =	shalt  }
0x78: {  	_ =	shalt  }
0x79: {  	_ =	shalt  }
0x7a: {  	_ =	shalt  }
0x7b: {  	_ =	shalt  }
0x7c: {  	_ =	shalt  }
0x7d: {  	_ =	shalt  }
0x7e: {  	_ =	shalt  }
0x7f: {  	_ =	shalt  }
0x80: {  	_ =	shalt  }
0x81: {  	_ =	shalt  }
0x82: {  	_ =	shalt  }
0x83: {  	_ =	shalt  }
0x84: {  	_ =	shalt  }
0x85: {  	_ =	shalt  }
0x86: {  	_ =	shalt  }
0x87: {  	_ =	shalt  }
.Lfunc_end0:
.L_simem_size_0:
called_computation.1_lowered:
.L_overlay_start_0:
0x88: {  	s2 =	sld [smem:$0x3FD9]  }
0x89: {  	s3 =	sld [smem:$0x3FFE];
	_ =	sdelay $0x1  }
0x8a: {  	s1 =	srdreg.scid  }
0x8b: {  	s0 =	sand.u32 $0x1, s1  }
0x8c: {  	s17 =	sshll.u32 s0, $0xA;
	s2 =	sadd.s32 s3, s2  }
0x8d: {  	s2 =	sadd.s32 s2, s17  }
0x8e: {  	[smem:$0x3FC2] =	sst s2  }
0x8f: {  	_ = 	snop  }
0x90: {  	s2 =	sld [smem:$0x3FD0];
	(tm) =	ssettm $0x1  }
0x91: {  	s18 =	sld [smem:$0x3FFB];
	_ =	sdelay $0x3  }
0x92: {  	_ =	strace s18  }
0x93: {  	s3 =	sld [smem:$0x3FFC];
	_ =	sdelay $0x3  }
0x94: {  	_ =	strace s3  }
0x95: {  	s3 =	sld [smem:$0x3FFD];
	_ =	sdelay $0x3  }
0x96: {  	_ =	strace s3  }
0x97: {  	_ =	strace $0x8FFFFFFF  }
0x98: {  	s19 =	sld [smem:$0x3FDB];
	_ =	sdelay $0x1  }
0x99: {  	s4 =	simm.s32 $_scs_section_size  }
0x9a: {  	s5 =	simm.s32 $_size__tile_overlayer_lowered;
	s6 =	simm.s32 $_tile_overlayer_lowered  }
0x9b: {  	s22 =	simm.s32 $0x1BFF;
	s21 =	sshll.u32 s6, $0x1;
	s3 =	sadd.s32 s4, s19  }
0x9c: {  	s7 =	simm.s32 $0x0;
	s20 =	sshll.u32 s5, $0x1;
	s5 =	sadd.s32 s21, s3  }
0x9d: {  	[timem:s7], [sflag:s22] =	dma.local [hbm:s5], s20  }
0x9e: {  	_ =	swait.ge [sflag:s22], s20  }
0x9f: {  	s4 =	ssub.s32 $0x0, s20;
	[sflag:s22] =	ssyncset.done $0x0  }
0xa0: {  	[sflag:s22] =	ssyncadd.s32 s4;
	_ =	sdelay $0x1  }
0xa1: {  	s23 =	simm.s32 $0x1B8B  }
0xa2: {  	_ =	swait.ge [sflag:s23], $0x1  }
0xa3: {  	[sflag:s23] =	ssyncset.done $0x0  }
0xa4: {  	s25 =	simm.s32 $0x1B8E;
	s24 =	sld [smem:$0x3FFE];
	[sflag:s23] =	ssyncadd.s32 $0xFFFFFFFF  }
0xa5: {  	s26 =	simm.s32 $execute0_lowered;
	[smem:$0x3FD2] =	sst s25  }
0xa6: {  	s5 =	sshll.u32 s26, $0x1;
	_ =	strace $0x80000049;
	[dreg:$0x1] =	wrdreg $0xFFFFFFFF  }
0xa7: {  	s28 =	simm.s32 $_size_execute0_lowered;
	s3 =	sadd.s32 s3, s5;
	[dreg:$0x0] =	wrdreg $0x0  }
0xa8: {  	s5 =	sshll.u32 s28, $0x1;
	[dreg:$0x2] =	wrdreg s3  }
0xa9: {  	[dreg:$0x3] =	wrdreg s5  }
0xaa: {  	[dreg:$0x4] =	wrdreg $0xC0  }
0xab: {  	_ =	task [dreg:s7], $0x5FFFF  }
0xac: {  	[dreg:$0x1] =	wrdreg $0xFFFFFFFF  }
0xad: {  	[dreg:$0x0] =	wrdreg $0x60  }
0xae: {  	[dreg:$0x2] =	wrdreg s24  }
0xaf: {  	[dreg:$0x3] =	wrdreg s2  }
0xb0: {  	[dreg:$0x4] =	wrdreg $0xC3000  }
0xb1: {  	[dreg:$0x5] =	wrdreg $0x9  }
0xb2: {  	_ =	task.clear_ibuf [dreg:s7], $0x6FFFF;
	_ =	strace $0x90000049  }
0xb3: {  	s29 =	simm.s32 $0x9;
	_ =	strace $0x8000004B  }
0xb4: {  	_ =	swait.ge [sflag:s29], $0x1  }
0xb5: {  	[sflag:s29] =	ssyncadd.s32 $0xFFFFFFFF  }
0xb6: {  	_ =	strace $0x9000004B  }
0xb7: {  	_ =	sfence  }
0xb8: {  	s30 =	sld [smem:$0x0];
	_ =	sdelay $0x2  }
0xb9: {  	s31 =	sshll.u32 s1, $0xD;
	s1 =	sshrl.u32 s1, $0x2  }
0xba: {  	s3 =	sand.u32 $0x4000, s31;
	s1 =	sadd.s32 s1, s30  }
0xbb: {  	s0 =	sor.u32 s3, s0;
	s1 =	sshll.u32 s1, $0x11  }
0xbc: {  	s0 =	sor.u32 s1, s0  }
0xbd: {  	s0 =	sadd.s32 $0x8F2B, s0  }
0xbe: {  	[sflag:s0] =	ssyncadd.remote.s32 $0x1  }
0xbf: {  	_ =	sfence.sel $0xFFFF  }
0xc0: {  	[dreg:$0x0] =	wrdreg $0xFFFFFFFF;
	(pc) =	sbr.abs _section_cstart, $3  }
0xc1: {  	[dreg:$0x1] =	wrdreg $0xFFFFFFFF  }
0xc2: {  	_ =	task.clear_ibuf [dreg:s7], $0x2FFFF;
	_ =	strace $0x9FFFFFFF  }
0xc3: {  	(tm) =	ssettm $0x7FFFFFFF  }
tec
execute0_lowered:
.L_overlay_start_1:
0x0: {  	(tag) =	ssettag $0x1  }
0x1: {  	s0 =	rddreg [dreg:$0x0]  }
0x2: {  	s2 =	rddreg [dreg:$0x1]  }
0x3: {  	s1 =	rddreg [dreg:$0x2]  }
0x4: {  	s3 =	srdreg.scid;
	s11 =	stileid.u32;
	s28 =	simm.s32 $0x4300  }
0x5: {  	s29 =	simm.s32 $0x5;
	s30 =	simm.s32 $0x180;
	s10 =	smul.u32 $0x4F000, s11  }
0x6: {  	s31 =	simm.s32 $0x7;
	s5 =	sand.u32 $0x1, s3;
	s20 =	smul.u32 $0x5100, s11  }
0x7: {  	s3 =	simm.s32 $0x0;
	s7 =	sadd.s32 $0x2AA00, s0;
	s24 =	smul.u32 $0x2780, s11  }
0x8: {  	s26 =	sshll.u32 s11, $0x6;
	s4 =	sshll.u32 s5, $0x4;
	s15 =	smul.u32 $0x28000, s5  }
0x9: {  	[smem:$0x7FF] =	sst s3;
	s8 =	ssub.s32 $0x2, s5;
	s5 =	smul.u32 $0x51000, s5  }
0xa: {  	s6 =	sor.u32 s11, s4;
	_ =	strace $0x8000004A;
	s4 =	sadd.s32 $0x2A00, s0  }
0xb: {  	[dreg:$0x4] =	wrdreg s7;
	s9 =	sshrl.u32 s8, $0x1;
	s18 =	sshrl.u32 s10, $0x2  }
0xc: {  	s10 =	simm.s32 $0x0;
	s6 =	smul.u32 $0x5100, s6;
	s0 =	sadd.s32 s15, s0  }
0xd: {  	s16 =	ssub.s32 s8, s9;
	s8 =	sadd.s32 s18, s1;
	s5 =	sadd.s32 s20, s5  }
0xe: {  	s18 =	simm.s32 $0x80;
	s20 =	sor.u32 $0x1C0A, s26;
	s26 =	simm.s32 $0x2  }
0xf: {  	s0 =	sadd.s32 $0x2D200, s0;
	s7 =	smax.u32 s16, $0x1;
	s25 =	sadd.s32 $0x700, s5  }
0x10: {  	s9 =	sadd.s32 $0x600, s5;
	s5 =	sadd.s32 $0x500, s5;
	s16 =	simm.s32 $0x100  }
0x11: {  	s6 =	sshrl.u32 s6, $0x3;
	[dreg:$0xa] =	wrdreg s7;
	s7 =	sshrl.u32 s25, $0x3  }
0x12: {  	s9 =	sshrl.u32 s9, $0x3;
	s5 =	sshrl.u32 s5, $0x3;
	s0 =	sadd.s32 s24, s0  }
0x13: {  	s25 =	simm.s32 $0x200;
	s6 =	sadd.s32 s2, s6;
	s13 =	sadd.s32 s7, s2  }
0x14: {  	s14 =	sadd.s32 s9, s2;
	[dreg:$0xb] =	wrdreg s0;
	s17 =	sadd.s32 $0x20, s6  }
0x15: {  	s15 =	sadd.s32 s5, s2;
	s19 =	sadd.s32 $0x40, s6;
	[dreg:$0x5] =	wrdreg s17  }
0x16: {  	s0 =	simm.s32 $0x3;
	s21 =	sadd.s32 $0x60, s6;
	[dreg:$0x6] =	wrdreg s19  }
0x17: {  	s2 =	simm.s32 $0x8300;
	s22 =	sadd.s32 $0x80, s6;
	[dreg:$0x7] =	wrdreg s21  }
0x18: {  	s5 =	simm.s32 $0x6;
	s23 =	sadd.s32 $0xA00, s6;
	[dreg:$0x8] =	wrdreg s22  }
0x19: {  	s7 =	simm.s32 $0x280;
	s9 =	simm.s32 $0x9;
	[dreg:$0x9] =	wrdreg s23  }
0x1a: {  	s17 =	simm.s32 $0x1;
	s19 =	simm.s32 $0x300;
	s21 =	sshrl.u32 s8, $0x3  }
0x1b: {  	s22 =	simm.s32 $0xA;
	s23 =	simm.s32 $0x4;
	s8 =	simm.s32 $0x8  }
.LBB2_1:
0x1c: {  	[tilespmem:s3], [sflag:$0x1] =	stream.linear.gather [hbm4b:s6+s3], $0x100, $0x38;
	[tilespmem:$0x1FF00] =	vst v63  }
0x1d: {  	s11 =	rddreg [dreg:$0x5]  }
0x1e: {  	[tilespmem:s16], [sflag:$0x2] =	stream.linear.gather [hbm4b:s11+s3], $0x100, $0x38;
	[tilespmem:$0x1FF00] =	vst v63  }
0x1f: {  	_ =	swait.ge [sflag:s17], $0x100  }
0x20: {  	[sflag:s17] =	ssyncset.done $0x0  }
0x21: {  	s24 =	rddreg [dreg:$0x4];
	[sflag:s17] =	ssyncadd.s32 $0xFFFFFF00  }
0x22: {  	[tilespmem:s19], [sflag:$0x4] =	stream.indirect.gather [hbm4b:s4+s18], $0x80, s3, s18, $0xb8;
	[tilespmem:$0x1FF00] =	vst v63  }
0x23: {  	[spmem:s21], [sflag:s20] =	dma.local [hbm:s24], $0x2780  }
0x24: {  	_ =	swait.ge [sflag:s22], $0x2780  }
0x25: {  	[sflag:s22] =	ssyncset.done $0x0  }
0x26: {  	[sflag:s22] =	ssyncadd.s32 $0xFFFFD880  }
0x27: {  	[bflag:$0x0] =	sbarrier.arrive $0xFFFF  }
0x28: {  	_ =	swait.ge [sflag:s23], $0x4000  }
0x29: {  	[sflag:s23] =	ssyncset.done $0x0  }
0x2a: {  	[sflag:s23] =	ssyncadd.s32 $0xFFFFC000  }
0x2b: {  	[spmem:s1] =	stream.indirect.scatter.add.f32 [tilespmem:s19], [sflag:$0x7], $0x80, s18, s18, $0xb8;
	[tilespmem:$0x1FF00] =	vst v63  }
0x2c: {  	s12 =	rddreg [dreg:$0x6]  }
0x2d: {  	[tilespmem:s25], [sflag:$0x3] =	stream.linear.gather [hbm4b:s12+s3], $0x100, $0x38;
	[tilespmem:$0x1FF00] =	vst v63  }
0x2e: {  	_ =	swait.ge [sflag:s26], $0x100  }
0x2f: {  	[sflag:s26] =	ssyncset.done $0x0  }
0x30: {  	[sflag:s26] =	ssyncadd.s32 $0xFFFFFF00  }
0x31: {  	[tilespmem:s28], [sflag:$0x5] =	stream.indirect.gather [hbm4b:s4+s18], $0x80, s16, s18, $0xb8;
	[tilespmem:$0x1FF00] =	vst v63  }
0x32: {  	_ =	swait.ge [sflag:s29], $0x4000  }
0x33: {  	[sflag:s29] =	ssyncset.done $0x0  }
0x34: {  	[sflag:s29] =	ssyncadd.s32 $0xFFFFC000  }
0x35: {  	[spmem:s1] =	stream.indirect.scatter.add.f32 [tilespmem:s28], [sflag:$0x8], $0x80, s30, s18, $0xb8;
	[tilespmem:$0x1FF00] =	vst v63  }
0x36: {  	_ =	swait.ge [sflag:s31], $0x4000  }
0x37: {  	[sflag:s31] =	ssyncset.done $0x0  }
0x38: {  	s24 =	rddreg [dreg:$0x7];
	[sflag:s31] =	ssyncadd.s32 $0xFFFFC000  }
0x39: {  	[tilespmem:s3], [sflag:$0x1] =	stream.linear.gather [hbm4b:s24+s3], $0x100, $0x38;
	[tilespmem:$0x1FF00] =	vst v63  }
0x3a: {  	_ =	swait.ge [sflag:s0], $0x100  }
0x3b: {  	[sflag:s0] =	ssyncset.done $0x0  }
0x3c: {  	[sflag:s0] =	ssyncadd.s32 $0xFFFFFF00  }
0x3d: {  	[tilespmem:s2], [sflag:$0x6] =	stream.indirect.gather [hbm4b:s4+s18], $0x80, s25, s18, $0xb8;
	[tilespmem:$0x1FF00] =	vst v63  }
0x3e: {  	_ =	swait.ge [sflag:s5], $0x4000  }
0x3f: {  	[sflag:s5] =	ssyncset.done $0x0  }
0x40: {  	[sflag:s5] =	ssyncadd.s32 $0xFFFFC000  }
0x41: {  	[spmem:s1] =	stream.indirect.scatter.add.f32 [tilespmem:s2], [sflag:$0x9], $0x80, s7, s18, $0xb8;
	[tilespmem:$0x1FF00] =	vst v63  }
0x42: {  	_ =	swait.ge [sflag:s8], $0x4000  }
0x43: {  	[sflag:s8] =	ssyncset.done $0x0  }
0x44: {  	s12 =	rddreg [dreg:$0x8];
	[sflag:s8] =	ssyncadd.s32 $0xFFFFC000  }
0x45: {  	[tilespmem:s16], [sflag:$0x2] =	stream.linear.gather [hbm4b:s12+s3], $0x100, $0x38;
	[tilespmem:$0x1FF00] =	vst v63  }
0x46: {  	_ =	swait.ge [sflag:s17], $0x100  }
0x47: {  	[sflag:s17] =	ssyncset.done $0x0  }
0x48: {  	[sflag:s17] =	ssyncadd.s32 $0xFFFFFF00  }
0x49: {  	[tilespmem:s19], [sflag:$0x4] =	stream.indirect.gather [hbm4b:s4+s18], $0x80, s3, s18, $0xb8;
	[tilespmem:$0x1FF00] =	vst v63  }
0x4a: {  	_ =	swait.ge [sflag:s23], $0x4000  }
0x4b: {  	[sflag:s23] =	ssyncset.done $0x0  }
0x4c: {  	[sflag:s23] =	ssyncadd.s32 $0xFFFFC000  }
0x4d: {  	[spmem:s1] =	stream.indirect.scatter.add.f32 [tilespmem:s19], [sflag:$0x7], $0x80, s18, s18, $0xb8;
	[tilespmem:$0x1FF00] =	vst v63  }
0x4e: {  	_ =	swait.ge [sflag:s9], $0x4000  }
0x4f: {  	[sflag:s9] =	ssyncset.done $0x0  }
0x50: {  	s24 =	sadd.s32 $0x0, s15;
	[sflag:s9] =	ssyncadd.s32 $0xFFFFC000  }
0x51: {  	[tilespmem:s25], [sflag:$0x3] =	stream.linear.gather [hbm4b:s24+s3], $0x100, $0x38;
	[tilespmem:$0x1FF00] =	vst v63  }
0x52: {  	_ =	swait.ge [sflag:s26], $0x100  }
0x53: {  	[sflag:s26] =	ssyncset.done $0x0  }
0x54: {  	[sflag:s26] =	ssyncadd.s32 $0xFFFFFF00  }
0x55: {  	[tilespmem:s28], [sflag:$0x5] =	stream.indirect.gather [hbm4b:s4+s18], $0x80, s16, s18, $0xb8;
	[tilespmem:$0x1FF00] =	vst v63  }
0x56: {  	_ =	swait.ge [sflag:s29], $0x4000  }
0x57: {  	[sflag:s29] =	ssyncset.done $0x0  }
0x58: {  	[sflag:s29] =	ssyncadd.s32 $0xFFFFC000  }
0x59: {  	[spmem:s1] =	stream.indirect.scatter.add.f32 [tilespmem:s28], [sflag:$0x8], $0x80, s30, s18, $0xb8;
	[tilespmem:$0x1FF00] =	vst v63  }
0x5a: {  	_ =	swait.ge [sflag:s31], $0x4000  }
0x5b: {  	[sflag:s31] =	ssyncset.done $0x0  }
0x5c: {  	s12 =	sadd.s32 $0x0, s14;
	[sflag:s31] =	ssyncadd.s32 $0xFFFFC000  }
0x5d: {  	[tilespmem:s3], [sflag:$0x1] =	stream.linear.gather [hbm4b:s12+s3], $0x100, $0x38;
	[tilespmem:$0x1FF00] =	vst v63  }
0x5e: {  	_ =	swait.ge [sflag:s0], $0x100  }
0x5f: {  	[sflag:s0] =	ssyncset.done $0x0  }
0x60: {  	[sflag:s0] =	ssyncadd.s32 $0xFFFFFF00  }
0x61: {  	[tilespmem:s2], [sflag:$0x6] =	stream.indirect.gather [hbm4b:s4+s18], $0x80, s25, s18, $0xb8;
	[tilespmem:$0x1FF00] =	vst v63  }
0x62: {  	_ =	swait.ge [sflag:s5], $0x4000  }
0x63: {  	[sflag:s5] =	ssyncset.done $0x0  }
0x64: {  	[sflag:s5] =	ssyncadd.s32 $0xFFFFC000  }
0x65: {  	[spmem:s1] =	stream.indirect.scatter.add.f32 [tilespmem:s2], [sflag:$0x9], $0x80, s7, s18, $0xb8;
	[tilespmem:$0x1FF00] =	vst v63  }
0x66: {  	_ =	swait.ge [sflag:s8], $0x4000  }
0x67: {  	[sflag:s8] =	ssyncset.done $0x0  }
0x68: {  	s24 =	sadd.s32 $0x0, s13;
	[sflag:s8] =	ssyncadd.s32 $0xFFFFC000  }
0x69: {  	[tilespmem:s16], [sflag:$0x2] =	stream.linear.gather [hbm4b:s24+s3], $0x100, $0x38;
	[tilespmem:$0x1FF00] =	vst v63  }
0x6a: {  	_ =	swait.ge [sflag:s17], $0x100  }
0x6b: {  	[sflag:s17] =	ssyncset.done $0x0  }
0x6c: {  	s11 =	simm.s32 $0x60;
	[sflag:s17] =	ssyncadd.s32 $0xFFFFFF00  }
.LBB2_2:
0x6d: {  	[tilespmem:s19], [sflag:$0x4] =	stream.indirect.gather [hbm4b:s4+s18], $0x80, s3, s18, $0xb8;
	[tilespmem:$0x1FF00] =	vst v63  }
0x6e: {  	s12 =	smov.u32 s11  }
0x6f: {  	p0 =	sne.s32 s11, $0x900;
	s11 =	sadd.s32 $0x60, s11;
	_ =	swait.ge [sflag:s23], $0x4000  }
0x70: {  	[sflag:s23] =	ssyncset.done $0x0  }
0x71: {  	[sflag:s23] =	ssyncadd.s32 $0xFFFFC000  }
0x72: {  	[spmem:s1] =	stream.indirect.scatter.add.f32 [tilespmem:s19], [sflag:$0x7], $0x80, s18, s18, $0xb8;
	[tilespmem:$0x1FF00] =	vst v63  }
0x73: {  	_ =	swait.ge [sflag:s9], $0x4000  }
0x74: {  	[sflag:s9] =	ssyncset.done $0x0  }
0x75: {  	s24 =	sadd.s32 s12, s15;
	[sflag:s9] =	ssyncadd.s32 $0xFFFFC000  }
0x76: {  	[tilespmem:s25], [sflag:$0x3] =	stream.linear.gather [hbm4b:s24+s3], $0x100, $0x38;
	[tilespmem:$0x1FF00] =	vst v63  }
0x77: {  	_ =	swait.ge [sflag:s26], $0x100  }
0x78: {  	[sflag:s26] =	ssyncset.done $0x0  }
0x79: {  	[sflag:s26] =	ssyncadd.s32 $0xFFFFFF00  }
0x7a: {  	[tilespmem:s28], [sflag:$0x5] =	stream.indirect.gather [hbm4b:s4+s18], $0x80, s16, s18, $0xb8;
	[tilespmem:$0x1FF00] =	vst v63  }
0x7b: {  	_ =	swait.ge [sflag:s29], $0x4000  }
0x7c: {  	[sflag:s29] =	ssyncset.done $0x0  }
0x7d: {  	[sflag:s29] =	ssyncadd.s32 $0xFFFFC000  }
0x7e: {  	[spmem:s1] =	stream.indirect.scatter.add.f32 [tilespmem:s28], [sflag:$0x8], $0x80, s30, s18, $0xb8;
	[tilespmem:$0x1FF00] =	vst v63  }
0x7f: {  	_ =	swait.ge [sflag:s31], $0x4000  }
0x80: {  	[sflag:s31] =	ssyncset.done $0x0  }
0x81: {  	s24 =	sadd.s32 s12, s14;
	[sflag:s31] =	ssyncadd.s32 $0xFFFFC000  }
0x82: {  	[tilespmem:s3], [sflag:$0x1] =	stream.linear.gather [hbm4b:s24+s3], $0x100, $0x38;
	[tilespmem:$0x1FF00] =	vst v63  }
0x83: {  	_ =	swait.ge [sflag:s0], $0x100  }
0x84: {  	[sflag:s0] =	ssyncset.done $0x0  }
0x85: {  	[sflag:s0] =	ssyncadd.s32 $0xFFFFFF00  }
0x86: {  	[tilespmem:s2], [sflag:$0x6] =	stream.indirect.gather [hbm4b:s4+s18], $0x80, s25, s18, $0xb8;
	[tilespmem:$0x1FF00] =	vst v63  }
0x87: {  	_ =	swait.ge [sflag:s5], $0x4000  }
0x88: {  	[sflag:s5] =	ssyncset.done $0x0  }
0x89: {  	[sflag:s5] =	ssyncadd.s32 $0xFFFFC000  }
0x8a: {  	[spmem:s1] =	stream.indirect.scatter.add.f32 [tilespmem:s2], [sflag:$0x9], $0x80, s7, s18, $0xb8;
	[tilespmem:$0x1FF00] =	vst v63  }
0x8b: {  	_ =	swait.ge [sflag:s8], $0x4000  }
0x8c: {  	[sflag:s8] =	ssyncset.done $0x0  }
.Ltmp0:
0x8d: {  	s12 =	sadd.s32 s12, s13;
	[sflag:s8] =	ssyncadd.s32 $0xFFFFC000;
	(pc) =	sbr.rel @p0 .LBB2_2-.Ltmp0, $4  }
0x8e: {  	[tilespmem:s16], [sflag:$0x2] =	stream.linear.gather [hbm4b:s12+s3], $0x100, $0x38;
	[tilespmem:$0x1FF00] =	vst v63  }
0x8f: {  	_ =	swait.ge [sflag:s17], $0x100  }
0x90: {  	[sflag:s17] =	ssyncset.done $0x0  }
0x91: {  	[sflag:s17] =	ssyncadd.s32 $0xFFFFFF00  }
0x92: {  	[tilespmem:s19], [sflag:$0x4] =	stream.indirect.gather [hbm4b:s4+s18], $0x80, s3, s18, $0xb8;
	[tilespmem:$0x1FF00] =	vst v63  }
0x93: {  	_ =	swait.ge [sflag:s23], $0x4000  }
0x94: {  	[sflag:s23] =	ssyncset.done $0x0  }
0x95: {  	[sflag:s23] =	ssyncadd.s32 $0xFFFFC000  }
0x96: {  	[spmem:s1] =	stream.indirect.scatter.add.f32 [tilespmem:s19], [sflag:$0x7], $0x80, s18, s18, $0xb8;
	[tilespmem:$0x1FF00] =	vst v63  }
0x97: {  	_ =	swait.ge [sflag:s9], $0x4000  }
0x98: {  	[sflag:s9] =	ssyncset.done $0x0  }
0x99: {  	s11 =	rddreg [dreg:$0x9];
	[sflag:s9] =	ssyncadd.s32 $0xFFFFC000  }
0x9a: {  	[tilespmem:s25], [sflag:$0x3] =	stream.linear.gather [hbm4b:s11+s3], $0x100, $0x38;
	[tilespmem:$0x1FF00] =	vst v63  }
0x9b: {  	_ =	swait.ge [sflag:s26], $0x100  }
0x9c: {  	[sflag:s26] =	ssyncset.done $0x0  }
0x9d: {  	[sflag:s26] =	ssyncadd.s32 $0xFFFFFF00  }
0x9e: {  	[tilespmem:s28], [sflag:$0x5] =	stream.indirect.gather [hbm4b:s4+s18], $0x80, s16, s18, $0xb8;
	[tilespmem:$0x1FF00] =	vst v63  }
0x9f: {  	_ =	swait.ge [sflag:s29], $0x4000  }
0xa0: {  	[sflag:s29] =	ssyncset.done $0x0  }
0xa1: {  	[sflag:s29] =	ssyncadd.s32 $0xFFFFC000  }
0xa2: {  	[spmem:s1] =	stream.indirect.scatter.add.f32 [tilespmem:s28], [sflag:$0x8], $0x80, s30, s18, $0xb8;
	[tilespmem:$0x1FF00] =	vst v63  }
0xa3: {  	_ =	swait.ge [sflag:s31], $0x4000  }
0xa4: {  	[sflag:s31] =	ssyncset.done $0x0  }
0xa5: {  	[sflag:s31] =	ssyncadd.s32 $0xFFFFC000  }
0xa6: {  	_ =	swait.ge [sflag:s0], $0x100  }
0xa7: {  	[sflag:s0] =	ssyncset.done $0x0  }
0xa8: {  	[sflag:s0] =	ssyncadd.s32 $0xFFFFFF00  }
0xa9: {  	[tilespmem:s2], [sflag:$0x6] =	stream.indirect.gather [hbm4b:s4+s18], $0x80, s25, s18, $0xb8;
	[tilespmem:$0x1FF00] =	vst v63  }
0xaa: {  	_ =	swait.ge [sflag:s5], $0x4000  }
0xab: {  	[sflag:s5] =	ssyncset.done $0x0  }
0xac: {  	[sflag:s5] =	ssyncadd.s32 $0xFFFFC000  }
0xad: {  	[spmem:s1] =	stream.indirect.scatter.add.f32 [tilespmem:s2], [sflag:$0x9], $0x80, s7, s18, $0xb8;
	[tilespmem:$0x1FF00] =	vst v63  }
0xae: {  	_ =	swait.ge [sflag:s8], $0x4000  }
0xaf: {  	[sflag:s8] =	ssyncset.done $0x0  }
0xb0: {  	[sflag:s8] =	ssyncadd.s32 $0xFFFFC000  }
0xb1: {  	_ =	swait.ge [sflag:s9], $0x4000  }
0xb2: {  	[sflag:s9] =	ssyncset.done $0x0  }
0xb3: {  	[sflag:s9] =	ssyncadd.s32 $0xFFFFC000  }
0xb4: {  	[bflag:$0x0] =	sbarrier.arrive $0xFFFF  }
0xb5: {  	s12 =	rddreg [dreg:$0xb]  }
0xb6: {  	[hbm:s12], [sflag:s20] =	dma.local [spmem:s21], $0x2780  }
0xb7: {  	_ =	swait.ge [sflag:s22], $0x2780  }
0xb8: {  	s10 =	sadd.s32 $0x1, s10;
	s24 =	rddreg [dreg:$0xa]  }
0xb9: {  	p0 =	sne.s32 s10, s24  }
.Ltmp1:
0xba: {  	_ = 	snop;
	(pc) =	sbr.rel @p0 .LBB2_1-.Ltmp1, $3  }
0xbb: {  	_ =	sdelay $0x1  }
0xbc: {  	[sflag:s22] =	ssyncset.done $0x0  }
0xbd: {  	[sflag:s22] =	ssyncadd.s32 $0xFFFFD880  }
0xbe: {  	_ =	sfence.sel $0x180000  }
0xbf: {  	[bflag:$0x0] =	sbarrier.arrive $0xFFFF  }
0xc0: {  	_ =	strace $0x9000004A  }
0xc1: {  	s0 =	stileid.u32;
	[bflag:$0x2] =	sbarrier.arrive $0xFFFF  }
0xc2: {  	p0 =	sne.s32 s0, $0x0;
	s0 =	rddreg [dreg:$0x3]  }
0xc3: {  	s0 =	sadd.s32 @!p0 $0x100000, s0  }
0xc4: {  	[sflag:s0] =	ssyncadd.tile.s32 @!p0 $0x1;
	_ =	shalt  }
.Lfunc_end2:
_tile_overlayer_lowered:
.L_overlay_start_2:
0xc5: {  	(tag) =	ssettag $0x2  }
0xc6: {  	s0 =	rddreg [dreg:$0x0];
	s2 =	stileid.u32  }
0xc7: {  	s1 =	rddreg [dreg:$0x1];
	p0 =	sne.s32 s2, $0x0  }
0xc8: {  	s3 =	rddreg [dreg:$0x2];
	[bflag:$0x3] =	sbarrier.arrive $0xFFFF;
	s2 =	simm.s32 @!p0 $0x1C0A  }
0xc9: {  	[timem:s3], [sflag:s2] =	dma.local @!p0 [hbm:s0], s1  }
0xca: {  	s0 =	simm.s32 @!p0 $0xA  }
0xcb: {  	_ =	swait.ge @!p0 [sflag:s0], s1  }
0xcc: {  	s1 =	ssub.s32 @!p0 $0x0, s1;
	[sflag:s0] =	ssyncset.done @!p0 $0x0  }
0xcd: {  	[sflag:s0] =	ssyncadd.s32 @!p0 s1  }
0xce: {  	[bflag:$0x3] =	sbarrier.arrive $0xFFFF  }
0xcf: {  	_ =	shalt  }

// kernel: kernel.15.cloned.1.call-start
scs
__scs_entry_jumppad:
0x0: {  	(pc) =	sbr.rel $0x88, $3  }
0x1: {  	(tag) =	ssettag $0x0;
	lr =	simm.s32 $0x1  }
0x2: {  	[smem:$0x3F9B] =	sst lr;
	_ =	strace $0xD0000000  }
0x3: {  	_ = 	snop  }
0x4: {  	_ = 	snop  }
0x5: {  	_ = 	snop  }
0x6: {  	_ = 	snop  }
0x7: {  	_ = 	snop  }
__scs_overlays_trampoline_lowered:
0x8: {  	[smem:$0x3FAA] =	sst s0  }
0x9: {  	[smem:$0x3FAB] =	sst s1  }
0xa: {  	[smem:$0x3FAC] =	sst s2  }
0xb: {  	[smem:$0x3FAD] =	sst s3  }
0xc: {  	[smem:$0x3FAE] =	sst s4  }
0xd: {  	[smem:$0x3FAF] =	sst s5  }
0xe: {  	[smem:$0x3FB0] =	sst s6  }
0xf: {  	[smem:$0x3FB1] =	sst s7  }
0x10: {  	[smem:$0x3FB2] =	sst s8  }
0x11: {  	[smem:$0x3FB3] =	sst s9;
	s0 =	simm.s32 @!p0 $0x0  }
0x12: {  	s1 =	sld [smem:$0x3F99];
	s0 =	simm.s32 @p0 $0x1  }
0x13: {  	[smem:$0x3FB4] =	sst s0;
	s0 =	simm.s32 @!p1 $0x0  }
0x14: {  	s2 =	sld [smem:$0x3F98];
	s0 =	simm.s32 @p1 $0x1  }
0x15: {  	[smem:$0x3FB5] =	sst s0;
	s0 =	simm.s32 @!p2 $0x0  }
0x16: {  	s3 =	sld [smem:$0x3FDB];
	s0 =	simm.s32 @p2 $0x1  }
0x17: {  	s4 =	simm.s32 $0x1BF5;
	[smem:$0x3FB7] =	sst s0  }
0x18: {  	s0 =	sld [smem:$0x3F9A];
	_ =	swait.ge [sflag:s4], $0x0  }
0x19: {  	s7 =	sld [smem:$0x3F9B]  }
0x1a: {  	s8 =	sadd.s32 $0xFFFFE003, lr  }
0x1b: {  	s9 =	sadd.s32 $0xFFFFFEF7, lr;
	s5 =	simm.s32 $0xFFFFFFFF;
	p2 =	slt.u32 s8, $0xFFFFF086  }
0x1c: {  	p1 =	slt.u32 s9, $0xF7A;
	s5 =	simm.s32 @!p2 $0x0  }
0x1d: {  	s5 =	simm.s32 @p1 $0x1;
	p0 =	seq.s32 s7, s2  }
0x1e: {  	s7 =	smul.u32 @!p0 $0xF7A, s2;
	p2 =	seq.s32 @!p0 s5, $0x0  }
0x1f: {  	s9 =	smul.u32 $0xF7A, s1;
	s8 =	simm.s32 @!p0 $0x1BF5;
	p2 =	por !p2, p0  }
0x20: {  	[sflag:s8] =	ssyncset.s32 @!p0 $0xFFFFF086;
	s6 =	sadd.s32 @!p0 s3, s7;
	s7 =	simm.s32 @!p0 $0x108  }
0x21: {  	s3 =	sadd.s32 s3, s9;
	s6 =	sadd.s32 @!p0 $0x88, s6;
	s7 =	simm.s32 @p2 $0x1082  }
0x22: {  	[simem:s7], [sflag:s8] =	dma.local @!p0 [hbm:s6], $0xF7A  }
0x23: {  	s9 =	sor.u32 $0xD0000000, s2;
	s6 =	simm.s32 $0x108;
	_ =	swait.ge @!p0 [sflag:s8], $0x0  }
0x24: {  	s3 =	sadd.s32 $0x88, s3;
	s6 =	simm.s32 @!p1 $0x1082;
	[sflag:s4] =	ssyncset.s32 $0xFFFFF086  }
0x25: {  	[simem:s6], [sflag:s4] =	dma.local [hbm:s3], $0xF7A  }
0x26: {  	[smem:$0x3F9B] =	sst s1;
	(tag) =	ssettag s2;
	_ =	strace s9  }
0x27: {  	s1 =	sld [smem:$0x3FAB]  }
0x28: {  	s2 =	sld [smem:$0x3FAC]  }
0x29: {  	s4 =	sld [smem:$0x3FAE]  }
0x2a: {  	p0 =	seq.s32 s5, $0x0;
	s5 =	sld [smem:$0x3FAF]  }
0x2b: {  	s6 =	sld [smem:$0x3FB0]  }
0x2c: {  	s7 =	sld [smem:$0x3FB1]  }
0x2d: {  	s3 =	simm.s32 $0x108;
	s8 =	sld [smem:$0x3FB2]  }
0x2e: {  	s3 =	simm.s32 @!p0 $0x1082;
	s9 =	sld [smem:$0x3FB3]  }
0x2f: {  	lr =	sadd.s32 s0, s3;
	s0 =	sld [smem:$0x3FAA]  }
0x30: {  	s3 =	sld [smem:$0x3FAD]  }
0x31: {  	[smem:$0x3FB6] =	sst s10  }
0x32: {  	s10 =	sld [smem:$0x3FB4];
	_ =	sdelay $0x3  }
0x33: {  	p0 =	seq.s32 s10, $0x1;
	s10 =	sld [smem:$0x3FB6];
	_ =	sdelay $0x3  }
0x34: {  	[smem:$0x3FB6] =	sst s10  }
0x35: {  	s10 =	sld [smem:$0x3FB5];
	_ =	sdelay $0x3  }
0x36: {  	p1 =	seq.s32 s10, $0x1;
	s10 =	sld [smem:$0x3FB6];
	_ =	sdelay $0x3  }
0x37: {  	[smem:$0x3FB6] =	sst s10  }
0x38: {  	s10 =	sld [smem:$0x3FB7]  }
0x39: {  	_ = 	snop;
	(pc) =	sbr.ind lr, $3  }
0x3a: {  	_ = 	snop  }
0x3b: {  	_ = 	snop  }
0x3c: {  	p2 =	seq.s32 s10, $0x1;
	s10 =	sld [smem:$0x3FB6]  }
0x3d: {  	_ =	shalt  }
0x3e: {  	_ =	shalt  }
0x3f: {  	_ =	shalt  }
0x40: {  	_ =	shalt  }
0x41: {  	_ =	shalt  }
0x42: {  	_ =	shalt  }
0x43: {  	_ =	shalt  }
0x44: {  	_ =	shalt  }
0x45: {  	_ =	shalt  }
0x46: {  	_ =	shalt  }
0x47: {  	_ =	shalt  }
0x48: {  	_ =	shalt  }
0x49: {  	_ =	shalt  }
0x4a: {  	_ =	shalt  }
0x4b: {  	_ =	shalt  }
0x4c: {  	_ =	shalt  }
0x4d: {  	_ =	shalt  }
0x4e: {  	_ =	shalt  }
0x4f: {  	_ =	shalt  }
0x50: {  	_ =	shalt  }
0x51: {  	_ =	shalt  }
0x52: {  	_ =	shalt  }
0x53: {  	_ =	shalt  }
0x54: {  	_ =	shalt  }
0x55: {  	_ =	shalt  }
0x56: {  	_ =	shalt  }
0x57: {  	_ =	shalt  }
0x58: {  	_ =	shalt  }
0x59: {  	_ =	shalt  }
0x5a: {  	_ =	shalt  }
0x5b: {  	_ =	shalt  }
0x5c: {  	_ =	shalt  }
0x5d: {  	_ =	shalt  }
0x5e: {  	_ =	shalt  }
0x5f: {  	_ =	shalt  }
0x60: {  	_ =	shalt  }
0x61: {  	_ =	shalt  }
0x62: {  	_ =	shalt  }
0x63: {  	_ =	shalt  }
0x64: {  	_ =	shalt  }
0x65: {  	_ =	shalt  }
0x66: {  	_ =	shalt  }
0x67: {  	_ =	shalt  }
0x68: {  	_ =	shalt  }
0x69: {  	_ =	shalt  }
0x6a: {  	_ =	shalt  }
0x6b: {  	_ =	shalt  }
0x6c: {  	_ =	shalt  }
0x6d: {  	_ =	shalt  }
0x6e: {  	_ =	shalt  }
0x6f: {  	_ =	shalt  }
0x70: {  	_ =	shalt  }
0x71: {  	_ =	shalt  }
0x72: {  	_ =	shalt  }
0x73: {  	_ =	shalt  }
0x74: {  	_ =	shalt  }
0x75: {  	_ =	shalt  }
0x76: {  	_ =	shalt  }
0x77: {  	_ =	shalt  }
0x78: {  	_ =	shalt  }
0x79: {  	_ =	shalt  }
0x7a: {  	_ =	shalt  }
0x7b: {  	_ =	shalt  }
0x7c: {  	_ =	shalt  }
0x7d: {  	_ =	shalt  }
0x7e: {  	_ =	shalt  }
0x7f: {  	_ =	shalt  }
0x80: {  	_ =	shalt  }
0x81: {  	_ =	shalt  }
0x82: {  	_ =	shalt  }
0x83: {  	_ =	shalt  }
0x84: {  	_ =	shalt  }
0x85: {  	_ =	shalt  }
0x86: {  	_ =	shalt  }
0x87: {  	_ =	shalt  }
.Lfunc_end0:
.L_simem_size_0:
called_computation.2_lowered:
.L_overlay_start_0:
0x88: {  	s2 =	sld [smem:$0x3FD9]  }
0x89: {  	s3 =	sld [smem:$0x3FFE];
	_ =	sdelay $0x1  }
0x8a: {  	s1 =	srdreg.scid  }
0x8b: {  	s0 =	sand.u32 $0x1, s1  }
0x8c: {  	s17 =	sshll.u32 s0, $0xA;
	s2 =	sadd.s32 s3, s2  }
0x8d: {  	s2 =	sadd.s32 s2, s17  }
0x8e: {  	[smem:$0x3FC2] =	sst s2  }
0x8f: {  	_ = 	snop  }
0x90: {  	s2 =	sld [smem:$0x3FD0];
	(tm) =	ssettm $0x1  }
0x91: {  	s18 =	sld [smem:$0x3FFB];
	_ =	sdelay $0x3  }
0x92: {  	_ =	strace s18  }
0x93: {  	s3 =	sld [smem:$0x3FFC];
	_ =	sdelay $0x3  }
0x94: {  	_ =	strace s3  }
0x95: {  	s3 =	sld [smem:$0x3FFD];
	_ =	sdelay $0x3  }
0x96: {  	_ =	strace s3  }
0x97: {  	_ =	strace $0x8FFFFFFF  }
0x98: {  	s19 =	sld [smem:$0x3FDB];
	_ =	sdelay $0x1  }
0x99: {  	s4 =	simm.s32 $_scs_section_size  }
0x9a: {  	s5 =	simm.s32 $_size__tile_overlayer_lowered;
	s6 =	simm.s32 $_tile_overlayer_lowered  }
0x9b: {  	s22 =	simm.s32 $0x1BFF;
	s21 =	sshll.u32 s6, $0x1;
	s3 =	sadd.s32 s4, s19  }
0x9c: {  	s7 =	simm.s32 $0x0;
	s20 =	sshll.u32 s5, $0x1;
	s5 =	sadd.s32 s21, s3  }
0x9d: {  	[timem:s7], [sflag:s22] =	dma.local [hbm:s5], s20  }
0x9e: {  	_ =	swait.ge [sflag:s22], s20  }
0x9f: {  	s4 =	ssub.s32 $0x0, s20;
	[sflag:s22] =	ssyncset.done $0x0  }
0xa0: {  	[sflag:s22] =	ssyncadd.s32 s4;
	_ =	sdelay $0x1  }
0xa1: {  	s23 =	simm.s32 $0x1B8B  }
0xa2: {  	_ =	swait.ge [sflag:s23], $0x1  }
0xa3: {  	[sflag:s23] =	ssyncset.done $0x0  }
0xa4: {  	s25 =	simm.s32 $0x1B8E;
	s24 =	sld [smem:$0x3FFE];
	[sflag:s23] =	ssyncadd.s32 $0xFFFFFFFF  }
0xa5: {  	s26 =	simm.s32 $execute0_lowered;
	[smem:$0x3FD2] =	sst s25  }
0xa6: {  	s5 =	sshll.u32 s26, $0x1;
	_ =	strace $0x8000004C;
	[dreg:$0x1] =	wrdreg $0xFFFFFFFF  }
0xa7: {  	s28 =	simm.s32 $_size_execute0_lowered;
	s3 =	sadd.s32 s3, s5;
	[dreg:$0x0] =	wrdreg $0x0  }
0xa8: {  	s5 =	sshll.u32 s28, $0x1;
	[dreg:$0x2] =	wrdreg s3  }
0xa9: {  	[dreg:$0x3] =	wrdreg s5  }
0xaa: {  	[dreg:$0x4] =	wrdreg $0xC0  }
0xab: {  	_ =	task [dreg:s7], $0x5FFFF  }
0xac: {  	[dreg:$0x1] =	wrdreg $0xFFFFFFFF  }
0xad: {  	[dreg:$0x0] =	wrdreg $0x60  }
0xae: {  	[dreg:$0x2] =	wrdreg s24  }
0xaf: {  	[dreg:$0x3] =	wrdreg s2  }
0xb0: {  	[dreg:$0x4] =	wrdreg $0xC3000  }
0xb1: {  	[dreg:$0x5] =	wrdreg $0x9  }
0xb2: {  	_ =	task.clear_ibuf [dreg:s7], $0x6FFFF;
	_ =	strace $0x9000004C  }
0xb3: {  	s29 =	simm.s32 $0x9;
	_ =	strace $0x8000004E  }
0xb4: {  	_ =	swait.ge [sflag:s29], $0x1  }
0xb5: {  	[sflag:s29] =	ssyncadd.s32 $0xFFFFFFFF  }
0xb6: {  	_ =	strace $0x9000004E  }
0xb7: {  	_ =	sfence  }
0xb8: {  	s30 =	sld [smem:$0x0];
	_ =	sdelay $0x2  }
0xb9: {  	s31 =	sshll.u32 s1, $0xD;
	s1 =	sshrl.u32 s1, $0x2  }
0xba: {  	s3 =	sand.u32 $0x4000, s31;
	s1 =	sadd.s32 s1, s30  }
0xbb: {  	s0 =	sor.u32 s3, s0;
	s1 =	sshll.u32 s1, $0x11  }
0xbc: {  	s0 =	sor.u32 s1, s0  }
0xbd: {  	s0 =	sadd.s32 $0x8F2B, s0  }
0xbe: {  	[sflag:s0] =	ssyncadd.remote.s32 $0x1  }
0xbf: {  	_ =	sfence.sel $0xFFFF  }
0xc0: {  	[dreg:$0x0] =	wrdreg $0xFFFFFFFF;
	(pc) =	sbr.abs _section_cstart, $3  }
0xc1: {  	[dreg:$0x1] =	wrdreg $0xFFFFFFFF  }
0xc2: {  	_ =	task.clear_ibuf [dreg:s7], $0x2FFFF;
	_ =	strace $0x9FFFFFFF  }
0xc3: {  	(tm) =	ssettm $0x7FFFFFFF  }
tec
execute0_lowered:
.L_overlay_start_1:
0x0: {  	(tag) =	ssettag $0x1  }
0x1: {  	s0 =	rddreg [dreg:$0x0]  }
0x2: {  	s2 =	rddreg [dreg:$0x1]  }
0x3: {  	s1 =	rddreg [dreg:$0x2]  }
0x4: {  	s3 =	srdreg.scid;
	s11 =	stileid.u32;
	s28 =	simm.s32 $0x4300  }
0x5: {  	s29 =	simm.s32 $0x5;
	s30 =	simm.s32 $0x180;
	s10 =	smul.u32 $0x4F000, s11  }
0x6: {  	s31 =	simm.s32 $0x7;
	s5 =	sand.u32 $0x1, s3;
	s20 =	smul.u32 $0x5100, s11  }
0x7: {  	s3 =	simm.s32 $0x0;
	s7 =	sadd.s32 $0x2AA00, s0;
	s24 =	smul.u32 $0x2780, s11  }
0x8: {  	s26 =	sshll.u32 s11, $0x6;
	s4 =	sshll.u32 s5, $0x4;
	s15 =	smul.u32 $0x28000, s5  }
0x9: {  	[smem:$0x7FF] =	sst s3;
	s8 =	ssub.s32 $0x2, s5;
	s5 =	smul.u32 $0x51000, s5  }
0xa: {  	s6 =	sor.u32 s11, s4;
	_ =	strace $0x8000004D;
	s4 =	sadd.s32 $0x2A00, s0  }
0xb: {  	[dreg:$0x4] =	wrdreg s7;
	s9 =	sshrl.u32 s8, $0x1;
	s18 =	sshrl.u32 s10, $0x2  }
0xc: {  	s10 =	simm.s32 $0x0;
	s6 =	smul.u32 $0x5100, s6;
	s0 =	sadd.s32 s15, s0  }
0xd: {  	s16 =	ssub.s32 s8, s9;
	s8 =	sadd.s32 s18, s1;
	s5 =	sadd.s32 s20, s5  }
0xe: {  	s18 =	simm.s32 $0x80;
	s20 =	sor.u32 $0x1C0A, s26;
	s26 =	simm.s32 $0x2  }
0xf: {  	s0 =	sadd.s32 $0x2D200, s0;
	s7 =	smax.u32 s16, $0x1;
	s25 =	sadd.s32 $0x700, s5  }
0x10: {  	s9 =	sadd.s32 $0x600, s5;
	s5 =	sadd.s32 $0x500, s5;
	s16 =	simm.s32 $0x100  }
0x11: {  	s6 =	sshrl.u32 s6, $0x3;
	[dreg:$0xa] =	wrdreg s7;
	s7 =	sshrl.u32 s25, $0x3  }
0x12: {  	s9 =	sshrl.u32 s9, $0x3;
	s5 =	sshrl.u32 s5, $0x3;
	s0 =	sadd.s32 s24, s0  }
0x13: {  	s25 =	simm.s32 $0x200;
	s6 =	sadd.s32 s2, s6;
	s13 =	sadd.s32 s7, s2  }
0x14: {  	s14 =	sadd.s32 s9, s2;
	[dreg:$0xb] =	wrdreg s0;
	s17 =	sadd.s32 $0x20, s6  }
0x15: {  	s15 =	sadd.s32 s5, s2;
	s19 =	sadd.s32 $0x40, s6;
	[dreg:$0x5] =	wrdreg s17  }
0x16: {  	s0 =	simm.s32 $0x3;
	s21 =	sadd.s32 $0x60, s6;
	[dreg:$0x6] =	wrdreg s19  }
0x17: {  	s2 =	simm.s32 $0x8300;
	s22 =	sadd.s32 $0x80, s6;
	[dreg:$0x7] =	wrdreg s21  }
0x18: {  	s5 =	simm.s32 $0x6;
	s23 =	sadd.s32 $0xA00, s6;
	[dreg:$0x8] =	wrdreg s22  }
0x19: {  	s7 =	simm.s32 $0x280;
	s9 =	simm.s32 $0x9;
	[dreg:$0x9] =	wrdreg s23  }
0x1a: {  	s17 =	simm.s32 $0x1;
	s19 =	simm.s32 $0x300;
	s21 =	sshrl.u32 s8, $0x3  }
0x1b: {  	s22 =	simm.s32 $0xA;
	s23 =	simm.s32 $0x4;
	s8 =	simm.s32 $0x8  }
.LBB2_1:
0x1c: {  	[tilespmem:s3], [sflag:$0x1] =	stream.linear.gather [hbm4b:s6+s3], $0x100, $0x38;
	[tilespmem:$0x1FF00] =	vst v63  }
0x1d: {  	s11 =	rddreg [dreg:$0x5]  }
0x1e: {  	[tilespmem:s16], [sflag:$0x2] =	stream.linear.gather [hbm4b:s11+s3], $0x100, $0x38;
	[tilespmem:$0x1FF00] =	vst v63  }
0x1f: {  	_ =	swait.ge [sflag:s17], $0x100  }
0x20: {  	[sflag:s17] =	ssyncset.done $0x0  }
0x21: {  	s24 =	rddreg [dreg:$0x4];
	[sflag:s17] =	ssyncadd.s32 $0xFFFFFF00  }
0x22: {  	[tilespmem:s19], [sflag:$0x4] =	stream.indirect.gather [hbm4b:s4+s18], $0x80, s3, s18, $0xb8;
	[tilespmem:$0x1FF00] =	vst v63  }
0x23: {  	[spmem:s21], [sflag:s20] =	dma.local [hbm:s24], $0x2780  }
0x24: {  	_ =	swait.ge [sflag:s22], $0x2780  }
0x25: {  	[sflag:s22] =	ssyncset.done $0x0  }
0x26: {  	[sflag:s22] =	ssyncadd.s32 $0xFFFFD880  }
0x27: {  	[bflag:$0x0] =	sbarrier.arrive $0xFFFF  }
0x28: {  	_ =	swait.ge [sflag:s23], $0x4000  }
0x29: {  	[sflag:s23] =	ssyncset.done $0x0  }
0x2a: {  	[sflag:s23] =	ssyncadd.s32 $0xFFFFC000  }
0x2b: {  	[spmem:s1] =	stream.indirect.scatter.add.f32 [tilespmem:s19], [sflag:$0x7], $0x80, s18, s18, $0xb8;
	[tilespmem:$0x1FF00] =	vst v63  }
0x2c: {  	s12 =	rddreg [dreg:$0x6]  }
0x2d: {  	[tilespmem:s25], [sflag:$0x3] =	stream.linear.gather [hbm4b:s12+s3], $0x100, $0x38;
	[tilespmem:$0x1FF00] =	vst v63  }
0x2e: {  	_ =	swait.ge [sflag:s26], $0x100  }
0x2f: {  	[sflag:s26] =	ssyncset.done $0x0  }
0x30: {  	[sflag:s26] =	ssyncadd.s32 $0xFFFFFF00  }
0x31: {  	[tilespmem:s28], [sflag:$0x5] =	stream.indirect.gather [hbm4b:s4+s18], $0x80, s16, s18, $0xb8;
	[tilespmem:$0x1FF00] =	vst v63  }
0x32: {  	_ =	swait.ge [sflag:s29], $0x4000  }
0x33: {  	[sflag:s29] =	ssyncset.done $0x0  }
0x34: {  	[sflag:s29] =	ssyncadd.s32 $0xFFFFC000  }
0x35: {  	[spmem:s1] =	stream.indirect.scatter.add.f32 [tilespmem:s28], [sflag:$0x8], $0x80, s30, s18, $0xb8;
	[tilespmem:$0x1FF00] =	vst v63  }
0x36: {  	_ =	swait.ge [sflag:s31], $0x4000  }
0x37: {  	[sflag:s31] =	ssyncset.done $0x0  }
0x38: {  	s24 =	rddreg [dreg:$0x7];
	[sflag:s31] =	ssyncadd.s32 $0xFFFFC000  }
0x39: {  	[tilespmem:s3], [sflag:$0x1] =	stream.linear.gather [hbm4b:s24+s3], $0x100, $0x38;
	[tilespmem:$0x1FF00] =	vst v63  }
0x3a: {  	_ =	swait.ge [sflag:s0], $0x100  }
0x3b: {  	[sflag:s0] =	ssyncset.done $0x0  }
0x3c: {  	[sflag:s0] =	ssyncadd.s32 $0xFFFFFF00  }
0x3d: {  	[tilespmem:s2], [sflag:$0x6] =	stream.indirect.gather [hbm4b:s4+s18], $0x80, s25, s18, $0xb8;
	[tilespmem:$0x1FF00] =	vst v63  }
0x3e: {  	_ =	swait.ge [sflag:s5], $0x4000  }
0x3f: {  	[sflag:s5] =	ssyncset.done $0x0  }
0x40: {  	[sflag:s5] =	ssyncadd.s32 $0xFFFFC000  }
0x41: {  	[spmem:s1] =	stream.indirect.scatter.add.f32 [tilespmem:s2], [sflag:$0x9], $0x80, s7, s18, $0xb8;
	[tilespmem:$0x1FF00] =	vst v63  }
0x42: {  	_ =	swait.ge [sflag:s8], $0x4000  }
0x43: {  	[sflag:s8] =	ssyncset.done $0x0  }
0x44: {  	s12 =	rddreg [dreg:$0x8];
	[sflag:s8] =	ssyncadd.s32 $0xFFFFC000  }
0x45: {  	[tilespmem:s16], [sflag:$0x2] =	stream.linear.gather [hbm4b:s12+s3], $0x100, $0x38;
	[tilespmem:$0x1FF00] =	vst v63  }
0x46: {  	_ =	swait.ge [sflag:s17], $0x100  }
0x47: {  	[sflag:s17] =	ssyncset.done $0x0  }
0x48: {  	[sflag:s17] =	ssyncadd.s32 $0xFFFFFF00  }
0x49: {  	[tilespmem:s19], [sflag:$0x4] =	stream.indirect.gather [hbm4b:s4+s18], $0x80, s3, s18, $0xb8;
	[tilespmem:$0x1FF00] =	vst v63  }
0x4a: {  	_ =	swait.ge [sflag:s23], $0x4000  }
0x4b: {  	[sflag:s23] =	ssyncset.done $0x0  }
0x4c: {  	[sflag:s23] =	ssyncadd.s32 $0xFFFFC000  }
0x4d: {  	[spmem:s1] =	stream.indirect.scatter.add.f32 [tilespmem:s19], [sflag:$0x7], $0x80, s18, s18, $0xb8;
	[tilespmem:$0x1FF00] =	vst v63  }
0x4e: {  	_ =	swait.ge [sflag:s9], $0x4000  }
0x4f: {  	[sflag:s9] =	ssyncset.done $0x0  }
0x50: {  	s24 =	sadd.s32 $0x0, s15;
	[sflag:s9] =	ssyncadd.s32 $0xFFFFC000  }
0x51: {  	[tilespmem:s25], [sflag:$0x3] =	stream.linear.gather [hbm4b:s24+s3], $0x100, $0x38;
	[tilespmem:$0x1FF00] =	vst v63  }
0x52: {  	_ =	swait.ge [sflag:s26], $0x100  }
0x53: {  	[sflag:s26] =	ssyncset.done $0x0  }
0x54: {  	[sflag:s26] =	ssyncadd.s32 $0xFFFFFF00  }
0x55: {  	[tilespmem:s28], [sflag:$0x5] =	stream.indirect.gather [hbm4b:s4+s18], $0x80, s16, s18, $0xb8;
	[tilespmem:$0x1FF00] =	vst v63  }
0x56: {  	_ =	swait.ge [sflag:s29], $0x4000  }
0x57: {  	[sflag:s29] =	ssyncset.done $0x0  }
0x58: {  	[sflag:s29] =	ssyncadd.s32 $0xFFFFC000  }
0x59: {  	[spmem:s1] =	stream.indirect.scatter.add.f32 [tilespmem:s28], [sflag:$0x8], $0x80, s30, s18, $0xb8;
	[tilespmem:$0x1FF00] =	vst v63  }
0x5a: {  	_ =	swait.ge [sflag:s31], $0x4000  }
0x5b: {  	[sflag:s31] =	ssyncset.done $0x0  }
0x5c: {  	s12 =	sadd.s32 $0x0, s14;
	[sflag:s31] =	ssyncadd.s32 $0xFFFFC000  }
0x5d: {  	[tilespmem:s3], [sflag:$0x1] =	stream.linear.gather [hbm4b:s12+s3], $0x100, $0x38;
	[tilespmem:$0x1FF00] =	vst v63  }
0x5e: {  	_ =	swait.ge [sflag:s0], $0x100  }
0x5f: {  	[sflag:s0] =	ssyncset.done $0x0  }
0x60: {  	[sflag:s0] =	ssyncadd.s32 $0xFFFFFF00  }
0x61: {  	[tilespmem:s2], [sflag:$0x6] =	stream.indirect.gather [hbm4b:s4+s18], $0x80, s25, s18, $0xb8;
	[tilespmem:$0x1FF00] =	vst v63  }
0x62: {  	_ =	swait.ge [sflag:s5], $0x4000  }
0x63: {  	[sflag:s5] =	ssyncset.done $0x0  }
0x64: {  	[sflag:s5] =	ssyncadd.s32 $0xFFFFC000  }
0x65: {  	[spmem:s1] =	stream.indirect.scatter.add.f32 [tilespmem:s2], [sflag:$0x9], $0x80, s7, s18, $0xb8;
	[tilespmem:$0x1FF00] =	vst v63  }
0x66: {  	_ =	swait.ge [sflag:s8], $0x4000  }
0x67: {  	[sflag:s8] =	ssyncset.done $0x0  }
0x68: {  	s24 =	sadd.s32 $0x0, s13;
	[sflag:s8] =	ssyncadd.s32 $0xFFFFC000  }
0x69: {  	[tilespmem:s16], [sflag:$0x2] =	stream.linear.gather [hbm4b:s24+s3], $0x100, $0x38;
	[tilespmem:$0x1FF00] =	vst v63  }
0x6a: {  	_ =	swait.ge [sflag:s17], $0x100  }
0x6b: {  	[sflag:s17] =	ssyncset.done $0x0  }
0x6c: {  	s11 =	simm.s32 $0x60;
	[sflag:s17] =	ssyncadd.s32 $0xFFFFFF00  }
.LBB2_2:
0x6d: {  	[tilespmem:s19], [sflag:$0x4] =	stream.indirect.gather [hbm4b:s4+s18], $0x80, s3, s18, $0xb8;
	[tilespmem:$0x1FF00] =	vst v63  }
0x6e: {  	s12 =	smov.u32 s11  }
0x6f: {  	p0 =	sne.s32 s11, $0x900;
	s11 =	sadd.s32 $0x60, s11;
	_ =	swait.ge [sflag:s23], $0x4000  }
0x70: {  	[sflag:s23] =	ssyncset.done $0x0  }
0x71: {  	[sflag:s23] =	ssyncadd.s32 $0xFFFFC000  }
0x72: {  	[spmem:s1] =	stream.indirect.scatter.add.f32 [tilespmem:s19], [sflag:$0x7], $0x80, s18, s18, $0xb8;
	[tilespmem:$0x1FF00] =	vst v63  }
0x73: {  	_ =	swait.ge [sflag:s9], $0x4000  }
0x74: {  	[sflag:s9] =	ssyncset.done $0x0  }
0x75: {  	s24 =	sadd.s32 s12, s15;
	[sflag:s9] =	ssyncadd.s32 $0xFFFFC000  }
0x76: {  	[tilespmem:s25], [sflag:$0x3] =	stream.linear.gather [hbm4b:s24+s3], $0x100, $0x38;
	[tilespmem:$0x1FF00] =	vst v63  }
0x77: {  	_ =	swait.ge [sflag:s26], $0x100  }
0x78: {  	[sflag:s26] =	ssyncset.done $0x0  }
0x79: {  	[sflag:s26] =	ssyncadd.s32 $0xFFFFFF00  }
0x7a: {  	[tilespmem:s28], [sflag:$0x5] =	stream.indirect.gather [hbm4b:s4+s18], $0x80, s16, s18, $0xb8;
	[tilespmem:$0x1FF00] =	vst v63  }
0x7b: {  	_ =	swait.ge [sflag:s29], $0x4000  }
0x7c: {  	[sflag:s29] =	ssyncset.done $0x0  }
0x7d: {  	[sflag:s29] =	ssyncadd.s32 $0xFFFFC000  }
0x7e: {  	[spmem:s1] =	stream.indirect.scatter.add.f32 [tilespmem:s28], [sflag:$0x8], $0x80, s30, s18, $0xb8;
	[tilespmem:$0x1FF00] =	vst v63  }
0x7f: {  	_ =	swait.ge [sflag:s31], $0x4000  }
0x80: {  	[sflag:s31] =	ssyncset.done $0x0  }
0x81: {  	s24 =	sadd.s32 s12, s14;
	[sflag:s31] =	ssyncadd.s32 $0xFFFFC000  }
0x82: {  	[tilespmem:s3], [sflag:$0x1] =	stream.linear.gather [hbm4b:s24+s3], $0x100, $0x38;
	[tilespmem:$0x1FF00] =	vst v63  }
0x83: {  	_ =	swait.ge [sflag:s0], $0x100  }
0x84: {  	[sflag:s0] =	ssyncset.done $0x0  }
0x85: {  	[sflag:s0] =	ssyncadd.s32 $0xFFFFFF00  }
0x86: {  	[tilespmem:s2], [sflag:$0x6] =	stream.indirect.gather [hbm4b:s4+s18], $0x80, s25, s18, $0xb8;
	[tilespmem:$0x1FF00] =	vst v63  }
0x87: {  	_ =	swait.ge [sflag:s5], $0x4000  }
0x88: {  	[sflag:s5] =	ssyncset.done $0x0  }
0x89: {  	[sflag:s5] =	ssyncadd.s32 $0xFFFFC000  }
0x8a: {  	[spmem:s1] =	stream.indirect.scatter.add.f32 [tilespmem:s2], [sflag:$0x9], $0x80, s7, s18, $0xb8;
	[tilespmem:$0x1FF00] =	vst v63  }
0x8b: {  	_ =	swait.ge [sflag:s8], $0x4000  }
0x8c: {  	[sflag:s8] =	ssyncset.done $0x0  }
.Ltmp0:
0x8d: {  	s12 =	sadd.s32 s12, s13;
	[sflag:s8] =	ssyncadd.s32 $0xFFFFC000;
	(pc) =	sbr.rel @p0 .LBB2_2-.Ltmp0, $4  }
0x8e: {  	[tilespmem:s16], [sflag:$0x2] =	stream.linear.gather [hbm4b:s12+s3], $0x100, $0x38;
	[tilespmem:$0x1FF00] =	vst v63  }
0x8f: {  	_ =	swait.ge [sflag:s17], $0x100  }
0x90: {  	[sflag:s17] =	ssyncset.done $0x0  }
0x91: {  	[sflag:s17] =	ssyncadd.s32 $0xFFFFFF00  }
0x92: {  	[tilespmem:s19], [sflag:$0x4] =	stream.indirect.gather [hbm4b:s4+s18], $0x80, s3, s18, $0xb8;
	[tilespmem:$0x1FF00] =	vst v63  }
0x93: {  	_ =	swait.ge [sflag:s23], $0x4000  }
0x94: {  	[sflag:s23] =	ssyncset.done $0x0  }
0x95: {  	[sflag:s23] =	ssyncadd.s32 $0xFFFFC000  }
0x96: {  	[spmem:s1] =	stream.indirect.scatter.add.f32 [tilespmem:s19], [sflag:$0x7], $0x80, s18, s18, $0xb8;
	[tilespmem:$0x1FF00] =	vst v63  }
0x97: {  	_ =	swait.ge [sflag:s9], $0x4000  }
0x98: {  	[sflag:s9] =	ssyncset.done $0x0  }
0x99: {  	s11 =	rddreg [dreg:$0x9];
	[sflag:s9] =	ssyncadd.s32 $0xFFFFC000  }
0x9a: {  	[tilespmem:s25], [sflag:$0x3] =	stream.linear.gather [hbm4b:s11+s3], $0x100, $0x38;
	[tilespmem:$0x1FF00] =	vst v63  }
0x9b: {  	_ =	swait.ge [sflag:s26], $0x100  }
0x9c: {  	[sflag:s26] =	ssyncset.done $0x0  }
0x9d: {  	[sflag:s26] =	ssyncadd.s32 $0xFFFFFF00  }
0x9e: {  	[tilespmem:s28], [sflag:$0x5] =	stream.indirect.gather [hbm4b:s4+s18], $0x80, s16, s18, $0xb8;
	[tilespmem:$0x1FF00] =	vst v63  }
0x9f: {  	_ =	swait.ge [sflag:s29], $0x4000  }
0xa0: {  	[sflag:s29] =	ssyncset.done $0x0  }
0xa1: {  	[sflag:s29] =	ssyncadd.s32 $0xFFFFC000  }
0xa2: {  	[spmem:s1] =	stream.indirect.scatter.add.f32 [tilespmem:s28], [sflag:$0x8], $0x80, s30, s18, $0xb8;
	[tilespmem:$0x1FF00] =	vst v63  }
0xa3: {  	_ =	swait.ge [sflag:s31], $0x4000  }
0xa4: {  	[sflag:s31] =	ssyncset.done $0x0  }
0xa5: {  	[sflag:s31] =	ssyncadd.s32 $0xFFFFC000  }
0xa6: {  	_ =	swait.ge [sflag:s0], $0x100  }
0xa7: {  	[sflag:s0] =	ssyncset.done $0x0  }
0xa8: {  	[sflag:s0] =	ssyncadd.s32 $0xFFFFFF00  }
0xa9: {  	[tilespmem:s2], [sflag:$0x6] =	stream.indirect.gather [hbm4b:s4+s18], $0x80, s25, s18, $0xb8;
	[tilespmem:$0x1FF00] =	vst v63  }
0xaa: {  	_ =	swait.ge [sflag:s5], $0x4000  }
0xab: {  	[sflag:s5] =	ssyncset.done $0x0  }
0xac: {  	[sflag:s5] =	ssyncadd.s32 $0xFFFFC000  }
0xad: {  	[spmem:s1] =	stream.indirect.scatter.add.f32 [tilespmem:s2], [sflag:$0x9], $0x80, s7, s18, $0xb8;
	[tilespmem:$0x1FF00] =	vst v63  }
0xae: {  	_ =	swait.ge [sflag:s8], $0x4000  }
0xaf: {  	[sflag:s8] =	ssyncset.done $0x0  }
0xb0: {  	[sflag:s8] =	ssyncadd.s32 $0xFFFFC000  }
0xb1: {  	_ =	swait.ge [sflag:s9], $0x4000  }
0xb2: {  	[sflag:s9] =	ssyncset.done $0x0  }
0xb3: {  	[sflag:s9] =	ssyncadd.s32 $0xFFFFC000  }
0xb4: {  	[bflag:$0x0] =	sbarrier.arrive $0xFFFF  }
0xb5: {  	s12 =	rddreg [dreg:$0xb]  }
0xb6: {  	[hbm:s12], [sflag:s20] =	dma.local [spmem:s21], $0x2780  }
0xb7: {  	_ =	swait.ge [sflag:s22], $0x2780  }
0xb8: {  	s10 =	sadd.s32 $0x1, s10;
	s24 =	rddreg [dreg:$0xa]  }
0xb9: {  	p0 =	sne.s32 s10, s24  }
.Ltmp1:
0xba: {  	_ = 	snop;
	(pc) =	sbr.rel @p0 .LBB2_1-.Ltmp1, $3  }
0xbb: {  	_ =	sdelay $0x1  }
0xbc: {  	[sflag:s22] =	ssyncset.done $0x0  }
0xbd: {  	[sflag:s22] =	ssyncadd.s32 $0xFFFFD880  }
0xbe: {  	_ =	sfence.sel $0x180000  }
0xbf: {  	[bflag:$0x0] =	sbarrier.arrive $0xFFFF  }
0xc0: {  	_ =	strace $0x9000004D  }
0xc1: {  	s0 =	stileid.u32;
	[bflag:$0x2] =	sbarrier.arrive $0xFFFF  }
0xc2: {  	p0 =	sne.s32 s0, $0x0;
	s0 =	rddreg [dreg:$0x3]  }
0xc3: {  	s0 =	sadd.s32 @!p0 $0x100000, s0  }
0xc4: {  	[sflag:s0] =	ssyncadd.tile.s32 @!p0 $0x1;
	_ =	shalt  }
.Lfunc_end2:
_tile_overlayer_lowered:
.L_overlay_start_2:
0xc5: {  	(tag) =	ssettag $0x2  }
0xc6: {  	s0 =	rddreg [dreg:$0x0];
	s2 =	stileid.u32  }
0xc7: {  	s1 =	rddreg [dreg:$0x1];
	p0 =	sne.s32 s2, $0x0  }
0xc8: {  	s3 =	rddreg [dreg:$0x2];
	[bflag:$0x3] =	sbarrier.arrive $0xFFFF;
	s2 =	simm.s32 @!p0 $0x1C0A  }
0xc9: {  	[timem:s3], [sflag:s2] =	dma.local @!p0 [hbm:s0], s1  }
0xca: {  	s0 =	simm.s32 @!p0 $0xA  }
0xcb: {  	_ =	swait.ge @!p0 [sflag:s0], s1  }
0xcc: {  	s1 =	ssub.s32 @!p0 $0x0, s1;
	[sflag:s0] =	ssyncset.done @!p0 $0x0  }
0xcd: {  	[sflag:s0] =	ssyncadd.s32 @!p0 s1  }
0xce: {  	[bflag:$0x3] =	sbarrier.arrive $0xFFFF  }
0xcf: {  	_ =	shalt  }

// kernel: kernel.9.cloned.1.call-start
scs
__scs_entry_jumppad:
0x0: {  	(pc) =	sbr.rel $0x88, $3  }
0x1: {  	(tag) =	ssettag $0x0;
	lr =	simm.s32 $0x1  }
0x2: {  	[smem:$0x3F9B] =	sst lr;
	_ =	strace $0xD0000000  }
0x3: {  	_ = 	snop  }
0x4: {  	_ = 	snop  }
0x5: {  	_ = 	snop  }
0x6: {  	_ = 	snop  }
0x7: {  	_ = 	snop  }
__scs_overlays_trampoline_lowered:
0x8: {  	[smem:$0x3FAA] =	sst s0  }
0x9: {  	[smem:$0x3FAB] =	sst s1  }
0xa: {  	[smem:$0x3FAC] =	sst s2  }
0xb: {  	[smem:$0x3FAD] =	sst s3  }
0xc: {  	[smem:$0x3FAE] =	sst s4  }
0xd: {  	[smem:$0x3FAF] =	sst s5  }
0xe: {  	[smem:$0x3FB0] =	sst s6  }
0xf: {  	[smem:$0x3FB1] =	sst s7  }
0x10: {  	[smem:$0x3FB2] =	sst s8  }
0x11: {  	[smem:$0x3FB3] =	sst s9;
	s0 =	simm.s32 @!p0 $0x0  }
0x12: {  	s1 =	sld [smem:$0x3F99];
	s0 =	simm.s32 @p0 $0x1  }
0x13: {  	[smem:$0x3FB4] =	sst s0;
	s0 =	simm.s32 @!p1 $0x0  }
0x14: {  	s2 =	sld [smem:$0x3F98];
	s0 =	simm.s32 @p1 $0x1  }
0x15: {  	[smem:$0x3FB5] =	sst s0;
	s0 =	simm.s32 @!p2 $0x0  }
0x16: {  	s3 =	sld [smem:$0x3FDB];
	s0 =	simm.s32 @p2 $0x1  }
0x17: {  	s4 =	simm.s32 $0x1BF5;
	[smem:$0x3FB7] =	sst s0  }
0x18: {  	s0 =	sld [smem:$0x3F9A];
	_ =	swait.ge [sflag:s4], $0x0  }
0x19: {  	s7 =	sld [smem:$0x3F9B]  }
0x1a: {  	s8 =	sadd.s32 $0xFFFFE003, lr  }
0x1b: {  	s9 =	sadd.s32 $0xFFFFFEF7, lr;
	s5 =	simm.s32 $0xFFFFFFFF;
	p2 =	slt.u32 s8, $0xFFFFF086  }
0x1c: {  	p1 =	slt.u32 s9, $0xF7A;
	s5 =	simm.s32 @!p2 $0x0  }
0x1d: {  	s5 =	simm.s32 @p1 $0x1;
	p0 =	seq.s32 s7, s2  }
0x1e: {  	s7 =	smul.u32 @!p0 $0xF7A, s2;
	p2 =	seq.s32 @!p0 s5, $0x0  }
0x1f: {  	s9 =	smul.u32 $0xF7A, s1;
	s8 =	simm.s32 @!p0 $0x1BF5;
	p2 =	por !p2, p0  }
0x20: {  	[sflag:s8] =	ssyncset.s32 @!p0 $0xFFFFF086;
	s6 =	sadd.s32 @!p0 s3, s7;
	s7 =	simm.s32 @!p0 $0x108  }
0x21: {  	s3 =	sadd.s32 s3, s9;
	s6 =	sadd.s32 @!p0 $0x88, s6;
	s7 =	simm.s32 @p2 $0x1082  }
0x22: {  	[simem:s7], [sflag:s8] =	dma.local @!p0 [hbm:s6], $0xF7A  }
0x23: {  	s9 =	sor.u32 $0xD0000000, s2;
	s6 =	simm.s32 $0x108;
	_ =	swait.ge @!p0 [sflag:s8], $0x0  }
0x24: {  	s3 =	sadd.s32 $0x88, s3;
	s6 =	simm.s32 @!p1 $0x1082;
	[sflag:s4] =	ssyncset.s32 $0xFFFFF086  }
0x25: {  	[simem:s6], [sflag:s4] =	dma.local [hbm:s3], $0xF7A  }
0x26: {  	[smem:$0x3F9B] =	sst s1;
	(tag) =	ssettag s2;
	_ =	strace s9  }
0x27: {  	s1 =	sld [smem:$0x3FAB]  }
0x28: {  	s2 =	sld [smem:$0x3FAC]  }
0x29: {  	s4 =	sld [smem:$0x3FAE]  }
0x2a: {  	p0 =	seq.s32 s5, $0x0;
	s5 =	sld [smem:$0x3FAF]  }
0x2b: {  	s6 =	sld [smem:$0x3FB0]  }
0x2c: {  	s7 =	sld [smem:$0x3FB1]  }
0x2d: {  	s3 =	simm.s32 $0x108;
	s8 =	sld [smem:$0x3FB2]  }
0x2e: {  	s3 =	simm.s32 @!p0 $0x1082;
	s9 =	sld [smem:$0x3FB3]  }
0x2f: {  	lr =	sadd.s32 s0, s3;
	s0 =	sld [smem:$0x3FAA]  }
0x30: {  	s3 =	sld [smem:$0x3FAD]  }
0x31: {  	[smem:$0x3FB6] =	sst s10  }
0x32: {  	s10 =	sld [smem:$0x3FB4];
	_ =	sdelay $0x3  }
0x33: {  	p0 =	seq.s32 s10, $0x1;
	s10 =	sld [smem:$0x3FB6];
	_ =	sdelay $0x3  }
0x34: {  	[smem:$0x3FB6] =	sst s10  }
0x35: {  	s10 =	sld [smem:$0x3FB5];
	_ =	sdelay $0x3  }
0x36: {  	p1 =	seq.s32 s10, $0x1;
	s10 =	sld [smem:$0x3FB6];
	_ =	sdelay $0x3  }
0x37: {  	[smem:$0x3FB6] =	sst s10  }
0x38: {  	s10 =	sld [smem:$0x3FB7]  }
0x39: {  	_ = 	snop;
	(pc) =	sbr.ind lr, $3  }
0x3a: {  	_ = 	snop  }
0x3b: {  	_ = 	snop  }
0x3c: {  	p2 =	seq.s32 s10, $0x1;
	s10 =	sld [smem:$0x3FB6]  }
0x3d: {  	_ =	shalt  }
0x3e: {  	_ =	shalt  }
0x3f: {  	_ =	shalt  }
0x40: {  	_ =	shalt  }
0x41: {  	_ =	shalt  }
0x42: {  	_ =	shalt  }
0x43: {  	_ =	shalt  }
0x44: {  	_ =	shalt  }
0x45: {  	_ =	shalt  }
0x46: {  	_ =	shalt  }
0x47: {  	_ =	shalt  }
0x48: {  	_ =	shalt  }
0x49: {  	_ =	shalt  }
0x4a: {  	_ =	shalt  }
0x4b: {  	_ =	shalt  }
0x4c: {  	_ =	shalt  }
0x4d: {  	_ =	shalt  }
0x4e: {  	_ =	shalt  }
0x4f: {  	_ =	shalt  }
0x50: {  	_ =	shalt  }
0x51: {  	_ =	shalt  }
0x52: {  	_ =	shalt  }
0x53: {  	_ =	shalt  }
0x54: {  	_ =	shalt  }
0x55: {  	_ =	shalt  }
0x56: {  	_ =	shalt  }
0x57: {  	_ =	shalt  }
0x58: {  	_ =	shalt  }
0x59: {  	_ =	shalt  }
0x5a: {  	_ =	shalt  }
0x5b: {  	_ =	shalt  }
0x5c: {  	_ =	shalt  }
0x5d: {  	_ =	shalt  }
0x5e: {  	_ =	shalt  }
0x5f: {  	_ =	shalt  }
0x60: {  	_ =	shalt  }
0x61: {  	_ =	shalt  }
0x62: {  	_ =	shalt  }
0x63: {  	_ =	shalt  }
0x64: {  	_ =	shalt  }
0x65: {  	_ =	shalt  }
0x66: {  	_ =	shalt  }
0x67: {  	_ =	shalt  }
0x68: {  	_ =	shalt  }
0x69: {  	_ =	shalt  }
0x6a: {  	_ =	shalt  }
0x6b: {  	_ =	shalt  }
0x6c: {  	_ =	shalt  }
0x6d: {  	_ =	shalt  }
0x6e: {  	_ =	shalt  }
0x6f: {  	_ =	shalt  }
0x70: {  	_ =	shalt  }
0x71: {  	_ =	shalt  }
0x72: {  	_ =	shalt  }
0x73: {  	_ =	shalt  }
0x74: {  	_ =	shalt  }
0x75: {  	_ =	shalt  }
0x76: {  	_ =	shalt  }
0x77: {  	_ =	shalt  }
0x78: {  	_ =	shalt  }
0x79: {  	_ =	shalt  }
0x7a: {  	_ =	shalt  }
0x7b: {  	_ =	shalt  }
0x7c: {  	_ =	shalt  }
0x7d: {  	_ =	shalt  }
0x7e: {  	_ =	shalt  }
0x7f: {  	_ =	shalt  }
0x80: {  	_ =	shalt  }
0x81: {  	_ =	shalt  }
0x82: {  	_ =	shalt  }
0x83: {  	_ =	shalt  }
0x84: {  	_ =	shalt  }
0x85: {  	_ =	shalt  }
0x86: {  	_ =	shalt  }
0x87: {  	_ =	shalt  }
.Lfunc_end0:
.L_simem_size_0:
called_computation_lowered:
.L_overlay_start_0:
0x88: {  	s2 =	sld [smem:$0x3FD9]  }
0x89: {  	s3 =	sld [smem:$0x3FFE];
	_ =	sdelay $0x1  }
0x8a: {  	s1 =	srdreg.scid  }
0x8b: {  	s0 =	sand.u32 $0x1, s1  }
0x8c: {  	s16 =	sshll.u32 s0, $0xA;
	s2 =	sadd.s32 s3, s2  }
0x8d: {  	s2 =	sadd.s32 s2, s16  }
0x8e: {  	[smem:$0x3FC2] =	sst s2  }
0x8f: {  	_ = 	snop  }
0x90: {  	(tm) =	ssettm $0x1  }
0x91: {  	s17 =	sld [smem:$0x3FFB];
	_ =	sdelay $0x3  }
0x92: {  	_ =	strace s17  }
0x93: {  	s2 =	sld [smem:$0x3FFC];
	_ =	sdelay $0x3  }
0x94: {  	_ =	strace s2  }
0x95: {  	s2 =	sld [smem:$0x3FFD];
	_ =	sdelay $0x3  }
0x96: {  	_ =	strace s2  }
0x97: {  	_ =	strace $0x8FFFFFFF  }
0x98: {  	s18 =	sld [smem:$0x3FDB];
	_ =	sdelay $0x1  }
0x99: {  	s19 =	simm.s32 $_scs_section_size  }
0x9a: {  	s4 =	simm.s32 $_size__tile_overlayer_lowered;
	s5 =	simm.s32 $_tile_overlayer_lowered  }
0x9b: {  	s22 =	simm.s32 $0x1BFF;
	s21 =	sshll.u32 s5, $0x1;
	s2 =	sadd.s32 s19, s18  }
0x9c: {  	s6 =	simm.s32 $0x0;
	s20 =	sshll.u32 s4, $0x1;
	s4 =	sadd.s32 s21, s2  }
0x9d: {  	[timem:s6], [sflag:s22] =	dma.local [hbm:s4], s20  }
0x9e: {  	_ =	swait.ge [sflag:s22], s20  }
0x9f: {  	s3 =	ssub.s32 $0x0, s20;
	[sflag:s22] =	ssyncset.done $0x0  }
0xa0: {  	[sflag:s22] =	ssyncadd.s32 s3;
	_ =	sdelay $0x1  }
0xa1: {  	s23 =	simm.s32 $0x1B8B  }
0xa2: {  	_ =	swait.ge [sflag:s23], $0x1  }
0xa3: {  	[sflag:s23] =	ssyncset.done $0x0  }
0xa4: {  	s25 =	simm.s32 $0x1B8E;
	s24 =	sld [smem:$0x3FFE];
	[sflag:s23] =	ssyncadd.s32 $0xFFFFFFFF  }
0xa5: {  	s26 =	simm.s32 $execute0_lowered;
	[smem:$0x3FD2] =	sst s25  }
0xa6: {  	s4 =	sshll.u32 s26, $0x1;
	_ =	strace $0x80000046;
	[dreg:$0x1] =	wrdreg $0xFFFFFFFF  }
0xa7: {  	s28 =	simm.s32 $_size_execute0_lowered;
	s2 =	sadd.s32 s2, s4;
	[dreg:$0x0] =	wrdreg $0x0  }
0xa8: {  	s4 =	sshll.u32 s28, $0x1;
	[dreg:$0x2] =	wrdreg s2  }
0xa9: {  	[dreg:$0x3] =	wrdreg s4  }
0xaa: {  	[dreg:$0x4] =	wrdreg $0xC0  }
0xab: {  	_ =	task [dreg:s6], $0x5FFFF  }
0xac: {  	[dreg:$0x1] =	wrdreg $0xFFFFFFFF  }
0xad: {  	[dreg:$0x0] =	wrdreg $0x60  }
0xae: {  	[dreg:$0x2] =	wrdreg s24  }
0xaf: {  	[dreg:$0x3] =	wrdreg $0x9  }
0xb0: {  	_ =	task.clear_ibuf [dreg:s6], $0x4FFFF;
	_ =	strace $0x90000046  }
0xb1: {  	s29 =	simm.s32 $0x9;
	_ =	strace $0x80000048  }
0xb2: {  	_ =	swait.ge [sflag:s29], $0x1  }
0xb3: {  	[sflag:s29] =	ssyncadd.s32 $0xFFFFFFFF  }
0xb4: {  	_ =	strace $0x90000048  }
0xb5: {  	_ =	sfence  }
0xb6: {  	s30 =	sld [smem:$0x0];
	_ =	sdelay $0x2  }
0xb7: {  	s31 =	sshll.u32 s1, $0xD;
	s1 =	sshrl.u32 s1, $0x2  }
0xb8: {  	s3 =	sand.u32 $0x4000, s31;
	s1 =	sadd.s32 s1, s30  }
0xb9: {  	s0 =	sor.u32 s3, s0;
	s1 =	sshll.u32 s1, $0x11  }
0xba: {  	s0 =	sor.u32 s1, s0  }
0xbb: {  	s0 =	sadd.s32 $0x8F2B, s0  }
0xbc: {  	[sflag:s0] =	ssyncadd.remote.s32 $0x1  }
0xbd: {  	_ =	sfence.sel $0xFFFF  }
0xbe: {  	[dreg:$0x0] =	wrdreg $0xFFFFFFFF;
	(pc) =	sbr.abs _section_cstart, $3  }
0xbf: {  	[dreg:$0x1] =	wrdreg $0xFFFFFFFF  }
0xc0: {  	_ =	task.clear_ibuf [dreg:s6], $0x2FFFF;
	_ =	strace $0x9FFFFFFF  }
0xc1: {  	(tm) =	ssettm $0x7FFFFFFF  }
tec
execute0_lowered:
.L_overlay_start_1:
0x0: {  	(tag) =	ssettag $0x1  }
0x1: {  	s0 =	srdreg.scid  }
0x2: {  	s4 =	rddreg [dreg:$0x0];
	s3 =	sand.u32 $0x1, s0  }
0x3: {  	s2 =	simm.s32 $0x0;
	s0 =	stileid.u32;
	s1 =	sshll.u32 s3, $0x4  }
0x4: {  	s8 =	simm.s32 $0x400;
	s9 =	simm.s32 $0x1;
	s1 =	sor.u32 s0, s1  }
0x5: {  	s10 =	simm.s32 $0x2880;
	s11 =	simm.s32 $0x0;
	s5 =	sshrl.u32 s1, $0x3  }
0x6: {  	[smem:$0x7FF] =	sst s2;
	s6 =	sshll.u32 s0, $0x7;
	s7 =	smul.u32 $0x14400, s5  }
0x7: {  	s30 =	ssub.s32 $0x2, s3;
	s6 =	sand.u32 $0x380, s6;
	s5 =	smul.u32 $0x14000, s5  }
0x8: {  	s3 =	sadd.s32 $0xCC00, s4;
	s31 =	sshrl.u32 s30, $0x1;
	s7 =	sor.u32 s6, s7  }
0x9: {  	s1 =	rddreg [dreg:$0x1];
	s5 =	sor.u32 s6, s5;
	s7 =	sshrl.u32 s7, $0x3  }
0xa: {  	_ =	strace $0x80000047;
	s5 =	sshrl.u32 s5, $0x3;
	s29 =	sadd.s32 s7, s4  }
0xb: {  	s5 =	sadd.s32 s5, s4;
	s7 =	ssub.s32 s30, s31;
	s4 =	sadd.s32 $0x2A00, s29  }
0xc: {  	v0 =	vimm.f32 $1.000000000e+00;
	s5 =	sadd.s32 $0xD200, s5;
	s6 =	smax.u32 s7, $0x1;
	s7 =	simm.s32 $0x80  }
.LBB2_1:
0xd: {  	[tilespmem:s2], [sflag:$0x1] =	stream.strided.gather [hbm4b:s4+s7], $0x2880, s8, s7, $0x38;
	[tilespmem:$0x5080] =	vst v63  }
0xe: {  	_ =	swait.ge [sflag:s9], $0x2880  }
0xf: {  	[sflag:s9] =	ssyncset.done $0x0  }
0x10: {  	[sflag:s9] =	ssyncadd.s32 $0xFFFFD780  }
0x11: {  	[tilespmem:s10], [sflag:$0x1] =	stream.linear.gather [hbm4b:s3+s2], $0x2800, $0x38;
	[tilespmem:$0x5080] =	vst v63  }
0x12: {  	_ =	swait.ge [sflag:s9], $0x2800  }
0x13: {  	[sflag:s9] =	ssyncset.done $0x0  }
0x14: {  	s13 =	simm.s32 $0x0;
	s12 =	simm.s32 $0x40;
	[sflag:s9] =	ssyncadd.s32 $0xFFFFD800  }
.LBB2_2:
0x15: {  	p0 =	sne.s32 s12, $0xA1C0;
	v1 =	vld [tilespmem:s13+$0x0];
	_ =	sdelay $0x3  }
.Ltmp0:
0x16: {  	(pc) =	sbr.rel @p0 .LBB2_2-.Ltmp0, $2  }
0x17: {  	_ =	sdelay $0x2  }
0x18: {  	s13 =	sshra.s32 s12, $0x2;
	s12 =	sadd.s32 $0x40, s12;
	[tilespmem:v1+s10+$0x0] =	vst.idx.add.f32.msk $0xffff, v0  }
0x19: {  	v1 =	vld [tilespmem:s13+$0x0];
	_ =	sdelay $0x5  }
0x1a: {  	s11 =	sadd.s32 $0x1, s11  }
0x1b: {  	p0 =	sne.s32 s11, s6  }
.Ltmp1:
0x1c: {  	[tilespmem:v1+s10+$0x0] =	vst.idx.add.f32.msk $0xffff, v0;
	(pc) =	sbr.rel @p0 .LBB2_1-.Ltmp1, $4  }
0x1d: {  	[hbm4b:s5+s7] =	stream.strided.scatter [tilespmem:s10], [sflag:$0x1], $0x2800, s8, s7, $0x38;
	[tilespmem:$0x5080] =	vst v63  }
0x1e: {  	_ =	swait.ge [sflag:s9], $0x2800  }
0x1f: {  	[sflag:s9] =	ssyncset.done $0x0  }
0x20: {  	[sflag:s9] =	ssyncadd.s32 $0xFFFFD800  }
0x21: {  	_ =	sfence.sel $0x180000  }
0x22: {  	[bflag:$0x0] =	sbarrier.arrive $0xFFFF  }
0x23: {  	p0 =	sne.s32 s0, $0x0;
	_ =	strace $0x90000047  }
0x24: {  	s0 =	sadd.s32 @!p0 $0x100000, s1;
	[bflag:$0x2] =	sbarrier.arrive $0xFFFF  }
0x25: {  	[sflag:s0] =	ssyncadd.tile.s32 @!p0 $0x1;
	_ =	shalt  }
.Lfunc_end2:
_tile_overlayer_lowered:
.L_overlay_start_2:
0x26: {  	(tag) =	ssettag $0x2  }
0x27: {  	s0 =	rddreg [dreg:$0x0];
	s2 =	stileid.u32  }
0x28: {  	s1 =	rddreg [dreg:$0x1];
	p0 =	sne.s32 s2, $0x0  }
0x29: {  	s3 =	rddreg [dreg:$0x2];
	[bflag:$0x3] =	sbarrier.arrive $0xFFFF;
	s2 =	simm.s32 @!p0 $0x1C01  }
0x2a: {  	[timem:s3], [sflag:s2] =	dma.local @!p0 [hbm:s0], s1  }
0x2b: {  	s0 =	simm.s32 @!p0 $0x1  }
0x2c: {  	_ =	swait.ge @!p0 [sflag:s0], s1  }
0x2d: {  	s1 =	ssub.s32 @!p0 $0x0, s1;
	[sflag:s0] =	ssyncset.done @!p0 $0x0  }
0x2e: {  	[sflag:s0] =	ssyncadd.s32 @!p0 s1  }
0x2f: {  	[bflag:$0x3] =	sbarrier.arrive $0xFFFF  }
0x30: {  	_ =	shalt  }

</sc_bundles>
